<compile_context>
chip_gen: v7x
topology: tpu7x:2x2x1
jax: 0.10.2.dev20260603
libtpu: 0.0.44.dev20260713+nightly
codegen_flags: <defaults>
</compile_context>

<pallas_src>
import functools

import jax
import jax.numpy as jnp
from jax import lax
from jax.experimental import pallas as pl
from jax.experimental.pallas import tpu as pltpu
from jax.experimental.pallas import tpu_sc as plsc

N_NODES = 100000
N_EDGES = 500000
D_EMB = 128
B = 32
L = 20
K_MAX = 100
ATTENUATION = 0.1667
THRESH = 0.5 * 0.1667
PROP_TH = 0.5

CH = 2000
NCH = N_EDGES // CH
VECS = CH // 16
CAP = 2576
TRIGGER = CAP - CH - 16
NEG = -1e30

_mesh = plsc.VectorSubcoreMesh(core_axis_name="c", subcore_axis_name="s")


def _lanes():
    return lax.broadcasted_iota(jnp.int32, (16,), 0)


def _extract_topk(w_hbm, cand_p, cand_i, cand_s, tv, ts, tss, wtmp, sem, ptr):
    lanes = _lanes()
    nch = (ptr + 15) // 16

    def matbody(c, _):
        off = c * 16
        ei = cand_i[pl.ds(off, 16)]
        p = cand_p[pl.ds(off, 16)]
        idxc = jnp.clip(ei, 0, N_EDGES - 1)
        pltpu.async_copy(w_hbm.at[idxc], wtmp, sem).wait()
        w = wtmp[...]
        val = jnp.where(ei < 0, p, w * p * ATTENUATION)
        val = jnp.where(val > THRESH, val, NEG)
        val = jnp.where((off + lanes) < ptr, val, NEG)
        cand_p[pl.ds(off, 16)] = val
        return 0

    lax.fori_loop(0, nch, matbody, 0)

    def kbody(k, _):
        def scan1(c, bestv):
            return jnp.maximum(bestv, cand_p[pl.ds(c * 16, 16)])

        bestv = lax.fori_loop(0, nch, scan1, jnp.full((16,), NEG, jnp.float32))
        m = jnp.max(bestv)

        def scan2(c, bestp):
            off = c * 16
            hit = cand_p[pl.ds(off, 16)] == m
            return jnp.minimum(bestp, jnp.where(hit, off + lanes, CAP))

        bestp = lax.fori_loop(0, nch, scan2, jnp.full((16,), CAP, jnp.int32))
        pos = jnp.min(bestp)
        pos_v = jnp.broadcast_to(jnp.minimum(pos, CAP - 1), (16,))

        good = m > 0.0
        ei = plsc.load_gather(cand_i, [pos_v])
        ei = jnp.where(good, ei, 0)
        st = plsc.load_gather(cand_s, [pos_v])
        st = jnp.where(good, st, 0)
        val = jnp.where(good, m, 0.0)
        val_v = jnp.broadcast_to(val, (16,)).astype(jnp.float32)

        kv = jnp.broadcast_to(k, (16,)).astype(jnp.int32)
        lane0 = lanes == 0
        plsc.store_scatter(tv, [kv], val_v, mask=lane0)
        plsc.store_scatter(ts, [kv], ei, mask=lane0)
        plsc.store_scatter(tss, [kv], st, mask=lane0)
        plsc.store_scatter(cand_p, [pos_v],
                           jnp.full((16,), NEG, jnp.float32), mask=lane0)
        return 0

    lax.fori_loop(0, K_MAX, kbody, 0)


def _sc_body(lq, attn, s_hbm, e_hbm, w_hbm, emb, maskh, out,
             act_v, sbufA, ebufA, sbufB, ebufB,
             cand_p, cand_i, cand_s, tv, ts, tss, tssg,
             mask_v, q_v, a_v, wtmp, rows, semA, semB):
    wid = lax.axis_index("s") * 2 + lax.axis_index("c")
    lanes = _lanes()

    pltpu.sync_copy(lq.at[wid], q_v)
    pltpu.sync_copy(attn.at[wid], a_v)
    pltpu.sync_copy(maskh, mask_v)

    @plsc.parallel_loop(0, N_NODES // 16, unroll=10)
    def _zero(i):
        act_v[pl.ds(i * 16, 16)] = jnp.zeros((16,), jnp.float32)

    qi1 = q_v[pl.ds(0, 16)]
    qi2 = q_v[pl.ds(16, 16)]
    av1 = a_v[pl.ds(0, 16)]
    av2 = a_v[pl.ds(16, 16)]
    imp1 = 1.0 / (1.0 + jnp.exp(-av1))
    imp2 = 1.0 / (1.0 + jnp.exp(-av2))
    for l in range(16):
        plsc.addupdate_scatter(act_v, [qi1], imp1, mask=lanes == l)
    for l in range(L - 16):
        plsc.addupdate_scatter(act_v, [qi2], imp2, mask=lanes == l)

    tss[pl.ds(96, 16)] = jnp.zeros((16,), jnp.int32)

    def issue(c, sb, eb, sem):
        base = c * CH
        pltpu.async_copy(s_hbm.at[pl.ds(base, CH)], sb, sem)
        pltpu.async_copy(e_hbm.at[pl.ds(base, CH)], eb, sem)

    def drain(sb, eb, sem):
        pltpu.make_async_copy(s_hbm.at[pl.ds(0, CH)], sb, sem).wait()
        pltpu.make_async_copy(e_hbm.at[pl.ds(0, CH)], eb, sem).wait()

    def process(c, sb, eb, ptr_v):
        ebase = c * CH

        @plsc.parallel_loop(0, VECS, unroll=5, carry=ptr_v)
        def pbody(j, p):
            off = j * 16
            s = sb[pl.ds(off, 16)]
            e = eb[pl.ds(off, 16)]
            prop = plsc.load_gather(act_v, [s]) + plsc.load_gather(act_v, [e])
            m = prop > PROP_TH
            eidx = (ebase + off) + lanes
            cs = jnp.cumsum(jnp.where(m, 1, 0).astype(jnp.int32))
            idx = p + cs - 1
            plsc.store_scatter(cand_p, [idx], prop, mask=m)
            plsc.store_scatter(cand_i, [idx], eidx, mask=m)
            plsc.store_scatter(cand_s, [idx], s, mask=m)
            return p + plsc.all_reduce_population_count(m)

        ptr_v = pbody
        ptr_s = jnp.max(ptr_v)

        def compact(pv):
            _extract_topk(w_hbm, cand_p, cand_i, cand_s,
                          tv, ts, tss, wtmp, semA, ptr_s)
            for i in range(7):
                cand_p[pl.ds(i * 16, 16)] = tv[pl.ds(i * 16, 16)]
                ei = ts[pl.ds(i * 16, 16)]
                cand_i[pl.ds(i * 16, 16)] = jnp.where(ei < 0, ei, -ei - 1)
                cand_s[pl.ds(i * 16, 16)] = tss[pl.ds(i * 16, 16)]
            return jnp.full((16,), K_MAX, jnp.int32)

        return lax.cond(ptr_s > TRIGGER, compact, lambda pv: pv, ptr_v)

    issue(0, sbufA, ebufA, semA)

    def pair_body(i, ptr_v):
        issue(2 * i + 1, sbufB, ebufB, semB)
        drain(sbufA, ebufA, semA)
        ptr_v = process(2 * i, sbufA, ebufA, ptr_v)

        @pl.when(2 * i + 2 < NCH)
        def _():
            issue(2 * i + 2, sbufA, ebufA, semA)

        drain(sbufB, ebufB, semB)
        return process(2 * i + 1, sbufB, ebufB, ptr_v)

    ptr_v = lax.fori_loop(0, NCH // 2,
                          pair_body, jnp.zeros((16,), jnp.int32))
    if NCH % 2:
        drain(sbufA, ebufA, semA)
        ptr_v = process(NCH - 1, sbufA, ebufA, ptr_v)

    _extract_topk(w_hbm, cand_p, cand_i, cand_s,
                  tv, ts, tss, wtmp, semA, jnp.max(ptr_v))
    for i in range(7):
        tv[pl.ds(i * 16, 16)] = tv[pl.ds(i * 16, 16)] * mask_v[pl.ds(i * 16, 16)]

    for i in range(7):
        posk = i * 16 + lanes
        plsc.store_scatter(tssg, [posk], tss[pl.ds(i * 16, 16)],
                           mask=posk < K_MAX)

    for i in range(7):
        iv = tss[pl.ds(i * 16, 16)]
        for lane in range(16):
            k = i * 16 + lane
            if k < K_MAX:
                pltpu.async_copy(emb.at[iv[lane]], rows.at[k],
                                 semA if k % 2 == 0 else semB)

    def drainr(k, _):
        pltpu.make_async_copy(emb.at[0], rows.at[2 * k], semA).wait()
        pltpu.make_async_copy(emb.at[0], rows.at[2 * k + 1], semB).wait()
        return 0

    lax.fori_loop(0, K_MAX // 2, drainr, 0)

    @plsc.parallel_loop(0, K_MAX, unroll=4)
    def _scale(k):
        kv = jnp.broadcast_to(k, (16,)).astype(jnp.int32)
        v = plsc.load_gather(tv, [kv])
        for r in range(D_EMB // 16):
            rows[k, pl.ds(r * 16, 16)] = rows[k, pl.ds(r * 16, 16)] * v

    pltpu.sync_copy(rows, out.at[wid])


_sc_kernel = functools.partial(
    pl.kernel,
    mesh=_mesh,
    compiler_params=pltpu.CompilerParams(needs_layout_passes=False),
    out_type=jax.ShapeDtypeStruct((B, K_MAX, D_EMB), jnp.float32),
    scratch_types=[
        pltpu.VMEM((N_NODES,), jnp.float32),
        pltpu.VMEM((CH,), jnp.int32),
        pltpu.VMEM((CH,), jnp.int32),
        pltpu.VMEM((CH,), jnp.int32),
        pltpu.VMEM((CH,), jnp.int32),
        pltpu.VMEM((CAP,), jnp.float32),
        pltpu.VMEM((CAP,), jnp.int32),
        pltpu.VMEM((CAP,), jnp.int32),
        pltpu.VMEM((112,), jnp.float32),
        pltpu.VMEM((112,), jnp.int32),
        pltpu.VMEM((112,), jnp.int32),
        pltpu.VMEM((K_MAX,), jnp.int32),
        pltpu.VMEM((128,), jnp.float32),
        pltpu.VMEM((32,), jnp.int32),
        pltpu.VMEM((32,), jnp.float32),
        pltpu.VMEM((16,), jnp.float32),
        pltpu.VMEM((K_MAX, D_EMB), jnp.float32),
        pltpu.SemaphoreType.DMA,
        pltpu.SemaphoreType.DMA,
    ],
)(_sc_body)


def kernel(list_questions, attention_question, num_max_nodes,
           edge_weights, edge_nodes, node_embeddings):
    lq = jnp.zeros((B, 32), jnp.int32).at[:, :L].set(
        list_questions.astype(jnp.int32))
    at = jnp.zeros((B, 32), jnp.float32).at[:, :L].set(
        attention_question.astype(jnp.float32))
    starts = jnp.asarray(edge_nodes[:, 0], jnp.int32)
    ends = jnp.asarray(edge_nodes[:, 1], jnp.int32)
    mask = (jnp.arange(128) < num_max_nodes).astype(jnp.float32)
    return _sc_kernel(lq, at, starts, ends,
                      edge_weights.astype(jnp.float32),
                      node_embeddings.astype(jnp.float32), mask)

# --- scband reference (transcript-rebuilt; emitter-appended) ---
"""Pipeline reference for scband-graph-refinement-79027398246770 (READ-ONLY COPY).

The authoritative reference and input builder live on the scoring server;
editing this copy changes nothing except your own understanding.
"""

import jax, jax.numpy as jnp
import numpy as np

N_NODES = 100000
N_EDGES = 500000
D_EMB = 128
B = 32
L = 20
ATTENUATION = 0.1667
THRESHOLD = 0.5


def setup_inputs(seed: int = 0) -> dict:
    key = jax.random.key(seed)
    k1, k2, k3, k4, k5 = jax.random.split(key, 5)
    list_questions = jax.random.randint(k1, (B, L), 0, N_NODES)
    attention_question = jax.random.uniform(k2, (B, L), dtype=jnp.float32)
    # learned / precomputed graph state (stands in for the JSON-loaded ConceptNet data)
    edge_weights = jax.random.uniform(k3, (N_EDGES,), dtype=jnp.float32)  # init_graph_tensor
    edge_nodes = jax.random.randint(k4, (N_EDGES, 2), 0, N_NODES)          # (start_node, end_node) per edge
    node_embeddings = jax.random.normal(k5, (N_NODES, D_EMB), dtype=jnp.float32)  # conceptnet_embedding
    return {
        "list_questions": list_questions,
        "attention_question": attention_question,
        "num_max_nodes": 100,
        "edge_weights": edge_weights,
        "edge_nodes": edge_nodes,
        "node_embeddings": node_embeddings,
    }


def reference(list_questions, attention_question, num_max_nodes, edge_weights, edge_nodes, node_embeddings):
    # ImportanceIndex: per-word importance score from question attention
    importance = jax.nn.sigmoid(attention_question)  # [B, L]

    start_nodes = edge_nodes[:, 0]
    end_nodes = edge_nodes[:, 1]

    K_MAX = 100  # static top-k size; setup_inputs always passes num_max_nodes == 100
    topk_mask = (jnp.arange(K_MAX) < num_max_nodes).astype(jnp.float32)  # all ones; keeps traced dependence

    def per_question(q_idx, q_imp):
        # propagate word importance onto their graph nodes (scatter-add)
        node_act = jnp.zeros((N_NODES,), jnp.float32).at[q_idx].add(q_imp)
        # propagate one hop along edges with attenuation (gather)
        prop = node_act[start_nodes] + node_act[end_nodes]
        graph_tensor = edge_weights * prop * ATTENUATION  # updated edge weights
        # propagation threshold masking
        graph_tensor = jnp.where(graph_tensor > THRESHOLD * ATTENUATION, graph_tensor, 0.0)
        # keep the num_max_nodes strongest edges (tensor_max_weights)
        top_vals, top_idx = jax.lax.top_k(graph_tensor, K_MAX)
        top_vals = top_vals * topk_mask
        # build graph embedding from the main entities of the top edges,
        # weighted by the refined edge weight (soft top-k mask)
        main_entities = start_nodes[top_idx]
        kg_embedding = node_embeddings[main_entities] * top_vals[:, None]
        return kg_embedding  # [num_max_nodes, D_EMB]

    knowledge_graph_embedding = jax.vmap(per_question)(list_questions, importance)
    return knowledge_graph_embedding.astype(jnp.float32)  # [B, num_max_nodes, D_EMB]

if __name__ == "__main__":
    import jax
    _d = setup_inputs()
    print(jax.jit(kernel)(*tuple(_d.values())))

</pallas_src>

<mosaic_0001>
#map = affine_map<(d0, d1) -> (0, 0)>
#map1 = affine_map<(d0, d1) -> (0)>
#map2 = affine_map<(d0, d1) -> (0, 0, 0)>
module attributes {stable_mosaic.version = 14 : i64} {
  func.func @_sc_body(%arg0: i32, %arg1: i32, %arg2: memref<32x32xi32, #tpu.memory_space<hbm>>, %arg3: memref<32x32xf32, #tpu.memory_space<hbm>>, %arg4: memref<500000xi32, #tpu.memory_space<hbm>>, %arg5: memref<500000xi32, #tpu.memory_space<hbm>>, %arg6: memref<500000xf32, #tpu.memory_space<hbm>>, %arg7: memref<100000x128xf32, #tpu.memory_space<hbm>>, %arg8: memref<128xf32, #tpu.memory_space<hbm>>, %arg9: memref<32x100x128xf32, #tpu.memory_space<hbm>>, %arg10: memref<100000xf32, #tpu.memory_space<vmem>>, %arg11: memref<2000xi32, #tpu.memory_space<vmem>>, %arg12: memref<2000xi32, #tpu.memory_space<vmem>>, %arg13: memref<2000xi32, #tpu.memory_space<vmem>>, %arg14: memref<2000xi32, #tpu.memory_space<vmem>>, %arg15: memref<2576xf32, #tpu.memory_space<vmem>>, %arg16: memref<2576xi32, #tpu.memory_space<vmem>>, %arg17: memref<2576xi32, #tpu.memory_space<vmem>>, %arg18: memref<112xf32, #tpu.memory_space<vmem>>, %arg19: memref<112xi32, #tpu.memory_space<vmem>>, %arg20: memref<112xi32, #tpu.memory_space<vmem>>, %arg21: memref<100xi32, #tpu.memory_space<vmem>>, %arg22: memref<128xf32, #tpu.memory_space<vmem>>, %arg23: memref<32xi32, #tpu.memory_space<vmem>>, %arg24: memref<32xf32, #tpu.memory_space<vmem>>, %arg25: memref<16xf32, #tpu.memory_space<vmem>>, %arg26: memref<100x128xf32, #tpu.memory_space<vmem>>, %arg27: memref<!tpu.dma_semaphore, #tpu.memory_space<semaphore_mem>>, %arg28: memref<!tpu.dma_semaphore, #tpu.memory_space<semaphore_mem>>) attributes {dimension_semantics = [#tpu.dimension_semantics<core_parallel>, #tpu.dimension_semantics<subcore_parallel>], iteration_bounds = array<i64: 2, 16>, scalar_prefetch = 0 : i64, scratch_operands = 19 : i64, tpu.core_type = #tpu.core_type<sc_vector_subcore>, window_params = [{transform_indices = #map}, {transform_indices = #map}, {transform_indices = #map1}, {transform_indices = #map1}, {transform_indices = #map1}, {transform_indices = #map}, {transform_indices = #map1}, {transform_indices = #map2}]} {
    %mul3A = arith.constant 2 : i32
    %mul3A_0 = arith.muli %arg1, %mul3A : i32
    %add3A = arith.addi %mul3A_0, %arg0 : i32
    %iota3A = tpu.iota {dimensions = array<i32: 0>} : vector<16xi32>
    "tpu.region"() ({
      %run_scoped3A = tpu.sem_alloc : memref<!tpu.dma_semaphore, #tpu.memory_space<semaphore_mem>>
      %dma_start3A_1773 = arith.constant 0 : i32
      %dma_start3A_1774 = tpu.memref_slice %arg2[%add3A, %dma_start3A_1773] : memref<32x32xi32, #tpu.memory_space<hbm>> -> memref<1x32xi32, #tpu.memory_space<hbm>>
      %dma_start3A_1775 = tpu.memref_squeeze %dma_start3A_1774 : memref<1x32xi32, #tpu.memory_space<hbm>> -> memref<32xi32, #tpu.memory_space<hbm>>
      %dma_start3A_1776 = arith.constant 0 : i32
      %dma_start3A_1777 = tpu.memref_slice %arg2[%add3A, %dma_start3A_1776] : memref<32x32xi32, #tpu.memory_space<hbm>> -> memref<1x32xi32, #tpu.memory_space<hbm>>
      %dma_start3A_1778 = tpu.memref_squeeze %dma_start3A_1777 : memref<1x32xi32, #tpu.memory_space<hbm>> -> memref<32xi32, #tpu.memory_space<hbm>>
      tpu.enqueue_dma source(%dma_start3A_1778 : memref<32xi32, #tpu.memory_space<hbm>>) target(%arg23 : memref<32xi32, #tpu.memory_space<vmem>>) target_semaphore(%run_scoped3A : memref<!tpu.dma_semaphore, #tpu.memory_space<semaphore_mem>>)
      %dma_wait3A = arith.constant 0 : i32
      %dma_wait3A_1779 = tpu.memref_slice %arg2[%add3A, %dma_wait3A] : memref<32x32xi32, #tpu.memory_space<hbm>> -> memref<1x32xi32, #tpu.memory_space<hbm>>
      %dma_wait3A_1780 = tpu.memref_squeeze %dma_wait3A_1779 : memref<1x32xi32, #tpu.memory_space<hbm>> -> memref<32xi32, #tpu.memory_space<hbm>>
      %dma_wait3A_1781 = arith.constant 0 : i32
      %dma_wait3A_1782 = tpu.memref_slice %arg2[%add3A, %dma_wait3A_1781] : memref<32x32xi32, #tpu.memory_space<hbm>> -> memref<1x32xi32, #tpu.memory_space<hbm>>
      %dma_wait3A_1783 = tpu.memref_squeeze %dma_wait3A_1782 : memref<1x32xi32, #tpu.memory_space<hbm>> -> memref<32xi32, #tpu.memory_space<hbm>>
      tpu.wait_dma2 semaphore(%run_scoped3A : memref<!tpu.dma_semaphore, #tpu.memory_space<semaphore_mem>>) src(%dma_wait3A_1783 : memref<32xi32, #tpu.memory_space<hbm>>) dst(%arg23 : memref<32xi32, #tpu.memory_space<vmem>>)
      tpu.yield
    }) : () -> ()
    "tpu.region"() ({
      %run_scoped3A = tpu.sem_alloc : memref<!tpu.dma_semaphore, #tpu.memory_space<semaphore_mem>>
      %dma_start3A_1773 = arith.constant 0 : i32
      %dma_start3A_1774 = tpu.memref_slice %arg3[%add3A, %dma_start3A_1773] : memref<32x32xf32, #tpu.memory_space<hbm>> -> memref<1x32xf32, #tpu.memory_space<hbm>>
      %dma_start3A_1775 = tpu.memref_squeeze %dma_start3A_1774 : memref<1x32xf32, #tpu.memory_space<hbm>> -> memref<32xf32, #tpu.memory_space<hbm>>
      %dma_start3A_1776 = arith.constant 0 : i32
      %dma_start3A_1777 = tpu.memref_slice %arg3[%add3A, %dma_start3A_1776] : memref<32x32xf32, #tpu.memory_space<hbm>> -> memref<1x32xf32, #tpu.memory_space<hbm>>
      %dma_start3A_1778 = tpu.memref_squeeze %dma_start3A_1777 : memref<1x32xf32, #tpu.memory_space<hbm>> -> memref<32xf32, #tpu.memory_space<hbm>>
      tpu.enqueue_dma source(%dma_start3A_1778 : memref<32xf32, #tpu.memory_space<hbm>>) target(%arg24 : memref<32xf32, #tpu.memory_space<vmem>>) target_semaphore(%run_scoped3A : memref<!tpu.dma_semaphore, #tpu.memory_space<semaphore_mem>>)
      %dma_wait3A = arith.constant 0 : i32
      %dma_wait3A_1779 = tpu.memref_slice %arg3[%add3A, %dma_wait3A] : memref<32x32xf32, #tpu.memory_space<hbm>> -> memref<1x32xf32, #tpu.memory_space<hbm>>
      %dma_wait3A_1780 = tpu.memref_squeeze %dma_wait3A_1779 : memref<1x32xf32, #tpu.memory_space<hbm>> -> memref<32xf32, #tpu.memory_space<hbm>>
      %dma_wait3A_1781 = arith.constant 0 : i32
      %dma_wait3A_1782 = tpu.memref_slice %arg3[%add3A, %dma_wait3A_1781] : memref<32x32xf32, #tpu.memory_space<hbm>> -> memref<1x32xf32, #tpu.memory_space<hbm>>
      %dma_wait3A_1783 = tpu.memref_squeeze %dma_wait3A_1782 : memref<1x32xf32, #tpu.memory_space<hbm>> -> memref<32xf32, #tpu.memory_space<hbm>>
      tpu.wait_dma2 semaphore(%run_scoped3A : memref<!tpu.dma_semaphore, #tpu.memory_space<semaphore_mem>>) src(%dma_wait3A_1783 : memref<32xf32, #tpu.memory_space<hbm>>) dst(%arg24 : memref<32xf32, #tpu.memory_space<vmem>>)
      tpu.yield
    }) : () -> ()
    "tpu.region"() ({
      %run_scoped3A = tpu.sem_alloc : memref<!tpu.dma_semaphore, #tpu.memory_space<semaphore_mem>>
      tpu.enqueue_dma source(%arg8 : memref<128xf32, #tpu.memory_space<hbm>>) target(%arg22 : memref<128xf32, #tpu.memory_space<vmem>>) target_semaphore(%run_scoped3A : memref<!tpu.dma_semaphore, #tpu.memory_space<semaphore_mem>>)
      tpu.wait_dma2 semaphore(%run_scoped3A : memref<!tpu.dma_semaphore, #tpu.memory_space<semaphore_mem>>) src(%arg8 : memref<128xf32, #tpu.memory_space<hbm>>) dst(%arg22 : memref<128xf32, #tpu.memory_space<vmem>>)
      tpu.yield
    }) : () -> ()
    %parallel_loop3A = arith.constant 0 : i32
    %parallel_loop3A_1 = arith.constant 6250 : i32
    %parallel_loop3A_2 = arith.constant 1 : i32
    scf.for %parallel_loop3A_1773 = %parallel_loop3A to %parallel_loop3A_1 step %parallel_loop3A_2  : i32 {
      %parallel_loop3A_1774 = arith.constant 0.000000e+00 : f32
      %parallel_loop3A_1775 = vector.broadcast %parallel_loop3A_1774 : f32 to vector<16xf32>
      %parallel_loop3A_1776 = arith.constant 16 : i32
      %parallel_loop3A_1777 = arith.muli %parallel_loop3A_1773, %parallel_loop3A_1776 : i32
      %parallel_loop3A_1778 = arith.index_cast %parallel_loop3A_1777 : i32 to index
      %parallel_loop3A_1779 = tpu.vector_load %arg10[%parallel_loop3A_1778] {strides = array<i32>} : memref<100000xf32, #tpu.memory_space<vmem>>, vector<16xf32>,
      tpu.vector_store %arg10[%parallel_loop3A_1778], %parallel_loop3A_1775 {strides = array<i32>} : memref<100000xf32, #tpu.memory_space<vmem>>, vector<16xf32>,
    } {sc.loop_unroll_factor = 10 : i64, sc.parallel_access}
    %get3A = arith.constant 0 : index
    %get3A_3 = tpu.vector_load %arg23[%get3A] {strides = array<i32>} : memref<32xi32, #tpu.memory_space<vmem>>, vector<16xi32>,
    %get3A_4 = arith.constant 16 : index
    %get3A_5 = tpu.vector_load %arg23[%get3A_4] {strides = array<i32>} : memref<32xi32, #tpu.memory_space<vmem>>, vector<16xi32>,
    %get3A_6 = arith.constant 0 : index
    %get3A_7 = tpu.vector_load %arg24[%get3A_6] {strides = array<i32>} : memref<32xf32, #tpu.memory_space<vmem>>, vector<16xf32>,
    %get3A_8 = arith.constant 16 : index
    %get3A_9 = tpu.vector_load %arg24[%get3A_8] {strides = array<i32>} : memref<32xf32, #tpu.memory_space<vmem>>, vector<16xf32>,
    %neg3A = arith.constant 0.000000e+00 : f32
    %neg3A_10 = vector.broadcast %neg3A : f32 to vector<16xf32>
    %neg3A_11 = arith.subf %neg3A_10, %get3A_7 : vector<16xf32>
    %exp3A = math.exp %neg3A_11 : vector<16xf32>
    %add3A_12 = arith.constant 1.000000e+00 : f32
    %add3A_13 = vector.broadcast %add3A_12 : f32 to vector<16xf32>
    %add3A_14 = arith.addf %add3A_13, %exp3A : vector<16xf32>
    %div3A = arith.constant 1.000000e+00 : f32
    %div3A_15 = vector.broadcast %div3A : f32 to vector<16xf32>
    %div3A_16 = arith.divf %div3A_15, %add3A_14 : vector<16xf32>
    %neg3A_17 = arith.constant 0.000000e+00 : f32
    %neg3A_18 = vector.broadcast %neg3A_17 : f32 to vector<16xf32>
    %neg3A_19 = arith.subf %neg3A_18, %get3A_9 : vector<16xf32>
    %exp3A_20 = math.exp %neg3A_19 : vector<16xf32>
    %add3A_21 = arith.constant 1.000000e+00 : f32
    %add3A_22 = vector.broadcast %add3A_21 : f32 to vector<16xf32>
    %add3A_23 = arith.addf %add3A_22, %exp3A_20 : vector<16xf32>
    %div3A_24 = arith.constant 1.000000e+00 : f32
    %div3A_25 = vector.broadcast %div3A_24 : f32 to vector<16xf32>
    %div3A_26 = arith.divf %div3A_25, %add3A_23 : vector<16xf32>
    %eq3A = arith.constant 0 : i32
    %eq3A_27 = vector.broadcast %eq3A : i32 to vector<16xi32>
    %eq3A_28 = arith.cmpi eq, %iota3A, %eq3A_27 : vector<16xi32>
    tpu.vector_store_idx %arg10[%get3A_3], %div3A_16 masked %eq3A_28 {add = true} : memref<100000xf32, #tpu.memory_space<vmem>>[vector<16xi32>], vector<16xf32>, vector<16xi1>
    %eq3A_29 = arith.constant 1 : i32
    %eq3A_30 = vector.broadcast %eq3A_29 : i32 to vector<16xi32>
    %eq3A_31 = arith.cmpi eq, %iota3A, %eq3A_30 : vector<16xi32>
    tpu.vector_store_idx %arg10[%get3A_3], %div3A_16 masked %eq3A_31 {add = true} : memref<100000xf32, #tpu.memory_space<vmem>>[vector<16xi32>], vector<16xf32>, vector<16xi1>
    %eq3A_32 = arith.constant 2 : i32
    %eq3A_33 = vector.broadcast %eq3A_32 : i32 to vector<16xi32>
    %eq3A_34 = arith.cmpi eq, %iota3A, %eq3A_33 : vector<16xi32>
    tpu.vector_store_idx %arg10[%get3A_3], %div3A_16 masked %eq3A_34 {add = true} : memref<100000xf32, #tpu.memory_space<vmem>>[vector<16xi32>], vector<16xf32>, vector<16xi1>
    %eq3A_35 = arith.constant 3 : i32
    %eq3A_36 = vector.broadcast %eq3A_35 : i32 to vector<16xi32>
    %eq3A_37 = arith.cmpi eq, %iota3A, %eq3A_36 : vector<16xi32>
    tpu.vector_store_idx %arg10[%get3A_3], %div3A_16 masked %eq3A_37 {add = true} : memref<100000xf32, #tpu.memory_space<vmem>>[vector<16xi32>], vector<16xf32>, vector<16xi1>
    %eq3A_38 = arith.constant 4 : i32
    %eq3A_39 = vector.broadcast %eq3A_38 : i32 to vector<16xi32>
    %eq3A_40 = arith.cmpi eq, %iota3A, %eq3A_39 : vector<16xi32>
    tpu.vector_store_idx %arg10[%get3A_3], %div3A_16 masked %eq3A_40 {add = true} : memref<100000xf32, #tpu.memory_space<vmem>>[vector<16xi32>], vector<16xf32>, vector<16xi1>
    %eq3A_41 = arith.constant 5 : i32
    %eq3A_42 = vector.broadcast %eq3A_41 : i32 to vector<16xi32>
    %eq3A_43 = arith.cmpi eq, %iota3A, %eq3A_42 : vector<16xi32>
    tpu.vector_store_idx %arg10[%get3A_3], %div3A_16 masked %eq3A_43 {add = true} : memref<100000xf32, #tpu.memory_space<vmem>>[vector<16xi32>], vector<16xf32>, vector<16xi1>
    %eq3A_44 = arith.constant 6 : i32
    %eq3A_45 = vector.broadcast %eq3A_44 : i32 to vector<16xi32>
    %eq3A_46 = arith.cmpi eq, %iota3A, %eq3A_45 : vector<16xi32>
    tpu.vector_store_idx %arg10[%get3A_3], %div3A_16 masked %eq3A_46 {add = true} : memref<100000xf32, #tpu.memory_space<vmem>>[vector<16xi32>], vector<16xf32>, vector<16xi1>
    %eq3A_47 = arith.constant 7 : i32
    %eq3A_48 = vector.broadcast %eq3A_47 : i32 to vector<16xi32>
    %eq3A_49 = arith.cmpi eq, %iota3A, %eq3A_48 : vector<16xi32>
    tpu.vector_store_idx %arg10[%get3A_3], %div3A_16 masked %eq3A_49 {add = true} : memref<100000xf32, #tpu.memory_space<vmem>>[vector<16xi32>], vector<16xf32>, vector<16xi1>
    %eq3A_50 = arith.constant 8 : i32
    %eq3A_51 = vector.broadcast %eq3A_50 : i32 to vector<16xi32>
    %eq3A_52 = arith.cmpi eq, %iota3A, %eq3A_51 : vector<16xi32>
    tpu.vector_store_idx %arg10[%get3A_3], %div3A_16 masked %eq3A_52 {add = true} : memref<100000xf32, #tpu.memory_space<vmem>>[vector<16xi32>], vector<16xf32>, vector<16xi1>
    %eq3A_53 = arith.constant 9 : i32
    %eq3A_54 = vector.broadcast %eq3A_53 : i32 to vector<16xi32>
    %eq3A_55 = arith.cmpi eq, %iota3A, %eq3A_54 : vector<16xi32>
    tpu.vector_store_idx %arg10[%get3A_3], %div3A_16 masked %eq3A_55 {add = true} : memref<100000xf32, #tpu.memory_space<vmem>>[vector<16xi32>], vector<16xf32>, vector<16xi1>
    %eq3A_56 = arith.constant 10 : i32
    %eq3A_57 = vector.broadcast %eq3A_56 : i32 to vector<16xi32>
    %eq3A_58 = arith.cmpi eq, %iota3A, %eq3A_57 : vector<16xi32>
    tpu.vector_store_idx %arg10[%get3A_3], %div3A_16 masked %eq3A_58 {add = true} : memref<100000xf32, #tpu.memory_space<vmem>>[vector<16xi32>], vector<16xf32>, vector<16xi1>
    %eq3A_59 = arith.constant 11 : i32
    %eq3A_60 = vector.broadcast %eq3A_59 : i32 to vector<16xi32>
    %eq3A_61 = arith.cmpi eq, %iota3A, %eq3A_60 : vector<16xi32>
    tpu.vector_store_idx %arg10[%get3A_3], %div3A_16 masked %eq3A_61 {add = true} : memref<100000xf32, #tpu.memory_space<vmem>>[vector<16xi32>], vector<16xf32>, vector<16xi1>
    %eq3A_62 = arith.constant 12 : i32
    %eq3A_63 = vector.broadcast %eq3A_62 : i32 to vector<16xi32>
    %eq3A_64 = arith.cmpi eq, %iota3A, %eq3A_63 : vector<16xi32>
    tpu.vector_store_idx %arg10[%get3A_3], %div3A_16 masked %eq3A_64 {add = true} : memref<100000xf32, #tpu.memory_space<vmem>>[vector<16xi32>], vector<16xf32>, vector<16xi1>
    %eq3A_65 = arith.constant 13 : i32
    %eq3A_66 = vector.broadcast %eq3A_65 : i32 to vector<16xi32>
    %eq3A_67 = arith.cmpi eq, %iota3A, %eq3A_66 : vector<16xi32>
    tpu.vector_store_idx %arg10[%get3A_3], %div3A_16 masked %eq3A_67 {add = true} : memref<100000xf32, #tpu.memory_space<vmem>>[vector<16xi32>], vector<16xf32>, vector<16xi1>
    %eq3A_68 = arith.constant 14 : i32
    %eq3A_69 = vector.broadcast %eq3A_68 : i32 to vector<16xi32>
    %eq3A_70 = arith.cmpi eq, %iota3A, %eq3A_69 : vector<16xi32>
    tpu.vector_store_idx %arg10[%get3A_3], %div3A_16 masked %eq3A_70 {add = true} : memref<100000xf32, #tpu.memory_space<vmem>>[vector<16xi32>], vector<16xf32>, vector<16xi1>
    %eq3A_71 = arith.constant 15 : i32
    %eq3A_72 = vector.broadcast %eq3A_71 : i32 to vector<16xi32>
    %eq3A_73 = arith.cmpi eq, %iota3A, %eq3A_72 : vector<16xi32>
    tpu.vector_store_idx %arg10[%get3A_3], %div3A_16 masked %eq3A_73 {add = true} : memref<100000xf32, #tpu.memory_space<vmem>>[vector<16xi32>], vector<16xf32>, vector<16xi1>
    %eq3A_74 = arith.constant 0 : i32
    %eq3A_75 = vector.broadcast %eq3A_74 : i32 to vector<16xi32>
    %eq3A_76 = arith.cmpi eq, %iota3A, %eq3A_75 : vector<16xi32>
    tpu.vector_store_idx %arg10[%get3A_5], %div3A_26 masked %eq3A_76 {add = true} : memref<100000xf32, #tpu.memory_space<vmem>>[vector<16xi32>], vector<16xf32>, vector<16xi1>
    %eq3A_77 = arith.constant 1 : i32
    %eq3A_78 = vector.broadcast %eq3A_77 : i32 to vector<16xi32>
    %eq3A_79 = arith.cmpi eq, %iota3A, %eq3A_78 : vector<16xi32>
    tpu.vector_store_idx %arg10[%get3A_5], %div3A_26 masked %eq3A_79 {add = true} : memref<100000xf32, #tpu.memory_space<vmem>>[vector<16xi32>], vector<16xf32>, vector<16xi1>
    %eq3A_80 = arith.constant 2 : i32
    %eq3A_81 = vector.broadcast %eq3A_80 : i32 to vector<16xi32>
    %eq3A_82 = arith.cmpi eq, %iota3A, %eq3A_81 : vector<16xi32>
    tpu.vector_store_idx %arg10[%get3A_5], %div3A_26 masked %eq3A_82 {add = true} : memref<100000xf32, #tpu.memory_space<vmem>>[vector<16xi32>], vector<16xf32>, vector<16xi1>
    %eq3A_83 = arith.constant 3 : i32
    %eq3A_84 = vector.broadcast %eq3A_83 : i32 to vector<16xi32>
    %eq3A_85 = arith.cmpi eq, %iota3A, %eq3A_84 : vector<16xi32>
    tpu.vector_store_idx %arg10[%get3A_5], %div3A_26 masked %eq3A_85 {add = true} : memref<100000xf32, #tpu.memory_space<vmem>>[vector<16xi32>], vector<16xf32>, vector<16xi1>
    %broadcast_in_dim3A = arith.constant 0 : i32
    %broadcast_in_dim3A_86 = vector.broadcast %broadcast_in_dim3A : i32 to vector<16xi32>
    %swap3A = arith.constant 96 : index
    %swap3A_87 = tpu.vector_load %arg20[%swap3A] {strides = array<i32>} : memref<112xi32, #tpu.memory_space<vmem>>, vector<16xi32>,
    tpu.vector_store %arg20[%swap3A], %broadcast_in_dim3A_86 {strides = array<i32>} : memref<112xi32, #tpu.memory_space<vmem>>, vector<16xi32>,
    %dma_start3A = arith.constant 0 : i32
    %dma_start3A_88 = tpu.memref_slice %arg4[%dma_start3A] : memref<500000xi32, #tpu.memory_space<hbm>> -> memref<2000xi32, #tpu.memory_space<hbm>>
    %dma_start3A_89 = arith.constant 0 : i32
    %dma_start3A_90 = tpu.memref_slice %arg4[%dma_start3A_89] : memref<500000xi32, #tpu.memory_space<hbm>> -> memref<2000xi32, #tpu.memory_space<hbm>>
    tpu.enqueue_dma source(%dma_start3A_90 : memref<2000xi32, #tpu.memory_space<hbm>>) target(%arg11 : memref<2000xi32, #tpu.memory_space<vmem>>) target_semaphore(%arg27 : memref<!tpu.dma_semaphore, #tpu.memory_space<semaphore_mem>>)
    %dma_start3A_91 = arith.constant 0 : i32
    %dma_start3A_92 = tpu.memref_slice %arg5[%dma_start3A_91] : memref<500000xi32, #tpu.memory_space<hbm>> -> memref<2000xi32, #tpu.memory_space<hbm>>
    %dma_start3A_93 = arith.constant 0 : i32
    %dma_start3A_94 = tpu.memref_slice %arg5[%dma_start3A_93] : memref<500000xi32, #tpu.memory_space<hbm>> -> memref<2000xi32, #tpu.memory_space<hbm>>
    tpu.enqueue_dma source(%dma_start3A_94 : memref<2000xi32, #tpu.memory_space<hbm>>) target(%arg12 : memref<2000xi32, #tpu.memory_space<vmem>>) target_semaphore(%arg27 : memref<!tpu.dma_semaphore, #tpu.memory_space<semaphore_mem>>)
    %broadcast_in_dim3A_95 = arith.constant 0 : i32
    %broadcast_in_dim3A_96 = vector.broadcast %broadcast_in_dim3A_95 : i32 to vector<16xi32>
    %scan3A = arith.constant 0 : i32
    %scan3A_97 = arith.constant 125 : i32
    %scan3A_98 = arith.addi %scan3A, %scan3A_97 : i32
    %scan3A_99 = arith.constant 1 : i32
    %scan3A_100 = scf.for %scan3A_1773 = %scan3A to %scan3A_98 step %scan3A_99 iter_args(%scan3A_1774 = %broadcast_in_dim3A_96) -> (vector<16xi32>)  : i32 {
      %mul3A_1775 = arith.constant 2 : i32
      %mul3A_1776 = arith.muli %mul3A_1775, %scan3A_1773 : i32
      %add3A_1777 = arith.constant 1 : i32
      %add3A_1778 = arith.addi %mul3A_1776, %add3A_1777 : i32
      %mul3A_1779 = arith.constant 2000 : i32
      %mul3A_1780 = arith.muli %add3A_1778, %mul3A_1779 : i32
      %dma_start3A_1781 = tpu.memref_slice %arg4[%mul3A_1780] : memref<500000xi32, #tpu.memory_space<hbm>> -> memref<2000xi32, #tpu.memory_space<hbm>>
      %dma_start3A_1782 = tpu.memref_slice %arg4[%mul3A_1780] : memref<500000xi32, #tpu.memory_space<hbm>> -> memref<2000xi32, #tpu.memory_space<hbm>>
      tpu.enqueue_dma source(%dma_start3A_1782 : memref<2000xi32, #tpu.memory_space<hbm>>) target(%arg13 : memref<2000xi32, #tpu.memory_space<vmem>>) target_semaphore(%arg28 : memref<!tpu.dma_semaphore, #tpu.memory_space<semaphore_mem>>)
      %dma_start3A_1783 = tpu.memref_slice %arg5[%mul3A_1780] : memref<500000xi32, #tpu.memory_space<hbm>> -> memref<2000xi32, #tpu.memory_space<hbm>>
      %dma_start3A_1784 = tpu.memref_slice %arg5[%mul3A_1780] : memref<500000xi32, #tpu.memory_space<hbm>> -> memref<2000xi32, #tpu.memory_space<hbm>>
      tpu.enqueue_dma source(%dma_start3A_1784 : memref<2000xi32, #tpu.memory_space<hbm>>) target(%arg14 : memref<2000xi32, #tpu.memory_space<vmem>>) target_semaphore(%arg28 : memref<!tpu.dma_semaphore, #tpu.memory_space<semaphore_mem>>)
      %dma_wait3A = arith.constant 0 : i32
      %dma_wait3A_1785 = tpu.memref_slice %arg4[%dma_wait3A] : memref<500000xi32, #tpu.memory_space<hbm>> -> memref<2000xi32, #tpu.memory_space<hbm>>
      %dma_wait3A_1786 = arith.constant 0 : i32
      %dma_wait3A_1787 = tpu.memref_slice %arg4[%dma_wait3A_1786] : memref<500000xi32, #tpu.memory_space<hbm>> -> memref<2000xi32, #tpu.memory_space<hbm>>
      tpu.wait_dma2 semaphore(%arg27 : memref<!tpu.dma_semaphore, #tpu.memory_space<semaphore_mem>>) src(%dma_wait3A_1787 : memref<2000xi32, #tpu.memory_space<hbm>>) dst(%arg11 : memref<2000xi32, #tpu.memory_space<vmem>>)
      %dma_wait3A_1788 = arith.constant 0 : i32
      %dma_wait3A_1789 = tpu.memref_slice %arg5[%dma_wait3A_1788] : memref<500000xi32, #tpu.memory_space<hbm>> -> memref<2000xi32, #tpu.memory_space<hbm>>
      %dma_wait3A_1790 = arith.constant 0 : i32
      %dma_wait3A_1791 = tpu.memref_slice %arg5[%dma_wait3A_1790] : memref<500000xi32, #tpu.memory_space<hbm>> -> memref<2000xi32, #tpu.memory_space<hbm>>
      tpu.wait_dma2 semaphore(%arg27 : memref<!tpu.dma_semaphore, #tpu.memory_space<semaphore_mem>>) src(%dma_wait3A_1791 : memref<2000xi32, #tpu.memory_space<hbm>>) dst(%arg12 : memref<2000xi32, #tpu.memory_space<vmem>>)
      %mul3A_1792 = arith.constant 2 : i32
      %mul3A_1793 = arith.muli %mul3A_1792, %scan3A_1773 : i32
      %mul3A_1794 = arith.constant 2000 : i32
      %mul3A_1795 = arith.muli %mul3A_1793, %mul3A_1794 : i32
      %parallel_loop3A_1796 = arith.constant 0 : i32
      %parallel_loop3A_1797 = arith.constant 125 : i32
      %parallel_loop3A_1798 = arith.constant 1 : i32
      %parallel_loop3A_1799 = scf.for %parallel_loop3A_1852 = %parallel_loop3A_1796 to %parallel_loop3A_1797 step %parallel_loop3A_1798 iter_args(%parallel_loop3A_1853 = %scan3A_1774) -> (vector<16xi32>)  : i32 {
        %parallel_loop3A_1854 = arith.constant 16 : i32
        %parallel_loop3A_1855 = arith.muli %parallel_loop3A_1852, %parallel_loop3A_1854 : i32
        %parallel_loop3A_1856 = arith.index_cast %parallel_loop3A_1855 : i32 to index
        %parallel_loop3A_1857 = tpu.vector_load %arg11[%parallel_loop3A_1856] {strides = array<i32>} : memref<2000xi32, #tpu.memory_space<vmem>>, vector<16xi32>,
        %parallel_loop3A_1858 = arith.index_cast %parallel_loop3A_1855 : i32 to index
        %parallel_loop3A_1859 = tpu.vector_load %arg12[%parallel_loop3A_1858] {strides = array<i32>} : memref<2000xi32, #tpu.memory_space<vmem>>, vector<16xi32>,
        %parallel_loop3A_1860 = tpu.vector_load_idx %arg10[%parallel_loop3A_1857] : memref<100000xf32, #tpu.memory_space<vmem>>[vector<16xi32>], vector<16xf32>,
        %parallel_loop3A_1861 = tpu.vector_load_idx %arg10[%parallel_loop3A_1859] : memref<100000xf32, #tpu.memory_space<vmem>>[vector<16xi32>], vector<16xf32>,
        %parallel_loop3A_1862 = arith.addf %parallel_loop3A_1860, %parallel_loop3A_1861 : vector<16xf32>
        %parallel_loop3A_1863 = arith.constant 5.000000e-01 : f32
        %parallel_loop3A_1864 = vector.broadcast %parallel_loop3A_1863 : f32 to vector<16xf32>
        %parallel_loop3A_1865 = arith.cmpf ogt, %parallel_loop3A_1862, %parallel_loop3A_1864 : vector<16xf32>
        %parallel_loop3A_1866 = arith.addi %mul3A_1795, %parallel_loop3A_1855 : i32
        %parallel_loop3A_1867 = vector.broadcast %parallel_loop3A_1866 : i32 to vector<16xi32>
        %parallel_loop3A_1868 = arith.addi %parallel_loop3A_1867, %iota3A : vector<16xi32>
        %parallel_loop3A_1869 = arith.constant 1 : i32
        %parallel_loop3A_1870 = arith.constant 0 : i32
        %parallel_loop3A_1871 = vector.broadcast %parallel_loop3A_1869 : i32 to vector<16xi32>
        %parallel_loop3A_1872 = vector.broadcast %parallel_loop3A_1870 : i32 to vector<16xi32>
        %parallel_loop3A_1873 = arith.select %parallel_loop3A_1865, %parallel_loop3A_1871, %parallel_loop3A_1872 : vector<16xi1>, vector<16xi32>
        %parallel_loop3A_1874 = arith.constant true
        %parallel_loop3A_1875 = vector.broadcast %parallel_loop3A_1874 : i1 to vector<16xi1>
        %parallel_loop3A_1876 = tpu.scan <sum>, %parallel_loop3A_1873 masked %parallel_loop3A_1875 : vector<16xi32>, vector<16xi1> -> vector<16xi32>
        %parallel_loop3A_1877 = arith.addi %parallel_loop3A_1853, %parallel_loop3A_1876 : vector<16xi32>
        %parallel_loop3A_1878 = arith.constant 1 : i32
        %parallel_loop3A_1879 = vector.broadcast %parallel_loop3A_1878 : i32 to vector<16xi32>
        %parallel_loop3A_1880 = arith.subi %parallel_loop3A_1877, %parallel_loop3A_1879 : vector<16xi32>
        tpu.vector_store_idx %arg15[%parallel_loop3A_1880], %parallel_loop3A_1862 masked %parallel_loop3A_1865 : memref<2576xf32, #tpu.memory_space<vmem>>[vector<16xi32>], vector<16xf32>, vector<16xi1>
        tpu.vector_store_idx %arg16[%parallel_loop3A_1880], %parallel_loop3A_1868 masked %parallel_loop3A_1865 : memref<2576xi32, #tpu.memory_space<vmem>>[vector<16xi32>], vector<16xi32>, vector<16xi1>
        tpu.vector_store_idx %arg17[%parallel_loop3A_1880], %parallel_loop3A_1857 masked %parallel_loop3A_1865 : memref<2576xi32, #tpu.memory_space<vmem>>[vector<16xi32>], vector<16xi32>, vector<16xi1>
        %parallel_loop3A_1881 = tpu.all_reduce %parallel_loop3A_1865 {dim = 0 : i64, kind = #tpu.reduction_kind<sum>} : vector<16xi1> -> vector<16xi32>
        %parallel_loop3A_1882 = arith.addi %parallel_loop3A_1853, %parallel_loop3A_1881 : vector<16xi32>
        scf.yield %parallel_loop3A_1882 : vector<16xi32>
      } {sc.loop_unroll_factor = 5 : i64, sc.parallel_access}
      %reduce_max3A_1800 = arith.constant true
      %reduce_max3A_1801 = vector.broadcast %reduce_max3A_1800 : i1 to vector<16xi1>
      %reduce_max3A_1802 = arith.constant -2147483648 : i32
      %reduce_max3A_1803 = vector.broadcast %reduce_max3A_1802 : i32 to vector<16xi32>
      %reduce_max3A_1804 = arith.xori %parallel_loop3A_1799, %reduce_max3A_1803 : vector<16xi32>
      %reduce_max3A_1805 = tpu.scan <max>, %reduce_max3A_1804 masked %reduce_max3A_1801 : vector<16xi32>, vector<16xi1> -> vector<16xi32>
      %reduce_max3A_1806 = arith.xori %reduce_max3A_1805, %reduce_max3A_1803 : vector<16xi32>
      %reduce_max3A_1807 = vector.extract %reduce_max3A_1806[15] : i32 from vector<16xi32>
      %gt3A = arith.constant 560 : i32
      %gt3A_1808 = arith.cmpi sgt, %reduce_max3A_1807, %gt3A : i32
      %convert_element_type3A = arith.extui %gt3A_1808 : i1 to i32
      %cond3A = arith.constant 0 : i32
      %cond3A_1809 = arith.cmpi ne, %convert_element_type3A, %cond3A : i32
      %cond3A_1810 = scf.if %cond3A_1809 -> (vector<16xi32>) {
        %iota3A_1852 = tpu.iota {dimensions = array<i32: 0>} : vector<16xi32>
        %add3A_1853 = arith.constant 15 : i32
        %add3A_1854 = arith.addi %reduce_max3A_1807, %add3A_1853 : i32
        %jit3A_1855 = arith.constant 16 : i32
        %div3A_1856 = arith.divsi %add3A_1854, %jit3A_1855 : i32
        %sign3A_1857 = arith.constant 0 : i32
        %sign3A_1858 = arith.cmpi sgt, %add3A_1854, %sign3A_1857 : i32
        %sign3A_1859 = arith.extui %sign3A_1858 : i1 to i32
        %sign3A_1860 = arith.constant 0 : i32
        %sign3A_1861 = arith.cmpi slt, %add3A_1854, %sign3A_1860 : i32
        %sign3A_1862 = arith.extui %sign3A_1861 : i1 to i32
        %sign3A_1863 = arith.subi %sign3A_1859, %sign3A_1862 : i32
        %sign3A_1864 = arith.constant 0 : i32
        %sign3A_1865 = arith.cmpi sgt, %jit3A_1855, %sign3A_1864 : i32
        %sign3A_1866 = arith.extui %sign3A_1865 : i1 to i32
        %sign3A_1867 = arith.constant 0 : i32
        %sign3A_1868 = arith.cmpi slt, %jit3A_1855, %sign3A_1867 : i32
        %sign3A_1869 = arith.extui %sign3A_1868 : i1 to i32
        %sign3A_1870 = arith.subi %sign3A_1866, %sign3A_1869 : i32
        %ne3A_1871 = arith.cmpi ne, %sign3A_1863, %sign3A_1870 : i32
        %rem3A_1872 = arith.remsi %add3A_1854, %jit3A_1855 : i32
        %ne3A_1873 = arith.constant 0 : i32
        %ne3A_1874 = arith.cmpi ne, %rem3A_1872, %ne3A_1873 : i32
        %and3A_1875 = arith.andi %ne3A_1871, %ne3A_1874 : i1
        %sub3A_1876 = arith.constant 1 : i32
        %sub3A_1877 = arith.subi %div3A_1856, %sub3A_1876 : i32
        %select_n3A_1878 = arith.select %and3A_1875, %sub3A_1877, %div3A_1856 : i32
        %while3A_1879 = arith.constant 0 : i32
        %while3A_1880 = arith.constant 0 : i32
        %while3A_1881 = arith.subi %select_n3A_1878, %while3A_1879 : i32
        %while3A_1882 = arith.addi %while3A_1879, %while3A_1881 : i32
        %while3A_1883 = arith.constant 1 : i32
        %while3A_1884 = arith.divsi %while3A_1881, %while3A_1883 : i32
        %while3A_1885 = arith.muli %while3A_1884, %while3A_1883 : i32
        %while3A_1886 = arith.addi %while3A_1879, %while3A_1885 : i32
        %while3A_1887 = arith.constant 1 : i32
        %while3A_1888 = scf.for %while3A_2054 = %while3A_1879 to %while3A_1886 step %while3A_1887 iter_args(%while3A_2055 = %while3A_1880) -> (i32)  : i32 {
          %mul3A_2056 = arith.constant 16 : i32
          %mul3A_2057 = arith.muli %while3A_2054, %mul3A_2056 : i32
          %get3A_2058 = arith.index_cast %mul3A_2057 : i32 to index
          %get3A_2059 = tpu.vector_load %arg16[%get3A_2058] {strides = array<i32>} : memref<2576xi32, #tpu.memory_space<vmem>>, vector<16xi32>,
          %get3A_2060 = arith.index_cast %mul3A_2057 : i32 to index
          %get3A_2061 = tpu.vector_load %arg15[%get3A_2060] {strides = array<i32>} : memref<2576xf32, #tpu.memory_space<vmem>>, vector<16xf32>,
          %jit3A_2062 = arith.constant 0 : i32
          %jit3A_2063 = arith.constant 499999 : i32
          %max3A = vector.broadcast %jit3A_2062 : i32 to vector<16xi32>
          %max3A_2064 = arith.maxsi %max3A, %get3A_2059 : vector<16xi32>
          %min3A = vector.broadcast %jit3A_2063 : i32 to vector<16xi32>
          %min3A_2065 = arith.minsi %min3A, %max3A_2064 : vector<16xi32>
          %dma_start3A_2066 = arith.constant 0 : i32
          %dma_start3A_2067 = tpu.memref_slice %arg6[%dma_start3A_2066] : memref<500000xf32, #tpu.memory_space<hbm>> -> memref<500000xf32, #tpu.memory_space<hbm>>
          tpu.enqueue_indirect_dma source(%dma_start3A_2067 : memref<500000xf32, #tpu.memory_space<hbm>>) target(%arg25 : memref<16xf32, #tpu.memory_space<vmem>>) offsets(%min3A_2065 : vector<16xi32>) semaphore(%arg27 : memref<!tpu.dma_semaphore, #tpu.memory_space<semaphore_mem>>)
          %dma_wait3A_2068 = arith.constant 0 : i32
          %dma_wait3A_2069 = tpu.memref_slice %arg6[%dma_wait3A_2068] : memref<500000xf32, #tpu.memory_space<hbm>> -> memref<500000xf32, #tpu.memory_space<hbm>>
          tpu.wait_indirect_dma semaphore(%arg27 : memref<!tpu.dma_semaphore, #tpu.memory_space<semaphore_mem>>) src(%dma_wait3A_2069 : memref<500000xf32, #tpu.memory_space<hbm>>) dst(%arg25 : memref<16xf32, #tpu.memory_space<vmem>>)
          %get3A_2070 = arith.constant 0 : index
          %get3A_2071 = tpu.vector_load %arg25[%get3A_2070] {strides = array<i32>} : memref<16xf32, #tpu.memory_space<vmem>>, vector<16xf32>,
          %lt3A_2072 = arith.constant 0 : i32
          %lt3A_2073 = vector.broadcast %lt3A_2072 : i32 to vector<16xi32>
          %lt3A_2074 = arith.cmpi slt, %get3A_2059, %lt3A_2073 : vector<16xi32>
          %mul3A_2075 = arith.mulf %get3A_2071, %get3A_2061 : vector<16xf32>
          %mul3A_2076 = arith.constant 1.667000e-01 : f32
          %mul3A_2077 = vector.broadcast %mul3A_2076 : f32 to vector<16xf32>
          %mul3A_2078 = arith.mulf %mul3A_2075, %mul3A_2077 : vector<16xf32>
          %select_n3A_2079 = arith.select %lt3A_2074, %get3A_2061, %mul3A_2078 : vector<16xi1>, vector<16xf32>
          %gt3A_2080 = arith.constant 8.335000e-02 : f32
          %gt3A_2081 = vector.broadcast %gt3A_2080 : f32 to vector<16xf32>
          %gt3A_2082 = arith.cmpf ogt, %select_n3A_2079, %gt3A_2081 : vector<16xf32>
          %jit3A_2083 = arith.constant -1.000000e+30 : f32
          %broadcast_in_dim3A_2084 = vector.broadcast %jit3A_2083 : f32 to vector<16xf32>
          %select_n3A_2085 = arith.select %gt3A_2082, %select_n3A_2079, %broadcast_in_dim3A_2084 : vector<16xi1>, vector<16xf32>
          %add3A_2086 = vector.broadcast %mul3A_2057 : i32 to vector<16xi32>
          %add3A_2087 = arith.addi %add3A_2086, %iota3A_1852 : vector<16xi32>
          %lt3A_2088 = vector.broadcast %reduce_max3A_1807 : i32 to vector<16xi32>
          %lt3A_2089 = arith.cmpi slt, %add3A_2087, %lt3A_2088 : vector<16xi32>
          %jit3A_2090 = arith.constant -1.000000e+30 : f32
          %broadcast_in_dim3A_2091 = vector.broadcast %jit3A_2090 : f32 to vector<16xf32>
          %select_n3A_2092 = arith.select %lt3A_2089, %select_n3A_2085, %broadcast_in_dim3A_2091 : vector<16xi1>, vector<16xf32>
          %swap3A_2093 = arith.index_cast %mul3A_2057 : i32 to index
          %swap3A_2094 = tpu.vector_load %arg15[%swap3A_2093] {strides = array<i32>} : memref<2576xf32, #tpu.memory_space<vmem>>, vector<16xf32>,
          tpu.vector_store %arg15[%swap3A_2093], %select_n3A_2092 {strides = array<i32>} : memref<2576xf32, #tpu.memory_space<vmem>>, vector<16xf32>,
          %while3A_2095 = arith.constant 0 : i32
          scf.yield %while3A_2095 : i32
        }
        %while3A_1889 = arith.constant 1 : i32
        %while3A_1890 = scf.for %while3A_2054 = %while3A_1886 to %while3A_1882 step %while3A_1889 iter_args(%while3A_2055 = %while3A_1888) -> (i32)  : i32 {
          %mul3A_2056 = arith.constant 16 : i32
          %mul3A_2057 = arith.muli %while3A_2054, %mul3A_2056 : i32
          %get3A_2058 = arith.index_cast %mul3A_2057 : i32 to index
          %get3A_2059 = tpu.vector_load %arg16[%get3A_2058] {strides = array<i32>} : memref<2576xi32, #tpu.memory_space<vmem>>, vector<16xi32>,
          %get3A_2060 = arith.index_cast %mul3A_2057 : i32 to index
          %get3A_2061 = tpu.vector_load %arg15[%get3A_2060] {strides = array<i32>} : memref<2576xf32, #tpu.memory_space<vmem>>, vector<16xf32>,
          %jit3A_2062 = arith.constant 0 : i32
          %jit3A_2063 = arith.constant 499999 : i32
          %max3A = vector.broadcast %jit3A_2062 : i32 to vector<16xi32>
          %max3A_2064 = arith.maxsi %max3A, %get3A_2059 : vector<16xi32>
          %min3A = vector.broadcast %jit3A_2063 : i32 to vector<16xi32>
          %min3A_2065 = arith.minsi %min3A, %max3A_2064 : vector<16xi32>
          %dma_start3A_2066 = arith.constant 0 : i32
          %dma_start3A_2067 = tpu.memref_slice %arg6[%dma_start3A_2066] : memref<500000xf32, #tpu.memory_space<hbm>> -> memref<500000xf32, #tpu.memory_space<hbm>>
          tpu.enqueue_indirect_dma source(%dma_start3A_2067 : memref<500000xf32, #tpu.memory_space<hbm>>) target(%arg25 : memref<16xf32, #tpu.memory_space<vmem>>) offsets(%min3A_2065 : vector<16xi32>) semaphore(%arg27 : memref<!tpu.dma_semaphore, #tpu.memory_space<semaphore_mem>>)
          %dma_wait3A_2068 = arith.constant 0 : i32
          %dma_wait3A_2069 = tpu.memref_slice %arg6[%dma_wait3A_2068] : memref<500000xf32, #tpu.memory_space<hbm>> -> memref<500000xf32, #tpu.memory_space<hbm>>
          tpu.wait_indirect_dma semaphore(%arg27 : memref<!tpu.dma_semaphore, #tpu.memory_space<semaphore_mem>>) src(%dma_wait3A_2069 : memref<500000xf32, #tpu.memory_space<hbm>>) dst(%arg25 : memref<16xf32, #tpu.memory_space<vmem>>)
          %get3A_2070 = arith.constant 0 : index
          %get3A_2071 = tpu.vector_load %arg25[%get3A_2070] {strides = array<i32>} : memref<16xf32, #tpu.memory_space<vmem>>, vector<16xf32>,
          %lt3A_2072 = arith.constant 0 : i32
          %lt3A_2073 = vector.broadcast %lt3A_2072 : i32 to vector<16xi32>
          %lt3A_2074 = arith.cmpi slt, %get3A_2059, %lt3A_2073 : vector<16xi32>
          %mul3A_2075 = arith.mulf %get3A_2071, %get3A_2061 : vector<16xf32>
          %mul3A_2076 = arith.constant 1.667000e-01 : f32
          %mul3A_2077 = vector.broadcast %mul3A_2076 : f32 to vector<16xf32>
          %mul3A_2078 = arith.mulf %mul3A_2075, %mul3A_2077 : vector<16xf32>
          %select_n3A_2079 = arith.select %lt3A_2074, %get3A_2061, %mul3A_2078 : vector<16xi1>, vector<16xf32>
          %gt3A_2080 = arith.constant 8.335000e-02 : f32
          %gt3A_2081 = vector.broadcast %gt3A_2080 : f32 to vector<16xf32>
          %gt3A_2082 = arith.cmpf ogt, %select_n3A_2079, %gt3A_2081 : vector<16xf32>
          %jit3A_2083 = arith.constant -1.000000e+30 : f32
          %broadcast_in_dim3A_2084 = vector.broadcast %jit3A_2083 : f32 to vector<16xf32>
          %select_n3A_2085 = arith.select %gt3A_2082, %select_n3A_2079, %broadcast_in_dim3A_2084 : vector<16xi1>, vector<16xf32>
          %add3A_2086 = vector.broadcast %mul3A_2057 : i32 to vector<16xi32>
          %add3A_2087 = arith.addi %add3A_2086, %iota3A_1852 : vector<16xi32>
          %lt3A_2088 = vector.broadcast %reduce_max3A_1807 : i32 to vector<16xi32>
          %lt3A_2089 = arith.cmpi slt, %add3A_2087, %lt3A_2088 : vector<16xi32>
          %jit3A_2090 = arith.constant -1.000000e+30 : f32
          %broadcast_in_dim3A_2091 = vector.broadcast %jit3A_2090 : f32 to vector<16xf32>
          %select_n3A_2092 = arith.select %lt3A_2089, %select_n3A_2085, %broadcast_in_dim3A_2091 : vector<16xi1>, vector<16xf32>
          %swap3A_2093 = arith.index_cast %mul3A_2057 : i32 to index
          %swap3A_2094 = tpu.vector_load %arg15[%swap3A_2093] {strides = array<i32>} : memref<2576xf32, #tpu.memory_space<vmem>>, vector<16xf32>,
          tpu.vector_store %arg15[%swap3A_2093], %select_n3A_2092 {strides = array<i32>} : memref<2576xf32, #tpu.memory_space<vmem>>, vector<16xf32>,
          %while3A_2095 = arith.constant 0 : i32
          scf.yield %while3A_2095 : i32
        }
        %scan3A_1891 = arith.constant 0 : i32
        %scan3A_1892 = arith.constant 0 : i32
        %scan3A_1893 = arith.constant 100 : i32
        %scan3A_1894 = arith.addi %scan3A_1892, %scan3A_1893 : i32
        %scan3A_1895 = arith.constant 1 : i32
        %scan3A_1896 = scf.for %scan3A_2054 = %scan3A_1892 to %scan3A_1894 step %scan3A_1895 iter_args(%scan3A_2055 = %scan3A_1891) -> (i32)  : i32 {
          %broadcast_in_dim3A_2056 = arith.constant -1.000000e+30 : f32
          %broadcast_in_dim3A_2057 = vector.broadcast %broadcast_in_dim3A_2056 : f32 to vector<16xf32>
          %while3A_2058 = arith.constant 0 : i32
          %while3A_2059 = arith.subi %select_n3A_1878, %while3A_2058 : i32
          %while3A_2060 = arith.addi %while3A_2058, %while3A_2059 : i32
          %while3A_2061 = arith.constant 1 : i32
          %while3A_2062 = arith.divsi %while3A_2059, %while3A_2061 : i32
          %while3A_2063 = arith.muli %while3A_2062, %while3A_2061 : i32
          %while3A_2064 = arith.addi %while3A_2058, %while3A_2063 : i32
          %while3A_2065 = arith.constant 1 : i32
          %while3A_2066 = scf.for %while3A_2114 = %while3A_2058 to %while3A_2064 step %while3A_2065 iter_args(%while3A_2115 = %broadcast_in_dim3A_2057) -> (vector<16xf32>)  : i32 {
            %mul3A_2116 = arith.constant 16 : i32
            %mul3A_2117 = arith.muli %while3A_2114, %mul3A_2116 : i32
            %get3A_2118 = arith.index_cast %mul3A_2117 : i32 to index
            %get3A_2119 = tpu.vector_load %arg15[%get3A_2118] {strides = array<i32>} : memref<2576xf32, #tpu.memory_space<vmem>>, vector<16xf32>,
            %max3A = arith.maximumf %while3A_2115, %get3A_2119 : vector<16xf32>
            scf.yield %max3A : vector<16xf32>
          }
          %while3A_2067 = arith.constant 1 : i32
          %while3A_2068 = scf.for %while3A_2114 = %while3A_2064 to %while3A_2060 step %while3A_2067 iter_args(%while3A_2115 = %while3A_2066) -> (vector<16xf32>)  : i32 {
            %mul3A_2116 = arith.constant 16 : i32
            %mul3A_2117 = arith.muli %while3A_2114, %mul3A_2116 : i32
            %get3A_2118 = arith.index_cast %mul3A_2117 : i32 to index
            %get3A_2119 = tpu.vector_load %arg15[%get3A_2118] {strides = array<i32>} : memref<2576xf32, #tpu.memory_space<vmem>>, vector<16xf32>,
            %max3A = arith.maximumf %while3A_2115, %get3A_2119 : vector<16xf32>
            scf.yield %max3A : vector<16xf32>
          }
          %reduce_max3A_2069 = arith.constant true
          %reduce_max3A_2070 = vector.broadcast %reduce_max3A_2069 : i1 to vector<16xi1>
          %reduce_max3A_2071 = tpu.scan <max>, %while3A_2068 masked %reduce_max3A_2070 : vector<16xf32>, vector<16xi1> -> vector<16xf32>
          %reduce_max3A_2072 = vector.extract %reduce_max3A_2071[15] : f32 from vector<16xf32>
          %broadcast_in_dim3A_2073 = arith.constant 2576 : i32
          %broadcast_in_dim3A_2074 = vector.broadcast %broadcast_in_dim3A_2073 : i32 to vector<16xi32>
          %while3A_2075 = arith.constant 0 : i32
          %while3A_2076 = arith.subi %select_n3A_1878, %while3A_2075 : i32
          %while3A_2077 = arith.addi %while3A_2075, %while3A_2076 : i32
          %while3A_2078 = arith.constant 1 : i32
          %while3A_2079 = arith.divsi %while3A_2076, %while3A_2078 : i32
          %while3A_2080 = arith.muli %while3A_2079, %while3A_2078 : i32
          %while3A_2081 = arith.addi %while3A_2075, %while3A_2080 : i32
          %while3A_2082 = arith.constant 1 : i32
          %while3A_2083 = scf.for %while3A_2114 = %while3A_2075 to %while3A_2081 step %while3A_2082 iter_args(%while3A_2115 = %broadcast_in_dim3A_2074) -> (vector<16xi32>)  : i32 {
            %mul3A_2116 = arith.constant 16 : i32
            %mul3A_2117 = arith.muli %while3A_2114, %mul3A_2116 : i32
            %get3A_2118 = arith.index_cast %mul3A_2117 : i32 to index
            %get3A_2119 = tpu.vector_load %arg15[%get3A_2118] {strides = array<i32>} : memref<2576xf32, #tpu.memory_space<vmem>>, vector<16xf32>,
            %eq3A_2120 = vector.broadcast %reduce_max3A_2072 : f32 to vector<16xf32>
            %eq3A_2121 = arith.cmpf oeq, %get3A_2119, %eq3A_2120 : vector<16xf32>
            %add3A_2122 = vector.broadcast %mul3A_2117 : i32 to vector<16xi32>
            %add3A_2123 = arith.addi %add3A_2122, %iota3A_1852 : vector<16xi32>
            %jit3A_2124 = arith.constant 2576 : i32
            %broadcast_in_dim3A_2125 = vector.broadcast %jit3A_2124 : i32 to vector<16xi32>
            %select_n3A_2126 = arith.select %eq3A_2121, %add3A_2123, %broadcast_in_dim3A_2125 : vector<16xi1>, vector<16xi32>
            %min3A_2127 = arith.minsi %while3A_2115, %select_n3A_2126 : vector<16xi32>
            scf.yield %min3A_2127 : vector<16xi32>
          }
          %while3A_2084 = arith.constant 1 : i32
          %while3A_2085 = scf.for %while3A_2114 = %while3A_2081 to %while3A_2077 step %while3A_2084 iter_args(%while3A_2115 = %while3A_2083) -> (vector<16xi32>)  : i32 {
            %mul3A_2116 = arith.constant 16 : i32
            %mul3A_2117 = arith.muli %while3A_2114, %mul3A_2116 : i32
            %get3A_2118 = arith.index_cast %mul3A_2117 : i32 to index
            %get3A_2119 = tpu.vector_load %arg15[%get3A_2118] {strides = array<i32>} : memref<2576xf32, #tpu.memory_space<vmem>>, vector<16xf32>,
            %eq3A_2120 = vector.broadcast %reduce_max3A_2072 : f32 to vector<16xf32>
            %eq3A_2121 = arith.cmpf oeq, %get3A_2119, %eq3A_2120 : vector<16xf32>
            %add3A_2122 = vector.broadcast %mul3A_2117 : i32 to vector<16xi32>
            %add3A_2123 = arith.addi %add3A_2122, %iota3A_1852 : vector<16xi32>
            %jit3A_2124 = arith.constant 2576 : i32
            %broadcast_in_dim3A_2125 = vector.broadcast %jit3A_2124 : i32 to vector<16xi32>
            %select_n3A_2126 = arith.select %eq3A_2121, %add3A_2123, %broadcast_in_dim3A_2125 : vector<16xi1>, vector<16xi32>
            %min3A_2127 = arith.minsi %while3A_2115, %select_n3A_2126 : vector<16xi32>
            scf.yield %min3A_2127 : vector<16xi32>
          }
          %reduce_min3A = arith.constant true
          %reduce_min3A_2086 = vector.broadcast %reduce_min3A : i1 to vector<16xi1>
          %reduce_min3A_2087 = arith.constant -2147483648 : i32
          %reduce_min3A_2088 = vector.broadcast %reduce_min3A_2087 : i32 to vector<16xi32>
          %reduce_min3A_2089 = arith.xori %while3A_2085, %reduce_min3A_2088 : vector<16xi32>
          %reduce_min3A_2090 = tpu.scan <min>, %reduce_min3A_2089 masked %reduce_min3A_2086 : vector<16xi32>, vector<16xi1> -> vector<16xi32>
          %reduce_min3A_2091 = arith.xori %reduce_min3A_2090, %reduce_min3A_2088 : vector<16xi32>
          %reduce_min3A_2092 = vector.extract %reduce_min3A_2091[15] : i32 from vector<16xi32>
          %min3A = arith.constant 2575 : i32
          %min3A_2093 = arith.minsi %reduce_min3A_2092, %min3A : i32
          %broadcast_in_dim3A_2094 = vector.broadcast %min3A_2093 : i32 to vector<16xi32>
          %gt3A_2095 = arith.constant 0.000000e+00 : f32
          %gt3A_2096 = arith.cmpf ogt, %reduce_max3A_2072, %gt3A_2095 : f32
          %gather3A = tpu.vector_load_idx %arg16[%broadcast_in_dim3A_2094] : memref<2576xi32, #tpu.memory_space<vmem>>[vector<16xi32>], vector<16xi32>,
          %jit3A_2097 = arith.constant 0 : i32
          %broadcast_in_dim3A_2098 = vector.broadcast %jit3A_2097 : i32 to vector<16xi32>
          %select_n3A_2099 = arith.select %gt3A_2096, %gather3A, %broadcast_in_dim3A_2098 : vector<16xi32>
          %gather3A_2100 = tpu.vector_load_idx %arg17[%broadcast_in_dim3A_2094] : memref<2576xi32, #tpu.memory_space<vmem>>[vector<16xi32>], vector<16xi32>,
          %jit3A_2101 = arith.constant 0 : i32
          %broadcast_in_dim3A_2102 = vector.broadcast %jit3A_2101 : i32 to vector<16xi32>
          %select_n3A_2103 = arith.select %gt3A_2096, %gather3A_2100, %broadcast_in_dim3A_2102 : vector<16xi32>
          %jit3A_2104 = arith.constant 0.000000e+00 : f32
          %select_n3A_2105 = arith.select %gt3A_2096, %reduce_max3A_2072, %jit3A_2104 : f32
          %broadcast_in_dim3A_2106 = vector.broadcast %select_n3A_2105 : f32 to vector<16xf32>
          %broadcast_in_dim3A_2107 = vector.broadcast %scan3A_2054 : i32 to vector<16xi32>
          %eq3A_2108 = arith.constant 0 : i32
          %eq3A_2109 = vector.broadcast %eq3A_2108 : i32 to vector<16xi32>
          %eq3A_2110 = arith.cmpi eq, %iota3A_1852, %eq3A_2109 : vector<16xi32>
          tpu.vector_store_idx %arg18[%broadcast_in_dim3A_2107], %broadcast_in_dim3A_2106 masked %eq3A_2110 : memref<112xf32, #tpu.memory_space<vmem>>[vector<16xi32>], vector<16xf32>, vector<16xi1>
          tpu.vector_store_idx %arg19[%broadcast_in_dim3A_2107], %select_n3A_2099 masked %eq3A_2110 : memref<112xi32, #tpu.memory_space<vmem>>[vector<16xi32>], vector<16xi32>, vector<16xi1>
          tpu.vector_store_idx %arg20[%broadcast_in_dim3A_2107], %select_n3A_2103 masked %eq3A_2110 : memref<112xi32, #tpu.memory_space<vmem>>[vector<16xi32>], vector<16xi32>, vector<16xi1>
          %broadcast_in_dim3A_2111 = arith.constant -1.000000e+30 : f32
          %broadcast_in_dim3A_2112 = vector.broadcast %broadcast_in_dim3A_2111 : f32 to vector<16xf32>
          tpu.vector_store_idx %arg15[%broadcast_in_dim3A_2094], %broadcast_in_dim3A_2112 masked %eq3A_2110 : memref<2576xf32, #tpu.memory_space<vmem>>[vector<16xi32>], vector<16xf32>, vector<16xi1>
          %scan3A_2113 = arith.constant 0 : i32
          scf.yield %scan3A_2113 : i32
        }
        %scan3A_1897 = arith.constant 100 : i32
        %get3A_1898 = arith.constant 0 : index
        %get3A_1899 = tpu.vector_load %arg18[%get3A_1898] {strides = array<i32>} : memref<112xf32, #tpu.memory_space<vmem>>, vector<16xf32>,
        %swap3A_1900 = arith.constant 0 : index
        %swap3A_1901 = tpu.vector_load %arg15[%swap3A_1900] {strides = array<i32>} : memref<2576xf32, #tpu.memory_space<vmem>>, vector<16xf32>,
        tpu.vector_store %arg15[%swap3A_1900], %get3A_1899 {strides = array<i32>} : memref<2576xf32, #tpu.memory_space<vmem>>, vector<16xf32>,
        %get3A_1902 = arith.constant 0 : index
        %get3A_1903 = tpu.vector_load %arg19[%get3A_1902] {strides = array<i32>} : memref<112xi32, #tpu.memory_space<vmem>>, vector<16xi32>,
        %lt3A_1904 = arith.constant 0 : i32
        %lt3A_1905 = vector.broadcast %lt3A_1904 : i32 to vector<16xi32>
        %lt3A_1906 = arith.cmpi slt, %get3A_1903, %lt3A_1905 : vector<16xi32>
        %neg3A_1907 = arith.constant 0 : i32
        %neg3A_1908 = vector.broadcast %neg3A_1907 : i32 to vector<16xi32>
        %neg3A_1909 = arith.subi %neg3A_1908, %get3A_1903 : vector<16xi32>
        %sub3A_1910 = arith.constant 1 : i32
        %sub3A_1911 = vector.broadcast %sub3A_1910 : i32 to vector<16xi32>
        %sub3A_1912 = arith.subi %neg3A_1909, %sub3A_1911 : vector<16xi32>
        %select_n3A_1913 = arith.select %lt3A_1906, %get3A_1903, %sub3A_1912 : vector<16xi1>, vector<16xi32>
        %swap3A_1914 = arith.constant 0 : index
        %swap3A_1915 = tpu.vector_load %arg16[%swap3A_1914] {strides = array<i32>} : memref<2576xi32, #tpu.memory_space<vmem>>, vector<16xi32>,
        tpu.vector_store %arg16[%swap3A_1914], %select_n3A_1913 {strides = array<i32>} : memref<2576xi32, #tpu.memory_space<vmem>>, vector<16xi32>,
        %get3A_1916 = arith.constant 0 : index
        %get3A_1917 = tpu.vector_load %arg20[%get3A_1916] {strides = array<i32>} : memref<112xi32, #tpu.memory_space<vmem>>, vector<16xi32>,
        %swap3A_1918 = arith.constant 0 : index
        %swap3A_1919 = tpu.vector_load %arg17[%swap3A_1918] {strides = array<i32>} : memref<2576xi32, #tpu.memory_space<vmem>>, vector<16xi32>,
        tpu.vector_store %arg17[%swap3A_1918], %get3A_1917 {strides = array<i32>} : memref<2576xi32, #tpu.memory_space<vmem>>, vector<16xi32>,
        %get3A_1920 = arith.constant 16 : index
        %get3A_1921 = tpu.vector_load %arg18[%get3A_1920] {strides = array<i32>} : memref<112xf32, #tpu.memory_space<vmem>>, vector<16xf32>,
        %swap3A_1922 = arith.constant 16 : index
        %swap3A_1923 = tpu.vector_load %arg15[%swap3A_1922] {strides = array<i32>} : memref<2576xf32, #tpu.memory_space<vmem>>, vector<16xf32>,
        tpu.vector_store %arg15[%swap3A_1922], %get3A_1921 {strides = array<i32>} : memref<2576xf32, #tpu.memory_space<vmem>>, vector<16xf32>,
        %get3A_1924 = arith.constant 16 : index
        %get3A_1925 = tpu.vector_load %arg19[%get3A_1924] {strides = array<i32>} : memref<112xi32, #tpu.memory_space<vmem>>, vector<16xi32>,
        %lt3A_1926 = arith.constant 0 : i32
        %lt3A_1927 = vector.broadcast %lt3A_1926 : i32 to vector<16xi32>
        %lt3A_1928 = arith.cmpi slt, %get3A_1925, %lt3A_1927 : vector<16xi32>
        %neg3A_1929 = arith.constant 0 : i32
        %neg3A_1930 = vector.broadcast %neg3A_1929 : i32 to vector<16xi32>
        %neg3A_1931 = arith.subi %neg3A_1930, %get3A_1925 : vector<16xi32>
        %sub3A_1932 = arith.constant 1 : i32
        %sub3A_1933 = vector.broadcast %sub3A_1932 : i32 to vector<16xi32>
        %sub3A_1934 = arith.subi %neg3A_1931, %sub3A_1933 : vector<16xi32>
        %select_n3A_1935 = arith.select %lt3A_1928, %get3A_1925, %sub3A_1934 : vector<16xi1>, vector<16xi32>
        %swap3A_1936 = arith.constant 16 : index
        %swap3A_1937 = tpu.vector_load %arg16[%swap3A_1936] {strides = array<i32>} : memref<2576xi32, #tpu.memory_space<vmem>>, vector<16xi32>,
        tpu.vector_store %arg16[%swap3A_1936], %select_n3A_1935 {strides = array<i32>} : memref<2576xi32, #tpu.memory_space<vmem>>, vector<16xi32>,
        %get3A_1938 = arith.constant 16 : index
        %get3A_1939 = tpu.vector_load %arg20[%get3A_1938] {strides = array<i32>} : memref<112xi32, #tpu.memory_space<vmem>>, vector<16xi32>,
        %swap3A_1940 = arith.constant 16 : index
        %swap3A_1941 = tpu.vector_load %arg17[%swap3A_1940] {strides = array<i32>} : memref<2576xi32, #tpu.memory_space<vmem>>, vector<16xi32>,
        tpu.vector_store %arg17[%swap3A_1940], %get3A_1939 {strides = array<i32>} : memref<2576xi32, #tpu.memory_space<vmem>>, vector<16xi32>,
        %get3A_1942 = arith.constant 32 : index
        %get3A_1943 = tpu.vector_load %arg18[%get3A_1942] {strides = array<i32>} : memref<112xf32, #tpu.memory_space<vmem>>, vector<16xf32>,
        %swap3A_1944 = arith.constant 32 : index
        %swap3A_1945 = tpu.vector_load %arg15[%swap3A_1944] {strides = array<i32>} : memref<2576xf32, #tpu.memory_space<vmem>>, vector<16xf32>,
        tpu.vector_store %arg15[%swap3A_1944], %get3A_1943 {strides = array<i32>} : memref<2576xf32, #tpu.memory_space<vmem>>, vector<16xf32>,
        %get3A_1946 = arith.constant 32 : index
        %get3A_1947 = tpu.vector_load %arg19[%get3A_1946] {strides = array<i32>} : memref<112xi32, #tpu.memory_space<vmem>>, vector<16xi32>,
        %lt3A_1948 = arith.constant 0 : i32
        %lt3A_1949 = vector.broadcast %lt3A_1948 : i32 to vector<16xi32>
        %lt3A_1950 = arith.cmpi slt, %get3A_1947, %lt3A_1949 : vector<16xi32>
        %neg3A_1951 = arith.constant 0 : i32
        %neg3A_1952 = vector.broadcast %neg3A_1951 : i32 to vector<16xi32>
        %neg3A_1953 = arith.subi %neg3A_1952, %get3A_1947 : vector<16xi32>
        %sub3A_1954 = arith.constant 1 : i32
        %sub3A_1955 = vector.broadcast %sub3A_1954 : i32 to vector<16xi32>
        %sub3A_1956 = arith.subi %neg3A_1953, %sub3A_1955 : vector<16xi32>
        %select_n3A_1957 = arith.select %lt3A_1950, %get3A_1947, %sub3A_1956 : vector<16xi1>, vector<16xi32>
        %swap3A_1958 = arith.constant 32 : index
        %swap3A_1959 = tpu.vector_load %arg16[%swap3A_1958] {strides = array<i32>} : memref<2576xi32, #tpu.memory_space<vmem>>, vector<16xi32>,
        tpu.vector_store %arg16[%swap3A_1958], %select_n3A_1957 {strides = array<i32>} : memref<2576xi32, #tpu.memory_space<vmem>>, vector<16xi32>,
        %get3A_1960 = arith.constant 32 : index
        %get3A_1961 = tpu.vector_load %arg20[%get3A_1960] {strides = array<i32>} : memref<112xi32, #tpu.memory_space<vmem>>, vector<16xi32>,
        %swap3A_1962 = arith.constant 32 : index
        %swap3A_1963 = tpu.vector_load %arg17[%swap3A_1962] {strides = array<i32>} : memref<2576xi32, #tpu.memory_space<vmem>>, vector<16xi32>,
        tpu.vector_store %arg17[%swap3A_1962], %get3A_1961 {strides = array<i32>} : memref<2576xi32, #tpu.memory_space<vmem>>, vector<16xi32>,
        %get3A_1964 = arith.constant 48 : index
        %get3A_1965 = tpu.vector_load %arg18[%get3A_1964] {strides = array<i32>} : memref<112xf32, #tpu.memory_space<vmem>>, vector<16xf32>,
        %swap3A_1966 = arith.constant 48 : index
        %swap3A_1967 = tpu.vector_load %arg15[%swap3A_1966] {strides = array<i32>} : memref<2576xf32, #tpu.memory_space<vmem>>, vector<16xf32>,
        tpu.vector_store %arg15[%swap3A_1966], %get3A_1965 {strides = array<i32>} : memref<2576xf32, #tpu.memory_space<vmem>>, vector<16xf32>,
        %get3A_1968 = arith.constant 48 : index
        %get3A_1969 = tpu.vector_load %arg19[%get3A_1968] {strides = array<i32>} : memref<112xi32, #tpu.memory_space<vmem>>, vector<16xi32>,
        %lt3A_1970 = arith.constant 0 : i32
        %lt3A_1971 = vector.broadcast %lt3A_1970 : i32 to vector<16xi32>
        %lt3A_1972 = arith.cmpi slt, %get3A_1969, %lt3A_1971 : vector<16xi32>
        %neg3A_1973 = arith.constant 0 : i32
        %neg3A_1974 = vector.broadcast %neg3A_1973 : i32 to vector<16xi32>
        %neg3A_1975 = arith.subi %neg3A_1974, %get3A_1969 : vector<16xi32>
        %sub3A_1976 = arith.constant 1 : i32
        %sub3A_1977 = vector.broadcast %sub3A_1976 : i32 to vector<16xi32>
        %sub3A_1978 = arith.subi %neg3A_1975, %sub3A_1977 : vector<16xi32>
        %select_n3A_1979 = arith.select %lt3A_1972, %get3A_1969, %sub3A_1978 : vector<16xi1>, vector<16xi32>
        %swap3A_1980 = arith.constant 48 : index
        %swap3A_1981 = tpu.vector_load %arg16[%swap3A_1980] {strides = array<i32>} : memref<2576xi32, #tpu.memory_space<vmem>>, vector<16xi32>,
        tpu.vector_store %arg16[%swap3A_1980], %select_n3A_1979 {strides = array<i32>} : memref<2576xi32, #tpu.memory_space<vmem>>, vector<16xi32>,
        %get3A_1982 = arith.constant 48 : index
        %get3A_1983 = tpu.vector_load %arg20[%get3A_1982] {strides = array<i32>} : memref<112xi32, #tpu.memory_space<vmem>>, vector<16xi32>,
        %swap3A_1984 = arith.constant 48 : index
        %swap3A_1985 = tpu.vector_load %arg17[%swap3A_1984] {strides = array<i32>} : memref<2576xi32, #tpu.memory_space<vmem>>, vector<16xi32>,
        tpu.vector_store %arg17[%swap3A_1984], %get3A_1983 {strides = array<i32>} : memref<2576xi32, #tpu.memory_space<vmem>>, vector<16xi32>,
        %get3A_1986 = arith.constant 64 : index
        %get3A_1987 = tpu.vector_load %arg18[%get3A_1986] {strides = array<i32>} : memref<112xf32, #tpu.memory_space<vmem>>, vector<16xf32>,
        %swap3A_1988 = arith.constant 64 : index
        %swap3A_1989 = tpu.vector_load %arg15[%swap3A_1988] {strides = array<i32>} : memref<2576xf32, #tpu.memory_space<vmem>>, vector<16xf32>,
        tpu.vector_store %arg15[%swap3A_1988], %get3A_1987 {strides = array<i32>} : memref<2576xf32, #tpu.memory_space<vmem>>, vector<16xf32>,
        %get3A_1990 = arith.constant 64 : index
        %get3A_1991 = tpu.vector_load %arg19[%get3A_1990] {strides = array<i32>} : memref<112xi32, #tpu.memory_space<vmem>>, vector<16xi32>,
        %lt3A_1992 = arith.constant 0 : i32
        %lt3A_1993 = vector.broadcast %lt3A_1992 : i32 to vector<16xi32>
        %lt3A_1994 = arith.cmpi slt, %get3A_1991, %lt3A_1993 : vector<16xi32>
        %neg3A_1995 = arith.constant 0 : i32
        %neg3A_1996 = vector.broadcast %neg3A_1995 : i32 to vector<16xi32>
        %neg3A_1997 = arith.subi %neg3A_1996, %get3A_1991 : vector<16xi32>
        %sub3A_1998 = arith.constant 1 : i32
        %sub3A_1999 = vector.broadcast %sub3A_1998 : i32 to vector<16xi32>
        %sub3A_2000 = arith.subi %neg3A_1997, %sub3A_1999 : vector<16xi32>
        %select_n3A_2001 = arith.select %lt3A_1994, %get3A_1991, %sub3A_2000 : vector<16xi1>, vector<16xi32>
        %swap3A_2002 = arith.constant 64 : index
        %swap3A_2003 = tpu.vector_load %arg16[%swap3A_2002] {strides = array<i32>} : memref<2576xi32, #tpu.memory_space<vmem>>, vector<16xi32>,
        tpu.vector_store %arg16[%swap3A_2002], %select_n3A_2001 {strides = array<i32>} : memref<2576xi32, #tpu.memory_space<vmem>>, vector<16xi32>,
        %get3A_2004 = arith.constant 64 : index
        %get3A_2005 = tpu.vector_load %arg20[%get3A_2004] {strides = array<i32>} : memref<112xi32, #tpu.memory_space<vmem>>, vector<16xi32>,
        %swap3A_2006 = arith.constant 64 : index
        %swap3A_2007 = tpu.vector_load %arg17[%swap3A_2006] {strides = array<i32>} : memref<2576xi32, #tpu.memory_space<vmem>>, vector<16xi32>,
        tpu.vector_store %arg17[%swap3A_2006], %get3A_2005 {strides = array<i32>} : memref<2576xi32, #tpu.memory_space<vmem>>, vector<16xi32>,
        %get3A_2008 = arith.constant 80 : index
        %get3A_2009 = tpu.vector_load %arg18[%get3A_2008] {strides = array<i32>} : memref<112xf32, #tpu.memory_space<vmem>>, vector<16xf32>,
        %swap3A_2010 = arith.constant 80 : index
        %swap3A_2011 = tpu.vector_load %arg15[%swap3A_2010] {strides = array<i32>} : memref<2576xf32, #tpu.memory_space<vmem>>, vector<16xf32>,
        tpu.vector_store %arg15[%swap3A_2010], %get3A_2009 {strides = array<i32>} : memref<2576xf32, #tpu.memory_space<vmem>>, vector<16xf32>,
        %get3A_2012 = arith.constant 80 : index
        %get3A_2013 = tpu.vector_load %arg19[%get3A_2012] {strides = array<i32>} : memref<112xi32, #tpu.memory_space<vmem>>, vector<16xi32>,
        %lt3A_2014 = arith.constant 0 : i32
        %lt3A_2015 = vector.broadcast %lt3A_2014 : i32 to vector<16xi32>
        %lt3A_2016 = arith.cmpi slt, %get3A_2013, %lt3A_2015 : vector<16xi32>
        %neg3A_2017 = arith.constant 0 : i32
        %neg3A_2018 = vector.broadcast %neg3A_2017 : i32 to vector<16xi32>
        %neg3A_2019 = arith.subi %neg3A_2018, %get3A_2013 : vector<16xi32>
        %sub3A_2020 = arith.constant 1 : i32
        %sub3A_2021 = vector.broadcast %sub3A_2020 : i32 to vector<16xi32>
        %sub3A_2022 = arith.subi %neg3A_2019, %sub3A_2021 : vector<16xi32>
        %select_n3A_2023 = arith.select %lt3A_2016, %get3A_2013, %sub3A_2022 : vector<16xi1>, vector<16xi32>
        %swap3A_2024 = arith.constant 80 : index
        %swap3A_2025 = tpu.vector_load %arg16[%swap3A_2024] {strides = array<i32>} : memref<2576xi32, #tpu.memory_space<vmem>>, vector<16xi32>,
        tpu.vector_store %arg16[%swap3A_2024], %select_n3A_2023 {strides = array<i32>} : memref<2576xi32, #tpu.memory_space<vmem>>, vector<16xi32>,
        %get3A_2026 = arith.constant 80 : index
        %get3A_2027 = tpu.vector_load %arg20[%get3A_2026] {strides = array<i32>} : memref<112xi32, #tpu.memory_space<vmem>>, vector<16xi32>,
        %swap3A_2028 = arith.constant 80 : index
        %swap3A_2029 = tpu.vector_load %arg17[%swap3A_2028] {strides = array<i32>} : memref<2576xi32, #tpu.memory_space<vmem>>, vector<16xi32>,
        tpu.vector_store %arg17[%swap3A_2028], %get3A_2027 {strides = array<i32>} : memref<2576xi32, #tpu.memory_space<vmem>>, vector<16xi32>,
        %get3A_2030 = arith.constant 96 : index
        %get3A_2031 = tpu.vector_load %arg18[%get3A_2030] {strides = array<i32>} : memref<112xf32, #tpu.memory_space<vmem>>, vector<16xf32>,
        %swap3A_2032 = arith.constant 96 : index
        %swap3A_2033 = tpu.vector_load %arg15[%swap3A_2032] {strides = array<i32>} : memref<2576xf32, #tpu.memory_space<vmem>>, vector<16xf32>,
        tpu.vector_store %arg15[%swap3A_2032], %get3A_2031 {strides = array<i32>} : memref<2576xf32, #tpu.memory_space<vmem>>, vector<16xf32>,
        %get3A_2034 = arith.constant 96 : index
        %get3A_2035 = tpu.vector_load %arg19[%get3A_2034] {strides = array<i32>} : memref<112xi32, #tpu.memory_space<vmem>>, vector<16xi32>,
        %lt3A_2036 = arith.constant 0 : i32
        %lt3A_2037 = vector.broadcast %lt3A_2036 : i32 to vector<16xi32>
        %lt3A_2038 = arith.cmpi slt, %get3A_2035, %lt3A_2037 : vector<16xi32>
        %neg3A_2039 = arith.constant 0 : i32
        %neg3A_2040 = vector.broadcast %neg3A_2039 : i32 to vector<16xi32>
        %neg3A_2041 = arith.subi %neg3A_2040, %get3A_2035 : vector<16xi32>
        %sub3A_2042 = arith.constant 1 : i32
        %sub3A_2043 = vector.broadcast %sub3A_2042 : i32 to vector<16xi32>
        %sub3A_2044 = arith.subi %neg3A_2041, %sub3A_2043 : vector<16xi32>
        %select_n3A_2045 = arith.select %lt3A_2038, %get3A_2035, %sub3A_2044 : vector<16xi1>, vector<16xi32>
        %swap3A_2046 = arith.constant 96 : index
        %swap3A_2047 = tpu.vector_load %arg16[%swap3A_2046] {strides = array<i32>} : memref<2576xi32, #tpu.memory_space<vmem>>, vector<16xi32>,
        tpu.vector_store %arg16[%swap3A_2046], %select_n3A_2045 {strides = array<i32>} : memref<2576xi32, #tpu.memory_space<vmem>>, vector<16xi32>,
        %get3A_2048 = arith.constant 96 : index
        %get3A_2049 = tpu.vector_load %arg20[%get3A_2048] {strides = array<i32>} : memref<112xi32, #tpu.memory_space<vmem>>, vector<16xi32>,
        %swap3A_2050 = arith.constant 96 : index
        %swap3A_2051 = tpu.vector_load %arg17[%swap3A_2050] {strides = array<i32>} : memref<2576xi32, #tpu.memory_space<vmem>>, vector<16xi32>,
        tpu.vector_store %arg17[%swap3A_2050], %get3A_2049 {strides = array<i32>} : memref<2576xi32, #tpu.memory_space<vmem>>, vector<16xi32>,
        %broadcast_in_dim3A_2052 = arith.constant 100 : i32
        %broadcast_in_dim3A_2053 = vector.broadcast %broadcast_in_dim3A_2052 : i32 to vector<16xi32>
        scf.yield %broadcast_in_dim3A_2053 : vector<16xi32>
      } else {
        scf.yield %parallel_loop3A_1799 : vector<16xi32>
      }
      %mul3A_1811 = arith.constant 2 : i32
      %mul3A_1812 = arith.muli %mul3A_1811, %scan3A_1773 : i32
      %add3A_1813 = arith.constant 2 : i32
      %add3A_1814 = arith.addi %mul3A_1812, %add3A_1813 : i32
      %lt3A_1815 = arith.constant 250 : i32
      %lt3A_1816 = arith.cmpi slt, %add3A_1814, %lt3A_1815 : i32
      %convert_element_type3A_1817 = arith.extui %lt3A_1816 : i1 to i32
      %cond3A_1818 = arith.constant 0 : i32
      %cond3A_1819 = arith.cmpi ne, %convert_element_type3A_1817, %cond3A_1818 : i32
      scf.if %cond3A_1819 {
        %mul3A_1852 = arith.constant 2 : i32
        %mul3A_1853 = arith.muli %mul3A_1852, %scan3A_1773 : i32
        %add3A_1854 = arith.constant 2 : i32
        %add3A_1855 = arith.addi %mul3A_1853, %add3A_1854 : i32
        %mul3A_1856 = arith.constant 2000 : i32
        %mul3A_1857 = arith.muli %add3A_1855, %mul3A_1856 : i32
        %dma_start3A_1858 = tpu.memref_slice %arg4[%mul3A_1857] : memref<500000xi32, #tpu.memory_space<hbm>> -> memref<2000xi32, #tpu.memory_space<hbm>>
        %dma_start3A_1859 = tpu.memref_slice %arg4[%mul3A_1857] : memref<500000xi32, #tpu.memory_space<hbm>> -> memref<2000xi32, #tpu.memory_space<hbm>>
        tpu.enqueue_dma source(%dma_start3A_1859 : memref<2000xi32, #tpu.memory_space<hbm>>) target(%arg11 : memref<2000xi32, #tpu.memory_space<vmem>>) target_semaphore(%arg27 : memref<!tpu.dma_semaphore, #tpu.memory_space<semaphore_mem>>)
        %dma_start3A_1860 = tpu.memref_slice %arg5[%mul3A_1857] : memref<500000xi32, #tpu.memory_space<hbm>> -> memref<2000xi32, #tpu.memory_space<hbm>>
        %dma_start3A_1861 = tpu.memref_slice %arg5[%mul3A_1857] : memref<500000xi32, #tpu.memory_space<hbm>> -> memref<2000xi32, #tpu.memory_space<hbm>>
        tpu.enqueue_dma source(%dma_start3A_1861 : memref<2000xi32, #tpu.memory_space<hbm>>) target(%arg12 : memref<2000xi32, #tpu.memory_space<vmem>>) target_semaphore(%arg27 : memref<!tpu.dma_semaphore, #tpu.memory_space<semaphore_mem>>)
      } else {
      }
      %dma_wait3A_1820 = arith.constant 0 : i32
      %dma_wait3A_1821 = tpu.memref_slice %arg4[%dma_wait3A_1820] : memref<500000xi32, #tpu.memory_space<hbm>> -> memref<2000xi32, #tpu.memory_space<hbm>>
      %dma_wait3A_1822 = arith.constant 0 : i32
      %dma_wait3A_1823 = tpu.memref_slice %arg4[%dma_wait3A_1822] : memref<500000xi32, #tpu.memory_space<hbm>> -> memref<2000xi32, #tpu.memory_space<hbm>>
      tpu.wait_dma2 semaphore(%arg28 : memref<!tpu.dma_semaphore, #tpu.memory_space<semaphore_mem>>) src(%dma_wait3A_1823 : memref<2000xi32, #tpu.memory_space<hbm>>) dst(%arg13 : memref<2000xi32, #tpu.memory_space<vmem>>)
      %dma_wait3A_1824 = arith.constant 0 : i32
      %dma_wait3A_1825 = tpu.memref_slice %arg5[%dma_wait3A_1824] : memref<500000xi32, #tpu.memory_space<hbm>> -> memref<2000xi32, #tpu.memory_space<hbm>>
      %dma_wait3A_1826 = arith.constant 0 : i32
      %dma_wait3A_1827 = tpu.memref_slice %arg5[%dma_wait3A_1826] : memref<500000xi32, #tpu.memory_space<hbm>> -> memref<2000xi32, #tpu.memory_space<hbm>>
      tpu.wait_dma2 semaphore(%arg28 : memref<!tpu.dma_semaphore, #tpu.memory_space<semaphore_mem>>) src(%dma_wait3A_1827 : memref<2000xi32, #tpu.memory_space<hbm>>) dst(%arg14 : memref<2000xi32, #tpu.memory_space<vmem>>)
      %mul3A_1828 = arith.constant 2 : i32
      %mul3A_1829 = arith.muli %mul3A_1828, %scan3A_1773 : i32
      %add3A_1830 = arith.constant 1 : i32
      %add3A_1831 = arith.addi %mul3A_1829, %add3A_1830 : i32
      %mul3A_1832 = arith.constant 2000 : i32
      %mul3A_1833 = arith.muli %add3A_1831, %mul3A_1832 : i32
      %parallel_loop3A_1834 = arith.constant 0 : i32
      %parallel_loop3A_1835 = arith.constant 125 : i32
      %parallel_loop3A_1836 = arith.constant 1 : i32
      %parallel_loop3A_1837 = scf.for %parallel_loop3A_1852 = %parallel_loop3A_1834 to %parallel_loop3A_1835 step %parallel_loop3A_1836 iter_args(%parallel_loop3A_1853 = %cond3A_1810) -> (vector<16xi32>)  : i32 {
        %parallel_loop3A_1854 = arith.constant 16 : i32
        %parallel_loop3A_1855 = arith.muli %parallel_loop3A_1852, %parallel_loop3A_1854 : i32
        %parallel_loop3A_1856 = arith.index_cast %parallel_loop3A_1855 : i32 to index
        %parallel_loop3A_1857 = tpu.vector_load %arg13[%parallel_loop3A_1856] {strides = array<i32>} : memref<2000xi32, #tpu.memory_space<vmem>>, vector<16xi32>,
        %parallel_loop3A_1858 = arith.index_cast %parallel_loop3A_1855 : i32 to index
        %parallel_loop3A_1859 = tpu.vector_load %arg14[%parallel_loop3A_1858] {strides = array<i32>} : memref<2000xi32, #tpu.memory_space<vmem>>, vector<16xi32>,
        %parallel_loop3A_1860 = tpu.vector_load_idx %arg10[%parallel_loop3A_1857] : memref<100000xf32, #tpu.memory_space<vmem>>[vector<16xi32>], vector<16xf32>,
        %parallel_loop3A_1861 = tpu.vector_load_idx %arg10[%parallel_loop3A_1859] : memref<100000xf32, #tpu.memory_space<vmem>>[vector<16xi32>], vector<16xf32>,
        %parallel_loop3A_1862 = arith.addf %parallel_loop3A_1860, %parallel_loop3A_1861 : vector<16xf32>
        %parallel_loop3A_1863 = arith.constant 5.000000e-01 : f32
        %parallel_loop3A_1864 = vector.broadcast %parallel_loop3A_1863 : f32 to vector<16xf32>
        %parallel_loop3A_1865 = arith.cmpf ogt, %parallel_loop3A_1862, %parallel_loop3A_1864 : vector<16xf32>
        %parallel_loop3A_1866 = arith.addi %mul3A_1833, %parallel_loop3A_1855 : i32
        %parallel_loop3A_1867 = vector.broadcast %parallel_loop3A_1866 : i32 to vector<16xi32>
        %parallel_loop3A_1868 = arith.addi %parallel_loop3A_1867, %iota3A : vector<16xi32>
        %parallel_loop3A_1869 = arith.constant 1 : i32
        %parallel_loop3A_1870 = arith.constant 0 : i32
        %parallel_loop3A_1871 = vector.broadcast %parallel_loop3A_1869 : i32 to vector<16xi32>
        %parallel_loop3A_1872 = vector.broadcast %parallel_loop3A_1870 : i32 to vector<16xi32>
        %parallel_loop3A_1873 = arith.select %parallel_loop3A_1865, %parallel_loop3A_1871, %parallel_loop3A_1872 : vector<16xi1>, vector<16xi32>
        %parallel_loop3A_1874 = arith.constant true
        %parallel_loop3A_1875 = vector.broadcast %parallel_loop3A_1874 : i1 to vector<16xi1>
        %parallel_loop3A_1876 = tpu.scan <sum>, %parallel_loop3A_1873 masked %parallel_loop3A_1875 : vector<16xi32>, vector<16xi1> -> vector<16xi32>
        %parallel_loop3A_1877 = arith.addi %parallel_loop3A_1853, %parallel_loop3A_1876 : vector<16xi32>
        %parallel_loop3A_1878 = arith.constant 1 : i32
        %parallel_loop3A_1879 = vector.broadcast %parallel_loop3A_1878 : i32 to vector<16xi32>
        %parallel_loop3A_1880 = arith.subi %parallel_loop3A_1877, %parallel_loop3A_1879 : vector<16xi32>
        tpu.vector_store_idx %arg15[%parallel_loop3A_1880], %parallel_loop3A_1862 masked %parallel_loop3A_1865 : memref<2576xf32, #tpu.memory_space<vmem>>[vector<16xi32>], vector<16xf32>, vector<16xi1>
        tpu.vector_store_idx %arg16[%parallel_loop3A_1880], %parallel_loop3A_1868 masked %parallel_loop3A_1865 : memref<2576xi32, #tpu.memory_space<vmem>>[vector<16xi32>], vector<16xi32>, vector<16xi1>
        tpu.vector_store_idx %arg17[%parallel_loop3A_1880], %parallel_loop3A_1857 masked %parallel_loop3A_1865 : memref<2576xi32, #tpu.memory_space<vmem>>[vector<16xi32>], vector<16xi32>, vector<16xi1>
        %parallel_loop3A_1881 = tpu.all_reduce %parallel_loop3A_1865 {dim = 0 : i64, kind = #tpu.reduction_kind<sum>} : vector<16xi1> -> vector<16xi32>
        %parallel_loop3A_1882 = arith.addi %parallel_loop3A_1853, %parallel_loop3A_1881 : vector<16xi32>
        scf.yield %parallel_loop3A_1882 : vector<16xi32>
      } {sc.loop_unroll_factor = 5 : i64, sc.parallel_access}
      %reduce_max3A_1838 = arith.constant true
      %reduce_max3A_1839 = vector.broadcast %reduce_max3A_1838 : i1 to vector<16xi1>
      %reduce_max3A_1840 = arith.constant -2147483648 : i32
      %reduce_max3A_1841 = vector.broadcast %reduce_max3A_1840 : i32 to vector<16xi32>
      %reduce_max3A_1842 = arith.xori %parallel_loop3A_1837, %reduce_max3A_1841 : vector<16xi32>
      %reduce_max3A_1843 = tpu.scan <max>, %reduce_max3A_1842 masked %reduce_max3A_1839 : vector<16xi32>, vector<16xi1> -> vector<16xi32>
      %reduce_max3A_1844 = arith.xori %reduce_max3A_1843, %reduce_max3A_1841 : vector<16xi32>
      %reduce_max3A_1845 = vector.extract %reduce_max3A_1844[15] : i32 from vector<16xi32>
      %gt3A_1846 = arith.constant 560 : i32
      %gt3A_1847 = arith.cmpi sgt, %reduce_max3A_1845, %gt3A_1846 : i32
      %convert_element_type3A_1848 = arith.extui %gt3A_1847 : i1 to i32
      %cond3A_1849 = arith.constant 0 : i32
      %cond3A_1850 = arith.cmpi ne, %convert_element_type3A_1848, %cond3A_1849 : i32
      %cond3A_1851 = scf.if %cond3A_1850 -> (vector<16xi32>) {
        %iota3A_1852 = tpu.iota {dimensions = array<i32: 0>} : vector<16xi32>
        %add3A_1853 = arith.constant 15 : i32
        %add3A_1854 = arith.addi %reduce_max3A_1845, %add3A_1853 : i32
        %jit3A_1855 = arith.constant 16 : i32
        %div3A_1856 = arith.divsi %add3A_1854, %jit3A_1855 : i32
        %sign3A_1857 = arith.constant 0 : i32
        %sign3A_1858 = arith.cmpi sgt, %add3A_1854, %sign3A_1857 : i32
        %sign3A_1859 = arith.extui %sign3A_1858 : i1 to i32
        %sign3A_1860 = arith.constant 0 : i32
        %sign3A_1861 = arith.cmpi slt, %add3A_1854, %sign3A_1860 : i32
        %sign3A_1862 = arith.extui %sign3A_1861 : i1 to i32
        %sign3A_1863 = arith.subi %sign3A_1859, %sign3A_1862 : i32
        %sign3A_1864 = arith.constant 0 : i32
        %sign3A_1865 = arith.cmpi sgt, %jit3A_1855, %sign3A_1864 : i32
        %sign3A_1866 = arith.extui %sign3A_1865 : i1 to i32
        %sign3A_1867 = arith.constant 0 : i32
        %sign3A_1868 = arith.cmpi slt, %jit3A_1855, %sign3A_1867 : i32
        %sign3A_1869 = arith.extui %sign3A_1868 : i1 to i32
        %sign3A_1870 = arith.subi %sign3A_1866, %sign3A_1869 : i32
        %ne3A_1871 = arith.cmpi ne, %sign3A_1863, %sign3A_1870 : i32
        %rem3A_1872 = arith.remsi %add3A_1854, %jit3A_1855 : i32
        %ne3A_1873 = arith.constant 0 : i32
        %ne3A_1874 = arith.cmpi ne, %rem3A_1872, %ne3A_1873 : i32
        %and3A_1875 = arith.andi %ne3A_1871, %ne3A_1874 : i1
        %sub3A_1876 = arith.constant 1 : i32
        %sub3A_1877 = arith.subi %div3A_1856, %sub3A_1876 : i32
        %select_n3A_1878 = arith.select %and3A_1875, %sub3A_1877, %div3A_1856 : i32
        %while3A_1879 = arith.constant 0 : i32
        %while3A_1880 = arith.constant 0 : i32
        %while3A_1881 = arith.subi %select_n3A_1878, %while3A_1879 : i32
        %while3A_1882 = arith.addi %while3A_1879, %while3A_1881 : i32
        %while3A_1883 = arith.constant 1 : i32
        %while3A_1884 = arith.divsi %while3A_1881, %while3A_1883 : i32
        %while3A_1885 = arith.muli %while3A_1884, %while3A_1883 : i32
        %while3A_1886 = arith.addi %while3A_1879, %while3A_1885 : i32
        %while3A_1887 = arith.constant 1 : i32
        %while3A_1888 = scf.for %while3A_2054 = %while3A_1879 to %while3A_1886 step %while3A_1887 iter_args(%while3A_2055 = %while3A_1880) -> (i32)  : i32 {
          %mul3A_2056 = arith.constant 16 : i32
          %mul3A_2057 = arith.muli %while3A_2054, %mul3A_2056 : i32
          %get3A_2058 = arith.index_cast %mul3A_2057 : i32 to index
          %get3A_2059 = tpu.vector_load %arg16[%get3A_2058] {strides = array<i32>} : memref<2576xi32, #tpu.memory_space<vmem>>, vector<16xi32>,
          %get3A_2060 = arith.index_cast %mul3A_2057 : i32 to index
          %get3A_2061 = tpu.vector_load %arg15[%get3A_2060] {strides = array<i32>} : memref<2576xf32, #tpu.memory_space<vmem>>, vector<16xf32>,
          %jit3A_2062 = arith.constant 0 : i32
          %jit3A_2063 = arith.constant 499999 : i32
          %max3A = vector.broadcast %jit3A_2062 : i32 to vector<16xi32>
          %max3A_2064 = arith.maxsi %max3A, %get3A_2059 : vector<16xi32>
          %min3A = vector.broadcast %jit3A_2063 : i32 to vector<16xi32>
          %min3A_2065 = arith.minsi %min3A, %max3A_2064 : vector<16xi32>
          %dma_start3A_2066 = arith.constant 0 : i32
          %dma_start3A_2067 = tpu.memref_slice %arg6[%dma_start3A_2066] : memref<500000xf32, #tpu.memory_space<hbm>> -> memref<500000xf32, #tpu.memory_space<hbm>>
          tpu.enqueue_indirect_dma source(%dma_start3A_2067 : memref<500000xf32, #tpu.memory_space<hbm>>) target(%arg25 : memref<16xf32, #tpu.memory_space<vmem>>) offsets(%min3A_2065 : vector<16xi32>) semaphore(%arg27 : memref<!tpu.dma_semaphore, #tpu.memory_space<semaphore_mem>>)
          %dma_wait3A_2068 = arith.constant 0 : i32
          %dma_wait3A_2069 = tpu.memref_slice %arg6[%dma_wait3A_2068] : memref<500000xf32, #tpu.memory_space<hbm>> -> memref<500000xf32, #tpu.memory_space<hbm>>
          tpu.wait_indirect_dma semaphore(%arg27 : memref<!tpu.dma_semaphore, #tpu.memory_space<semaphore_mem>>) src(%dma_wait3A_2069 : memref<500000xf32, #tpu.memory_space<hbm>>) dst(%arg25 : memref<16xf32, #tpu.memory_space<vmem>>)
          %get3A_2070 = arith.constant 0 : index
          %get3A_2071 = tpu.vector_load %arg25[%get3A_2070] {strides = array<i32>} : memref<16xf32, #tpu.memory_space<vmem>>, vector<16xf32>,
          %lt3A_2072 = arith.constant 0 : i32
          %lt3A_2073 = vector.broadcast %lt3A_2072 : i32 to vector<16xi32>
          %lt3A_2074 = arith.cmpi slt, %get3A_2059, %lt3A_2073 : vector<16xi32>
          %mul3A_2075 = arith.mulf %get3A_2071, %get3A_2061 : vector<16xf32>
          %mul3A_2076 = arith.constant 1.667000e-01 : f32
          %mul3A_2077 = vector.broadcast %mul3A_2076 : f32 to vector<16xf32>
          %mul3A_2078 = arith.mulf %mul3A_2075, %mul3A_2077 : vector<16xf32>
          %select_n3A_2079 = arith.select %lt3A_2074, %get3A_2061, %mul3A_2078 : vector<16xi1>, vector<16xf32>
          %gt3A_2080 = arith.constant 8.335000e-02 : f32
          %gt3A_2081 = vector.broadcast %gt3A_2080 : f32 to vector<16xf32>
          %gt3A_2082 = arith.cmpf ogt, %select_n3A_2079, %gt3A_2081 : vector<16xf32>
          %jit3A_2083 = arith.constant -1.000000e+30 : f32
          %broadcast_in_dim3A_2084 = vector.broadcast %jit3A_2083 : f32 to vector<16xf32>
          %select_n3A_2085 = arith.select %gt3A_2082, %select_n3A_2079, %broadcast_in_dim3A_2084 : vector<16xi1>, vector<16xf32>
          %add3A_2086 = vector.broadcast %mul3A_2057 : i32 to vector<16xi32>
          %add3A_2087 = arith.addi %add3A_2086, %iota3A_1852 : vector<16xi32>
          %lt3A_2088 = vector.broadcast %reduce_max3A_1845 : i32 to vector<16xi32>
          %lt3A_2089 = arith.cmpi slt, %add3A_2087, %lt3A_2088 : vector<16xi32>
          %jit3A_2090 = arith.constant -1.000000e+30 : f32
          %broadcast_in_dim3A_2091 = vector.broadcast %jit3A_2090 : f32 to vector<16xf32>
          %select_n3A_2092 = arith.select %lt3A_2089, %select_n3A_2085, %broadcast_in_dim3A_2091 : vector<16xi1>, vector<16xf32>
          %swap3A_2093 = arith.index_cast %mul3A_2057 : i32 to index
          %swap3A_2094 = tpu.vector_load %arg15[%swap3A_2093] {strides = array<i32>} : memref<2576xf32, #tpu.memory_space<vmem>>, vector<16xf32>,
          tpu.vector_store %arg15[%swap3A_2093], %select_n3A_2092 {strides = array<i32>} : memref<2576xf32, #tpu.memory_space<vmem>>, vector<16xf32>,
          %while3A_2095 = arith.constant 0 : i32
          scf.yield %while3A_2095 : i32
        }
        %while3A_1889 = arith.constant 1 : i32
        %while3A_1890 = scf.for %while3A_2054 = %while3A_1886 to %while3A_1882 step %while3A_1889 iter_args(%while3A_2055 = %while3A_1888) -> (i32)  : i32 {
          %mul3A_2056 = arith.constant 16 : i32
          %mul3A_2057 = arith.muli %while3A_2054, %mul3A_2056 : i32
          %get3A_2058 = arith.index_cast %mul3A_2057 : i32 to index
          %get3A_2059 = tpu.vector_load %arg16[%get3A_2058] {strides = array<i32>} : memref<2576xi32, #tpu.memory_space<vmem>>, vector<16xi32>,
          %get3A_2060 = arith.index_cast %mul3A_2057 : i32 to index
          %get3A_2061 = tpu.vector_load %arg15[%get3A_2060] {strides = array<i32>} : memref<2576xf32, #tpu.memory_space<vmem>>, vector<16xf32>,
          %jit3A_2062 = arith.constant 0 : i32
          %jit3A_2063 = arith.constant 499999 : i32
          %max3A = vector.broadcast %jit3A_2062 : i32 to vector<16xi32>
          %max3A_2064 = arith.maxsi %max3A, %get3A_2059 : vector<16xi32>
          %min3A = vector.broadcast %jit3A_2063 : i32 to vector<16xi32>
          %min3A_2065 = arith.minsi %min3A, %max3A_2064 : vector<16xi32>
          %dma_start3A_2066 = arith.constant 0 : i32
          %dma_start3A_2067 = tpu.memref_slice %arg6[%dma_start3A_2066] : memref<500000xf32, #tpu.memory_space<hbm>> -> memref<500000xf32, #tpu.memory_space<hbm>>
          tpu.enqueue_indirect_dma source(%dma_start3A_2067 : memref<500000xf32, #tpu.memory_space<hbm>>) target(%arg25 : memref<16xf32, #tpu.memory_space<vmem>>) offsets(%min3A_2065 : vector<16xi32>) semaphore(%arg27 : memref<!tpu.dma_semaphore, #tpu.memory_space<semaphore_mem>>)
          %dma_wait3A_2068 = arith.constant 0 : i32
          %dma_wait3A_2069 = tpu.memref_slice %arg6[%dma_wait3A_2068] : memref<500000xf32, #tpu.memory_space<hbm>> -> memref<500000xf32, #tpu.memory_space<hbm>>
          tpu.wait_indirect_dma semaphore(%arg27 : memref<!tpu.dma_semaphore, #tpu.memory_space<semaphore_mem>>) src(%dma_wait3A_2069 : memref<500000xf32, #tpu.memory_space<hbm>>) dst(%arg25 : memref<16xf32, #tpu.memory_space<vmem>>)
          %get3A_2070 = arith.constant 0 : index
          %get3A_2071 = tpu.vector_load %arg25[%get3A_2070] {strides = array<i32>} : memref<16xf32, #tpu.memory_space<vmem>>, vector<16xf32>,
          %lt3A_2072 = arith.constant 0 : i32
          %lt3A_2073 = vector.broadcast %lt3A_2072 : i32 to vector<16xi32>
          %lt3A_2074 = arith.cmpi slt, %get3A_2059, %lt3A_2073 : vector<16xi32>
          %mul3A_2075 = arith.mulf %get3A_2071, %get3A_2061 : vector<16xf32>
          %mul3A_2076 = arith.constant 1.667000e-01 : f32
          %mul3A_2077 = vector.broadcast %mul3A_2076 : f32 to vector<16xf32>
          %mul3A_2078 = arith.mulf %mul3A_2075, %mul3A_2077 : vector<16xf32>
          %select_n3A_2079 = arith.select %lt3A_2074, %get3A_2061, %mul3A_2078 : vector<16xi1>, vector<16xf32>
          %gt3A_2080 = arith.constant 8.335000e-02 : f32
          %gt3A_2081 = vector.broadcast %gt3A_2080 : f32 to vector<16xf32>
          %gt3A_2082 = arith.cmpf ogt, %select_n3A_2079, %gt3A_2081 : vector<16xf32>
          %jit3A_2083 = arith.constant -1.000000e+30 : f32
          %broadcast_in_dim3A_2084 = vector.broadcast %jit3A_2083 : f32 to vector<16xf32>
          %select_n3A_2085 = arith.select %gt3A_2082, %select_n3A_2079, %broadcast_in_dim3A_2084 : vector<16xi1>, vector<16xf32>
          %add3A_2086 = vector.broadcast %mul3A_2057 : i32 to vector<16xi32>
          %add3A_2087 = arith.addi %add3A_2086, %iota3A_1852 : vector<16xi32>
          %lt3A_2088 = vector.broadcast %reduce_max3A_1845 : i32 to vector<16xi32>
          %lt3A_2089 = arith.cmpi slt, %add3A_2087, %lt3A_2088 : vector<16xi32>
          %jit3A_2090 = arith.constant -1.000000e+30 : f32
          %broadcast_in_dim3A_2091 = vector.broadcast %jit3A_2090 : f32 to vector<16xf32>
          %select_n3A_2092 = arith.select %lt3A_2089, %select_n3A_2085, %broadcast_in_dim3A_2091 : vector<16xi1>, vector<16xf32>
          %swap3A_2093 = arith.index_cast %mul3A_2057 : i32 to index
          %swap3A_2094 = tpu.vector_load %arg15[%swap3A_2093] {strides = array<i32>} : memref<2576xf32, #tpu.memory_space<vmem>>, vector<16xf32>,
          tpu.vector_store %arg15[%swap3A_2093], %select_n3A_2092 {strides = array<i32>} : memref<2576xf32, #tpu.memory_space<vmem>>, vector<16xf32>,
          %while3A_2095 = arith.constant 0 : i32
          scf.yield %while3A_2095 : i32
        }
        %scan3A_1891 = arith.constant 0 : i32
        %scan3A_1892 = arith.constant 0 : i32
        %scan3A_1893 = arith.constant 100 : i32
        %scan3A_1894 = arith.addi %scan3A_1892, %scan3A_1893 : i32
        %scan3A_1895 = arith.constant 1 : i32
        %scan3A_1896 = scf.for %scan3A_2054 = %scan3A_1892 to %scan3A_1894 step %scan3A_1895 iter_args(%scan3A_2055 = %scan3A_1891) -> (i32)  : i32 {
          %broadcast_in_dim3A_2056 = arith.constant -1.000000e+30 : f32
          %broadcast_in_dim3A_2057 = vector.broadcast %broadcast_in_dim3A_2056 : f32 to vector<16xf32>
          %while3A_2058 = arith.constant 0 : i32
          %while3A_2059 = arith.subi %select_n3A_1878, %while3A_2058 : i32
          %while3A_2060 = arith.addi %while3A_2058, %while3A_2059 : i32
          %while3A_2061 = arith.constant 1 : i32
          %while3A_2062 = arith.divsi %while3A_2059, %while3A_2061 : i32
          %while3A_2063 = arith.muli %while3A_2062, %while3A_2061 : i32
          %while3A_2064 = arith.addi %while3A_2058, %while3A_2063 : i32
          %while3A_2065 = arith.constant 1 : i32
          %while3A_2066 = scf.for %while3A_2114 = %while3A_2058 to %while3A_2064 step %while3A_2065 iter_args(%while3A_2115 = %broadcast_in_dim3A_2057) -> (vector<16xf32>)  : i32 {
            %mul3A_2116 = arith.constant 16 : i32
            %mul3A_2117 = arith.muli %while3A_2114, %mul3A_2116 : i32
            %get3A_2118 = arith.index_cast %mul3A_2117 : i32 to index
            %get3A_2119 = tpu.vector_load %arg15[%get3A_2118] {strides = array<i32>} : memref<2576xf32, #tpu.memory_space<vmem>>, vector<16xf32>,
            %max3A = arith.maximumf %while3A_2115, %get3A_2119 : vector<16xf32>
            scf.yield %max3A : vector<16xf32>
          }
          %while3A_2067 = arith.constant 1 : i32
          %while3A_2068 = scf.for %while3A_2114 = %while3A_2064 to %while3A_2060 step %while3A_2067 iter_args(%while3A_2115 = %while3A_2066) -> (vector<16xf32>)  : i32 {
            %mul3A_2116 = arith.constant 16 : i32
            %mul3A_2117 = arith.muli %while3A_2114, %mul3A_2116 : i32
            %get3A_2118 = arith.index_cast %mul3A_2117 : i32 to index
            %get3A_2119 = tpu.vector_load %arg15[%get3A_2118] {strides = array<i32>} : memref<2576xf32, #tpu.memory_space<vmem>>, vector<16xf32>,
            %max3A = arith.maximumf %while3A_2115, %get3A_2119 : vector<16xf32>
            scf.yield %max3A : vector<16xf32>
          }
          %reduce_max3A_2069 = arith.constant true
          %reduce_max3A_2070 = vector.broadcast %reduce_max3A_2069 : i1 to vector<16xi1>
          %reduce_max3A_2071 = tpu.scan <max>, %while3A_2068 masked %reduce_max3A_2070 : vector<16xf32>, vector<16xi1> -> vector<16xf32>
          %reduce_max3A_2072 = vector.extract %reduce_max3A_2071[15] : f32 from vector<16xf32>
          %broadcast_in_dim3A_2073 = arith.constant 2576 : i32
          %broadcast_in_dim3A_2074 = vector.broadcast %broadcast_in_dim3A_2073 : i32 to vector<16xi32>
          %while3A_2075 = arith.constant 0 : i32
          %while3A_2076 = arith.subi %select_n3A_1878, %while3A_2075 : i32
          %while3A_2077 = arith.addi %while3A_2075, %while3A_2076 : i32
          %while3A_2078 = arith.constant 1 : i32
          %while3A_2079 = arith.divsi %while3A_2076, %while3A_2078 : i32
          %while3A_2080 = arith.muli %while3A_2079, %while3A_2078 : i32
          %while3A_2081 = arith.addi %while3A_2075, %while3A_2080 : i32
          %while3A_2082 = arith.constant 1 : i32
          %while3A_2083 = scf.for %while3A_2114 = %while3A_2075 to %while3A_2081 step %while3A_2082 iter_args(%while3A_2115 = %broadcast_in_dim3A_2074) -> (vector<16xi32>)  : i32 {
            %mul3A_2116 = arith.constant 16 : i32
            %mul3A_2117 = arith.muli %while3A_2114, %mul3A_2116 : i32
            %get3A_2118 = arith.index_cast %mul3A_2117 : i32 to index
            %get3A_2119 = tpu.vector_load %arg15[%get3A_2118] {strides = array<i32>} : memref<2576xf32, #tpu.memory_space<vmem>>, vector<16xf32>,
            %eq3A_2120 = vector.broadcast %reduce_max3A_2072 : f32 to vector<16xf32>
            %eq3A_2121 = arith.cmpf oeq, %get3A_2119, %eq3A_2120 : vector<16xf32>
            %add3A_2122 = vector.broadcast %mul3A_2117 : i32 to vector<16xi32>
            %add3A_2123 = arith.addi %add3A_2122, %iota3A_1852 : vector<16xi32>
            %jit3A_2124 = arith.constant 2576 : i32
            %broadcast_in_dim3A_2125 = vector.broadcast %jit3A_2124 : i32 to vector<16xi32>
            %select_n3A_2126 = arith.select %eq3A_2121, %add3A_2123, %broadcast_in_dim3A_2125 : vector<16xi1>, vector<16xi32>
            %min3A_2127 = arith.minsi %while3A_2115, %select_n3A_2126 : vector<16xi32>
            scf.yield %min3A_2127 : vector<16xi32>
          }
          %while3A_2084 = arith.constant 1 : i32
          %while3A_2085 = scf.for %while3A_2114 = %while3A_2081 to %while3A_2077 step %while3A_2084 iter_args(%while3A_2115 = %while3A_2083) -> (vector<16xi32>)  : i32 {
            %mul3A_2116 = arith.constant 16 : i32
            %mul3A_2117 = arith.muli %while3A_2114, %mul3A_2116 : i32
            %get3A_2118 = arith.index_cast %mul3A_2117 : i32 to index
            %get3A_2119 = tpu.vector_load %arg15[%get3A_2118] {strides = array<i32>} : memref<2576xf32, #tpu.memory_space<vmem>>, vector<16xf32>,
            %eq3A_2120 = vector.broadcast %reduce_max3A_2072 : f32 to vector<16xf32>
            %eq3A_2121 = arith.cmpf oeq, %get3A_2119, %eq3A_2120 : vector<16xf32>
            %add3A_2122 = vector.broadcast %mul3A_2117 : i32 to vector<16xi32>
            %add3A_2123 = arith.addi %add3A_2122, %iota3A_1852 : vector<16xi32>
            %jit3A_2124 = arith.constant 2576 : i32
            %broadcast_in_dim3A_2125 = vector.broadcast %jit3A_2124 : i32 to vector<16xi32>
            %select_n3A_2126 = arith.select %eq3A_2121, %add3A_2123, %broadcast_in_dim3A_2125 : vector<16xi1>, vector<16xi32>
            %min3A_2127 = arith.minsi %while3A_2115, %select_n3A_2126 : vector<16xi32>
            scf.yield %min3A_2127 : vector<16xi32>
          }
          %reduce_min3A = arith.constant true
          %reduce_min3A_2086 = vector.broadcast %reduce_min3A : i1 to vector<16xi1>
          %reduce_min3A_2087 = arith.constant -2147483648 : i32
          %reduce_min3A_2088 = vector.broadcast %reduce_min3A_2087 : i32 to vector<16xi32>
          %reduce_min3A_2089 = arith.xori %while3A_2085, %reduce_min3A_2088 : vector<16xi32>
          %reduce_min3A_2090 = tpu.scan <min>, %reduce_min3A_2089 masked %reduce_min3A_2086 : vector<16xi32>, vector<16xi1> -> vector<16xi32>
          %reduce_min3A_2091 = arith.xori %reduce_min3A_2090, %reduce_min3A_2088 : vector<16xi32>
          %reduce_min3A_2092 = vector.extract %reduce_min3A_2091[15] : i32 from vector<16xi32>
          %min3A = arith.constant 2575 : i32
          %min3A_2093 = arith.minsi %reduce_min3A_2092, %min3A : i32
          %broadcast_in_dim3A_2094 = vector.broadcast %min3A_2093 : i32 to vector<16xi32>
          %gt3A_2095 = arith.constant 0.000000e+00 : f32
          %gt3A_2096 = arith.cmpf ogt, %reduce_max3A_2072, %gt3A_2095 : f32
          %gather3A = tpu.vector_load_idx %arg16[%broadcast_in_dim3A_2094] : memref<2576xi32, #tpu.memory_space<vmem>>[vector<16xi32>], vector<16xi32>,
          %jit3A_2097 = arith.constant 0 : i32
          %broadcast_in_dim3A_2098 = vector.broadcast %jit3A_2097 : i32 to vector<16xi32>
          %select_n3A_2099 = arith.select %gt3A_2096, %gather3A, %broadcast_in_dim3A_2098 : vector<16xi32>
          %gather3A_2100 = tpu.vector_load_idx %arg17[%broadcast_in_dim3A_2094] : memref<2576xi32, #tpu.memory_space<vmem>>[vector<16xi32>], vector<16xi32>,
          %jit3A_2101 = arith.constant 0 : i32
          %broadcast_in_dim3A_2102 = vector.broadcast %jit3A_2101 : i32 to vector<16xi32>
          %select_n3A_2103 = arith.select %gt3A_2096, %gather3A_2100, %broadcast_in_dim3A_2102 : vector<16xi32>
          %jit3A_2104 = arith.constant 0.000000e+00 : f32
          %select_n3A_2105 = arith.select %gt3A_2096, %reduce_max3A_2072, %jit3A_2104 : f32
          %broadcast_in_dim3A_2106 = vector.broadcast %select_n3A_2105 : f32 to vector<16xf32>
          %broadcast_in_dim3A_2107 = vector.broadcast %scan3A_2054 : i32 to vector<16xi32>
          %eq3A_2108 = arith.constant 0 : i32
          %eq3A_2109 = vector.broadcast %eq3A_2108 : i32 to vector<16xi32>
          %eq3A_2110 = arith.cmpi eq, %iota3A_1852, %eq3A_2109 : vector<16xi32>
          tpu.vector_store_idx %arg18[%broadcast_in_dim3A_2107], %broadcast_in_dim3A_2106 masked %eq3A_2110 : memref<112xf32, #tpu.memory_space<vmem>>[vector<16xi32>], vector<16xf32>, vector<16xi1>
          tpu.vector_store_idx %arg19[%broadcast_in_dim3A_2107], %select_n3A_2099 masked %eq3A_2110 : memref<112xi32, #tpu.memory_space<vmem>>[vector<16xi32>], vector<16xi32>, vector<16xi1>
          tpu.vector_store_idx %arg20[%broadcast_in_dim3A_2107], %select_n3A_2103 masked %eq3A_2110 : memref<112xi32, #tpu.memory_space<vmem>>[vector<16xi32>], vector<16xi32>, vector<16xi1>
          %broadcast_in_dim3A_2111 = arith.constant -1.000000e+30 : f32
          %broadcast_in_dim3A_2112 = vector.broadcast %broadcast_in_dim3A_2111 : f32 to vector<16xf32>
          tpu.vector_store_idx %arg15[%broadcast_in_dim3A_2094], %broadcast_in_dim3A_2112 masked %eq3A_2110 : memref<2576xf32, #tpu.memory_space<vmem>>[vector<16xi32>], vector<16xf32>, vector<16xi1>
          %scan3A_2113 = arith.constant 0 : i32
          scf.yield %scan3A_2113 : i32
        }
        %scan3A_1897 = arith.constant 100 : i32
        %get3A_1898 = arith.constant 0 : index
        %get3A_1899 = tpu.vector_load %arg18[%get3A_1898] {strides = array<i32>} : memref<112xf32, #tpu.memory_space<vmem>>, vector<16xf32>,
        %swap3A_1900 = arith.constant 0 : index
        %swap3A_1901 = tpu.vector_load %arg15[%swap3A_1900] {strides = array<i32>} : memref<2576xf32, #tpu.memory_space<vmem>>, vector<16xf32>,
        tpu.vector_store %arg15[%swap3A_1900], %get3A_1899 {strides = array<i32>} : memref<2576xf32, #tpu.memory_space<vmem>>, vector<16xf32>,
        %get3A_1902 = arith.constant 0 : index
        %get3A_1903 = tpu.vector_load %arg19[%get3A_1902] {strides = array<i32>} : memref<112xi32, #tpu.memory_space<vmem>>, vector<16xi32>,
        %lt3A_1904 = arith.constant 0 : i32
        %lt3A_1905 = vector.broadcast %lt3A_1904 : i32 to vector<16xi32>
        %lt3A_1906 = arith.cmpi slt, %get3A_1903, %lt3A_1905 : vector<16xi32>
        %neg3A_1907 = arith.constant 0 : i32
        %neg3A_1908 = vector.broadcast %neg3A_1907 : i32 to vector<16xi32>
        %neg3A_1909 = arith.subi %neg3A_1908, %get3A_1903 : vector<16xi32>
        %sub3A_1910 = arith.constant 1 : i32
        %sub3A_1911 = vector.broadcast %sub3A_1910 : i32 to vector<16xi32>
        %sub3A_1912 = arith.subi %neg3A_1909, %sub3A_1911 : vector<16xi32>
        %select_n3A_1913 = arith.select %lt3A_1906, %get3A_1903, %sub3A_1912 : vector<16xi1>, vector<16xi32>
        %swap3A_1914 = arith.constant 0 : index
        %swap3A_1915 = tpu.vector_load %arg16[%swap3A_1914] {strides = array<i32>} : memref<2576xi32, #tpu.memory_space<vmem>>, vector<16xi32>,
        tpu.vector_store %arg16[%swap3A_1914], %select_n3A_1913 {strides = array<i32>} : memref<2576xi32, #tpu.memory_space<vmem>>, vector<16xi32>,
        %get3A_1916 = arith.constant 0 : index
        %get3A_1917 = tpu.vector_load %arg20[%get3A_1916] {strides = array<i32>} : memref<112xi32, #tpu.memory_space<vmem>>, vector<16xi32>,
        %swap3A_1918 = arith.constant 0 : index
        %swap3A_1919 = tpu.vector_load %arg17[%swap3A_1918] {strides = array<i32>} : memref<2576xi32, #tpu.memory_space<vmem>>, vector<16xi32>,
        tpu.vector_store %arg17[%swap3A_1918], %get3A_1917 {strides = array<i32>} : memref<2576xi32, #tpu.memory_space<vmem>>, vector<16xi32>,
        %get3A_1920 = arith.constant 16 : index
        %get3A_1921 = tpu.vector_load %arg18[%get3A_1920] {strides = array<i32>} : memref<112xf32, #tpu.memory_space<vmem>>, vector<16xf32>,
        %swap3A_1922 = arith.constant 16 : index
        %swap3A_1923 = tpu.vector_load %arg15[%swap3A_1922] {strides = array<i32>} : memref<2576xf32, #tpu.memory_space<vmem>>, vector<16xf32>,
        tpu.vector_store %arg15[%swap3A_1922], %get3A_1921 {strides = array<i32>} : memref<2576xf32, #tpu.memory_space<vmem>>, vector<16xf32>,
        %get3A_1924 = arith.constant 16 : index
        %get3A_1925 = tpu.vector_load %arg19[%get3A_1924] {strides = array<i32>} : memref<112xi32, #tpu.memory_space<vmem>>, vector<16xi32>,
        %lt3A_1926 = arith.constant 0 : i32
        %lt3A_1927 = vector.broadcast %lt3A_1926 : i32 to vector<16xi32>
        %lt3A_1928 = arith.cmpi slt, %get3A_1925, %lt3A_1927 : vector<16xi32>
        %neg3A_1929 = arith.constant 0 : i32
        %neg3A_1930 = vector.broadcast %neg3A_1929 : i32 to vector<16xi32>
        %neg3A_1931 = arith.subi %neg3A_1930, %get3A_1925 : vector<16xi32>
        %sub3A_1932 = arith.constant 1 : i32
        %sub3A_1933 = vector.broadcast %sub3A_1932 : i32 to vector<16xi32>
        %sub3A_1934 = arith.subi %neg3A_1931, %sub3A_1933 : vector<16xi32>
        %select_n3A_1935 = arith.select %lt3A_1928, %get3A_1925, %sub3A_1934 : vector<16xi1>, vector<16xi32>
        %swap3A_1936 = arith.constant 16 : index
        %swap3A_1937 = tpu.vector_load %arg16[%swap3A_1936] {strides = array<i32>} : memref<2576xi32, #tpu.memory_space<vmem>>, vector<16xi32>,
        tpu.vector_store %arg16[%swap3A_1936], %select_n3A_1935 {strides = array<i32>} : memref<2576xi32, #tpu.memory_space<vmem>>, vector<16xi32>,
        %get3A_1938 = arith.constant 16 : index
        %get3A_1939 = tpu.vector_load %arg20[%get3A_1938] {strides = array<i32>} : memref<112xi32, #tpu.memory_space<vmem>>, vector<16xi32>,
        %swap3A_1940 = arith.constant 16 : index
        %swap3A_1941 = tpu.vector_load %arg17[%swap3A_1940] {strides = array<i32>} : memref<2576xi32, #tpu.memory_space<vmem>>, vector<16xi32>,
        tpu.vector_store %arg17[%swap3A_1940], %get3A_1939 {strides = array<i32>} : memref<2576xi32, #tpu.memory_space<vmem>>, vector<16xi32>,
        %get3A_1942 = arith.constant 32 : index
        %get3A_1943 = tpu.vector_load %arg18[%get3A_1942] {strides = array<i32>} : memref<112xf32, #tpu.memory_space<vmem>>, vector<16xf32>,
        %swap3A_1944 = arith.constant 32 : index
        %swap3A_1945 = tpu.vector_load %arg15[%swap3A_1944] {strides = array<i32>} : memref<2576xf32, #tpu.memory_space<vmem>>, vector<16xf32>,
        tpu.vector_store %arg15[%swap3A_1944], %get3A_1943 {strides = array<i32>} : memref<2576xf32, #tpu.memory_space<vmem>>, vector<16xf32>,
        %get3A_1946 = arith.constant 32 : index
        %get3A_1947 = tpu.vector_load %arg19[%get3A_1946] {strides = array<i32>} : memref<112xi32, #tpu.memory_space<vmem>>, vector<16xi32>,
        %lt3A_1948 = arith.constant 0 : i32
        %lt3A_1949 = vector.broadcast %lt3A_1948 : i32 to vector<16xi32>
        %lt3A_1950 = arith.cmpi slt, %get3A_1947, %lt3A_1949 : vector<16xi32>
        %neg3A_1951 = arith.constant 0 : i32
        %neg3A_1952 = vector.broadcast %neg3A_1951 : i32 to vector<16xi32>
        %neg3A_1953 = arith.subi %neg3A_1952, %get3A_1947 : vector<16xi32>
        %sub3A_1954 = arith.constant 1 : i32
        %sub3A_1955 = vector.broadcast %sub3A_1954 : i32 to vector<16xi32>
        %sub3A_1956 = arith.subi %neg3A_1953, %sub3A_1955 : vector<16xi32>
        %select_n3A_1957 = arith.select %lt3A_1950, %get3A_1947, %sub3A_1956 : vector<16xi1>, vector<16xi32>
        %swap3A_1958 = arith.constant 32 : index
        %swap3A_1959 = tpu.vector_load %arg16[%swap3A_1958] {strides = array<i32>} : memref<2576xi32, #tpu.memory_space<vmem>>, vector<16xi32>,
        tpu.vector_store %arg16[%swap3A_1958], %select_n3A_1957 {strides = array<i32>} : memref<2576xi32, #tpu.memory_space<vmem>>, vector<16xi32>,
        %get3A_1960 = arith.constant 32 : index
        %get3A_1961 = tpu.vector_load %arg20[%get3A_1960] {strides = array<i32>} : memref<112xi32, #tpu.memory_space<vmem>>, vector<16xi32>,
        %swap3A_1962 = arith.constant 32 : index
        %swap3A_1963 = tpu.vector_load %arg17[%swap3A_1962] {strides = array<i32>} : memref<2576xi32, #tpu.memory_space<vmem>>, vector<16xi32>,
        tpu.vector_store %arg17[%swap3A_1962], %get3A_1961 {strides = array<i32>} : memref<2576xi32, #tpu.memory_space<vmem>>, vector<16xi32>,
        %get3A_1964 = arith.constant 48 : index
        %get3A_1965 = tpu.vector_load %arg18[%get3A_1964] {strides = array<i32>} : memref<112xf32, #tpu.memory_space<vmem>>, vector<16xf32>,
        %swap3A_1966 = arith.constant 48 : index
        %swap3A_1967 = tpu.vector_load %arg15[%swap3A_1966] {strides = array<i32>} : memref<2576xf32, #tpu.memory_space<vmem>>, vector<16xf32>,
        tpu.vector_store %arg15[%swap3A_1966], %get3A_1965 {strides = array<i32>} : memref<2576xf32, #tpu.memory_space<vmem>>, vector<16xf32>,
        %get3A_1968 = arith.constant 48 : index
        %get3A_1969 = tpu.vector_load %arg19[%get3A_1968] {strides = array<i32>} : memref<112xi32, #tpu.memory_space<vmem>>, vector<16xi32>,
        %lt3A_1970 = arith.constant 0 : i32
        %lt3A_1971 = vector.broadcast %lt3A_1970 : i32 to vector<16xi32>
        %lt3A_1972 = arith.cmpi slt, %get3A_1969, %lt3A_1971 : vector<16xi32>
        %neg3A_1973 = arith.constant 0 : i32
        %neg3A_1974 = vector.broadcast %neg3A_1973 : i32 to vector<16xi32>
        %neg3A_1975 = arith.subi %neg3A_1974, %get3A_1969 : vector<16xi32>
        %sub3A_1976 = arith.constant 1 : i32
        %sub3A_1977 = vector.broadcast %sub3A_1976 : i32 to vector<16xi32>
        %sub3A_1978 = arith.subi %neg3A_1975, %sub3A_1977 : vector<16xi32>
        %select_n3A_1979 = arith.select %lt3A_1972, %get3A_1969, %sub3A_1978 : vector<16xi1>, vector<16xi32>
        %swap3A_1980 = arith.constant 48 : index
        %swap3A_1981 = tpu.vector_load %arg16[%swap3A_1980] {strides = array<i32>} : memref<2576xi32, #tpu.memory_space<vmem>>, vector<16xi32>,
        tpu.vector_store %arg16[%swap3A_1980], %select_n3A_1979 {strides = array<i32>} : memref<2576xi32, #tpu.memory_space<vmem>>, vector<16xi32>,
        %get3A_1982 = arith.constant 48 : index
        %get3A_1983 = tpu.vector_load %arg20[%get3A_1982] {strides = array<i32>} : memref<112xi32, #tpu.memory_space<vmem>>, vector<16xi32>,
        %swap3A_1984 = arith.constant 48 : index
        %swap3A_1985 = tpu.vector_load %arg17[%swap3A_1984] {strides = array<i32>} : memref<2576xi32, #tpu.memory_space<vmem>>, vector<16xi32>,
        tpu.vector_store %arg17[%swap3A_1984], %get3A_1983 {strides = array<i32>} : memref<2576xi32, #tpu.memory_space<vmem>>, vector<16xi32>,
        %get3A_1986 = arith.constant 64 : index
        %get3A_1987 = tpu.vector_load %arg18[%get3A_1986] {strides = array<i32>} : memref<112xf32, #tpu.memory_space<vmem>>, vector<16xf32>,
        %swap3A_1988 = arith.constant 64 : index
        %swap3A_1989 = tpu.vector_load %arg15[%swap3A_1988] {strides = array<i32>} : memref<2576xf32, #tpu.memory_space<vmem>>, vector<16xf32>,
        tpu.vector_store %arg15[%swap3A_1988], %get3A_1987 {strides = array<i32>} : memref<2576xf32, #tpu.memory_space<vmem>>, vector<16xf32>,
        %get3A_1990 = arith.constant 64 : index
        %get3A_1991 = tpu.vector_load %arg19[%get3A_1990] {strides = array<i32>} : memref<112xi32, #tpu.memory_space<vmem>>, vector<16xi32>,
        %lt3A_1992 = arith.constant 0 : i32
        %lt3A_1993 = vector.broadcast %lt3A_1992 : i32 to vector<16xi32>
        %lt3A_1994 = arith.cmpi slt, %get3A_1991, %lt3A_1993 : vector<16xi32>
        %neg3A_1995 = arith.constant 0 : i32
        %neg3A_1996 = vector.broadcast %neg3A_1995 : i32 to vector<16xi32>
        %neg3A_1997 = arith.subi %neg3A_1996, %get3A_1991 : vector<16xi32>
        %sub3A_1998 = arith.constant 1 : i32
        %sub3A_1999 = vector.broadcast %sub3A_1998 : i32 to vector<16xi32>
        %sub3A_2000 = arith.subi %neg3A_1997, %sub3A_1999 : vector<16xi32>
        %select_n3A_2001 = arith.select %lt3A_1994, %get3A_1991, %sub3A_2000 : vector<16xi1>, vector<16xi32>
        %swap3A_2002 = arith.constant 64 : index
        %swap3A_2003 = tpu.vector_load %arg16[%swap3A_2002] {strides = array<i32>} : memref<2576xi32, #tpu.memory_space<vmem>>, vector<16xi32>,
        tpu.vector_store %arg16[%swap3A_2002], %select_n3A_2001 {strides = array<i32>} : memref<2576xi32, #tpu.memory_space<vmem>>, vector<16xi32>,
        %get3A_2004 = arith.constant 64 : index
        %get3A_2005 = tpu.vector_load %arg20[%get3A_2004] {strides = array<i32>} : memref<112xi32, #tpu.memory_space<vmem>>, vector<16xi32>,
        %swap3A_2006 = arith.constant 64 : index
        %swap3A_2007 = tpu.vector_load %arg17[%swap3A_2006] {strides = array<i32>} : memref<2576xi32, #tpu.memory_space<vmem>>, vector<16xi32>,
        tpu.vector_store %arg17[%swap3A_2006], %get3A_2005 {strides = array<i32>} : memref<2576xi32, #tpu.memory_space<vmem>>, vector<16xi32>,
        %get3A_2008 = arith.constant 80 : index
        %get3A_2009 = tpu.vector_load %arg18[%get3A_2008] {strides = array<i32>} : memref<112xf32, #tpu.memory_space<vmem>>, vector<16xf32>,
        %swap3A_2010 = arith.constant 80 : index
        %swap3A_2011 = tpu.vector_load %arg15[%swap3A_2010] {strides = array<i32>} : memref<2576xf32, #tpu.memory_space<vmem>>, vector<16xf32>,
        tpu.vector_store %arg15[%swap3A_2010], %get3A_2009 {strides = array<i32>} : memref<2576xf32, #tpu.memory_space<vmem>>, vector<16xf32>,
        %get3A_2012 = arith.constant 80 : index
        %get3A_2013 = tpu.vector_load %arg19[%get3A_2012] {strides = array<i32>} : memref<112xi32, #tpu.memory_space<vmem>>, vector<16xi32>,
        %lt3A_2014 = arith.constant 0 : i32
        %lt3A_2015 = vector.broadcast %lt3A_2014 : i32 to vector<16xi32>
        %lt3A_2016 = arith.cmpi slt, %get3A_2013, %lt3A_2015 : vector<16xi32>
        %neg3A_2017 = arith.constant 0 : i32
        %neg3A_2018 = vector.broadcast %neg3A_2017 : i32 to vector<16xi32>
        %neg3A_2019 = arith.subi %neg3A_2018, %get3A_2013 : vector<16xi32>
        %sub3A_2020 = arith.constant 1 : i32
        %sub3A_2021 = vector.broadcast %sub3A_2020 : i32 to vector<16xi32>
        %sub3A_2022 = arith.subi %neg3A_2019, %sub3A_2021 : vector<16xi32>
        %select_n3A_2023 = arith.select %lt3A_2016, %get3A_2013, %sub3A_2022 : vector<16xi1>, vector<16xi32>
        %swap3A_2024 = arith.constant 80 : index
        %swap3A_2025 = tpu.vector_load %arg16[%swap3A_2024] {strides = array<i32>} : memref<2576xi32, #tpu.memory_space<vmem>>, vector<16xi32>,
        tpu.vector_store %arg16[%swap3A_2024], %select_n3A_2023 {strides = array<i32>} : memref<2576xi32, #tpu.memory_space<vmem>>, vector<16xi32>,
        %get3A_2026 = arith.constant 80 : index
        %get3A_2027 = tpu.vector_load %arg20[%get3A_2026] {strides = array<i32>} : memref<112xi32, #tpu.memory_space<vmem>>, vector<16xi32>,
        %swap3A_2028 = arith.constant 80 : index
        %swap3A_2029 = tpu.vector_load %arg17[%swap3A_2028] {strides = array<i32>} : memref<2576xi32, #tpu.memory_space<vmem>>, vector<16xi32>,
        tpu.vector_store %arg17[%swap3A_2028], %get3A_2027 {strides = array<i32>} : memref<2576xi32, #tpu.memory_space<vmem>>, vector<16xi32>,
        %get3A_2030 = arith.constant 96 : index
        %get3A_2031 = tpu.vector_load %arg18[%get3A_2030] {strides = array<i32>} : memref<112xf32, #tpu.memory_space<vmem>>, vector<16xf32>,
        %swap3A_2032 = arith.constant 96 : index
        %swap3A_2033 = tpu.vector_load %arg15[%swap3A_2032] {strides = array<i32>} : memref<2576xf32, #tpu.memory_space<vmem>>, vector<16xf32>,
        tpu.vector_store %arg15[%swap3A_2032], %get3A_2031 {strides = array<i32>} : memref<2576xf32, #tpu.memory_space<vmem>>, vector<16xf32>,
        %get3A_2034 = arith.constant 96 : index
        %get3A_2035 = tpu.vector_load %arg19[%get3A_2034] {strides = array<i32>} : memref<112xi32, #tpu.memory_space<vmem>>, vector<16xi32>,
        %lt3A_2036 = arith.constant 0 : i32
        %lt3A_2037 = vector.broadcast %lt3A_2036 : i32 to vector<16xi32>
        %lt3A_2038 = arith.cmpi slt, %get3A_2035, %lt3A_2037 : vector<16xi32>
        %neg3A_2039 = arith.constant 0 : i32
        %neg3A_2040 = vector.broadcast %neg3A_2039 : i32 to vector<16xi32>
        %neg3A_2041 = arith.subi %neg3A_2040, %get3A_2035 : vector<16xi32>
        %sub3A_2042 = arith.constant 1 : i32
        %sub3A_2043 = vector.broadcast %sub3A_2042 : i32 to vector<16xi32>
        %sub3A_2044 = arith.subi %neg3A_2041, %sub3A_2043 : vector<16xi32>
        %select_n3A_2045 = arith.select %lt3A_2038, %get3A_2035, %sub3A_2044 : vector<16xi1>, vector<16xi32>
        %swap3A_2046 = arith.constant 96 : index
        %swap3A_2047 = tpu.vector_load %arg16[%swap3A_2046] {strides = array<i32>} : memref<2576xi32, #tpu.memory_space<vmem>>, vector<16xi32>,
        tpu.vector_store %arg16[%swap3A_2046], %select_n3A_2045 {strides = array<i32>} : memref<2576xi32, #tpu.memory_space<vmem>>, vector<16xi32>,
        %get3A_2048 = arith.constant 96 : index
        %get3A_2049 = tpu.vector_load %arg20[%get3A_2048] {strides = array<i32>} : memref<112xi32, #tpu.memory_space<vmem>>, vector<16xi32>,
        %swap3A_2050 = arith.constant 96 : index
        %swap3A_2051 = tpu.vector_load %arg17[%swap3A_2050] {strides = array<i32>} : memref<2576xi32, #tpu.memory_space<vmem>>, vector<16xi32>,
        tpu.vector_store %arg17[%swap3A_2050], %get3A_2049 {strides = array<i32>} : memref<2576xi32, #tpu.memory_space<vmem>>, vector<16xi32>,
        %broadcast_in_dim3A_2052 = arith.constant 100 : i32
        %broadcast_in_dim3A_2053 = vector.broadcast %broadcast_in_dim3A_2052 : i32 to vector<16xi32>
        scf.yield %broadcast_in_dim3A_2053 : vector<16xi32>
      } else {
        scf.yield %parallel_loop3A_1837 : vector<16xi32>
      }
      scf.yield %cond3A_1851 : vector<16xi32>
    }
    %scan3A_101 = arith.constant 125 : i32
    %reduce_max3A = arith.constant true
    %reduce_max3A_102 = vector.broadcast %reduce_max3A : i1 to vector<16xi1>
    %reduce_max3A_103 = arith.constant -2147483648 : i32
    %reduce_max3A_104 = vector.broadcast %reduce_max3A_103 : i32 to vector<16xi32>
    %reduce_max3A_105 = arith.xori %scan3A_100, %reduce_max3A_104 : vector<16xi32>
    %reduce_max3A_106 = tpu.scan <max>, %reduce_max3A_105 masked %reduce_max3A_102 : vector<16xi32>, vector<16xi1> -> vector<16xi32>
    %reduce_max3A_107 = arith.xori %reduce_max3A_106, %reduce_max3A_104 : vector<16xi32>
    %reduce_max3A_108 = vector.extract %reduce_max3A_107[15] : i32 from vector<16xi32>
    %iota3A_109 = tpu.iota {dimensions = array<i32: 0>} : vector<16xi32>
    %add3A_110 = arith.constant 15 : i32
    %add3A_111 = arith.addi %reduce_max3A_108, %add3A_110 : i32
    %jit3A = arith.constant 16 : i32
    %div3A_112 = arith.divsi %add3A_111, %jit3A : i32
    %sign3A = arith.constant 0 : i32
    %sign3A_113 = arith.cmpi sgt, %add3A_111, %sign3A : i32
    %sign3A_114 = arith.extui %sign3A_113 : i1 to i32
    %sign3A_115 = arith.constant 0 : i32
    %sign3A_116 = arith.cmpi slt, %add3A_111, %sign3A_115 : i32
    %sign3A_117 = arith.extui %sign3A_116 : i1 to i32
    %sign3A_118 = arith.subi %sign3A_114, %sign3A_117 : i32
    %sign3A_119 = arith.constant 0 : i32
    %sign3A_120 = arith.cmpi sgt, %jit3A, %sign3A_119 : i32
    %sign3A_121 = arith.extui %sign3A_120 : i1 to i32
    %sign3A_122 = arith.constant 0 : i32
    %sign3A_123 = arith.cmpi slt, %jit3A, %sign3A_122 : i32
    %sign3A_124 = arith.extui %sign3A_123 : i1 to i32
    %sign3A_125 = arith.subi %sign3A_121, %sign3A_124 : i32
    %ne3A = arith.cmpi ne, %sign3A_118, %sign3A_125 : i32
    %rem3A = arith.remsi %add3A_111, %jit3A : i32
    %ne3A_126 = arith.constant 0 : i32
    %ne3A_127 = arith.cmpi ne, %rem3A, %ne3A_126 : i32
    %and3A = arith.andi %ne3A, %ne3A_127 : i1
    %sub3A = arith.constant 1 : i32
    %sub3A_128 = arith.subi %div3A_112, %sub3A : i32
    %select_n3A = arith.select %and3A, %sub3A_128, %div3A_112 : i32
    %while3A = arith.constant 0 : i32
    %while3A_129 = arith.constant 0 : i32
    %while3A_130 = arith.subi %select_n3A, %while3A : i32
    %while3A_131 = arith.addi %while3A, %while3A_130 : i32
    %while3A_132 = arith.constant 1 : i32
    %while3A_133 = arith.divsi %while3A_130, %while3A_132 : i32
    %while3A_134 = arith.muli %while3A_133, %while3A_132 : i32
    %while3A_135 = arith.addi %while3A, %while3A_134 : i32
    %while3A_136 = arith.constant 1 : i32
    %while3A_137 = scf.for %while3A_1773 = %while3A to %while3A_135 step %while3A_136 iter_args(%while3A_1774 = %while3A_129) -> (i32)  : i32 {
      %mul3A_1775 = arith.constant 16 : i32
      %mul3A_1776 = arith.muli %while3A_1773, %mul3A_1775 : i32
      %get3A_1777 = arith.index_cast %mul3A_1776 : i32 to index
      %get3A_1778 = tpu.vector_load %arg16[%get3A_1777] {strides = array<i32>} : memref<2576xi32, #tpu.memory_space<vmem>>, vector<16xi32>,
      %get3A_1779 = arith.index_cast %mul3A_1776 : i32 to index
      %get3A_1780 = tpu.vector_load %arg15[%get3A_1779] {strides = array<i32>} : memref<2576xf32, #tpu.memory_space<vmem>>, vector<16xf32>,
      %jit3A_1781 = arith.constant 0 : i32
      %jit3A_1782 = arith.constant 499999 : i32
      %max3A = vector.broadcast %jit3A_1781 : i32 to vector<16xi32>
      %max3A_1783 = arith.maxsi %max3A, %get3A_1778 : vector<16xi32>
      %min3A = vector.broadcast %jit3A_1782 : i32 to vector<16xi32>
      %min3A_1784 = arith.minsi %min3A, %max3A_1783 : vector<16xi32>
      %dma_start3A_1785 = arith.constant 0 : i32
      %dma_start3A_1786 = tpu.memref_slice %arg6[%dma_start3A_1785] : memref<500000xf32, #tpu.memory_space<hbm>> -> memref<500000xf32, #tpu.memory_space<hbm>>
      tpu.enqueue_indirect_dma source(%dma_start3A_1786 : memref<500000xf32, #tpu.memory_space<hbm>>) target(%arg25 : memref<16xf32, #tpu.memory_space<vmem>>) offsets(%min3A_1784 : vector<16xi32>) semaphore(%arg27 : memref<!tpu.dma_semaphore, #tpu.memory_space<semaphore_mem>>)
      %dma_wait3A = arith.constant 0 : i32
      %dma_wait3A_1787 = tpu.memref_slice %arg6[%dma_wait3A] : memref<500000xf32, #tpu.memory_space<hbm>> -> memref<500000xf32, #tpu.memory_space<hbm>>
      tpu.wait_indirect_dma semaphore(%arg27 : memref<!tpu.dma_semaphore, #tpu.memory_space<semaphore_mem>>) src(%dma_wait3A_1787 : memref<500000xf32, #tpu.memory_space<hbm>>) dst(%arg25 : memref<16xf32, #tpu.memory_space<vmem>>)
      %get3A_1788 = arith.constant 0 : index
      %get3A_1789 = tpu.vector_load %arg25[%get3A_1788] {strides = array<i32>} : memref<16xf32, #tpu.memory_space<vmem>>, vector<16xf32>,
      %lt3A_1790 = arith.constant 0 : i32
      %lt3A_1791 = vector.broadcast %lt3A_1790 : i32 to vector<16xi32>
      %lt3A_1792 = arith.cmpi slt, %get3A_1778, %lt3A_1791 : vector<16xi32>
      %mul3A_1793 = arith.mulf %get3A_1789, %get3A_1780 : vector<16xf32>
      %mul3A_1794 = arith.constant 1.667000e-01 : f32
      %mul3A_1795 = vector.broadcast %mul3A_1794 : f32 to vector<16xf32>
      %mul3A_1796 = arith.mulf %mul3A_1793, %mul3A_1795 : vector<16xf32>
      %select_n3A_1797 = arith.select %lt3A_1792, %get3A_1780, %mul3A_1796 : vector<16xi1>, vector<16xf32>
      %gt3A = arith.constant 8.335000e-02 : f32
      %gt3A_1798 = vector.broadcast %gt3A : f32 to vector<16xf32>
      %gt3A_1799 = arith.cmpf ogt, %select_n3A_1797, %gt3A_1798 : vector<16xf32>
      %jit3A_1800 = arith.constant -1.000000e+30 : f32
      %broadcast_in_dim3A_1801 = vector.broadcast %jit3A_1800 : f32 to vector<16xf32>
      %select_n3A_1802 = arith.select %gt3A_1799, %select_n3A_1797, %broadcast_in_dim3A_1801 : vector<16xi1>, vector<16xf32>
      %add3A_1803 = vector.broadcast %mul3A_1776 : i32 to vector<16xi32>
      %add3A_1804 = arith.addi %add3A_1803, %iota3A_109 : vector<16xi32>
      %lt3A_1805 = vector.broadcast %reduce_max3A_108 : i32 to vector<16xi32>
      %lt3A_1806 = arith.cmpi slt, %add3A_1804, %lt3A_1805 : vector<16xi32>
      %jit3A_1807 = arith.constant -1.000000e+30 : f32
      %broadcast_in_dim3A_1808 = vector.broadcast %jit3A_1807 : f32 to vector<16xf32>
      %select_n3A_1809 = arith.select %lt3A_1806, %select_n3A_1802, %broadcast_in_dim3A_1808 : vector<16xi1>, vector<16xf32>
      %swap3A_1810 = arith.index_cast %mul3A_1776 : i32 to index
      %swap3A_1811 = tpu.vector_load %arg15[%swap3A_1810] {strides = array<i32>} : memref<2576xf32, #tpu.memory_space<vmem>>, vector<16xf32>,
      tpu.vector_store %arg15[%swap3A_1810], %select_n3A_1809 {strides = array<i32>} : memref<2576xf32, #tpu.memory_space<vmem>>, vector<16xf32>,
      %while3A_1812 = arith.constant 0 : i32
      scf.yield %while3A_1812 : i32
    }
    %while3A_138 = arith.constant 1 : i32
    %while3A_139 = scf.for %while3A_1773 = %while3A_135 to %while3A_131 step %while3A_138 iter_args(%while3A_1774 = %while3A_137) -> (i32)  : i32 {
      %mul3A_1775 = arith.constant 16 : i32
      %mul3A_1776 = arith.muli %while3A_1773, %mul3A_1775 : i32
      %get3A_1777 = arith.index_cast %mul3A_1776 : i32 to index
      %get3A_1778 = tpu.vector_load %arg16[%get3A_1777] {strides = array<i32>} : memref<2576xi32, #tpu.memory_space<vmem>>, vector<16xi32>,
      %get3A_1779 = arith.index_cast %mul3A_1776 : i32 to index
      %get3A_1780 = tpu.vector_load %arg15[%get3A_1779] {strides = array<i32>} : memref<2576xf32, #tpu.memory_space<vmem>>, vector<16xf32>,
      %jit3A_1781 = arith.constant 0 : i32
      %jit3A_1782 = arith.constant 499999 : i32
      %max3A = vector.broadcast %jit3A_1781 : i32 to vector<16xi32>
      %max3A_1783 = arith.maxsi %max3A, %get3A_1778 : vector<16xi32>
      %min3A = vector.broadcast %jit3A_1782 : i32 to vector<16xi32>
      %min3A_1784 = arith.minsi %min3A, %max3A_1783 : vector<16xi32>
      %dma_start3A_1785 = arith.constant 0 : i32
      %dma_start3A_1786 = tpu.memref_slice %arg6[%dma_start3A_1785] : memref<500000xf32, #tpu.memory_space<hbm>> -> memref<500000xf32, #tpu.memory_space<hbm>>
      tpu.enqueue_indirect_dma source(%dma_start3A_1786 : memref<500000xf32, #tpu.memory_space<hbm>>) target(%arg25 : memref<16xf32, #tpu.memory_space<vmem>>) offsets(%min3A_1784 : vector<16xi32>) semaphore(%arg27 : memref<!tpu.dma_semaphore, #tpu.memory_space<semaphore_mem>>)
      %dma_wait3A = arith.constant 0 : i32
      %dma_wait3A_1787 = tpu.memref_slice %arg6[%dma_wait3A] : memref<500000xf32, #tpu.memory_space<hbm>> -> memref<500000xf32, #tpu.memory_space<hbm>>
      tpu.wait_indirect_dma semaphore(%arg27 : memref<!tpu.dma_semaphore, #tpu.memory_space<semaphore_mem>>) src(%dma_wait3A_1787 : memref<500000xf32, #tpu.memory_space<hbm>>) dst(%arg25 : memref<16xf32, #tpu.memory_space<vmem>>)
      %get3A_1788 = arith.constant 0 : index
      %get3A_1789 = tpu.vector_load %arg25[%get3A_1788] {strides = array<i32>} : memref<16xf32, #tpu.memory_space<vmem>>, vector<16xf32>,
      %lt3A_1790 = arith.constant 0 : i32
      %lt3A_1791 = vector.broadcast %lt3A_1790 : i32 to vector<16xi32>
      %lt3A_1792 = arith.cmpi slt, %get3A_1778, %lt3A_1791 : vector<16xi32>
      %mul3A_1793 = arith.mulf %get3A_1789, %get3A_1780 : vector<16xf32>
      %mul3A_1794 = arith.constant 1.667000e-01 : f32
      %mul3A_1795 = vector.broadcast %mul3A_1794 : f32 to vector<16xf32>
      %mul3A_1796 = arith.mulf %mul3A_1793, %mul3A_1795 : vector<16xf32>
      %select_n3A_1797 = arith.select %lt3A_1792, %get3A_1780, %mul3A_1796 : vector<16xi1>, vector<16xf32>
      %gt3A = arith.constant 8.335000e-02 : f32
      %gt3A_1798 = vector.broadcast %gt3A : f32 to vector<16xf32>
      %gt3A_1799 = arith.cmpf ogt, %select_n3A_1797, %gt3A_1798 : vector<16xf32>
      %jit3A_1800 = arith.constant -1.000000e+30 : f32
      %broadcast_in_dim3A_1801 = vector.broadcast %jit3A_1800 : f32 to vector<16xf32>
      %select_n3A_1802 = arith.select %gt3A_1799, %select_n3A_1797, %broadcast_in_dim3A_1801 : vector<16xi1>, vector<16xf32>
      %add3A_1803 = vector.broadcast %mul3A_1776 : i32 to vector<16xi32>
      %add3A_1804 = arith.addi %add3A_1803, %iota3A_109 : vector<16xi32>
      %lt3A_1805 = vector.broadcast %reduce_max3A_108 : i32 to vector<16xi32>
      %lt3A_1806 = arith.cmpi slt, %add3A_1804, %lt3A_1805 : vector<16xi32>
      %jit3A_1807 = arith.constant -1.000000e+30 : f32
      %broadcast_in_dim3A_1808 = vector.broadcast %jit3A_1807 : f32 to vector<16xf32>
      %select_n3A_1809 = arith.select %lt3A_1806, %select_n3A_1802, %broadcast_in_dim3A_1808 : vector<16xi1>, vector<16xf32>
      %swap3A_1810 = arith.index_cast %mul3A_1776 : i32 to index
      %swap3A_1811 = tpu.vector_load %arg15[%swap3A_1810] {strides = array<i32>} : memref<2576xf32, #tpu.memory_space<vmem>>, vector<16xf32>,
      tpu.vector_store %arg15[%swap3A_1810], %select_n3A_1809 {strides = array<i32>} : memref<2576xf32, #tpu.memory_space<vmem>>, vector<16xf32>,
      %while3A_1812 = arith.constant 0 : i32
      scf.yield %while3A_1812 : i32
    }
    %scan3A_140 = arith.constant 0 : i32
    %scan3A_141 = arith.constant 0 : i32
    %scan3A_142 = arith.constant 100 : i32
    %scan3A_143 = arith.addi %scan3A_141, %scan3A_142 : i32
    %scan3A_144 = arith.constant 1 : i32
    %scan3A_145 = scf.for %scan3A_1773 = %scan3A_141 to %scan3A_143 step %scan3A_144 iter_args(%scan3A_1774 = %scan3A_140) -> (i32)  : i32 {
      %broadcast_in_dim3A_1775 = arith.constant -1.000000e+30 : f32
      %broadcast_in_dim3A_1776 = vector.broadcast %broadcast_in_dim3A_1775 : f32 to vector<16xf32>
      %while3A_1777 = arith.constant 0 : i32
      %while3A_1778 = arith.subi %select_n3A, %while3A_1777 : i32
      %while3A_1779 = arith.addi %while3A_1777, %while3A_1778 : i32
      %while3A_1780 = arith.constant 1 : i32
      %while3A_1781 = arith.divsi %while3A_1778, %while3A_1780 : i32
      %while3A_1782 = arith.muli %while3A_1781, %while3A_1780 : i32
      %while3A_1783 = arith.addi %while3A_1777, %while3A_1782 : i32
      %while3A_1784 = arith.constant 1 : i32
      %while3A_1785 = scf.for %while3A_1832 = %while3A_1777 to %while3A_1783 step %while3A_1784 iter_args(%while3A_1833 = %broadcast_in_dim3A_1776) -> (vector<16xf32>)  : i32 {
        %mul3A_1834 = arith.constant 16 : i32
        %mul3A_1835 = arith.muli %while3A_1832, %mul3A_1834 : i32
        %get3A_1836 = arith.index_cast %mul3A_1835 : i32 to index
        %get3A_1837 = tpu.vector_load %arg15[%get3A_1836] {strides = array<i32>} : memref<2576xf32, #tpu.memory_space<vmem>>, vector<16xf32>,
        %max3A = arith.maximumf %while3A_1833, %get3A_1837 : vector<16xf32>
        scf.yield %max3A : vector<16xf32>
      }
      %while3A_1786 = arith.constant 1 : i32
      %while3A_1787 = scf.for %while3A_1832 = %while3A_1783 to %while3A_1779 step %while3A_1786 iter_args(%while3A_1833 = %while3A_1785) -> (vector<16xf32>)  : i32 {
        %mul3A_1834 = arith.constant 16 : i32
        %mul3A_1835 = arith.muli %while3A_1832, %mul3A_1834 : i32
        %get3A_1836 = arith.index_cast %mul3A_1835 : i32 to index
        %get3A_1837 = tpu.vector_load %arg15[%get3A_1836] {strides = array<i32>} : memref<2576xf32, #tpu.memory_space<vmem>>, vector<16xf32>,
        %max3A = arith.maximumf %while3A_1833, %get3A_1837 : vector<16xf32>
        scf.yield %max3A : vector<16xf32>
      }
      %reduce_max3A_1788 = arith.constant true
      %reduce_max3A_1789 = vector.broadcast %reduce_max3A_1788 : i1 to vector<16xi1>
      %reduce_max3A_1790 = tpu.scan <max>, %while3A_1787 masked %reduce_max3A_1789 : vector<16xf32>, vector<16xi1> -> vector<16xf32>
      %reduce_max3A_1791 = vector.extract %reduce_max3A_1790[15] : f32 from vector<16xf32>
      %broadcast_in_dim3A_1792 = arith.constant 2576 : i32
      %broadcast_in_dim3A_1793 = vector.broadcast %broadcast_in_dim3A_1792 : i32 to vector<16xi32>
      %while3A_1794 = arith.constant 0 : i32
      %while3A_1795 = arith.subi %select_n3A, %while3A_1794 : i32
      %while3A_1796 = arith.addi %while3A_1794, %while3A_1795 : i32
      %while3A_1797 = arith.constant 1 : i32
      %while3A_1798 = arith.divsi %while3A_1795, %while3A_1797 : i32
      %while3A_1799 = arith.muli %while3A_1798, %while3A_1797 : i32
      %while3A_1800 = arith.addi %while3A_1794, %while3A_1799 : i32
      %while3A_1801 = arith.constant 1 : i32
      %while3A_1802 = scf.for %while3A_1832 = %while3A_1794 to %while3A_1800 step %while3A_1801 iter_args(%while3A_1833 = %broadcast_in_dim3A_1793) -> (vector<16xi32>)  : i32 {
        %mul3A_1834 = arith.constant 16 : i32
        %mul3A_1835 = arith.muli %while3A_1832, %mul3A_1834 : i32
        %get3A_1836 = arith.index_cast %mul3A_1835 : i32 to index
        %get3A_1837 = tpu.vector_load %arg15[%get3A_1836] {strides = array<i32>} : memref<2576xf32, #tpu.memory_space<vmem>>, vector<16xf32>,
        %eq3A_1838 = vector.broadcast %reduce_max3A_1791 : f32 to vector<16xf32>
        %eq3A_1839 = arith.cmpf oeq, %get3A_1837, %eq3A_1838 : vector<16xf32>
        %add3A_1840 = vector.broadcast %mul3A_1835 : i32 to vector<16xi32>
        %add3A_1841 = arith.addi %add3A_1840, %iota3A_109 : vector<16xi32>
        %jit3A_1842 = arith.constant 2576 : i32
        %broadcast_in_dim3A_1843 = vector.broadcast %jit3A_1842 : i32 to vector<16xi32>
        %select_n3A_1844 = arith.select %eq3A_1839, %add3A_1841, %broadcast_in_dim3A_1843 : vector<16xi1>, vector<16xi32>
        %min3A_1845 = arith.minsi %while3A_1833, %select_n3A_1844 : vector<16xi32>
        scf.yield %min3A_1845 : vector<16xi32>
      }
      %while3A_1803 = arith.constant 1 : i32
      %while3A_1804 = scf.for %while3A_1832 = %while3A_1800 to %while3A_1796 step %while3A_1803 iter_args(%while3A_1833 = %while3A_1802) -> (vector<16xi32>)  : i32 {
        %mul3A_1834 = arith.constant 16 : i32
        %mul3A_1835 = arith.muli %while3A_1832, %mul3A_1834 : i32
        %get3A_1836 = arith.index_cast %mul3A_1835 : i32 to index
        %get3A_1837 = tpu.vector_load %arg15[%get3A_1836] {strides = array<i32>} : memref<2576xf32, #tpu.memory_space<vmem>>, vector<16xf32>,
        %eq3A_1838 = vector.broadcast %reduce_max3A_1791 : f32 to vector<16xf32>
        %eq3A_1839 = arith.cmpf oeq, %get3A_1837, %eq3A_1838 : vector<16xf32>
        %add3A_1840 = vector.broadcast %mul3A_1835 : i32 to vector<16xi32>
        %add3A_1841 = arith.addi %add3A_1840, %iota3A_109 : vector<16xi32>
        %jit3A_1842 = arith.constant 2576 : i32
        %broadcast_in_dim3A_1843 = vector.broadcast %jit3A_1842 : i32 to vector<16xi32>
        %select_n3A_1844 = arith.select %eq3A_1839, %add3A_1841, %broadcast_in_dim3A_1843 : vector<16xi1>, vector<16xi32>
        %min3A_1845 = arith.minsi %while3A_1833, %select_n3A_1844 : vector<16xi32>
        scf.yield %min3A_1845 : vector<16xi32>
      }
      %reduce_min3A = arith.constant true
      %reduce_min3A_1805 = vector.broadcast %reduce_min3A : i1 to vector<16xi1>
      %reduce_min3A_1806 = arith.constant -2147483648 : i32
      %reduce_min3A_1807 = vector.broadcast %reduce_min3A_1806 : i32 to vector<16xi32>
      %reduce_min3A_1808 = arith.xori %while3A_1804, %reduce_min3A_1807 : vector<16xi32>
      %reduce_min3A_1809 = tpu.scan <min>, %reduce_min3A_1808 masked %reduce_min3A_1805 : vector<16xi32>, vector<16xi1> -> vector<16xi32>
      %reduce_min3A_1810 = arith.xori %reduce_min3A_1809, %reduce_min3A_1807 : vector<16xi32>
      %reduce_min3A_1811 = vector.extract %reduce_min3A_1810[15] : i32 from vector<16xi32>
      %min3A = arith.constant 2575 : i32
      %min3A_1812 = arith.minsi %reduce_min3A_1811, %min3A : i32
      %broadcast_in_dim3A_1813 = vector.broadcast %min3A_1812 : i32 to vector<16xi32>
      %gt3A = arith.constant 0.000000e+00 : f32
      %gt3A_1814 = arith.cmpf ogt, %reduce_max3A_1791, %gt3A : f32
      %gather3A = tpu.vector_load_idx %arg16[%broadcast_in_dim3A_1813] : memref<2576xi32, #tpu.memory_space<vmem>>[vector<16xi32>], vector<16xi32>,
      %jit3A_1815 = arith.constant 0 : i32
      %broadcast_in_dim3A_1816 = vector.broadcast %jit3A_1815 : i32 to vector<16xi32>
      %select_n3A_1817 = arith.select %gt3A_1814, %gather3A, %broadcast_in_dim3A_1816 : vector<16xi32>
      %gather3A_1818 = tpu.vector_load_idx %arg17[%broadcast_in_dim3A_1813] : memref<2576xi32, #tpu.memory_space<vmem>>[vector<16xi32>], vector<16xi32>,
      %jit3A_1819 = arith.constant 0 : i32
      %broadcast_in_dim3A_1820 = vector.broadcast %jit3A_1819 : i32 to vector<16xi32>
      %select_n3A_1821 = arith.select %gt3A_1814, %gather3A_1818, %broadcast_in_dim3A_1820 : vector<16xi32>
      %jit3A_1822 = arith.constant 0.000000e+00 : f32
      %select_n3A_1823 = arith.select %gt3A_1814, %reduce_max3A_1791, %jit3A_1822 : f32
      %broadcast_in_dim3A_1824 = vector.broadcast %select_n3A_1823 : f32 to vector<16xf32>
      %broadcast_in_dim3A_1825 = vector.broadcast %scan3A_1773 : i32 to vector<16xi32>
      %eq3A_1826 = arith.constant 0 : i32
      %eq3A_1827 = vector.broadcast %eq3A_1826 : i32 to vector<16xi32>
      %eq3A_1828 = arith.cmpi eq, %iota3A_109, %eq3A_1827 : vector<16xi32>
      tpu.vector_store_idx %arg18[%broadcast_in_dim3A_1825], %broadcast_in_dim3A_1824 masked %eq3A_1828 : memref<112xf32, #tpu.memory_space<vmem>>[vector<16xi32>], vector<16xf32>, vector<16xi1>
      tpu.vector_store_idx %arg19[%broadcast_in_dim3A_1825], %select_n3A_1817 masked %eq3A_1828 : memref<112xi32, #tpu.memory_space<vmem>>[vector<16xi32>], vector<16xi32>, vector<16xi1>
      tpu.vector_store_idx %arg20[%broadcast_in_dim3A_1825], %select_n3A_1821 masked %eq3A_1828 : memref<112xi32, #tpu.memory_space<vmem>>[vector<16xi32>], vector<16xi32>, vector<16xi1>
      %broadcast_in_dim3A_1829 = arith.constant -1.000000e+30 : f32
      %broadcast_in_dim3A_1830 = vector.broadcast %broadcast_in_dim3A_1829 : f32 to vector<16xf32>
      tpu.vector_store_idx %arg15[%broadcast_in_dim3A_1813], %broadcast_in_dim3A_1830 masked %eq3A_1828 : memref<2576xf32, #tpu.memory_space<vmem>>[vector<16xi32>], vector<16xf32>, vector<16xi1>
      %scan3A_1831 = arith.constant 0 : i32
      scf.yield %scan3A_1831 : i32
    }
    %scan3A_146 = arith.constant 100 : i32
    %get3A_147 = arith.constant 0 : index
    %get3A_148 = tpu.vector_load %arg18[%get3A_147] {strides = array<i32>} : memref<112xf32, #tpu.memory_space<vmem>>, vector<16xf32>,
    %get3A_149 = arith.constant 0 : index
    %get3A_150 = tpu.vector_load %arg22[%get3A_149] {strides = array<i32>} : memref<128xf32, #tpu.memory_space<vmem>>, vector<16xf32>,
    %mul3A_151 = arith.mulf %get3A_148, %get3A_150 : vector<16xf32>
    %swap3A_152 = arith.constant 0 : index
    %swap3A_153 = tpu.vector_load %arg18[%swap3A_152] {strides = array<i32>} : memref<112xf32, #tpu.memory_space<vmem>>, vector<16xf32>,
    tpu.vector_store %arg18[%swap3A_152], %mul3A_151 {strides = array<i32>} : memref<112xf32, #tpu.memory_space<vmem>>, vector<16xf32>,
    %get3A_154 = arith.constant 16 : index
    %get3A_155 = tpu.vector_load %arg18[%get3A_154] {strides = array<i32>} : memref<112xf32, #tpu.memory_space<vmem>>, vector<16xf32>,
    %get3A_156 = arith.constant 16 : index
    %get3A_157 = tpu.vector_load %arg22[%get3A_156] {strides = array<i32>} : memref<128xf32, #tpu.memory_space<vmem>>, vector<16xf32>,
    %mul3A_158 = arith.mulf %get3A_155, %get3A_157 : vector<16xf32>
    %swap3A_159 = arith.constant 16 : index
    %swap3A_160 = tpu.vector_load %arg18[%swap3A_159] {strides = array<i32>} : memref<112xf32, #tpu.memory_space<vmem>>, vector<16xf32>,
    tpu.vector_store %arg18[%swap3A_159], %mul3A_158 {strides = array<i32>} : memref<112xf32, #tpu.memory_space<vmem>>, vector<16xf32>,
    %get3A_161 = arith.constant 32 : index
    %get3A_162 = tpu.vector_load %arg18[%get3A_161] {strides = array<i32>} : memref<112xf32, #tpu.memory_space<vmem>>, vector<16xf32>,
    %get3A_163 = arith.constant 32 : index
    %get3A_164 = tpu.vector_load %arg22[%get3A_163] {strides = array<i32>} : memref<128xf32, #tpu.memory_space<vmem>>, vector<16xf32>,
    %mul3A_165 = arith.mulf %get3A_162, %get3A_164 : vector<16xf32>
    %swap3A_166 = arith.constant 32 : index
    %swap3A_167 = tpu.vector_load %arg18[%swap3A_166] {strides = array<i32>} : memref<112xf32, #tpu.memory_space<vmem>>, vector<16xf32>,
    tpu.vector_store %arg18[%swap3A_166], %mul3A_165 {strides = array<i32>} : memref<112xf32, #tpu.memory_space<vmem>>, vector<16xf32>,
    %get3A_168 = arith.constant 48 : index
    %get3A_169 = tpu.vector_load %arg18[%get3A_168] {strides = array<i32>} : memref<112xf32, #tpu.memory_space<vmem>>, vector<16xf32>,
    %get3A_170 = arith.constant 48 : index
    %get3A_171 = tpu.vector_load %arg22[%get3A_170] {strides = array<i32>} : memref<128xf32, #tpu.memory_space<vmem>>, vector<16xf32>,
    %mul3A_172 = arith.mulf %get3A_169, %get3A_171 : vector<16xf32>
    %swap3A_173 = arith.constant 48 : index
    %swap3A_174 = tpu.vector_load %arg18[%swap3A_173] {strides = array<i32>} : memref<112xf32, #tpu.memory_space<vmem>>, vector<16xf32>,
    tpu.vector_store %arg18[%swap3A_173], %mul3A_172 {strides = array<i32>} : memref<112xf32, #tpu.memory_space<vmem>>, vector<16xf32>,
    %get3A_175 = arith.constant 64 : index
    %get3A_176 = tpu.vector_load %arg18[%get3A_175] {strides = array<i32>} : memref<112xf32, #tpu.memory_space<vmem>>, vector<16xf32>,
    %get3A_177 = arith.constant 64 : index
    %get3A_178 = tpu.vector_load %arg22[%get3A_177] {strides = array<i32>} : memref<128xf32, #tpu.memory_space<vmem>>, vector<16xf32>,
    %mul3A_179 = arith.mulf %get3A_176, %get3A_178 : vector<16xf32>
    %swap3A_180 = arith.constant 64 : index
    %swap3A_181 = tpu.vector_load %arg18[%swap3A_180] {strides = array<i32>} : memref<112xf32, #tpu.memory_space<vmem>>, vector<16xf32>,
    tpu.vector_store %arg18[%swap3A_180], %mul3A_179 {strides = array<i32>} : memref<112xf32, #tpu.memory_space<vmem>>, vector<16xf32>,
    %get3A_182 = arith.constant 80 : index
    %get3A_183 = tpu.vector_load %arg18[%get3A_182] {strides = array<i32>} : memref<112xf32, #tpu.memory_space<vmem>>, vector<16xf32>,
    %get3A_184 = arith.constant 80 : index
    %get3A_185 = tpu.vector_load %arg22[%get3A_184] {strides = array<i32>} : memref<128xf32, #tpu.memory_space<vmem>>, vector<16xf32>,
    %mul3A_186 = arith.mulf %get3A_183, %get3A_185 : vector<16xf32>
    %swap3A_187 = arith.constant 80 : index
    %swap3A_188 = tpu.vector_load %arg18[%swap3A_187] {strides = array<i32>} : memref<112xf32, #tpu.memory_space<vmem>>, vector<16xf32>,
    tpu.vector_store %arg18[%swap3A_187], %mul3A_186 {strides = array<i32>} : memref<112xf32, #tpu.memory_space<vmem>>, vector<16xf32>,
    %get3A_189 = arith.constant 96 : index
    %get3A_190 = tpu.vector_load %arg18[%get3A_189] {strides = array<i32>} : memref<112xf32, #tpu.memory_space<vmem>>, vector<16xf32>,
    %get3A_191 = arith.constant 96 : index
    %get3A_192 = tpu.vector_load %arg22[%get3A_191] {strides = array<i32>} : memref<128xf32, #tpu.memory_space<vmem>>, vector<16xf32>,
    %mul3A_193 = arith.mulf %get3A_190, %get3A_192 : vector<16xf32>
    %swap3A_194 = arith.constant 96 : index
    %swap3A_195 = tpu.vector_load %arg18[%swap3A_194] {strides = array<i32>} : memref<112xf32, #tpu.memory_space<vmem>>, vector<16xf32>,
    tpu.vector_store %arg18[%swap3A_194], %mul3A_193 {strides = array<i32>} : memref<112xf32, #tpu.memory_space<vmem>>, vector<16xf32>,
    %add3A_196 = arith.constant 0 : i32
    %add3A_197 = vector.broadcast %add3A_196 : i32 to vector<16xi32>
    %add3A_198 = arith.addi %add3A_197, %iota3A : vector<16xi32>
    %get3A_199 = arith.constant 0 : index
    %get3A_200 = tpu.vector_load %arg20[%get3A_199] {strides = array<i32>} : memref<112xi32, #tpu.memory_space<vmem>>, vector<16xi32>,
    %lt3A = arith.constant 100 : i32
    %lt3A_201 = vector.broadcast %lt3A : i32 to vector<16xi32>
    %lt3A_202 = arith.cmpi slt, %add3A_198, %lt3A_201 : vector<16xi32>
    tpu.vector_store_idx %arg21[%add3A_198], %get3A_200 masked %lt3A_202 : memref<100xi32, #tpu.memory_space<vmem>>[vector<16xi32>], vector<16xi32>, vector<16xi1>
    %add3A_203 = arith.constant 16 : i32
    %add3A_204 = vector.broadcast %add3A_203 : i32 to vector<16xi32>
    %add3A_205 = arith.addi %add3A_204, %iota3A : vector<16xi32>
    %get3A_206 = arith.constant 16 : index
    %get3A_207 = tpu.vector_load %arg20[%get3A_206] {strides = array<i32>} : memref<112xi32, #tpu.memory_space<vmem>>, vector<16xi32>,
    %lt3A_208 = arith.constant 100 : i32
    %lt3A_209 = vector.broadcast %lt3A_208 : i32 to vector<16xi32>
    %lt3A_210 = arith.cmpi slt, %add3A_205, %lt3A_209 : vector<16xi32>
    tpu.vector_store_idx %arg21[%add3A_205], %get3A_207 masked %lt3A_210 : memref<100xi32, #tpu.memory_space<vmem>>[vector<16xi32>], vector<16xi32>, vector<16xi1>
    %add3A_211 = arith.constant 32 : i32
    %add3A_212 = vector.broadcast %add3A_211 : i32 to vector<16xi32>
    %add3A_213 = arith.addi %add3A_212, %iota3A : vector<16xi32>
    %get3A_214 = arith.constant 32 : index
    %get3A_215 = tpu.vector_load %arg20[%get3A_214] {strides = array<i32>} : memref<112xi32, #tpu.memory_space<vmem>>, vector<16xi32>,
    %lt3A_216 = arith.constant 100 : i32
    %lt3A_217 = vector.broadcast %lt3A_216 : i32 to vector<16xi32>
    %lt3A_218 = arith.cmpi slt, %add3A_213, %lt3A_217 : vector<16xi32>
    tpu.vector_store_idx %arg21[%add3A_213], %get3A_215 masked %lt3A_218 : memref<100xi32, #tpu.memory_space<vmem>>[vector<16xi32>], vector<16xi32>, vector<16xi1>
    %add3A_219 = arith.constant 48 : i32
    %add3A_220 = vector.broadcast %add3A_219 : i32 to vector<16xi32>
    %add3A_221 = arith.addi %add3A_220, %iota3A : vector<16xi32>
    %get3A_222 = arith.constant 48 : index
    %get3A_223 = tpu.vector_load %arg20[%get3A_222] {strides = array<i32>} : memref<112xi32, #tpu.memory_space<vmem>>, vector<16xi32>,
    %lt3A_224 = arith.constant 100 : i32
    %lt3A_225 = vector.broadcast %lt3A_224 : i32 to vector<16xi32>
    %lt3A_226 = arith.cmpi slt, %add3A_221, %lt3A_225 : vector<16xi32>
    tpu.vector_store_idx %arg21[%add3A_221], %get3A_223 masked %lt3A_226 : memref<100xi32, #tpu.memory_space<vmem>>[vector<16xi32>], vector<16xi32>, vector<16xi1>
    %add3A_227 = arith.constant 64 : i32
    %add3A_228 = vector.broadcast %add3A_227 : i32 to vector<16xi32>
    %add3A_229 = arith.addi %add3A_228, %iota3A : vector<16xi32>
    %get3A_230 = arith.constant 64 : index
    %get3A_231 = tpu.vector_load %arg20[%get3A_230] {strides = array<i32>} : memref<112xi32, #tpu.memory_space<vmem>>, vector<16xi32>,
    %lt3A_232 = arith.constant 100 : i32
    %lt3A_233 = vector.broadcast %lt3A_232 : i32 to vector<16xi32>
    %lt3A_234 = arith.cmpi slt, %add3A_229, %lt3A_233 : vector<16xi32>
    tpu.vector_store_idx %arg21[%add3A_229], %get3A_231 masked %lt3A_234 : memref<100xi32, #tpu.memory_space<vmem>>[vector<16xi32>], vector<16xi32>, vector<16xi1>
    %add3A_235 = arith.constant 80 : i32
    %add3A_236 = vector.broadcast %add3A_235 : i32 to vector<16xi32>
    %add3A_237 = arith.addi %add3A_236, %iota3A : vector<16xi32>
    %get3A_238 = arith.constant 80 : index
    %get3A_239 = tpu.vector_load %arg20[%get3A_238] {strides = array<i32>} : memref<112xi32, #tpu.memory_space<vmem>>, vector<16xi32>,
    %lt3A_240 = arith.constant 100 : i32
    %lt3A_241 = vector.broadcast %lt3A_240 : i32 to vector<16xi32>
    %lt3A_242 = arith.cmpi slt, %add3A_237, %lt3A_241 : vector<16xi32>
    tpu.vector_store_idx %arg21[%add3A_237], %get3A_239 masked %lt3A_242 : memref<100xi32, #tpu.memory_space<vmem>>[vector<16xi32>], vector<16xi32>, vector<16xi1>
    %add3A_243 = arith.constant 96 : i32
    %add3A_244 = vector.broadcast %add3A_243 : i32 to vector<16xi32>
    %add3A_245 = arith.addi %add3A_244, %iota3A : vector<16xi32>
    %get3A_246 = arith.constant 96 : index
    %get3A_247 = tpu.vector_load %arg20[%get3A_246] {strides = array<i32>} : memref<112xi32, #tpu.memory_space<vmem>>, vector<16xi32>,
    %lt3A_248 = arith.constant 100 : i32
    %lt3A_249 = vector.broadcast %lt3A_248 : i32 to vector<16xi32>
    %lt3A_250 = arith.cmpi slt, %add3A_245, %lt3A_249 : vector<16xi32>
    tpu.vector_store_idx %arg21[%add3A_245], %get3A_247 masked %lt3A_250 : memref<100xi32, #tpu.memory_space<vmem>>[vector<16xi32>], vector<16xi32>, vector<16xi1>
    %get3A_251 = arith.constant 0 : index
    %get3A_252 = tpu.vector_load %arg20[%get3A_251] {strides = array<i32>} : memref<112xi32, #tpu.memory_space<vmem>>, vector<16xi32>,
    %slice3A = vector.extract_strided_slice %get3A_252 {offsets = [0], sizes = [1], strides = [1]} : vector<16xi32> to vector<1xi32>
    %squeeze3A = vector.extract %slice3A[0] : i32 from vector<1xi32>
    %dma_start3A_253 = arith.constant 0 : i32
    %dma_start3A_254 = arith.constant 0 : i32
    %dma_start3A_255 = tpu.memref_slice %arg26[%dma_start3A_253, %dma_start3A_254] : memref<100x128xf32, #tpu.memory_space<vmem>> -> memref<1x128xf32, #tpu.memory_space<vmem>>
    %dma_start3A_256 = tpu.memref_squeeze %dma_start3A_255 : memref<1x128xf32, #tpu.memory_space<vmem>> -> memref<128xf32, #tpu.memory_space<vmem>>
    %dma_start3A_257 = arith.constant 0 : i32
    %dma_start3A_258 = tpu.memref_slice %arg7[%squeeze3A, %dma_start3A_257] : memref<100000x128xf32, #tpu.memory_space<hbm>> -> memref<1x128xf32, #tpu.memory_space<hbm>>
    %dma_start3A_259 = tpu.memref_squeeze %dma_start3A_258 : memref<1x128xf32, #tpu.memory_space<hbm>> -> memref<128xf32, #tpu.memory_space<hbm>>
    %dma_start3A_260 = arith.constant 0 : i32
    %dma_start3A_261 = tpu.memref_slice %arg26[%dma_start3A_253, %dma_start3A_260] : memref<100x128xf32, #tpu.memory_space<vmem>> -> memref<1x128xf32, #tpu.memory_space<vmem>>
    %dma_start3A_262 = tpu.memref_squeeze %dma_start3A_261 : memref<1x128xf32, #tpu.memory_space<vmem>> -> memref<128xf32, #tpu.memory_space<vmem>>
    %dma_start3A_263 = arith.constant 0 : i32
    %dma_start3A_264 = tpu.memref_slice %arg7[%squeeze3A, %dma_start3A_263] : memref<100000x128xf32, #tpu.memory_space<hbm>> -> memref<1x128xf32, #tpu.memory_space<hbm>>
    %dma_start3A_265 = tpu.memref_squeeze %dma_start3A_264 : memref<1x128xf32, #tpu.memory_space<hbm>> -> memref<128xf32, #tpu.memory_space<hbm>>
    tpu.enqueue_dma source(%dma_start3A_265 : memref<128xf32, #tpu.memory_space<hbm>>) target(%dma_start3A_262 : memref<128xf32, #tpu.memory_space<vmem>>) target_semaphore(%arg27 : memref<!tpu.dma_semaphore, #tpu.memory_space<semaphore_mem>>)
    %slice3A_266 = vector.extract_strided_slice %get3A_252 {offsets = [1], sizes = [1], strides = [1]} : vector<16xi32> to vector<1xi32>
    %squeeze3A_267 = vector.extract %slice3A_266[0] : i32 from vector<1xi32>
    %dma_start3A_268 = arith.constant 1 : i32
    %dma_start3A_269 = arith.constant 0 : i32
    %dma_start3A_270 = tpu.memref_slice %arg26[%dma_start3A_268, %dma_start3A_269] : memref<100x128xf32, #tpu.memory_space<vmem>> -> memref<1x128xf32, #tpu.memory_space<vmem>>
    %dma_start3A_271 = tpu.memref_squeeze %dma_start3A_270 : memref<1x128xf32, #tpu.memory_space<vmem>> -> memref<128xf32, #tpu.memory_space<vmem>>
    %dma_start3A_272 = arith.constant 0 : i32
    %dma_start3A_273 = tpu.memref_slice %arg7[%squeeze3A_267, %dma_start3A_272] : memref<100000x128xf32, #tpu.memory_space<hbm>> -> memref<1x128xf32, #tpu.memory_space<hbm>>
    %dma_start3A_274 = tpu.memref_squeeze %dma_start3A_273 : memref<1x128xf32, #tpu.memory_space<hbm>> -> memref<128xf32, #tpu.memory_space<hbm>>
    %dma_start3A_275 = arith.constant 0 : i32
    %dma_start3A_276 = tpu.memref_slice %arg26[%dma_start3A_268, %dma_start3A_275] : memref<100x128xf32, #tpu.memory_space<vmem>> -> memref<1x128xf32, #tpu.memory_space<vmem>>
    %dma_start3A_277 = tpu.memref_squeeze %dma_start3A_276 : memref<1x128xf32, #tpu.memory_space<vmem>> -> memref<128xf32, #tpu.memory_space<vmem>>
    %dma_start3A_278 = arith.constant 0 : i32
    %dma_start3A_279 = tpu.memref_slice %arg7[%squeeze3A_267, %dma_start3A_278] : memref<100000x128xf32, #tpu.memory_space<hbm>> -> memref<1x128xf32, #tpu.memory_space<hbm>>
    %dma_start3A_280 = tpu.memref_squeeze %dma_start3A_279 : memref<1x128xf32, #tpu.memory_space<hbm>> -> memref<128xf32, #tpu.memory_space<hbm>>
    tpu.enqueue_dma source(%dma_start3A_280 : memref<128xf32, #tpu.memory_space<hbm>>) target(%dma_start3A_277 : memref<128xf32, #tpu.memory_space<vmem>>) target_semaphore(%arg28 : memref<!tpu.dma_semaphore, #tpu.memory_space<semaphore_mem>>)
    %slice3A_281 = vector.extract_strided_slice %get3A_252 {offsets = [2], sizes = [1], strides = [1]} : vector<16xi32> to vector<1xi32>
    %squeeze3A_282 = vector.extract %slice3A_281[0] : i32 from vector<1xi32>
    %dma_start3A_283 = arith.constant 2 : i32
    %dma_start3A_284 = arith.constant 0 : i32
    %dma_start3A_285 = tpu.memref_slice %arg26[%dma_start3A_283, %dma_start3A_284] : memref<100x128xf32, #tpu.memory_space<vmem>> -> memref<1x128xf32, #tpu.memory_space<vmem>>
    %dma_start3A_286 = tpu.memref_squeeze %dma_start3A_285 : memref<1x128xf32, #tpu.memory_space<vmem>> -> memref<128xf32, #tpu.memory_space<vmem>>
    %dma_start3A_287 = arith.constant 0 : i32
    %dma_start3A_288 = tpu.memref_slice %arg7[%squeeze3A_282, %dma_start3A_287] : memref<100000x128xf32, #tpu.memory_space<hbm>> -> memref<1x128xf32, #tpu.memory_space<hbm>>
    %dma_start3A_289 = tpu.memref_squeeze %dma_start3A_288 : memref<1x128xf32, #tpu.memory_space<hbm>> -> memref<128xf32, #tpu.memory_space<hbm>>
    %dma_start3A_290 = arith.constant 0 : i32
    %dma_start3A_291 = tpu.memref_slice %arg26[%dma_start3A_283, %dma_start3A_290] : memref<100x128xf32, #tpu.memory_space<vmem>> -> memref<1x128xf32, #tpu.memory_space<vmem>>
    %dma_start3A_292 = tpu.memref_squeeze %dma_start3A_291 : memref<1x128xf32, #tpu.memory_space<vmem>> -> memref<128xf32, #tpu.memory_space<vmem>>
    %dma_start3A_293 = arith.constant 0 : i32
    %dma_start3A_294 = tpu.memref_slice %arg7[%squeeze3A_282, %dma_start3A_293] : memref<100000x128xf32, #tpu.memory_space<hbm>> -> memref<1x128xf32, #tpu.memory_space<hbm>>
    %dma_start3A_295 = tpu.memref_squeeze %dma_start3A_294 : memref<1x128xf32, #tpu.memory_space<hbm>> -> memref<128xf32, #tpu.memory_space<hbm>>
    tpu.enqueue_dma source(%dma_start3A_295 : memref<128xf32, #tpu.memory_space<hbm>>) target(%dma_start3A_292 : memref<128xf32, #tpu.memory_space<vmem>>) target_semaphore(%arg27 : memref<!tpu.dma_semaphore, #tpu.memory_space<semaphore_mem>>)
    %slice3A_296 = vector.extract_strided_slice %get3A_252 {offsets = [3], sizes = [1], strides = [1]} : vector<16xi32> to vector<1xi32>
    %squeeze3A_297 = vector.extract %slice3A_296[0] : i32 from vector<1xi32>
    %dma_start3A_298 = arith.constant 3 : i32
    %dma_start3A_299 = arith.constant 0 : i32
    %dma_start3A_300 = tpu.memref_slice %arg26[%dma_start3A_298, %dma_start3A_299] : memref<100x128xf32, #tpu.memory_space<vmem>> -> memref<1x128xf32, #tpu.memory_space<vmem>>
    %dma_start3A_301 = tpu.memref_squeeze %dma_start3A_300 : memref<1x128xf32, #tpu.memory_space<vmem>> -> memref<128xf32, #tpu.memory_space<vmem>>
    %dma_start3A_302 = arith.constant 0 : i32
    %dma_start3A_303 = tpu.memref_slice %arg7[%squeeze3A_297, %dma_start3A_302] : memref<100000x128xf32, #tpu.memory_space<hbm>> -> memref<1x128xf32, #tpu.memory_space<hbm>>
    %dma_start3A_304 = tpu.memref_squeeze %dma_start3A_303 : memref<1x128xf32, #tpu.memory_space<hbm>> -> memref<128xf32, #tpu.memory_space<hbm>>
    %dma_start3A_305 = arith.constant 0 : i32
    %dma_start3A_306 = tpu.memref_slice %arg26[%dma_start3A_298, %dma_start3A_305] : memref<100x128xf32, #tpu.memory_space<vmem>> -> memref<1x128xf32, #tpu.memory_space<vmem>>
    %dma_start3A_307 = tpu.memref_squeeze %dma_start3A_306 : memref<1x128xf32, #tpu.memory_space<vmem>> -> memref<128xf32, #tpu.memory_space<vmem>>
    %dma_start3A_308 = arith.constant 0 : i32
    %dma_start3A_309 = tpu.memref_slice %arg7[%squeeze3A_297, %dma_start3A_308] : memref<100000x128xf32, #tpu.memory_space<hbm>> -> memref<1x128xf32, #tpu.memory_space<hbm>>
    %dma_start3A_310 = tpu.memref_squeeze %dma_start3A_309 : memref<1x128xf32, #tpu.memory_space<hbm>> -> memref<128xf32, #tpu.memory_space<hbm>>
    tpu.enqueue_dma source(%dma_start3A_310 : memref<128xf32, #tpu.memory_space<hbm>>) target(%dma_start3A_307 : memref<128xf32, #tpu.memory_space<vmem>>) target_semaphore(%arg28 : memref<!tpu.dma_semaphore, #tpu.memory_space<semaphore_mem>>)
    %slice3A_311 = vector.extract_strided_slice %get3A_252 {offsets = [4], sizes = [1], strides = [1]} : vector<16xi32> to vector<1xi32>
    %squeeze3A_312 = vector.extract %slice3A_311[0] : i32 from vector<1xi32>
    %dma_start3A_313 = arith.constant 4 : i32
    %dma_start3A_314 = arith.constant 0 : i32
    %dma_start3A_315 = tpu.memref_slice %arg26[%dma_start3A_313, %dma_start3A_314] : memref<100x128xf32, #tpu.memory_space<vmem>> -> memref<1x128xf32, #tpu.memory_space<vmem>>
    %dma_start3A_316 = tpu.memref_squeeze %dma_start3A_315 : memref<1x128xf32, #tpu.memory_space<vmem>> -> memref<128xf32, #tpu.memory_space<vmem>>
    %dma_start3A_317 = arith.constant 0 : i32
    %dma_start3A_318 = tpu.memref_slice %arg7[%squeeze3A_312, %dma_start3A_317] : memref<100000x128xf32, #tpu.memory_space<hbm>> -> memref<1x128xf32, #tpu.memory_space<hbm>>
    %dma_start3A_319 = tpu.memref_squeeze %dma_start3A_318 : memref<1x128xf32, #tpu.memory_space<hbm>> -> memref<128xf32, #tpu.memory_space<hbm>>
    %dma_start3A_320 = arith.constant 0 : i32
    %dma_start3A_321 = tpu.memref_slice %arg26[%dma_start3A_313, %dma_start3A_320] : memref<100x128xf32, #tpu.memory_space<vmem>> -> memref<1x128xf32, #tpu.memory_space<vmem>>
    %dma_start3A_322 = tpu.memref_squeeze %dma_start3A_321 : memref<1x128xf32, #tpu.memory_space<vmem>> -> memref<128xf32, #tpu.memory_space<vmem>>
    %dma_start3A_323 = arith.constant 0 : i32
    %dma_start3A_324 = tpu.memref_slice %arg7[%squeeze3A_312, %dma_start3A_323] : memref<100000x128xf32, #tpu.memory_space<hbm>> -> memref<1x128xf32, #tpu.memory_space<hbm>>
    %dma_start3A_325 = tpu.memref_squeeze %dma_start3A_324 : memref<1x128xf32, #tpu.memory_space<hbm>> -> memref<128xf32, #tpu.memory_space<hbm>>
    tpu.enqueue_dma source(%dma_start3A_325 : memref<128xf32, #tpu.memory_space<hbm>>) target(%dma_start3A_322 : memref<128xf32, #tpu.memory_space<vmem>>) target_semaphore(%arg27 : memref<!tpu.dma_semaphore, #tpu.memory_space<semaphore_mem>>)
    %slice3A_326 = vector.extract_strided_slice %get3A_252 {offsets = [5], sizes = [1], strides = [1]} : vector<16xi32> to vector<1xi32>
    %squeeze3A_327 = vector.extract %slice3A_326[0] : i32 from vector<1xi32>
    %dma_start3A_328 = arith.constant 5 : i32
    %dma_start3A_329 = arith.constant 0 : i32
    %dma_start3A_330 = tpu.memref_slice %arg26[%dma_start3A_328, %dma_start3A_329] : memref<100x128xf32, #tpu.memory_space<vmem>> -> memref<1x128xf32, #tpu.memory_space<vmem>>
    %dma_start3A_331 = tpu.memref_squeeze %dma_start3A_330 : memref<1x128xf32, #tpu.memory_space<vmem>> -> memref<128xf32, #tpu.memory_space<vmem>>
    %dma_start3A_332 = arith.constant 0 : i32
    %dma_start3A_333 = tpu.memref_slice %arg7[%squeeze3A_327, %dma_start3A_332] : memref<100000x128xf32, #tpu.memory_space<hbm>> -> memref<1x128xf32, #tpu.memory_space<hbm>>
    %dma_start3A_334 = tpu.memref_squeeze %dma_start3A_333 : memref<1x128xf32, #tpu.memory_space<hbm>> -> memref<128xf32, #tpu.memory_space<hbm>>
    %dma_start3A_335 = arith.constant 0 : i32
    %dma_start3A_336 = tpu.memref_slice %arg26[%dma_start3A_328, %dma_start3A_335] : memref<100x128xf32, #tpu.memory_space<vmem>> -> memref<1x128xf32, #tpu.memory_space<vmem>>
    %dma_start3A_337 = tpu.memref_squeeze %dma_start3A_336 : memref<1x128xf32, #tpu.memory_space<vmem>> -> memref<128xf32, #tpu.memory_space<vmem>>
    %dma_start3A_338 = arith.constant 0 : i32
    %dma_start3A_339 = tpu.memref_slice %arg7[%squeeze3A_327, %dma_start3A_338] : memref<100000x128xf32, #tpu.memory_space<hbm>> -> memref<1x128xf32, #tpu.memory_space<hbm>>
    %dma_start3A_340 = tpu.memref_squeeze %dma_start3A_339 : memref<1x128xf32, #tpu.memory_space<hbm>> -> memref<128xf32, #tpu.memory_space<hbm>>
    tpu.enqueue_dma source(%dma_start3A_340 : memref<128xf32, #tpu.memory_space<hbm>>) target(%dma_start3A_337 : memref<128xf32, #tpu.memory_space<vmem>>) target_semaphore(%arg28 : memref<!tpu.dma_semaphore, #tpu.memory_space<semaphore_mem>>)
    %slice3A_341 = vector.extract_strided_slice %get3A_252 {offsets = [6], sizes = [1], strides = [1]} : vector<16xi32> to vector<1xi32>
    %squeeze3A_342 = vector.extract %slice3A_341[0] : i32 from vector<1xi32>
    %dma_start3A_343 = arith.constant 6 : i32
    %dma_start3A_344 = arith.constant 0 : i32
    %dma_start3A_345 = tpu.memref_slice %arg26[%dma_start3A_343, %dma_start3A_344] : memref<100x128xf32, #tpu.memory_space<vmem>> -> memref<1x128xf32, #tpu.memory_space<vmem>>
    %dma_start3A_346 = tpu.memref_squeeze %dma_start3A_345 : memref<1x128xf32, #tpu.memory_space<vmem>> -> memref<128xf32, #tpu.memory_space<vmem>>
    %dma_start3A_347 = arith.constant 0 : i32
    %dma_start3A_348 = tpu.memref_slice %arg7[%squeeze3A_342, %dma_start3A_347] : memref<100000x128xf32, #tpu.memory_space<hbm>> -> memref<1x128xf32, #tpu.memory_space<hbm>>
    %dma_start3A_349 = tpu.memref_squeeze %dma_start3A_348 : memref<1x128xf32, #tpu.memory_space<hbm>> -> memref<128xf32, #tpu.memory_space<hbm>>
    %dma_start3A_350 = arith.constant 0 : i32
    %dma_start3A_351 = tpu.memref_slice %arg26[%dma_start3A_343, %dma_start3A_350] : memref<100x128xf32, #tpu.memory_space<vmem>> -> memref<1x128xf32, #tpu.memory_space<vmem>>
    %dma_start3A_352 = tpu.memref_squeeze %dma_start3A_351 : memref<1x128xf32, #tpu.memory_space<vmem>> -> memref<128xf32, #tpu.memory_space<vmem>>
    %dma_start3A_353 = arith.constant 0 : i32
    %dma_start3A_354 = tpu.memref_slice %arg7[%squeeze3A_342, %dma_start3A_353] : memref<100000x128xf32, #tpu.memory_space<hbm>> -> memref<1x128xf32, #tpu.memory_space<hbm>>
    %dma_start3A_355 = tpu.memref_squeeze %dma_start3A_354 : memref<1x128xf32, #tpu.memory_space<hbm>> -> memref<128xf32, #tpu.memory_space<hbm>>
    tpu.enqueue_dma source(%dma_start3A_355 : memref<128xf32, #tpu.memory_space<hbm>>) target(%dma_start3A_352 : memref<128xf32, #tpu.memory_space<vmem>>) target_semaphore(%arg27 : memref<!tpu.dma_semaphore, #tpu.memory_space<semaphore_mem>>)
    %slice3A_356 = vector.extract_strided_slice %get3A_252 {offsets = [7], sizes = [1], strides = [1]} : vector<16xi32> to vector<1xi32>
    %squeeze3A_357 = vector.extract %slice3A_356[0] : i32 from vector<1xi32>
    %dma_start3A_358 = arith.constant 7 : i32
    %dma_start3A_359 = arith.constant 0 : i32
    %dma_start3A_360 = tpu.memref_slice %arg26[%dma_start3A_358, %dma_start3A_359] : memref<100x128xf32, #tpu.memory_space<vmem>> -> memref<1x128xf32, #tpu.memory_space<vmem>>
    %dma_start3A_361 = tpu.memref_squeeze %dma_start3A_360 : memref<1x128xf32, #tpu.memory_space<vmem>> -> memref<128xf32, #tpu.memory_space<vmem>>
    %dma_start3A_362 = arith.constant 0 : i32
    %dma_start3A_363 = tpu.memref_slice %arg7[%squeeze3A_357, %dma_start3A_362] : memref<100000x128xf32, #tpu.memory_space<hbm>> -> memref<1x128xf32, #tpu.memory_space<hbm>>
    %dma_start3A_364 = tpu.memref_squeeze %dma_start3A_363 : memref<1x128xf32, #tpu.memory_space<hbm>> -> memref<128xf32, #tpu.memory_space<hbm>>
    %dma_start3A_365 = arith.constant 0 : i32
    %dma_start3A_366 = tpu.memref_slice %arg26[%dma_start3A_358, %dma_start3A_365] : memref<100x128xf32, #tpu.memory_space<vmem>> -> memref<1x128xf32, #tpu.memory_space<vmem>>
    %dma_start3A_367 = tpu.memref_squeeze %dma_start3A_366 : memref<1x128xf32, #tpu.memory_space<vmem>> -> memref<128xf32, #tpu.memory_space<vmem>>
    %dma_start3A_368 = arith.constant 0 : i32
    %dma_start3A_369 = tpu.memref_slice %arg7[%squeeze3A_357, %dma_start3A_368] : memref<100000x128xf32, #tpu.memory_space<hbm>> -> memref<1x128xf32, #tpu.memory_space<hbm>>
    %dma_start3A_370 = tpu.memref_squeeze %dma_start3A_369 : memref<1x128xf32, #tpu.memory_space<hbm>> -> memref<128xf32, #tpu.memory_space<hbm>>
    tpu.enqueue_dma source(%dma_start3A_370 : memref<128xf32, #tpu.memory_space<hbm>>) target(%dma_start3A_367 : memref<128xf32, #tpu.memory_space<vmem>>) target_semaphore(%arg28 : memref<!tpu.dma_semaphore, #tpu.memory_space<semaphore_mem>>)
    %slice3A_371 = vector.extract_strided_slice %get3A_252 {offsets = [8], sizes = [1], strides = [1]} : vector<16xi32> to vector<1xi32>
    %squeeze3A_372 = vector.extract %slice3A_371[0] : i32 from vector<1xi32>
    %dma_start3A_373 = arith.constant 8 : i32
    %dma_start3A_374 = arith.constant 0 : i32
    %dma_start3A_375 = tpu.memref_slice %arg26[%dma_start3A_373, %dma_start3A_374] : memref<100x128xf32, #tpu.memory_space<vmem>> -> memref<1x128xf32, #tpu.memory_space<vmem>>
    %dma_start3A_376 = tpu.memref_squeeze %dma_start3A_375 : memref<1x128xf32, #tpu.memory_space<vmem>> -> memref<128xf32, #tpu.memory_space<vmem>>
    %dma_start3A_377 = arith.constant 0 : i32
    %dma_start3A_378 = tpu.memref_slice %arg7[%squeeze3A_372, %dma_start3A_377] : memref<100000x128xf32, #tpu.memory_space<hbm>> -> memref<1x128xf32, #tpu.memory_space<hbm>>
    %dma_start3A_379 = tpu.memref_squeeze %dma_start3A_378 : memref<1x128xf32, #tpu.memory_space<hbm>> -> memref<128xf32, #tpu.memory_space<hbm>>
    %dma_start3A_380 = arith.constant 0 : i32
    %dma_start3A_381 = tpu.memref_slice %arg26[%dma_start3A_373, %dma_start3A_380] : memref<100x128xf32, #tpu.memory_space<vmem>> -> memref<1x128xf32, #tpu.memory_space<vmem>>
    %dma_start3A_382 = tpu.memref_squeeze %dma_start3A_381 : memref<1x128xf32, #tpu.memory_space<vmem>> -> memref<128xf32, #tpu.memory_space<vmem>>
    %dma_start3A_383 = arith.constant 0 : i32
    %dma_start3A_384 = tpu.memref_slice %arg7[%squeeze3A_372, %dma_start3A_383] : memref<100000x128xf32, #tpu.memory_space<hbm>> -> memref<1x128xf32, #tpu.memory_space<hbm>>
    %dma_start3A_385 = tpu.memref_squeeze %dma_start3A_384 : memref<1x128xf32, #tpu.memory_space<hbm>> -> memref<128xf32, #tpu.memory_space<hbm>>
    tpu.enqueue_dma source(%dma_start3A_385 : memref<128xf32, #tpu.memory_space<hbm>>) target(%dma_start3A_382 : memref<128xf32, #tpu.memory_space<vmem>>) target_semaphore(%arg27 : memref<!tpu.dma_semaphore, #tpu.memory_space<semaphore_mem>>)
    %slice3A_386 = vector.extract_strided_slice %get3A_252 {offsets = [9], sizes = [1], strides = [1]} : vector<16xi32> to vector<1xi32>
    %squeeze3A_387 = vector.extract %slice3A_386[0] : i32 from vector<1xi32>
    %dma_start3A_388 = arith.constant 9 : i32
    %dma_start3A_389 = arith.constant 0 : i32
    %dma_start3A_390 = tpu.memref_slice %arg26[%dma_start3A_388, %dma_start3A_389] : memref<100x128xf32, #tpu.memory_space<vmem>> -> memref<1x128xf32, #tpu.memory_space<vmem>>
    %dma_start3A_391 = tpu.memref_squeeze %dma_start3A_390 : memref<1x128xf32, #tpu.memory_space<vmem>> -> memref<128xf32, #tpu.memory_space<vmem>>
    %dma_start3A_392 = arith.constant 0 : i32
    %dma_start3A_393 = tpu.memref_slice %arg7[%squeeze3A_387, %dma_start3A_392] : memref<100000x128xf32, #tpu.memory_space<hbm>> -> memref<1x128xf32, #tpu.memory_space<hbm>>
    %dma_start3A_394 = tpu.memref_squeeze %dma_start3A_393 : memref<1x128xf32, #tpu.memory_space<hbm>> -> memref<128xf32, #tpu.memory_space<hbm>>
    %dma_start3A_395 = arith.constant 0 : i32
    %dma_start3A_396 = tpu.memref_slice %arg26[%dma_start3A_388, %dma_start3A_395] : memref<100x128xf32, #tpu.memory_space<vmem>> -> memref<1x128xf32, #tpu.memory_space<vmem>>
    %dma_start3A_397 = tpu.memref_squeeze %dma_start3A_396 : memref<1x128xf32, #tpu.memory_space<vmem>> -> memref<128xf32, #tpu.memory_space<vmem>>
    %dma_start3A_398 = arith.constant 0 : i32
    %dma_start3A_399 = tpu.memref_slice %arg7[%squeeze3A_387, %dma_start3A_398] : memref<100000x128xf32, #tpu.memory_space<hbm>> -> memref<1x128xf32, #tpu.memory_space<hbm>>
    %dma_start3A_400 = tpu.memref_squeeze %dma_start3A_399 : memref<1x128xf32, #tpu.memory_space<hbm>> -> memref<128xf32, #tpu.memory_space<hbm>>
    tpu.enqueue_dma source(%dma_start3A_400 : memref<128xf32, #tpu.memory_space<hbm>>) target(%dma_start3A_397 : memref<128xf32, #tpu.memory_space<vmem>>) target_semaphore(%arg28 : memref<!tpu.dma_semaphore, #tpu.memory_space<semaphore_mem>>)
    %slice3A_401 = vector.extract_strided_slice %get3A_252 {offsets = [10], sizes = [1], strides = [1]} : vector<16xi32> to vector<1xi32>
    %squeeze3A_402 = vector.extract %slice3A_401[0] : i32 from vector<1xi32>
    %dma_start3A_403 = arith.constant 10 : i32
    %dma_start3A_404 = arith.constant 0 : i32
    %dma_start3A_405 = tpu.memref_slice %arg26[%dma_start3A_403, %dma_start3A_404] : memref<100x128xf32, #tpu.memory_space<vmem>> -> memref<1x128xf32, #tpu.memory_space<vmem>>
    %dma_start3A_406 = tpu.memref_squeeze %dma_start3A_405 : memref<1x128xf32, #tpu.memory_space<vmem>> -> memref<128xf32, #tpu.memory_space<vmem>>
    %dma_start3A_407 = arith.constant 0 : i32
    %dma_start3A_408 = tpu.memref_slice %arg7[%squeeze3A_402, %dma_start3A_407] : memref<100000x128xf32, #tpu.memory_space<hbm>> -> memref<1x128xf32, #tpu.memory_space<hbm>>
    %dma_start3A_409 = tpu.memref_squeeze %dma_start3A_408 : memref<1x128xf32, #tpu.memory_space<hbm>> -> memref<128xf32, #tpu.memory_space<hbm>>
    %dma_start3A_410 = arith.constant 0 : i32
    %dma_start3A_411 = tpu.memref_slice %arg26[%dma_start3A_403, %dma_start3A_410] : memref<100x128xf32, #tpu.memory_space<vmem>> -> memref<1x128xf32, #tpu.memory_space<vmem>>
    %dma_start3A_412 = tpu.memref_squeeze %dma_start3A_411 : memref<1x128xf32, #tpu.memory_space<vmem>> -> memref<128xf32, #tpu.memory_space<vmem>>
    %dma_start3A_413 = arith.constant 0 : i32
    %dma_start3A_414 = tpu.memref_slice %arg7[%squeeze3A_402, %dma_start3A_413] : memref<100000x128xf32, #tpu.memory_space<hbm>> -> memref<1x128xf32, #tpu.memory_space<hbm>>
    %dma_start3A_415 = tpu.memref_squeeze %dma_start3A_414 : memref<1x128xf32, #tpu.memory_space<hbm>> -> memref<128xf32, #tpu.memory_space<hbm>>
    tpu.enqueue_dma source(%dma_start3A_415 : memref<128xf32, #tpu.memory_space<hbm>>) target(%dma_start3A_412 : memref<128xf32, #tpu.memory_space<vmem>>) target_semaphore(%arg27 : memref<!tpu.dma_semaphore, #tpu.memory_space<semaphore_mem>>)
    %slice3A_416 = vector.extract_strided_slice %get3A_252 {offsets = [11], sizes = [1], strides = [1]} : vector<16xi32> to vector<1xi32>
    %squeeze3A_417 = vector.extract %slice3A_416[0] : i32 from vector<1xi32>
    %dma_start3A_418 = arith.constant 11 : i32
    %dma_start3A_419 = arith.constant 0 : i32
    %dma_start3A_420 = tpu.memref_slice %arg26[%dma_start3A_418, %dma_start3A_419] : memref<100x128xf32, #tpu.memory_space<vmem>> -> memref<1x128xf32, #tpu.memory_space<vmem>>
    %dma_start3A_421 = tpu.memref_squeeze %dma_start3A_420 : memref<1x128xf32, #tpu.memory_space<vmem>> -> memref<128xf32, #tpu.memory_space<vmem>>
    %dma_start3A_422 = arith.constant 0 : i32
    %dma_start3A_423 = tpu.memref_slice %arg7[%squeeze3A_417, %dma_start3A_422] : memref<100000x128xf32, #tpu.memory_space<hbm>> -> memref<1x128xf32, #tpu.memory_space<hbm>>
    %dma_start3A_424 = tpu.memref_squeeze %dma_start3A_423 : memref<1x128xf32, #tpu.memory_space<hbm>> -> memref<128xf32, #tpu.memory_space<hbm>>
    %dma_start3A_425 = arith.constant 0 : i32
    %dma_start3A_426 = tpu.memref_slice %arg26[%dma_start3A_418, %dma_start3A_425] : memref<100x128xf32, #tpu.memory_space<vmem>> -> memref<1x128xf32, #tpu.memory_space<vmem>>
    %dma_start3A_427 = tpu.memref_squeeze %dma_start3A_426 : memref<1x128xf32, #tpu.memory_space<vmem>> -> memref<128xf32, #tpu.memory_space<vmem>>
    %dma_start3A_428 = arith.constant 0 : i32
    %dma_start3A_429 = tpu.memref_slice %arg7[%squeeze3A_417, %dma_start3A_428] : memref<100000x128xf32, #tpu.memory_space<hbm>> -> memref<1x128xf32, #tpu.memory_space<hbm>>
    %dma_start3A_430 = tpu.memref_squeeze %dma_start3A_429 : memref<1x128xf32, #tpu.memory_space<hbm>> -> memref<128xf32, #tpu.memory_space<hbm>>
    tpu.enqueue_dma source(%dma_start3A_430 : memref<128xf32, #tpu.memory_space<hbm>>) target(%dma_start3A_427 : memref<128xf32, #tpu.memory_space<vmem>>) target_semaphore(%arg28 : memref<!tpu.dma_semaphore, #tpu.memory_space<semaphore_mem>>)
    %slice3A_431 = vector.extract_strided_slice %get3A_252 {offsets = [12], sizes = [1], strides = [1]} : vector<16xi32> to vector<1xi32>
    %squeeze3A_432 = vector.extract %slice3A_431[0] : i32 from vector<1xi32>
    %dma_start3A_433 = arith.constant 12 : i32
    %dma_start3A_434 = arith.constant 0 : i32
    %dma_start3A_435 = tpu.memref_slice %arg26[%dma_start3A_433, %dma_start3A_434] : memref<100x128xf32, #tpu.memory_space<vmem>> -> memref<1x128xf32, #tpu.memory_space<vmem>>
    %dma_start3A_436 = tpu.memref_squeeze %dma_start3A_435 : memref<1x128xf32, #tpu.memory_space<vmem>> -> memref<128xf32, #tpu.memory_space<vmem>>
    %dma_start3A_437 = arith.constant 0 : i32
    %dma_start3A_438 = tpu.memref_slice %arg7[%squeeze3A_432, %dma_start3A_437] : memref<100000x128xf32, #tpu.memory_space<hbm>> -> memref<1x128xf32, #tpu.memory_space<hbm>>
    %dma_start3A_439 = tpu.memref_squeeze %dma_start3A_438 : memref<1x128xf32, #tpu.memory_space<hbm>> -> memref<128xf32, #tpu.memory_space<hbm>>
    %dma_start3A_440 = arith.constant 0 : i32
    %dma_start3A_441 = tpu.memref_slice %arg26[%dma_start3A_433, %dma_start3A_440] : memref<100x128xf32, #tpu.memory_space<vmem>> -> memref<1x128xf32, #tpu.memory_space<vmem>>
    %dma_start3A_442 = tpu.memref_squeeze %dma_start3A_441 : memref<1x128xf32, #tpu.memory_space<vmem>> -> memref<128xf32, #tpu.memory_space<vmem>>
    %dma_start3A_443 = arith.constant 0 : i32
    %dma_start3A_444 = tpu.memref_slice %arg7[%squeeze3A_432, %dma_start3A_443] : memref<100000x128xf32, #tpu.memory_space<hbm>> -> memref<1x128xf32, #tpu.memory_space<hbm>>
    %dma_start3A_445 = tpu.memref_squeeze %dma_start3A_444 : memref<1x128xf32, #tpu.memory_space<hbm>> -> memref<128xf32, #tpu.memory_space<hbm>>
    tpu.enqueue_dma source(%dma_start3A_445 : memref<128xf32, #tpu.memory_space<hbm>>) target(%dma_start3A_442 : memref<128xf32, #tpu.memory_space<vmem>>) target_semaphore(%arg27 : memref<!tpu.dma_semaphore, #tpu.memory_space<semaphore_mem>>)
    %slice3A_446 = vector.extract_strided_slice %get3A_252 {offsets = [13], sizes = [1], strides = [1]} : vector<16xi32> to vector<1xi32>
    %squeeze3A_447 = vector.extract %slice3A_446[0] : i32 from vector<1xi32>
    %dma_start3A_448 = arith.constant 13 : i32
    %dma_start3A_449 = arith.constant 0 : i32
    %dma_start3A_450 = tpu.memref_slice %arg26[%dma_start3A_448, %dma_start3A_449] : memref<100x128xf32, #tpu.memory_space<vmem>> -> memref<1x128xf32, #tpu.memory_space<vmem>>
    %dma_start3A_451 = tpu.memref_squeeze %dma_start3A_450 : memref<1x128xf32, #tpu.memory_space<vmem>> -> memref<128xf32, #tpu.memory_space<vmem>>
    %dma_start3A_452 = arith.constant 0 : i32
    %dma_start3A_453 = tpu.memref_slice %arg7[%squeeze3A_447, %dma_start3A_452] : memref<100000x128xf32, #tpu.memory_space<hbm>> -> memref<1x128xf32, #tpu.memory_space<hbm>>
    %dma_start3A_454 = tpu.memref_squeeze %dma_start3A_453 : memref<1x128xf32, #tpu.memory_space<hbm>> -> memref<128xf32, #tpu.memory_space<hbm>>
    %dma_start3A_455 = arith.constant 0 : i32
    %dma_start3A_456 = tpu.memref_slice %arg26[%dma_start3A_448, %dma_start3A_455] : memref<100x128xf32, #tpu.memory_space<vmem>> -> memref<1x128xf32, #tpu.memory_space<vmem>>
    %dma_start3A_457 = tpu.memref_squeeze %dma_start3A_456 : memref<1x128xf32, #tpu.memory_space<vmem>> -> memref<128xf32, #tpu.memory_space<vmem>>
    %dma_start3A_458 = arith.constant 0 : i32
    %dma_start3A_459 = tpu.memref_slice %arg7[%squeeze3A_447, %dma_start3A_458] : memref<100000x128xf32, #tpu.memory_space<hbm>> -> memref<1x128xf32, #tpu.memory_space<hbm>>
    %dma_start3A_460 = tpu.memref_squeeze %dma_start3A_459 : memref<1x128xf32, #tpu.memory_space<hbm>> -> memref<128xf32, #tpu.memory_space<hbm>>
    tpu.enqueue_dma source(%dma_start3A_460 : memref<128xf32, #tpu.memory_space<hbm>>) target(%dma_start3A_457 : memref<128xf32, #tpu.memory_space<vmem>>) target_semaphore(%arg28 : memref<!tpu.dma_semaphore, #tpu.memory_space<semaphore_mem>>)
    %slice3A_461 = vector.extract_strided_slice %get3A_252 {offsets = [14], sizes = [1], strides = [1]} : vector<16xi32> to vector<1xi32>
    %squeeze3A_462 = vector.extract %slice3A_461[0] : i32 from vector<1xi32>
    %dma_start3A_463 = arith.constant 14 : i32
    %dma_start3A_464 = arith.constant 0 : i32
    %dma_start3A_465 = tpu.memref_slice %arg26[%dma_start3A_463, %dma_start3A_464] : memref<100x128xf32, #tpu.memory_space<vmem>> -> memref<1x128xf32, #tpu.memory_space<vmem>>
    %dma_start3A_466 = tpu.memref_squeeze %dma_start3A_465 : memref<1x128xf32, #tpu.memory_space<vmem>> -> memref<128xf32, #tpu.memory_space<vmem>>
    %dma_start3A_467 = arith.constant 0 : i32
    %dma_start3A_468 = tpu.memref_slice %arg7[%squeeze3A_462, %dma_start3A_467] : memref<100000x128xf32, #tpu.memory_space<hbm>> -> memref<1x128xf32, #tpu.memory_space<hbm>>
    %dma_start3A_469 = tpu.memref_squeeze %dma_start3A_468 : memref<1x128xf32, #tpu.memory_space<hbm>> -> memref<128xf32, #tpu.memory_space<hbm>>
    %dma_start3A_470 = arith.constant 0 : i32
    %dma_start3A_471 = tpu.memref_slice %arg26[%dma_start3A_463, %dma_start3A_470] : memref<100x128xf32, #tpu.memory_space<vmem>> -> memref<1x128xf32, #tpu.memory_space<vmem>>
    %dma_start3A_472 = tpu.memref_squeeze %dma_start3A_471 : memref<1x128xf32, #tpu.memory_space<vmem>> -> memref<128xf32, #tpu.memory_space<vmem>>
    %dma_start3A_473 = arith.constant 0 : i32
    %dma_start3A_474 = tpu.memref_slice %arg7[%squeeze3A_462, %dma_start3A_473] : memref<100000x128xf32, #tpu.memory_space<hbm>> -> memref<1x128xf32, #tpu.memory_space<hbm>>
    %dma_start3A_475 = tpu.memref_squeeze %dma_start3A_474 : memref<1x128xf32, #tpu.memory_space<hbm>> -> memref<128xf32, #tpu.memory_space<hbm>>
    tpu.enqueue_dma source(%dma_start3A_475 : memref<128xf32, #tpu.memory_space<hbm>>) target(%dma_start3A_472 : memref<128xf32, #tpu.memory_space<vmem>>) target_semaphore(%arg27 : memref<!tpu.dma_semaphore, #tpu.memory_space<semaphore_mem>>)
    %slice3A_476 = vector.extract_strided_slice %get3A_252 {offsets = [15], sizes = [1], strides = [1]} : vector<16xi32> to vector<1xi32>
    %squeeze3A_477 = vector.extract %slice3A_476[0] : i32 from vector<1xi32>
    %dma_start3A_478 = arith.constant 15 : i32
    %dma_start3A_479 = arith.constant 0 : i32
    %dma_start3A_480 = tpu.memref_slice %arg26[%dma_start3A_478, %dma_start3A_479] : memref<100x128xf32, #tpu.memory_space<vmem>> -> memref<1x128xf32, #tpu.memory_space<vmem>>
    %dma_start3A_481 = tpu.memref_squeeze %dma_start3A_480 : memref<1x128xf32, #tpu.memory_space<vmem>> -> memref<128xf32, #tpu.memory_space<vmem>>
    %dma_start3A_482 = arith.constant 0 : i32
    %dma_start3A_483 = tpu.memref_slice %arg7[%squeeze3A_477, %dma_start3A_482] : memref<100000x128xf32, #tpu.memory_space<hbm>> -> memref<1x128xf32, #tpu.memory_space<hbm>>
    %dma_start3A_484 = tpu.memref_squeeze %dma_start3A_483 : memref<1x128xf32, #tpu.memory_space<hbm>> -> memref<128xf32, #tpu.memory_space<hbm>>
    %dma_start3A_485 = arith.constant 0 : i32
    %dma_start3A_486 = tpu.memref_slice %arg26[%dma_start3A_478, %dma_start3A_485] : memref<100x128xf32, #tpu.memory_space<vmem>> -> memref<1x128xf32, #tpu.memory_space<vmem>>
    %dma_start3A_487 = tpu.memref_squeeze %dma_start3A_486 : memref<1x128xf32, #tpu.memory_space<vmem>> -> memref<128xf32, #tpu.memory_space<vmem>>
    %dma_start3A_488 = arith.constant 0 : i32
    %dma_start3A_489 = tpu.memref_slice %arg7[%squeeze3A_477, %dma_start3A_488] : memref<100000x128xf32, #tpu.memory_space<hbm>> -> memref<1x128xf32, #tpu.memory_space<hbm>>
    %dma_start3A_490 = tpu.memref_squeeze %dma_start3A_489 : memref<1x128xf32, #tpu.memory_space<hbm>> -> memref<128xf32, #tpu.memory_space<hbm>>
    tpu.enqueue_dma source(%dma_start3A_490 : memref<128xf32, #tpu.memory_space<hbm>>) target(%dma_start3A_487 : memref<128xf32, #tpu.memory_space<vmem>>) target_semaphore(%arg28 : memref<!tpu.dma_semaphore, #tpu.memory_space<semaphore_mem>>)
    %get3A_491 = arith.constant 16 : index
    %get3A_492 = tpu.vector_load %arg20[%get3A_491] {strides = array<i32>} : memref<112xi32, #tpu.memory_space<vmem>>, vector<16xi32>,
    %slice3A_493 = vector.extract_strided_slice %get3A_492 {offsets = [0], sizes = [1], strides = [1]} : vector<16xi32> to vector<1xi32>
    %squeeze3A_494 = vector.extract %slice3A_493[0] : i32 from vector<1xi32>
    %dma_start3A_495 = arith.constant 16 : i32
    %dma_start3A_496 = arith.constant 0 : i32
    %dma_start3A_497 = tpu.memref_slice %arg26[%dma_start3A_495, %dma_start3A_496] : memref<100x128xf32, #tpu.memory_space<vmem>> -> memref<1x128xf32, #tpu.memory_space<vmem>>
    %dma_start3A_498 = tpu.memref_squeeze %dma_start3A_497 : memref<1x128xf32, #tpu.memory_space<vmem>> -> memref<128xf32, #tpu.memory_space<vmem>>
    %dma_start3A_499 = arith.constant 0 : i32
    %dma_start3A_500 = tpu.memref_slice %arg7[%squeeze3A_494, %dma_start3A_499] : memref<100000x128xf32, #tpu.memory_space<hbm>> -> memref<1x128xf32, #tpu.memory_space<hbm>>
    %dma_start3A_501 = tpu.memref_squeeze %dma_start3A_500 : memref<1x128xf32, #tpu.memory_space<hbm>> -> memref<128xf32, #tpu.memory_space<hbm>>
    %dma_start3A_502 = arith.constant 0 : i32
    %dma_start3A_503 = tpu.memref_slice %arg26[%dma_start3A_495, %dma_start3A_502] : memref<100x128xf32, #tpu.memory_space<vmem>> -> memref<1x128xf32, #tpu.memory_space<vmem>>
    %dma_start3A_504 = tpu.memref_squeeze %dma_start3A_503 : memref<1x128xf32, #tpu.memory_space<vmem>> -> memref<128xf32, #tpu.memory_space<vmem>>
    %dma_start3A_505 = arith.constant 0 : i32
    %dma_start3A_506 = tpu.memref_slice %arg7[%squeeze3A_494, %dma_start3A_505] : memref<100000x128xf32, #tpu.memory_space<hbm>> -> memref<1x128xf32, #tpu.memory_space<hbm>>
    %dma_start3A_507 = tpu.memref_squeeze %dma_start3A_506 : memref<1x128xf32, #tpu.memory_space<hbm>> -> memref<128xf32, #tpu.memory_space<hbm>>
    tpu.enqueue_dma source(%dma_start3A_507 : memref<128xf32, #tpu.memory_space<hbm>>) target(%dma_start3A_504 : memref<128xf32, #tpu.memory_space<vmem>>) target_semaphore(%arg27 : memref<!tpu.dma_semaphore, #tpu.memory_space<semaphore_mem>>)
    %slice3A_508 = vector.extract_strided_slice %get3A_492 {offsets = [1], sizes = [1], strides = [1]} : vector<16xi32> to vector<1xi32>
    %squeeze3A_509 = vector.extract %slice3A_508[0] : i32 from vector<1xi32>
    %dma_start3A_510 = arith.constant 17 : i32
    %dma_start3A_511 = arith.constant 0 : i32
    %dma_start3A_512 = tpu.memref_slice %arg26[%dma_start3A_510, %dma_start3A_511] : memref<100x128xf32, #tpu.memory_space<vmem>> -> memref<1x128xf32, #tpu.memory_space<vmem>>
    %dma_start3A_513 = tpu.memref_squeeze %dma_start3A_512 : memref<1x128xf32, #tpu.memory_space<vmem>> -> memref<128xf32, #tpu.memory_space<vmem>>
    %dma_start3A_514 = arith.constant 0 : i32
    %dma_start3A_515 = tpu.memref_slice %arg7[%squeeze3A_509, %dma_start3A_514] : memref<100000x128xf32, #tpu.memory_space<hbm>> -> memref<1x128xf32, #tpu.memory_space<hbm>>
    %dma_start3A_516 = tpu.memref_squeeze %dma_start3A_515 : memref<1x128xf32, #tpu.memory_space<hbm>> -> memref<128xf32, #tpu.memory_space<hbm>>
    %dma_start3A_517 = arith.constant 0 : i32
    %dma_start3A_518 = tpu.memref_slice %arg26[%dma_start3A_510, %dma_start3A_517] : memref<100x128xf32, #tpu.memory_space<vmem>> -> memref<1x128xf32, #tpu.memory_space<vmem>>
    %dma_start3A_519 = tpu.memref_squeeze %dma_start3A_518 : memref<1x128xf32, #tpu.memory_space<vmem>> -> memref<128xf32, #tpu.memory_space<vmem>>
    %dma_start3A_520 = arith.constant 0 : i32
    %dma_start3A_521 = tpu.memref_slice %arg7[%squeeze3A_509, %dma_start3A_520] : memref<100000x128xf32, #tpu.memory_space<hbm>> -> memref<1x128xf32, #tpu.memory_space<hbm>>
    %dma_start3A_522 = tpu.memref_squeeze %dma_start3A_521 : memref<1x128xf32, #tpu.memory_space<hbm>> -> memref<128xf32, #tpu.memory_space<hbm>>
    tpu.enqueue_dma source(%dma_start3A_522 : memref<128xf32, #tpu.memory_space<hbm>>) target(%dma_start3A_519 : memref<128xf32, #tpu.memory_space<vmem>>) target_semaphore(%arg28 : memref<!tpu.dma_semaphore, #tpu.memory_space<semaphore_mem>>)
    %slice3A_523 = vector.extract_strided_slice %get3A_492 {offsets = [2], sizes = [1], strides = [1]} : vector<16xi32> to vector<1xi32>
    %squeeze3A_524 = vector.extract %slice3A_523[0] : i32 from vector<1xi32>
    %dma_start3A_525 = arith.constant 18 : i32
    %dma_start3A_526 = arith.constant 0 : i32
    %dma_start3A_527 = tpu.memref_slice %arg26[%dma_start3A_525, %dma_start3A_526] : memref<100x128xf32, #tpu.memory_space<vmem>> -> memref<1x128xf32, #tpu.memory_space<vmem>>
    %dma_start3A_528 = tpu.memref_squeeze %dma_start3A_527 : memref<1x128xf32, #tpu.memory_space<vmem>> -> memref<128xf32, #tpu.memory_space<vmem>>
    %dma_start3A_529 = arith.constant 0 : i32
    %dma_start3A_530 = tpu.memref_slice %arg7[%squeeze3A_524, %dma_start3A_529] : memref<100000x128xf32, #tpu.memory_space<hbm>> -> memref<1x128xf32, #tpu.memory_space<hbm>>
    %dma_start3A_531 = tpu.memref_squeeze %dma_start3A_530 : memref<1x128xf32, #tpu.memory_space<hbm>> -> memref<128xf32, #tpu.memory_space<hbm>>
    %dma_start3A_532 = arith.constant 0 : i32
    %dma_start3A_533 = tpu.memref_slice %arg26[%dma_start3A_525, %dma_start3A_532] : memref<100x128xf32, #tpu.memory_space<vmem>> -> memref<1x128xf32, #tpu.memory_space<vmem>>
    %dma_start3A_534 = tpu.memref_squeeze %dma_start3A_533 : memref<1x128xf32, #tpu.memory_space<vmem>> -> memref<128xf32, #tpu.memory_space<vmem>>
    %dma_start3A_535 = arith.constant 0 : i32
    %dma_start3A_536 = tpu.memref_slice %arg7[%squeeze3A_524, %dma_start3A_535] : memref<100000x128xf32, #tpu.memory_space<hbm>> -> memref<1x128xf32, #tpu.memory_space<hbm>>
    %dma_start3A_537 = tpu.memref_squeeze %dma_start3A_536 : memref<1x128xf32, #tpu.memory_space<hbm>> -> memref<128xf32, #tpu.memory_space<hbm>>
    tpu.enqueue_dma source(%dma_start3A_537 : memref<128xf32, #tpu.memory_space<hbm>>) target(%dma_start3A_534 : memref<128xf32, #tpu.memory_space<vmem>>) target_semaphore(%arg27 : memref<!tpu.dma_semaphore, #tpu.memory_space<semaphore_mem>>)
    %slice3A_538 = vector.extract_strided_slice %get3A_492 {offsets = [3], sizes = [1], strides = [1]} : vector<16xi32> to vector<1xi32>
    %squeeze3A_539 = vector.extract %slice3A_538[0] : i32 from vector<1xi32>
    %dma_start3A_540 = arith.constant 19 : i32
    %dma_start3A_541 = arith.constant 0 : i32
    %dma_start3A_542 = tpu.memref_slice %arg26[%dma_start3A_540, %dma_start3A_541] : memref<100x128xf32, #tpu.memory_space<vmem>> -> memref<1x128xf32, #tpu.memory_space<vmem>>
    %dma_start3A_543 = tpu.memref_squeeze %dma_start3A_542 : memref<1x128xf32, #tpu.memory_space<vmem>> -> memref<128xf32, #tpu.memory_space<vmem>>
    %dma_start3A_544 = arith.constant 0 : i32
    %dma_start3A_545 = tpu.memref_slice %arg7[%squeeze3A_539, %dma_start3A_544] : memref<100000x128xf32, #tpu.memory_space<hbm>> -> memref<1x128xf32, #tpu.memory_space<hbm>>
    %dma_start3A_546 = tpu.memref_squeeze %dma_start3A_545 : memref<1x128xf32, #tpu.memory_space<hbm>> -> memref<128xf32, #tpu.memory_space<hbm>>
    %dma_start3A_547 = arith.constant 0 : i32
    %dma_start3A_548 = tpu.memref_slice %arg26[%dma_start3A_540, %dma_start3A_547] : memref<100x128xf32, #tpu.memory_space<vmem>> -> memref<1x128xf32, #tpu.memory_space<vmem>>
    %dma_start3A_549 = tpu.memref_squeeze %dma_start3A_548 : memref<1x128xf32, #tpu.memory_space<vmem>> -> memref<128xf32, #tpu.memory_space<vmem>>
    %dma_start3A_550 = arith.constant 0 : i32
    %dma_start3A_551 = tpu.memref_slice %arg7[%squeeze3A_539, %dma_start3A_550] : memref<100000x128xf32, #tpu.memory_space<hbm>> -> memref<1x128xf32, #tpu.memory_space<hbm>>
    %dma_start3A_552 = tpu.memref_squeeze %dma_start3A_551 : memref<1x128xf32, #tpu.memory_space<hbm>> -> memref<128xf32, #tpu.memory_space<hbm>>
    tpu.enqueue_dma source(%dma_start3A_552 : memref<128xf32, #tpu.memory_space<hbm>>) target(%dma_start3A_549 : memref<128xf32, #tpu.memory_space<vmem>>) target_semaphore(%arg28 : memref<!tpu.dma_semaphore, #tpu.memory_space<semaphore_mem>>)
    %slice3A_553 = vector.extract_strided_slice %get3A_492 {offsets = [4], sizes = [1], strides = [1]} : vector<16xi32> to vector<1xi32>
    %squeeze3A_554 = vector.extract %slice3A_553[0] : i32 from vector<1xi32>
    %dma_start3A_555 = arith.constant 20 : i32
    %dma_start3A_556 = arith.constant 0 : i32
    %dma_start3A_557 = tpu.memref_slice %arg26[%dma_start3A_555, %dma_start3A_556] : memref<100x128xf32, #tpu.memory_space<vmem>> -> memref<1x128xf32, #tpu.memory_space<vmem>>
    %dma_start3A_558 = tpu.memref_squeeze %dma_start3A_557 : memref<1x128xf32, #tpu.memory_space<vmem>> -> memref<128xf32, #tpu.memory_space<vmem>>
    %dma_start3A_559 = arith.constant 0 : i32
    %dma_start3A_560 = tpu.memref_slice %arg7[%squeeze3A_554, %dma_start3A_559] : memref<100000x128xf32, #tpu.memory_space<hbm>> -> memref<1x128xf32, #tpu.memory_space<hbm>>
    %dma_start3A_561 = tpu.memref_squeeze %dma_start3A_560 : memref<1x128xf32, #tpu.memory_space<hbm>> -> memref<128xf32, #tpu.memory_space<hbm>>
    %dma_start3A_562 = arith.constant 0 : i32
    %dma_start3A_563 = tpu.memref_slice %arg26[%dma_start3A_555, %dma_start3A_562] : memref<100x128xf32, #tpu.memory_space<vmem>> -> memref<1x128xf32, #tpu.memory_space<vmem>>
    %dma_start3A_564 = tpu.memref_squeeze %dma_start3A_563 : memref<1x128xf32, #tpu.memory_space<vmem>> -> memref<128xf32, #tpu.memory_space<vmem>>
    %dma_start3A_565 = arith.constant 0 : i32
    %dma_start3A_566 = tpu.memref_slice %arg7[%squeeze3A_554, %dma_start3A_565] : memref<100000x128xf32, #tpu.memory_space<hbm>> -> memref<1x128xf32, #tpu.memory_space<hbm>>
    %dma_start3A_567 = tpu.memref_squeeze %dma_start3A_566 : memref<1x128xf32, #tpu.memory_space<hbm>> -> memref<128xf32, #tpu.memory_space<hbm>>
    tpu.enqueue_dma source(%dma_start3A_567 : memref<128xf32, #tpu.memory_space<hbm>>) target(%dma_start3A_564 : memref<128xf32, #tpu.memory_space<vmem>>) target_semaphore(%arg27 : memref<!tpu.dma_semaphore, #tpu.memory_space<semaphore_mem>>)
    %slice3A_568 = vector.extract_strided_slice %get3A_492 {offsets = [5], sizes = [1], strides = [1]} : vector<16xi32> to vector<1xi32>
    %squeeze3A_569 = vector.extract %slice3A_568[0] : i32 from vector<1xi32>
    %dma_start3A_570 = arith.constant 21 : i32
    %dma_start3A_571 = arith.constant 0 : i32
    %dma_start3A_572 = tpu.memref_slice %arg26[%dma_start3A_570, %dma_start3A_571] : memref<100x128xf32, #tpu.memory_space<vmem>> -> memref<1x128xf32, #tpu.memory_space<vmem>>
    %dma_start3A_573 = tpu.memref_squeeze %dma_start3A_572 : memref<1x128xf32, #tpu.memory_space<vmem>> -> memref<128xf32, #tpu.memory_space<vmem>>
    %dma_start3A_574 = arith.constant 0 : i32
    %dma_start3A_575 = tpu.memref_slice %arg7[%squeeze3A_569, %dma_start3A_574] : memref<100000x128xf32, #tpu.memory_space<hbm>> -> memref<1x128xf32, #tpu.memory_space<hbm>>
    %dma_start3A_576 = tpu.memref_squeeze %dma_start3A_575 : memref<1x128xf32, #tpu.memory_space<hbm>> -> memref<128xf32, #tpu.memory_space<hbm>>
    %dma_start3A_577 = arith.constant 0 : i32
    %dma_start3A_578 = tpu.memref_slice %arg26[%dma_start3A_570, %dma_start3A_577] : memref<100x128xf32, #tpu.memory_space<vmem>> -> memref<1x128xf32, #tpu.memory_space<vmem>>
    %dma_start3A_579 = tpu.memref_squeeze %dma_start3A_578 : memref<1x128xf32, #tpu.memory_space<vmem>> -> memref<128xf32, #tpu.memory_space<vmem>>
    %dma_start3A_580 = arith.constant 0 : i32
    %dma_start3A_581 = tpu.memref_slice %arg7[%squeeze3A_569, %dma_start3A_580] : memref<100000x128xf32, #tpu.memory_space<hbm>> -> memref<1x128xf32, #tpu.memory_space<hbm>>
    %dma_start3A_582 = tpu.memref_squeeze %dma_start3A_581 : memref<1x128xf32, #tpu.memory_space<hbm>> -> memref<128xf32, #tpu.memory_space<hbm>>
    tpu.enqueue_dma source(%dma_start3A_582 : memref<128xf32, #tpu.memory_space<hbm>>) target(%dma_start3A_579 : memref<128xf32, #tpu.memory_space<vmem>>) target_semaphore(%arg28 : memref<!tpu.dma_semaphore, #tpu.memory_space<semaphore_mem>>)
    %slice3A_583 = vector.extract_strided_slice %get3A_492 {offsets = [6], sizes = [1], strides = [1]} : vector<16xi32> to vector<1xi32>
    %squeeze3A_584 = vector.extract %slice3A_583[0] : i32 from vector<1xi32>
    %dma_start3A_585 = arith.constant 22 : i32
    %dma_start3A_586 = arith.constant 0 : i32
    %dma_start3A_587 = tpu.memref_slice %arg26[%dma_start3A_585, %dma_start3A_586] : memref<100x128xf32, #tpu.memory_space<vmem>> -> memref<1x128xf32, #tpu.memory_space<vmem>>
    %dma_start3A_588 = tpu.memref_squeeze %dma_start3A_587 : memref<1x128xf32, #tpu.memory_space<vmem>> -> memref<128xf32, #tpu.memory_space<vmem>>
    %dma_start3A_589 = arith.constant 0 : i32
    %dma_start3A_590 = tpu.memref_slice %arg7[%squeeze3A_584, %dma_start3A_589] : memref<100000x128xf32, #tpu.memory_space<hbm>> -> memref<1x128xf32, #tpu.memory_space<hbm>>
    %dma_start3A_591 = tpu.memref_squeeze %dma_start3A_590 : memref<1x128xf32, #tpu.memory_space<hbm>> -> memref<128xf32, #tpu.memory_space<hbm>>
    %dma_start3A_592 = arith.constant 0 : i32
    %dma_start3A_593 = tpu.memref_slice %arg26[%dma_start3A_585, %dma_start3A_592] : memref<100x128xf32, #tpu.memory_space<vmem>> -> memref<1x128xf32, #tpu.memory_space<vmem>>
    %dma_start3A_594 = tpu.memref_squeeze %dma_start3A_593 : memref<1x128xf32, #tpu.memory_space<vmem>> -> memref<128xf32, #tpu.memory_space<vmem>>
    %dma_start3A_595 = arith.constant 0 : i32
    %dma_start3A_596 = tpu.memref_slice %arg7[%squeeze3A_584, %dma_start3A_595] : memref<100000x128xf32, #tpu.memory_space<hbm>> -> memref<1x128xf32, #tpu.memory_space<hbm>>
    %dma_start3A_597 = tpu.memref_squeeze %dma_start3A_596 : memref<1x128xf32, #tpu.memory_space<hbm>> -> memref<128xf32, #tpu.memory_space<hbm>>
    tpu.enqueue_dma source(%dma_start3A_597 : memref<128xf32, #tpu.memory_space<hbm>>) target(%dma_start3A_594 : memref<128xf32, #tpu.memory_space<vmem>>) target_semaphore(%arg27 : memref<!tpu.dma_semaphore, #tpu.memory_space<semaphore_mem>>)
    %slice3A_598 = vector.extract_strided_slice %get3A_492 {offsets = [7], sizes = [1], strides = [1]} : vector<16xi32> to vector<1xi32>
    %squeeze3A_599 = vector.extract %slice3A_598[0] : i32 from vector<1xi32>
    %dma_start3A_600 = arith.constant 23 : i32
    %dma_start3A_601 = arith.constant 0 : i32
    %dma_start3A_602 = tpu.memref_slice %arg26[%dma_start3A_600, %dma_start3A_601] : memref<100x128xf32, #tpu.memory_space<vmem>> -> memref<1x128xf32, #tpu.memory_space<vmem>>
    %dma_start3A_603 = tpu.memref_squeeze %dma_start3A_602 : memref<1x128xf32, #tpu.memory_space<vmem>> -> memref<128xf32, #tpu.memory_space<vmem>>
    %dma_start3A_604 = arith.constant 0 : i32
    %dma_start3A_605 = tpu.memref_slice %arg7[%squeeze3A_599, %dma_start3A_604] : memref<100000x128xf32, #tpu.memory_space<hbm>> -> memref<1x128xf32, #tpu.memory_space<hbm>>
    %dma_start3A_606 = tpu.memref_squeeze %dma_start3A_605 : memref<1x128xf32, #tpu.memory_space<hbm>> -> memref<128xf32, #tpu.memory_space<hbm>>
    %dma_start3A_607 = arith.constant 0 : i32
    %dma_start3A_608 = tpu.memref_slice %arg26[%dma_start3A_600, %dma_start3A_607] : memref<100x128xf32, #tpu.memory_space<vmem>> -> memref<1x128xf32, #tpu.memory_space<vmem>>
    %dma_start3A_609 = tpu.memref_squeeze %dma_start3A_608 : memref<1x128xf32, #tpu.memory_space<vmem>> -> memref<128xf32, #tpu.memory_space<vmem>>
    %dma_start3A_610 = arith.constant 0 : i32
    %dma_start3A_611 = tpu.memref_slice %arg7[%squeeze3A_599, %dma_start3A_610] : memref<100000x128xf32, #tpu.memory_space<hbm>> -> memref<1x128xf32, #tpu.memory_space<hbm>>
    %dma_start3A_612 = tpu.memref_squeeze %dma_start3A_611 : memref<1x128xf32, #tpu.memory_space<hbm>> -> memref<128xf32, #tpu.memory_space<hbm>>
    tpu.enqueue_dma source(%dma_start3A_612 : memref<128xf32, #tpu.memory_space<hbm>>) target(%dma_start3A_609 : memref<128xf32, #tpu.memory_space<vmem>>) target_semaphore(%arg28 : memref<!tpu.dma_semaphore, #tpu.memory_space<semaphore_mem>>)
    %slice3A_613 = vector.extract_strided_slice %get3A_492 {offsets = [8], sizes = [1], strides = [1]} : vector<16xi32> to vector<1xi32>
    %squeeze3A_614 = vector.extract %slice3A_613[0] : i32 from vector<1xi32>
    %dma_start3A_615 = arith.constant 24 : i32
    %dma_start3A_616 = arith.constant 0 : i32
    %dma_start3A_617 = tpu.memref_slice %arg26[%dma_start3A_615, %dma_start3A_616] : memref<100x128xf32, #tpu.memory_space<vmem>> -> memref<1x128xf32, #tpu.memory_space<vmem>>
    %dma_start3A_618 = tpu.memref_squeeze %dma_start3A_617 : memref<1x128xf32, #tpu.memory_space<vmem>> -> memref<128xf32, #tpu.memory_space<vmem>>
    %dma_start3A_619 = arith.constant 0 : i32
    %dma_start3A_620 = tpu.memref_slice %arg7[%squeeze3A_614, %dma_start3A_619] : memref<100000x128xf32, #tpu.memory_space<hbm>> -> memref<1x128xf32, #tpu.memory_space<hbm>>
    %dma_start3A_621 = tpu.memref_squeeze %dma_start3A_620 : memref<1x128xf32, #tpu.memory_space<hbm>> -> memref<128xf32, #tpu.memory_space<hbm>>
    %dma_start3A_622 = arith.constant 0 : i32
    %dma_start3A_623 = tpu.memref_slice %arg26[%dma_start3A_615, %dma_start3A_622] : memref<100x128xf32, #tpu.memory_space<vmem>> -> memref<1x128xf32, #tpu.memory_space<vmem>>
    %dma_start3A_624 = tpu.memref_squeeze %dma_start3A_623 : memref<1x128xf32, #tpu.memory_space<vmem>> -> memref<128xf32, #tpu.memory_space<vmem>>
    %dma_start3A_625 = arith.constant 0 : i32
    %dma_start3A_626 = tpu.memref_slice %arg7[%squeeze3A_614, %dma_start3A_625] : memref<100000x128xf32, #tpu.memory_space<hbm>> -> memref<1x128xf32, #tpu.memory_space<hbm>>
    %dma_start3A_627 = tpu.memref_squeeze %dma_start3A_626 : memref<1x128xf32, #tpu.memory_space<hbm>> -> memref<128xf32, #tpu.memory_space<hbm>>
    tpu.enqueue_dma source(%dma_start3A_627 : memref<128xf32, #tpu.memory_space<hbm>>) target(%dma_start3A_624 : memref<128xf32, #tpu.memory_space<vmem>>) target_semaphore(%arg27 : memref<!tpu.dma_semaphore, #tpu.memory_space<semaphore_mem>>)
    %slice3A_628 = vector.extract_strided_slice %get3A_492 {offsets = [9], sizes = [1], strides = [1]} : vector<16xi32> to vector<1xi32>
    %squeeze3A_629 = vector.extract %slice3A_628[0] : i32 from vector<1xi32>
    %dma_start3A_630 = arith.constant 25 : i32
    %dma_start3A_631 = arith.constant 0 : i32
    %dma_start3A_632 = tpu.memref_slice %arg26[%dma_start3A_630, %dma_start3A_631] : memref<100x128xf32, #tpu.memory_space<vmem>> -> memref<1x128xf32, #tpu.memory_space<vmem>>
    %dma_start3A_633 = tpu.memref_squeeze %dma_start3A_632 : memref<1x128xf32, #tpu.memory_space<vmem>> -> memref<128xf32, #tpu.memory_space<vmem>>
    %dma_start3A_634 = arith.constant 0 : i32
    %dma_start3A_635 = tpu.memref_slice %arg7[%squeeze3A_629, %dma_start3A_634] : memref<100000x128xf32, #tpu.memory_space<hbm>> -> memref<1x128xf32, #tpu.memory_space<hbm>>
    %dma_start3A_636 = tpu.memref_squeeze %dma_start3A_635 : memref<1x128xf32, #tpu.memory_space<hbm>> -> memref<128xf32, #tpu.memory_space<hbm>>
    %dma_start3A_637 = arith.constant 0 : i32
    %dma_start3A_638 = tpu.memref_slice %arg26[%dma_start3A_630, %dma_start3A_637] : memref<100x128xf32, #tpu.memory_space<vmem>> -> memref<1x128xf32, #tpu.memory_space<vmem>>
    %dma_start3A_639 = tpu.memref_squeeze %dma_start3A_638 : memref<1x128xf32, #tpu.memory_space<vmem>> -> memref<128xf32, #tpu.memory_space<vmem>>
    %dma_start3A_640 = arith.constant 0 : i32
    %dma_start3A_641 = tpu.memref_slice %arg7[%squeeze3A_629, %dma_start3A_640] : memref<100000x128xf32, #tpu.memory_space<hbm>> -> memref<1x128xf32, #tpu.memory_space<hbm>>
    %dma_start3A_642 = tpu.memref_squeeze %dma_start3A_641 : memref<1x128xf32, #tpu.memory_space<hbm>> -> memref<128xf32, #tpu.memory_space<hbm>>
    tpu.enqueue_dma source(%dma_start3A_642 : memref<128xf32, #tpu.memory_space<hbm>>) target(%dma_start3A_639 : memref<128xf32, #tpu.memory_space<vmem>>) target_semaphore(%arg28 : memref<!tpu.dma_semaphore, #tpu.memory_space<semaphore_mem>>)
    %slice3A_643 = vector.extract_strided_slice %get3A_492 {offsets = [10], sizes = [1], strides = [1]} : vector<16xi32> to vector<1xi32>
    %squeeze3A_644 = vector.extract %slice3A_643[0] : i32 from vector<1xi32>
    %dma_start3A_645 = arith.constant 26 : i32
    %dma_start3A_646 = arith.constant 0 : i32
    %dma_start3A_647 = tpu.memref_slice %arg26[%dma_start3A_645, %dma_start3A_646] : memref<100x128xf32, #tpu.memory_space<vmem>> -> memref<1x128xf32, #tpu.memory_space<vmem>>
    %dma_start3A_648 = tpu.memref_squeeze %dma_start3A_647 : memref<1x128xf32, #tpu.memory_space<vmem>> -> memref<128xf32, #tpu.memory_space<vmem>>
    %dma_start3A_649 = arith.constant 0 : i32
    %dma_start3A_650 = tpu.memref_slice %arg7[%squeeze3A_644, %dma_start3A_649] : memref<100000x128xf32, #tpu.memory_space<hbm>> -> memref<1x128xf32, #tpu.memory_space<hbm>>
    %dma_start3A_651 = tpu.memref_squeeze %dma_start3A_650 : memref<1x128xf32, #tpu.memory_space<hbm>> -> memref<128xf32, #tpu.memory_space<hbm>>
    %dma_start3A_652 = arith.constant 0 : i32
    %dma_start3A_653 = tpu.memref_slice %arg26[%dma_start3A_645, %dma_start3A_652] : memref<100x128xf32, #tpu.memory_space<vmem>> -> memref<1x128xf32, #tpu.memory_space<vmem>>
    %dma_start3A_654 = tpu.memref_squeeze %dma_start3A_653 : memref<1x128xf32, #tpu.memory_space<vmem>> -> memref<128xf32, #tpu.memory_space<vmem>>
    %dma_start3A_655 = arith.constant 0 : i32
    %dma_start3A_656 = tpu.memref_slice %arg7[%squeeze3A_644, %dma_start3A_655] : memref<100000x128xf32, #tpu.memory_space<hbm>> -> memref<1x128xf32, #tpu.memory_space<hbm>>
    %dma_start3A_657 = tpu.memref_squeeze %dma_start3A_656 : memref<1x128xf32, #tpu.memory_space<hbm>> -> memref<128xf32, #tpu.memory_space<hbm>>
    tpu.enqueue_dma source(%dma_start3A_657 : memref<128xf32, #tpu.memory_space<hbm>>) target(%dma_start3A_654 : memref<128xf32, #tpu.memory_space<vmem>>) target_semaphore(%arg27 : memref<!tpu.dma_semaphore, #tpu.memory_space<semaphore_mem>>)
    %slice3A_658 = vector.extract_strided_slice %get3A_492 {offsets = [11], sizes = [1], strides = [1]} : vector<16xi32> to vector<1xi32>
    %squeeze3A_659 = vector.extract %slice3A_658[0] : i32 from vector<1xi32>
    %dma_start3A_660 = arith.constant 27 : i32
    %dma_start3A_661 = arith.constant 0 : i32
    %dma_start3A_662 = tpu.memref_slice %arg26[%dma_start3A_660, %dma_start3A_661] : memref<100x128xf32, #tpu.memory_space<vmem>> -> memref<1x128xf32, #tpu.memory_space<vmem>>
    %dma_start3A_663 = tpu.memref_squeeze %dma_start3A_662 : memref<1x128xf32, #tpu.memory_space<vmem>> -> memref<128xf32, #tpu.memory_space<vmem>>
    %dma_start3A_664 = arith.constant 0 : i32
    %dma_start3A_665 = tpu.memref_slice %arg7[%squeeze3A_659, %dma_start3A_664] : memref<100000x128xf32, #tpu.memory_space<hbm>> -> memref<1x128xf32, #tpu.memory_space<hbm>>
    %dma_start3A_666 = tpu.memref_squeeze %dma_start3A_665 : memref<1x128xf32, #tpu.memory_space<hbm>> -> memref<128xf32, #tpu.memory_space<hbm>>
    %dma_start3A_667 = arith.constant 0 : i32
    %dma_start3A_668 = tpu.memref_slice %arg26[%dma_start3A_660, %dma_start3A_667] : memref<100x128xf32, #tpu.memory_space<vmem>> -> memref<1x128xf32, #tpu.memory_space<vmem>>
    %dma_start3A_669 = tpu.memref_squeeze %dma_start3A_668 : memref<1x128xf32, #tpu.memory_space<vmem>> -> memref<128xf32, #tpu.memory_space<vmem>>
    %dma_start3A_670 = arith.constant 0 : i32
    %dma_start3A_671 = tpu.memref_slice %arg7[%squeeze3A_659, %dma_start3A_670] : memref<100000x128xf32, #tpu.memory_space<hbm>> -> memref<1x128xf32, #tpu.memory_space<hbm>>
    %dma_start3A_672 = tpu.memref_squeeze %dma_start3A_671 : memref<1x128xf32, #tpu.memory_space<hbm>> -> memref<128xf32, #tpu.memory_space<hbm>>
    tpu.enqueue_dma source(%dma_start3A_672 : memref<128xf32, #tpu.memory_space<hbm>>) target(%dma_start3A_669 : memref<128xf32, #tpu.memory_space<vmem>>) target_semaphore(%arg28 : memref<!tpu.dma_semaphore, #tpu.memory_space<semaphore_mem>>)
    %slice3A_673 = vector.extract_strided_slice %get3A_492 {offsets = [12], sizes = [1], strides = [1]} : vector<16xi32> to vector<1xi32>
    %squeeze3A_674 = vector.extract %slice3A_673[0] : i32 from vector<1xi32>
    %dma_start3A_675 = arith.constant 28 : i32
    %dma_start3A_676 = arith.constant 0 : i32
    %dma_start3A_677 = tpu.memref_slice %arg26[%dma_start3A_675, %dma_start3A_676] : memref<100x128xf32, #tpu.memory_space<vmem>> -> memref<1x128xf32, #tpu.memory_space<vmem>>
    %dma_start3A_678 = tpu.memref_squeeze %dma_start3A_677 : memref<1x128xf32, #tpu.memory_space<vmem>> -> memref<128xf32, #tpu.memory_space<vmem>>
    %dma_start3A_679 = arith.constant 0 : i32
    %dma_start3A_680 = tpu.memref_slice %arg7[%squeeze3A_674, %dma_start3A_679] : memref<100000x128xf32, #tpu.memory_space<hbm>> -> memref<1x128xf32, #tpu.memory_space<hbm>>
    %dma_start3A_681 = tpu.memref_squeeze %dma_start3A_680 : memref<1x128xf32, #tpu.memory_space<hbm>> -> memref<128xf32, #tpu.memory_space<hbm>>
    %dma_start3A_682 = arith.constant 0 : i32
    %dma_start3A_683 = tpu.memref_slice %arg26[%dma_start3A_675, %dma_start3A_682] : memref<100x128xf32, #tpu.memory_space<vmem>> -> memref<1x128xf32, #tpu.memory_space<vmem>>
    %dma_start3A_684 = tpu.memref_squeeze %dma_start3A_683 : memref<1x128xf32, #tpu.memory_space<vmem>> -> memref<128xf32, #tpu.memory_space<vmem>>
    %dma_start3A_685 = arith.constant 0 : i32
    %dma_start3A_686 = tpu.memref_slice %arg7[%squeeze3A_674, %dma_start3A_685] : memref<100000x128xf32, #tpu.memory_space<hbm>> -> memref<1x128xf32, #tpu.memory_space<hbm>>
    %dma_start3A_687 = tpu.memref_squeeze %dma_start3A_686 : memref<1x128xf32, #tpu.memory_space<hbm>> -> memref<128xf32, #tpu.memory_space<hbm>>
    tpu.enqueue_dma source(%dma_start3A_687 : memref<128xf32, #tpu.memory_space<hbm>>) target(%dma_start3A_684 : memref<128xf32, #tpu.memory_space<vmem>>) target_semaphore(%arg27 : memref<!tpu.dma_semaphore, #tpu.memory_space<semaphore_mem>>)
    %slice3A_688 = vector.extract_strided_slice %get3A_492 {offsets = [13], sizes = [1], strides = [1]} : vector<16xi32> to vector<1xi32>
    %squeeze3A_689 = vector.extract %slice3A_688[0] : i32 from vector<1xi32>
    %dma_start3A_690 = arith.constant 29 : i32
    %dma_start3A_691 = arith.constant 0 : i32
    %dma_start3A_692 = tpu.memref_slice %arg26[%dma_start3A_690, %dma_start3A_691] : memref<100x128xf32, #tpu.memory_space<vmem>> -> memref<1x128xf32, #tpu.memory_space<vmem>>
    %dma_start3A_693 = tpu.memref_squeeze %dma_start3A_692 : memref<1x128xf32, #tpu.memory_space<vmem>> -> memref<128xf32, #tpu.memory_space<vmem>>
    %dma_start3A_694 = arith.constant 0 : i32
    %dma_start3A_695 = tpu.memref_slice %arg7[%squeeze3A_689, %dma_start3A_694] : memref<100000x128xf32, #tpu.memory_space<hbm>> -> memref<1x128xf32, #tpu.memory_space<hbm>>
    %dma_start3A_696 = tpu.memref_squeeze %dma_start3A_695 : memref<1x128xf32, #tpu.memory_space<hbm>> -> memref<128xf32, #tpu.memory_space<hbm>>
    %dma_start3A_697 = arith.constant 0 : i32
    %dma_start3A_698 = tpu.memref_slice %arg26[%dma_start3A_690, %dma_start3A_697] : memref<100x128xf32, #tpu.memory_space<vmem>> -> memref<1x128xf32, #tpu.memory_space<vmem>>
    %dma_start3A_699 = tpu.memref_squeeze %dma_start3A_698 : memref<1x128xf32, #tpu.memory_space<vmem>> -> memref<128xf32, #tpu.memory_space<vmem>>
    %dma_start3A_700 = arith.constant 0 : i32
    %dma_start3A_701 = tpu.memref_slice %arg7[%squeeze3A_689, %dma_start3A_700] : memref<100000x128xf32, #tpu.memory_space<hbm>> -> memref<1x128xf32, #tpu.memory_space<hbm>>
    %dma_start3A_702 = tpu.memref_squeeze %dma_start3A_701 : memref<1x128xf32, #tpu.memory_space<hbm>> -> memref<128xf32, #tpu.memory_space<hbm>>
    tpu.enqueue_dma source(%dma_start3A_702 : memref<128xf32, #tpu.memory_space<hbm>>) target(%dma_start3A_699 : memref<128xf32, #tpu.memory_space<vmem>>) target_semaphore(%arg28 : memref<!tpu.dma_semaphore, #tpu.memory_space<semaphore_mem>>)
    %slice3A_703 = vector.extract_strided_slice %get3A_492 {offsets = [14], sizes = [1], strides = [1]} : vector<16xi32> to vector<1xi32>
    %squeeze3A_704 = vector.extract %slice3A_703[0] : i32 from vector<1xi32>
    %dma_start3A_705 = arith.constant 30 : i32
    %dma_start3A_706 = arith.constant 0 : i32
    %dma_start3A_707 = tpu.memref_slice %arg26[%dma_start3A_705, %dma_start3A_706] : memref<100x128xf32, #tpu.memory_space<vmem>> -> memref<1x128xf32, #tpu.memory_space<vmem>>
    %dma_start3A_708 = tpu.memref_squeeze %dma_start3A_707 : memref<1x128xf32, #tpu.memory_space<vmem>> -> memref<128xf32, #tpu.memory_space<vmem>>
    %dma_start3A_709 = arith.constant 0 : i32
    %dma_start3A_710 = tpu.memref_slice %arg7[%squeeze3A_704, %dma_start3A_709] : memref<100000x128xf32, #tpu.memory_space<hbm>> -> memref<1x128xf32, #tpu.memory_space<hbm>>
    %dma_start3A_711 = tpu.memref_squeeze %dma_start3A_710 : memref<1x128xf32, #tpu.memory_space<hbm>> -> memref<128xf32, #tpu.memory_space<hbm>>
    %dma_start3A_712 = arith.constant 0 : i32
    %dma_start3A_713 = tpu.memref_slice %arg26[%dma_start3A_705, %dma_start3A_712] : memref<100x128xf32, #tpu.memory_space<vmem>> -> memref<1x128xf32, #tpu.memory_space<vmem>>
    %dma_start3A_714 = tpu.memref_squeeze %dma_start3A_713 : memref<1x128xf32, #tpu.memory_space<vmem>> -> memref<128xf32, #tpu.memory_space<vmem>>
    %dma_start3A_715 = arith.constant 0 : i32
    %dma_start3A_716 = tpu.memref_slice %arg7[%squeeze3A_704, %dma_start3A_715] : memref<100000x128xf32, #tpu.memory_space<hbm>> -> memref<1x128xf32, #tpu.memory_space<hbm>>
    %dma_start3A_717 = tpu.memref_squeeze %dma_start3A_716 : memref<1x128xf32, #tpu.memory_space<hbm>> -> memref<128xf32, #tpu.memory_space<hbm>>
    tpu.enqueue_dma source(%dma_start3A_717 : memref<128xf32, #tpu.memory_space<hbm>>) target(%dma_start3A_714 : memref<128xf32, #tpu.memory_space<vmem>>) target_semaphore(%arg27 : memref<!tpu.dma_semaphore, #tpu.memory_space<semaphore_mem>>)
    %slice3A_718 = vector.extract_strided_slice %get3A_492 {offsets = [15], sizes = [1], strides = [1]} : vector<16xi32> to vector<1xi32>
    %squeeze3A_719 = vector.extract %slice3A_718[0] : i32 from vector<1xi32>
    %dma_start3A_720 = arith.constant 31 : i32
    %dma_start3A_721 = arith.constant 0 : i32
    %dma_start3A_722 = tpu.memref_slice %arg26[%dma_start3A_720, %dma_start3A_721] : memref<100x128xf32, #tpu.memory_space<vmem>> -> memref<1x128xf32, #tpu.memory_space<vmem>>
    %dma_start3A_723 = tpu.memref_squeeze %dma_start3A_722 : memref<1x128xf32, #tpu.memory_space<vmem>> -> memref<128xf32, #tpu.memory_space<vmem>>
    %dma_start3A_724 = arith.constant 0 : i32
    %dma_start3A_725 = tpu.memref_slice %arg7[%squeeze3A_719, %dma_start3A_724] : memref<100000x128xf32, #tpu.memory_space<hbm>> -> memref<1x128xf32, #tpu.memory_space<hbm>>
    %dma_start3A_726 = tpu.memref_squeeze %dma_start3A_725 : memref<1x128xf32, #tpu.memory_space<hbm>> -> memref<128xf32, #tpu.memory_space<hbm>>
    %dma_start3A_727 = arith.constant 0 : i32
    %dma_start3A_728 = tpu.memref_slice %arg26[%dma_start3A_720, %dma_start3A_727] : memref<100x128xf32, #tpu.memory_space<vmem>> -> memref<1x128xf32, #tpu.memory_space<vmem>>
    %dma_start3A_729 = tpu.memref_squeeze %dma_start3A_728 : memref<1x128xf32, #tpu.memory_space<vmem>> -> memref<128xf32, #tpu.memory_space<vmem>>
    %dma_start3A_730 = arith.constant 0 : i32
    %dma_start3A_731 = tpu.memref_slice %arg7[%squeeze3A_719, %dma_start3A_730] : memref<100000x128xf32, #tpu.memory_space<hbm>> -> memref<1x128xf32, #tpu.memory_space<hbm>>
    %dma_start3A_732 = tpu.memref_squeeze %dma_start3A_731 : memref<1x128xf32, #tpu.memory_space<hbm>> -> memref<128xf32, #tpu.memory_space<hbm>>
    tpu.enqueue_dma source(%dma_start3A_732 : memref<128xf32, #tpu.memory_space<hbm>>) target(%dma_start3A_729 : memref<128xf32, #tpu.memory_space<vmem>>) target_semaphore(%arg28 : memref<!tpu.dma_semaphore, #tpu.memory_space<semaphore_mem>>)
    %get3A_733 = arith.constant 32 : index
    %get3A_734 = tpu.vector_load %arg20[%get3A_733] {strides = array<i32>} : memref<112xi32, #tpu.memory_space<vmem>>, vector<16xi32>,
    %slice3A_735 = vector.extract_strided_slice %get3A_734 {offsets = [0], sizes = [1], strides = [1]} : vector<16xi32> to vector<1xi32>
    %squeeze3A_736 = vector.extract %slice3A_735[0] : i32 from vector<1xi32>
    %dma_start3A_737 = arith.constant 32 : i32
    %dma_start3A_738 = arith.constant 0 : i32
    %dma_start3A_739 = tpu.memref_slice %arg26[%dma_start3A_737, %dma_start3A_738] : memref<100x128xf32, #tpu.memory_space<vmem>> -> memref<1x128xf32, #tpu.memory_space<vmem>>
    %dma_start3A_740 = tpu.memref_squeeze %dma_start3A_739 : memref<1x128xf32, #tpu.memory_space<vmem>> -> memref<128xf32, #tpu.memory_space<vmem>>
    %dma_start3A_741 = arith.constant 0 : i32
    %dma_start3A_742 = tpu.memref_slice %arg7[%squeeze3A_736, %dma_start3A_741] : memref<100000x128xf32, #tpu.memory_space<hbm>> -> memref<1x128xf32, #tpu.memory_space<hbm>>
    %dma_start3A_743 = tpu.memref_squeeze %dma_start3A_742 : memref<1x128xf32, #tpu.memory_space<hbm>> -> memref<128xf32, #tpu.memory_space<hbm>>
    %dma_start3A_744 = arith.constant 0 : i32
    %dma_start3A_745 = tpu.memref_slice %arg26[%dma_start3A_737, %dma_start3A_744] : memref<100x128xf32, #tpu.memory_space<vmem>> -> memref<1x128xf32, #tpu.memory_space<vmem>>
    %dma_start3A_746 = tpu.memref_squeeze %dma_start3A_745 : memref<1x128xf32, #tpu.memory_space<vmem>> -> memref<128xf32, #tpu.memory_space<vmem>>
    %dma_start3A_747 = arith.constant 0 : i32
    %dma_start3A_748 = tpu.memref_slice %arg7[%squeeze3A_736, %dma_start3A_747] : memref<100000x128xf32, #tpu.memory_space<hbm>> -> memref<1x128xf32, #tpu.memory_space<hbm>>
    %dma_start3A_749 = tpu.memref_squeeze %dma_start3A_748 : memref<1x128xf32, #tpu.memory_space<hbm>> -> memref<128xf32, #tpu.memory_space<hbm>>
    tpu.enqueue_dma source(%dma_start3A_749 : memref<128xf32, #tpu.memory_space<hbm>>) target(%dma_start3A_746 : memref<128xf32, #tpu.memory_space<vmem>>) target_semaphore(%arg27 : memref<!tpu.dma_semaphore, #tpu.memory_space<semaphore_mem>>)
    %slice3A_750 = vector.extract_strided_slice %get3A_734 {offsets = [1], sizes = [1], strides = [1]} : vector<16xi32> to vector<1xi32>
    %squeeze3A_751 = vector.extract %slice3A_750[0] : i32 from vector<1xi32>
    %dma_start3A_752 = arith.constant 33 : i32
    %dma_start3A_753 = arith.constant 0 : i32
    %dma_start3A_754 = tpu.memref_slice %arg26[%dma_start3A_752, %dma_start3A_753] : memref<100x128xf32, #tpu.memory_space<vmem>> -> memref<1x128xf32, #tpu.memory_space<vmem>>
    %dma_start3A_755 = tpu.memref_squeeze %dma_start3A_754 : memref<1x128xf32, #tpu.memory_space<vmem>> -> memref<128xf32, #tpu.memory_space<vmem>>
    %dma_start3A_756 = arith.constant 0 : i32
    %dma_start3A_757 = tpu.memref_slice %arg7[%squeeze3A_751, %dma_start3A_756] : memref<100000x128xf32, #tpu.memory_space<hbm>> -> memref<1x128xf32, #tpu.memory_space<hbm>>
    %dma_start3A_758 = tpu.memref_squeeze %dma_start3A_757 : memref<1x128xf32, #tpu.memory_space<hbm>> -> memref<128xf32, #tpu.memory_space<hbm>>
    %dma_start3A_759 = arith.constant 0 : i32
    %dma_start3A_760 = tpu.memref_slice %arg26[%dma_start3A_752, %dma_start3A_759] : memref<100x128xf32, #tpu.memory_space<vmem>> -> memref<1x128xf32, #tpu.memory_space<vmem>>
    %dma_start3A_761 = tpu.memref_squeeze %dma_start3A_760 : memref<1x128xf32, #tpu.memory_space<vmem>> -> memref<128xf32, #tpu.memory_space<vmem>>
    %dma_start3A_762 = arith.constant 0 : i32
    %dma_start3A_763 = tpu.memref_slice %arg7[%squeeze3A_751, %dma_start3A_762] : memref<100000x128xf32, #tpu.memory_space<hbm>> -> memref<1x128xf32, #tpu.memory_space<hbm>>
    %dma_start3A_764 = tpu.memref_squeeze %dma_start3A_763 : memref<1x128xf32, #tpu.memory_space<hbm>> -> memref<128xf32, #tpu.memory_space<hbm>>
    tpu.enqueue_dma source(%dma_start3A_764 : memref<128xf32, #tpu.memory_space<hbm>>) target(%dma_start3A_761 : memref<128xf32, #tpu.memory_space<vmem>>) target_semaphore(%arg28 : memref<!tpu.dma_semaphore, #tpu.memory_space<semaphore_mem>>)
    %slice3A_765 = vector.extract_strided_slice %get3A_734 {offsets = [2], sizes = [1], strides = [1]} : vector<16xi32> to vector<1xi32>
    %squeeze3A_766 = vector.extract %slice3A_765[0] : i32 from vector<1xi32>
    %dma_start3A_767 = arith.constant 34 : i32
    %dma_start3A_768 = arith.constant 0 : i32
    %dma_start3A_769 = tpu.memref_slice %arg26[%dma_start3A_767, %dma_start3A_768] : memref<100x128xf32, #tpu.memory_space<vmem>> -> memref<1x128xf32, #tpu.memory_space<vmem>>
    %dma_start3A_770 = tpu.memref_squeeze %dma_start3A_769 : memref<1x128xf32, #tpu.memory_space<vmem>> -> memref<128xf32, #tpu.memory_space<vmem>>
    %dma_start3A_771 = arith.constant 0 : i32
    %dma_start3A_772 = tpu.memref_slice %arg7[%squeeze3A_766, %dma_start3A_771] : memref<100000x128xf32, #tpu.memory_space<hbm>> -> memref<1x128xf32, #tpu.memory_space<hbm>>
    %dma_start3A_773 = tpu.memref_squeeze %dma_start3A_772 : memref<1x128xf32, #tpu.memory_space<hbm>> -> memref<128xf32, #tpu.memory_space<hbm>>
    %dma_start3A_774 = arith.constant 0 : i32
    %dma_start3A_775 = tpu.memref_slice %arg26[%dma_start3A_767, %dma_start3A_774] : memref<100x128xf32, #tpu.memory_space<vmem>> -> memref<1x128xf32, #tpu.memory_space<vmem>>
    %dma_start3A_776 = tpu.memref_squeeze %dma_start3A_775 : memref<1x128xf32, #tpu.memory_space<vmem>> -> memref<128xf32, #tpu.memory_space<vmem>>
    %dma_start3A_777 = arith.constant 0 : i32
    %dma_start3A_778 = tpu.memref_slice %arg7[%squeeze3A_766, %dma_start3A_777] : memref<100000x128xf32, #tpu.memory_space<hbm>> -> memref<1x128xf32, #tpu.memory_space<hbm>>
    %dma_start3A_779 = tpu.memref_squeeze %dma_start3A_778 : memref<1x128xf32, #tpu.memory_space<hbm>> -> memref<128xf32, #tpu.memory_space<hbm>>
    tpu.enqueue_dma source(%dma_start3A_779 : memref<128xf32, #tpu.memory_space<hbm>>) target(%dma_start3A_776 : memref<128xf32, #tpu.memory_space<vmem>>) target_semaphore(%arg27 : memref<!tpu.dma_semaphore, #tpu.memory_space<semaphore_mem>>)
    %slice3A_780 = vector.extract_strided_slice %get3A_734 {offsets = [3], sizes = [1], strides = [1]} : vector<16xi32> to vector<1xi32>
    %squeeze3A_781 = vector.extract %slice3A_780[0] : i32 from vector<1xi32>
    %dma_start3A_782 = arith.constant 35 : i32
    %dma_start3A_783 = arith.constant 0 : i32
    %dma_start3A_784 = tpu.memref_slice %arg26[%dma_start3A_782, %dma_start3A_783] : memref<100x128xf32, #tpu.memory_space<vmem>> -> memref<1x128xf32, #tpu.memory_space<vmem>>
    %dma_start3A_785 = tpu.memref_squeeze %dma_start3A_784 : memref<1x128xf32, #tpu.memory_space<vmem>> -> memref<128xf32, #tpu.memory_space<vmem>>
    %dma_start3A_786 = arith.constant 0 : i32
    %dma_start3A_787 = tpu.memref_slice %arg7[%squeeze3A_781, %dma_start3A_786] : memref<100000x128xf32, #tpu.memory_space<hbm>> -> memref<1x128xf32, #tpu.memory_space<hbm>>
    %dma_start3A_788 = tpu.memref_squeeze %dma_start3A_787 : memref<1x128xf32, #tpu.memory_space<hbm>> -> memref<128xf32, #tpu.memory_space<hbm>>
    %dma_start3A_789 = arith.constant 0 : i32
    %dma_start3A_790 = tpu.memref_slice %arg26[%dma_start3A_782, %dma_start3A_789] : memref<100x128xf32, #tpu.memory_space<vmem>> -> memref<1x128xf32, #tpu.memory_space<vmem>>
    %dma_start3A_791 = tpu.memref_squeeze %dma_start3A_790 : memref<1x128xf32, #tpu.memory_space<vmem>> -> memref<128xf32, #tpu.memory_space<vmem>>
    %dma_start3A_792 = arith.constant 0 : i32
    %dma_start3A_793 = tpu.memref_slice %arg7[%squeeze3A_781, %dma_start3A_792] : memref<100000x128xf32, #tpu.memory_space<hbm>> -> memref<1x128xf32, #tpu.memory_space<hbm>>
    %dma_start3A_794 = tpu.memref_squeeze %dma_start3A_793 : memref<1x128xf32, #tpu.memory_space<hbm>> -> memref<128xf32, #tpu.memory_space<hbm>>
    tpu.enqueue_dma source(%dma_start3A_794 : memref<128xf32, #tpu.memory_space<hbm>>) target(%dma_start3A_791 : memref<128xf32, #tpu.memory_space<vmem>>) target_semaphore(%arg28 : memref<!tpu.dma_semaphore, #tpu.memory_space<semaphore_mem>>)
    %slice3A_795 = vector.extract_strided_slice %get3A_734 {offsets = [4], sizes = [1], strides = [1]} : vector<16xi32> to vector<1xi32>
    %squeeze3A_796 = vector.extract %slice3A_795[0] : i32 from vector<1xi32>
    %dma_start3A_797 = arith.constant 36 : i32
    %dma_start3A_798 = arith.constant 0 : i32
    %dma_start3A_799 = tpu.memref_slice %arg26[%dma_start3A_797, %dma_start3A_798] : memref<100x128xf32, #tpu.memory_space<vmem>> -> memref<1x128xf32, #tpu.memory_space<vmem>>
    %dma_start3A_800 = tpu.memref_squeeze %dma_start3A_799 : memref<1x128xf32, #tpu.memory_space<vmem>> -> memref<128xf32, #tpu.memory_space<vmem>>
    %dma_start3A_801 = arith.constant 0 : i32
    %dma_start3A_802 = tpu.memref_slice %arg7[%squeeze3A_796, %dma_start3A_801] : memref<100000x128xf32, #tpu.memory_space<hbm>> -> memref<1x128xf32, #tpu.memory_space<hbm>>
    %dma_start3A_803 = tpu.memref_squeeze %dma_start3A_802 : memref<1x128xf32, #tpu.memory_space<hbm>> -> memref<128xf32, #tpu.memory_space<hbm>>
    %dma_start3A_804 = arith.constant 0 : i32
    %dma_start3A_805 = tpu.memref_slice %arg26[%dma_start3A_797, %dma_start3A_804] : memref<100x128xf32, #tpu.memory_space<vmem>> -> memref<1x128xf32, #tpu.memory_space<vmem>>
    %dma_start3A_806 = tpu.memref_squeeze %dma_start3A_805 : memref<1x128xf32, #tpu.memory_space<vmem>> -> memref<128xf32, #tpu.memory_space<vmem>>
    %dma_start3A_807 = arith.constant 0 : i32
    %dma_start3A_808 = tpu.memref_slice %arg7[%squeeze3A_796, %dma_start3A_807] : memref<100000x128xf32, #tpu.memory_space<hbm>> -> memref<1x128xf32, #tpu.memory_space<hbm>>
    %dma_start3A_809 = tpu.memref_squeeze %dma_start3A_808 : memref<1x128xf32, #tpu.memory_space<hbm>> -> memref<128xf32, #tpu.memory_space<hbm>>
    tpu.enqueue_dma source(%dma_start3A_809 : memref<128xf32, #tpu.memory_space<hbm>>) target(%dma_start3A_806 : memref<128xf32, #tpu.memory_space<vmem>>) target_semaphore(%arg27 : memref<!tpu.dma_semaphore, #tpu.memory_space<semaphore_mem>>)
    %slice3A_810 = vector.extract_strided_slice %get3A_734 {offsets = [5], sizes = [1], strides = [1]} : vector<16xi32> to vector<1xi32>
    %squeeze3A_811 = vector.extract %slice3A_810[0] : i32 from vector<1xi32>
    %dma_start3A_812 = arith.constant 37 : i32
    %dma_start3A_813 = arith.constant 0 : i32
    %dma_start3A_814 = tpu.memref_slice %arg26[%dma_start3A_812, %dma_start3A_813] : memref<100x128xf32, #tpu.memory_space<vmem>> -> memref<1x128xf32, #tpu.memory_space<vmem>>
    %dma_start3A_815 = tpu.memref_squeeze %dma_start3A_814 : memref<1x128xf32, #tpu.memory_space<vmem>> -> memref<128xf32, #tpu.memory_space<vmem>>
    %dma_start3A_816 = arith.constant 0 : i32
    %dma_start3A_817 = tpu.memref_slice %arg7[%squeeze3A_811, %dma_start3A_816] : memref<100000x128xf32, #tpu.memory_space<hbm>> -> memref<1x128xf32, #tpu.memory_space<hbm>>
    %dma_start3A_818 = tpu.memref_squeeze %dma_start3A_817 : memref<1x128xf32, #tpu.memory_space<hbm>> -> memref<128xf32, #tpu.memory_space<hbm>>
    %dma_start3A_819 = arith.constant 0 : i32
    %dma_start3A_820 = tpu.memref_slice %arg26[%dma_start3A_812, %dma_start3A_819] : memref<100x128xf32, #tpu.memory_space<vmem>> -> memref<1x128xf32, #tpu.memory_space<vmem>>
    %dma_start3A_821 = tpu.memref_squeeze %dma_start3A_820 : memref<1x128xf32, #tpu.memory_space<vmem>> -> memref<128xf32, #tpu.memory_space<vmem>>
    %dma_start3A_822 = arith.constant 0 : i32
    %dma_start3A_823 = tpu.memref_slice %arg7[%squeeze3A_811, %dma_start3A_822] : memref<100000x128xf32, #tpu.memory_space<hbm>> -> memref<1x128xf32, #tpu.memory_space<hbm>>
    %dma_start3A_824 = tpu.memref_squeeze %dma_start3A_823 : memref<1x128xf32, #tpu.memory_space<hbm>> -> memref<128xf32, #tpu.memory_space<hbm>>
    tpu.enqueue_dma source(%dma_start3A_824 : memref<128xf32, #tpu.memory_space<hbm>>) target(%dma_start3A_821 : memref<128xf32, #tpu.memory_space<vmem>>) target_semaphore(%arg28 : memref<!tpu.dma_semaphore, #tpu.memory_space<semaphore_mem>>)
    %slice3A_825 = vector.extract_strided_slice %get3A_734 {offsets = [6], sizes = [1], strides = [1]} : vector<16xi32> to vector<1xi32>
    %squeeze3A_826 = vector.extract %slice3A_825[0] : i32 from vector<1xi32>
    %dma_start3A_827 = arith.constant 38 : i32
    %dma_start3A_828 = arith.constant 0 : i32
    %dma_start3A_829 = tpu.memref_slice %arg26[%dma_start3A_827, %dma_start3A_828] : memref<100x128xf32, #tpu.memory_space<vmem>> -> memref<1x128xf32, #tpu.memory_space<vmem>>
    %dma_start3A_830 = tpu.memref_squeeze %dma_start3A_829 : memref<1x128xf32, #tpu.memory_space<vmem>> -> memref<128xf32, #tpu.memory_space<vmem>>
    %dma_start3A_831 = arith.constant 0 : i32
    %dma_start3A_832 = tpu.memref_slice %arg7[%squeeze3A_826, %dma_start3A_831] : memref<100000x128xf32, #tpu.memory_space<hbm>> -> memref<1x128xf32, #tpu.memory_space<hbm>>
    %dma_start3A_833 = tpu.memref_squeeze %dma_start3A_832 : memref<1x128xf32, #tpu.memory_space<hbm>> -> memref<128xf32, #tpu.memory_space<hbm>>
    %dma_start3A_834 = arith.constant 0 : i32
    %dma_start3A_835 = tpu.memref_slice %arg26[%dma_start3A_827, %dma_start3A_834] : memref<100x128xf32, #tpu.memory_space<vmem>> -> memref<1x128xf32, #tpu.memory_space<vmem>>
    %dma_start3A_836 = tpu.memref_squeeze %dma_start3A_835 : memref<1x128xf32, #tpu.memory_space<vmem>> -> memref<128xf32, #tpu.memory_space<vmem>>
    %dma_start3A_837 = arith.constant 0 : i32
    %dma_start3A_838 = tpu.memref_slice %arg7[%squeeze3A_826, %dma_start3A_837] : memref<100000x128xf32, #tpu.memory_space<hbm>> -> memref<1x128xf32, #tpu.memory_space<hbm>>
    %dma_start3A_839 = tpu.memref_squeeze %dma_start3A_838 : memref<1x128xf32, #tpu.memory_space<hbm>> -> memref<128xf32, #tpu.memory_space<hbm>>
    tpu.enqueue_dma source(%dma_start3A_839 : memref<128xf32, #tpu.memory_space<hbm>>) target(%dma_start3A_836 : memref<128xf32, #tpu.memory_space<vmem>>) target_semaphore(%arg27 : memref<!tpu.dma_semaphore, #tpu.memory_space<semaphore_mem>>)
    %slice3A_840 = vector.extract_strided_slice %get3A_734 {offsets = [7], sizes = [1], strides = [1]} : vector<16xi32> to vector<1xi32>
    %squeeze3A_841 = vector.extract %slice3A_840[0] : i32 from vector<1xi32>
    %dma_start3A_842 = arith.constant 39 : i32
    %dma_start3A_843 = arith.constant 0 : i32
    %dma_start3A_844 = tpu.memref_slice %arg26[%dma_start3A_842, %dma_start3A_843] : memref<100x128xf32, #tpu.memory_space<vmem>> -> memref<1x128xf32, #tpu.memory_space<vmem>>
    %dma_start3A_845 = tpu.memref_squeeze %dma_start3A_844 : memref<1x128xf32, #tpu.memory_space<vmem>> -> memref<128xf32, #tpu.memory_space<vmem>>
    %dma_start3A_846 = arith.constant 0 : i32
    %dma_start3A_847 = tpu.memref_slice %arg7[%squeeze3A_841, %dma_start3A_846] : memref<100000x128xf32, #tpu.memory_space<hbm>> -> memref<1x128xf32, #tpu.memory_space<hbm>>
    %dma_start3A_848 = tpu.memref_squeeze %dma_start3A_847 : memref<1x128xf32, #tpu.memory_space<hbm>> -> memref<128xf32, #tpu.memory_space<hbm>>
    %dma_start3A_849 = arith.constant 0 : i32
    %dma_start3A_850 = tpu.memref_slice %arg26[%dma_start3A_842, %dma_start3A_849] : memref<100x128xf32, #tpu.memory_space<vmem>> -> memref<1x128xf32, #tpu.memory_space<vmem>>
    %dma_start3A_851 = tpu.memref_squeeze %dma_start3A_850 : memref<1x128xf32, #tpu.memory_space<vmem>> -> memref<128xf32, #tpu.memory_space<vmem>>
    %dma_start3A_852 = arith.constant 0 : i32
    %dma_start3A_853 = tpu.memref_slice %arg7[%squeeze3A_841, %dma_start3A_852] : memref<100000x128xf32, #tpu.memory_space<hbm>> -> memref<1x128xf32, #tpu.memory_space<hbm>>
    %dma_start3A_854 = tpu.memref_squeeze %dma_start3A_853 : memref<1x128xf32, #tpu.memory_space<hbm>> -> memref<128xf32, #tpu.memory_space<hbm>>
    tpu.enqueue_dma source(%dma_start3A_854 : memref<128xf32, #tpu.memory_space<hbm>>) target(%dma_start3A_851 : memref<128xf32, #tpu.memory_space<vmem>>) target_semaphore(%arg28 : memref<!tpu.dma_semaphore, #tpu.memory_space<semaphore_mem>>)
    %slice3A_855 = vector.extract_strided_slice %get3A_734 {offsets = [8], sizes = [1], strides = [1]} : vector<16xi32> to vector<1xi32>
    %squeeze3A_856 = vector.extract %slice3A_855[0] : i32 from vector<1xi32>
    %dma_start3A_857 = arith.constant 40 : i32
    %dma_start3A_858 = arith.constant 0 : i32
    %dma_start3A_859 = tpu.memref_slice %arg26[%dma_start3A_857, %dma_start3A_858] : memref<100x128xf32, #tpu.memory_space<vmem>> -> memref<1x128xf32, #tpu.memory_space<vmem>>
    %dma_start3A_860 = tpu.memref_squeeze %dma_start3A_859 : memref<1x128xf32, #tpu.memory_space<vmem>> -> memref<128xf32, #tpu.memory_space<vmem>>
    %dma_start3A_861 = arith.constant 0 : i32
    %dma_start3A_862 = tpu.memref_slice %arg7[%squeeze3A_856, %dma_start3A_861] : memref<100000x128xf32, #tpu.memory_space<hbm>> -> memref<1x128xf32, #tpu.memory_space<hbm>>
    %dma_start3A_863 = tpu.memref_squeeze %dma_start3A_862 : memref<1x128xf32, #tpu.memory_space<hbm>> -> memref<128xf32, #tpu.memory_space<hbm>>
    %dma_start3A_864 = arith.constant 0 : i32
    %dma_start3A_865 = tpu.memref_slice %arg26[%dma_start3A_857, %dma_start3A_864] : memref<100x128xf32, #tpu.memory_space<vmem>> -> memref<1x128xf32, #tpu.memory_space<vmem>>
    %dma_start3A_866 = tpu.memref_squeeze %dma_start3A_865 : memref<1x128xf32, #tpu.memory_space<vmem>> -> memref<128xf32, #tpu.memory_space<vmem>>
    %dma_start3A_867 = arith.constant 0 : i32
    %dma_start3A_868 = tpu.memref_slice %arg7[%squeeze3A_856, %dma_start3A_867] : memref<100000x128xf32, #tpu.memory_space<hbm>> -> memref<1x128xf32, #tpu.memory_space<hbm>>
    %dma_start3A_869 = tpu.memref_squeeze %dma_start3A_868 : memref<1x128xf32, #tpu.memory_space<hbm>> -> memref<128xf32, #tpu.memory_space<hbm>>
    tpu.enqueue_dma source(%dma_start3A_869 : memref<128xf32, #tpu.memory_space<hbm>>) target(%dma_start3A_866 : memref<128xf32, #tpu.memory_space<vmem>>) target_semaphore(%arg27 : memref<!tpu.dma_semaphore, #tpu.memory_space<semaphore_mem>>)
    %slice3A_870 = vector.extract_strided_slice %get3A_734 {offsets = [9], sizes = [1], strides = [1]} : vector<16xi32> to vector<1xi32>
    %squeeze3A_871 = vector.extract %slice3A_870[0] : i32 from vector<1xi32>
    %dma_start3A_872 = arith.constant 41 : i32
    %dma_start3A_873 = arith.constant 0 : i32
    %dma_start3A_874 = tpu.memref_slice %arg26[%dma_start3A_872, %dma_start3A_873] : memref<100x128xf32, #tpu.memory_space<vmem>> -> memref<1x128xf32, #tpu.memory_space<vmem>>
    %dma_start3A_875 = tpu.memref_squeeze %dma_start3A_874 : memref<1x128xf32, #tpu.memory_space<vmem>> -> memref<128xf32, #tpu.memory_space<vmem>>
    %dma_start3A_876 = arith.constant 0 : i32
    %dma_start3A_877 = tpu.memref_slice %arg7[%squeeze3A_871, %dma_start3A_876] : memref<100000x128xf32, #tpu.memory_space<hbm>> -> memref<1x128xf32, #tpu.memory_space<hbm>>
    %dma_start3A_878 = tpu.memref_squeeze %dma_start3A_877 : memref<1x128xf32, #tpu.memory_space<hbm>> -> memref<128xf32, #tpu.memory_space<hbm>>
    %dma_start3A_879 = arith.constant 0 : i32
    %dma_start3A_880 = tpu.memref_slice %arg26[%dma_start3A_872, %dma_start3A_879] : memref<100x128xf32, #tpu.memory_space<vmem>> -> memref<1x128xf32, #tpu.memory_space<vmem>>
    %dma_start3A_881 = tpu.memref_squeeze %dma_start3A_880 : memref<1x128xf32, #tpu.memory_space<vmem>> -> memref<128xf32, #tpu.memory_space<vmem>>
    %dma_start3A_882 = arith.constant 0 : i32
    %dma_start3A_883 = tpu.memref_slice %arg7[%squeeze3A_871, %dma_start3A_882] : memref<100000x128xf32, #tpu.memory_space<hbm>> -> memref<1x128xf32, #tpu.memory_space<hbm>>
    %dma_start3A_884 = tpu.memref_squeeze %dma_start3A_883 : memref<1x128xf32, #tpu.memory_space<hbm>> -> memref<128xf32, #tpu.memory_space<hbm>>
    tpu.enqueue_dma source(%dma_start3A_884 : memref<128xf32, #tpu.memory_space<hbm>>) target(%dma_start3A_881 : memref<128xf32, #tpu.memory_space<vmem>>) target_semaphore(%arg28 : memref<!tpu.dma_semaphore, #tpu.memory_space<semaphore_mem>>)
    %slice3A_885 = vector.extract_strided_slice %get3A_734 {offsets = [10], sizes = [1], strides = [1]} : vector<16xi32> to vector<1xi32>
    %squeeze3A_886 = vector.extract %slice3A_885[0] : i32 from vector<1xi32>
    %dma_start3A_887 = arith.constant 42 : i32
    %dma_start3A_888 = arith.constant 0 : i32
    %dma_start3A_889 = tpu.memref_slice %arg26[%dma_start3A_887, %dma_start3A_888] : memref<100x128xf32, #tpu.memory_space<vmem>> -> memref<1x128xf32, #tpu.memory_space<vmem>>
    %dma_start3A_890 = tpu.memref_squeeze %dma_start3A_889 : memref<1x128xf32, #tpu.memory_space<vmem>> -> memref<128xf32, #tpu.memory_space<vmem>>
    %dma_start3A_891 = arith.constant 0 : i32
    %dma_start3A_892 = tpu.memref_slice %arg7[%squeeze3A_886, %dma_start3A_891] : memref<100000x128xf32, #tpu.memory_space<hbm>> -> memref<1x128xf32, #tpu.memory_space<hbm>>
    %dma_start3A_893 = tpu.memref_squeeze %dma_start3A_892 : memref<1x128xf32, #tpu.memory_space<hbm>> -> memref<128xf32, #tpu.memory_space<hbm>>
    %dma_start3A_894 = arith.constant 0 : i32
    %dma_start3A_895 = tpu.memref_slice %arg26[%dma_start3A_887, %dma_start3A_894] : memref<100x128xf32, #tpu.memory_space<vmem>> -> memref<1x128xf32, #tpu.memory_space<vmem>>
    %dma_start3A_896 = tpu.memref_squeeze %dma_start3A_895 : memref<1x128xf32, #tpu.memory_space<vmem>> -> memref<128xf32, #tpu.memory_space<vmem>>
    %dma_start3A_897 = arith.constant 0 : i32
    %dma_start3A_898 = tpu.memref_slice %arg7[%squeeze3A_886, %dma_start3A_897] : memref<100000x128xf32, #tpu.memory_space<hbm>> -> memref<1x128xf32, #tpu.memory_space<hbm>>
    %dma_start3A_899 = tpu.memref_squeeze %dma_start3A_898 : memref<1x128xf32, #tpu.memory_space<hbm>> -> memref<128xf32, #tpu.memory_space<hbm>>
    tpu.enqueue_dma source(%dma_start3A_899 : memref<128xf32, #tpu.memory_space<hbm>>) target(%dma_start3A_896 : memref<128xf32, #tpu.memory_space<vmem>>) target_semaphore(%arg27 : memref<!tpu.dma_semaphore, #tpu.memory_space<semaphore_mem>>)
    %slice3A_900 = vector.extract_strided_slice %get3A_734 {offsets = [11], sizes = [1], strides = [1]} : vector<16xi32> to vector<1xi32>
    %squeeze3A_901 = vector.extract %slice3A_900[0] : i32 from vector<1xi32>
    %dma_start3A_902 = arith.constant 43 : i32
    %dma_start3A_903 = arith.constant 0 : i32
    %dma_start3A_904 = tpu.memref_slice %arg26[%dma_start3A_902, %dma_start3A_903] : memref<100x128xf32, #tpu.memory_space<vmem>> -> memref<1x128xf32, #tpu.memory_space<vmem>>
    %dma_start3A_905 = tpu.memref_squeeze %dma_start3A_904 : memref<1x128xf32, #tpu.memory_space<vmem>> -> memref<128xf32, #tpu.memory_space<vmem>>
    %dma_start3A_906 = arith.constant 0 : i32
    %dma_start3A_907 = tpu.memref_slice %arg7[%squeeze3A_901, %dma_start3A_906] : memref<100000x128xf32, #tpu.memory_space<hbm>> -> memref<1x128xf32, #tpu.memory_space<hbm>>
    %dma_start3A_908 = tpu.memref_squeeze %dma_start3A_907 : memref<1x128xf32, #tpu.memory_space<hbm>> -> memref<128xf32, #tpu.memory_space<hbm>>
    %dma_start3A_909 = arith.constant 0 : i32
    %dma_start3A_910 = tpu.memref_slice %arg26[%dma_start3A_902, %dma_start3A_909] : memref<100x128xf32, #tpu.memory_space<vmem>> -> memref<1x128xf32, #tpu.memory_space<vmem>>
    %dma_start3A_911 = tpu.memref_squeeze %dma_start3A_910 : memref<1x128xf32, #tpu.memory_space<vmem>> -> memref<128xf32, #tpu.memory_space<vmem>>
    %dma_start3A_912 = arith.constant 0 : i32
    %dma_start3A_913 = tpu.memref_slice %arg7[%squeeze3A_901, %dma_start3A_912] : memref<100000x128xf32, #tpu.memory_space<hbm>> -> memref<1x128xf32, #tpu.memory_space<hbm>>
    %dma_start3A_914 = tpu.memref_squeeze %dma_start3A_913 : memref<1x128xf32, #tpu.memory_space<hbm>> -> memref<128xf32, #tpu.memory_space<hbm>>
    tpu.enqueue_dma source(%dma_start3A_914 : memref<128xf32, #tpu.memory_space<hbm>>) target(%dma_start3A_911 : memref<128xf32, #tpu.memory_space<vmem>>) target_semaphore(%arg28 : memref<!tpu.dma_semaphore, #tpu.memory_space<semaphore_mem>>)
    %slice3A_915 = vector.extract_strided_slice %get3A_734 {offsets = [12], sizes = [1], strides = [1]} : vector<16xi32> to vector<1xi32>
    %squeeze3A_916 = vector.extract %slice3A_915[0] : i32 from vector<1xi32>
    %dma_start3A_917 = arith.constant 44 : i32
    %dma_start3A_918 = arith.constant 0 : i32
    %dma_start3A_919 = tpu.memref_slice %arg26[%dma_start3A_917, %dma_start3A_918] : memref<100x128xf32, #tpu.memory_space<vmem>> -> memref<1x128xf32, #tpu.memory_space<vmem>>
    %dma_start3A_920 = tpu.memref_squeeze %dma_start3A_919 : memref<1x128xf32, #tpu.memory_space<vmem>> -> memref<128xf32, #tpu.memory_space<vmem>>
    %dma_start3A_921 = arith.constant 0 : i32
    %dma_start3A_922 = tpu.memref_slice %arg7[%squeeze3A_916, %dma_start3A_921] : memref<100000x128xf32, #tpu.memory_space<hbm>> -> memref<1x128xf32, #tpu.memory_space<hbm>>
    %dma_start3A_923 = tpu.memref_squeeze %dma_start3A_922 : memref<1x128xf32, #tpu.memory_space<hbm>> -> memref<128xf32, #tpu.memory_space<hbm>>
    %dma_start3A_924 = arith.constant 0 : i32
    %dma_start3A_925 = tpu.memref_slice %arg26[%dma_start3A_917, %dma_start3A_924] : memref<100x128xf32, #tpu.memory_space<vmem>> -> memref<1x128xf32, #tpu.memory_space<vmem>>
    %dma_start3A_926 = tpu.memref_squeeze %dma_start3A_925 : memref<1x128xf32, #tpu.memory_space<vmem>> -> memref<128xf32, #tpu.memory_space<vmem>>
    %dma_start3A_927 = arith.constant 0 : i32
    %dma_start3A_928 = tpu.memref_slice %arg7[%squeeze3A_916, %dma_start3A_927] : memref<100000x128xf32, #tpu.memory_space<hbm>> -> memref<1x128xf32, #tpu.memory_space<hbm>>
    %dma_start3A_929 = tpu.memref_squeeze %dma_start3A_928 : memref<1x128xf32, #tpu.memory_space<hbm>> -> memref<128xf32, #tpu.memory_space<hbm>>
    tpu.enqueue_dma source(%dma_start3A_929 : memref<128xf32, #tpu.memory_space<hbm>>) target(%dma_start3A_926 : memref<128xf32, #tpu.memory_space<vmem>>) target_semaphore(%arg27 : memref<!tpu.dma_semaphore, #tpu.memory_space<semaphore_mem>>)
    %slice3A_930 = vector.extract_strided_slice %get3A_734 {offsets = [13], sizes = [1], strides = [1]} : vector<16xi32> to vector<1xi32>
    %squeeze3A_931 = vector.extract %slice3A_930[0] : i32 from vector<1xi32>
    %dma_start3A_932 = arith.constant 45 : i32
    %dma_start3A_933 = arith.constant 0 : i32
    %dma_start3A_934 = tpu.memref_slice %arg26[%dma_start3A_932, %dma_start3A_933] : memref<100x128xf32, #tpu.memory_space<vmem>> -> memref<1x128xf32, #tpu.memory_space<vmem>>
    %dma_start3A_935 = tpu.memref_squeeze %dma_start3A_934 : memref<1x128xf32, #tpu.memory_space<vmem>> -> memref<128xf32, #tpu.memory_space<vmem>>
    %dma_start3A_936 = arith.constant 0 : i32
    %dma_start3A_937 = tpu.memref_slice %arg7[%squeeze3A_931, %dma_start3A_936] : memref<100000x128xf32, #tpu.memory_space<hbm>> -> memref<1x128xf32, #tpu.memory_space<hbm>>
    %dma_start3A_938 = tpu.memref_squeeze %dma_start3A_937 : memref<1x128xf32, #tpu.memory_space<hbm>> -> memref<128xf32, #tpu.memory_space<hbm>>
    %dma_start3A_939 = arith.constant 0 : i32
    %dma_start3A_940 = tpu.memref_slice %arg26[%dma_start3A_932, %dma_start3A_939] : memref<100x128xf32, #tpu.memory_space<vmem>> -> memref<1x128xf32, #tpu.memory_space<vmem>>
    %dma_start3A_941 = tpu.memref_squeeze %dma_start3A_940 : memref<1x128xf32, #tpu.memory_space<vmem>> -> memref<128xf32, #tpu.memory_space<vmem>>
    %dma_start3A_942 = arith.constant 0 : i32
    %dma_start3A_943 = tpu.memref_slice %arg7[%squeeze3A_931, %dma_start3A_942] : memref<100000x128xf32, #tpu.memory_space<hbm>> -> memref<1x128xf32, #tpu.memory_space<hbm>>
    %dma_start3A_944 = tpu.memref_squeeze %dma_start3A_943 : memref<1x128xf32, #tpu.memory_space<hbm>> -> memref<128xf32, #tpu.memory_space<hbm>>
    tpu.enqueue_dma source(%dma_start3A_944 : memref<128xf32, #tpu.memory_space<hbm>>) target(%dma_start3A_941 : memref<128xf32, #tpu.memory_space<vmem>>) target_semaphore(%arg28 : memref<!tpu.dma_semaphore, #tpu.memory_space<semaphore_mem>>)
    %slice3A_945 = vector.extract_strided_slice %get3A_734 {offsets = [14], sizes = [1], strides = [1]} : vector<16xi32> to vector<1xi32>
    %squeeze3A_946 = vector.extract %slice3A_945[0] : i32 from vector<1xi32>
    %dma_start3A_947 = arith.constant 46 : i32
    %dma_start3A_948 = arith.constant 0 : i32
    %dma_start3A_949 = tpu.memref_slice %arg26[%dma_start3A_947, %dma_start3A_948] : memref<100x128xf32, #tpu.memory_space<vmem>> -> memref<1x128xf32, #tpu.memory_space<vmem>>
    %dma_start3A_950 = tpu.memref_squeeze %dma_start3A_949 : memref<1x128xf32, #tpu.memory_space<vmem>> -> memref<128xf32, #tpu.memory_space<vmem>>
    %dma_start3A_951 = arith.constant 0 : i32
    %dma_start3A_952 = tpu.memref_slice %arg7[%squeeze3A_946, %dma_start3A_951] : memref<100000x128xf32, #tpu.memory_space<hbm>> -> memref<1x128xf32, #tpu.memory_space<hbm>>
    %dma_start3A_953 = tpu.memref_squeeze %dma_start3A_952 : memref<1x128xf32, #tpu.memory_space<hbm>> -> memref<128xf32, #tpu.memory_space<hbm>>
    %dma_start3A_954 = arith.constant 0 : i32
    %dma_start3A_955 = tpu.memref_slice %arg26[%dma_start3A_947, %dma_start3A_954] : memref<100x128xf32, #tpu.memory_space<vmem>> -> memref<1x128xf32, #tpu.memory_space<vmem>>
    %dma_start3A_956 = tpu.memref_squeeze %dma_start3A_955 : memref<1x128xf32, #tpu.memory_space<vmem>> -> memref<128xf32, #tpu.memory_space<vmem>>
    %dma_start3A_957 = arith.constant 0 : i32
    %dma_start3A_958 = tpu.memref_slice %arg7[%squeeze3A_946, %dma_start3A_957] : memref<100000x128xf32, #tpu.memory_space<hbm>> -> memref<1x128xf32, #tpu.memory_space<hbm>>
    %dma_start3A_959 = tpu.memref_squeeze %dma_start3A_958 : memref<1x128xf32, #tpu.memory_space<hbm>> -> memref<128xf32, #tpu.memory_space<hbm>>
    tpu.enqueue_dma source(%dma_start3A_959 : memref<128xf32, #tpu.memory_space<hbm>>) target(%dma_start3A_956 : memref<128xf32, #tpu.memory_space<vmem>>) target_semaphore(%arg27 : memref<!tpu.dma_semaphore, #tpu.memory_space<semaphore_mem>>)
    %slice3A_960 = vector.extract_strided_slice %get3A_734 {offsets = [15], sizes = [1], strides = [1]} : vector<16xi32> to vector<1xi32>
    %squeeze3A_961 = vector.extract %slice3A_960[0] : i32 from vector<1xi32>
    %dma_start3A_962 = arith.constant 47 : i32
    %dma_start3A_963 = arith.constant 0 : i32
    %dma_start3A_964 = tpu.memref_slice %arg26[%dma_start3A_962, %dma_start3A_963] : memref<100x128xf32, #tpu.memory_space<vmem>> -> memref<1x128xf32, #tpu.memory_space<vmem>>
    %dma_start3A_965 = tpu.memref_squeeze %dma_start3A_964 : memref<1x128xf32, #tpu.memory_space<vmem>> -> memref<128xf32, #tpu.memory_space<vmem>>
    %dma_start3A_966 = arith.constant 0 : i32
    %dma_start3A_967 = tpu.memref_slice %arg7[%squeeze3A_961, %dma_start3A_966] : memref<100000x128xf32, #tpu.memory_space<hbm>> -> memref<1x128xf32, #tpu.memory_space<hbm>>
    %dma_start3A_968 = tpu.memref_squeeze %dma_start3A_967 : memref<1x128xf32, #tpu.memory_space<hbm>> -> memref<128xf32, #tpu.memory_space<hbm>>
    %dma_start3A_969 = arith.constant 0 : i32
    %dma_start3A_970 = tpu.memref_slice %arg26[%dma_start3A_962, %dma_start3A_969] : memref<100x128xf32, #tpu.memory_space<vmem>> -> memref<1x128xf32, #tpu.memory_space<vmem>>
    %dma_start3A_971 = tpu.memref_squeeze %dma_start3A_970 : memref<1x128xf32, #tpu.memory_space<vmem>> -> memref<128xf32, #tpu.memory_space<vmem>>
    %dma_start3A_972 = arith.constant 0 : i32
    %dma_start3A_973 = tpu.memref_slice %arg7[%squeeze3A_961, %dma_start3A_972] : memref<100000x128xf32, #tpu.memory_space<hbm>> -> memref<1x128xf32, #tpu.memory_space<hbm>>
    %dma_start3A_974 = tpu.memref_squeeze %dma_start3A_973 : memref<1x128xf32, #tpu.memory_space<hbm>> -> memref<128xf32, #tpu.memory_space<hbm>>
    tpu.enqueue_dma source(%dma_start3A_974 : memref<128xf32, #tpu.memory_space<hbm>>) target(%dma_start3A_971 : memref<128xf32, #tpu.memory_space<vmem>>) target_semaphore(%arg28 : memref<!tpu.dma_semaphore, #tpu.memory_space<semaphore_mem>>)
    %get3A_975 = arith.constant 48 : index
    %get3A_976 = tpu.vector_load %arg20[%get3A_975] {strides = array<i32>} : memref<112xi32, #tpu.memory_space<vmem>>, vector<16xi32>,
    %slice3A_977 = vector.extract_strided_slice %get3A_976 {offsets = [0], sizes = [1], strides = [1]} : vector<16xi32> to vector<1xi32>
    %squeeze3A_978 = vector.extract %slice3A_977[0] : i32 from vector<1xi32>
    %dma_start3A_979 = arith.constant 48 : i32
    %dma_start3A_980 = arith.constant 0 : i32
    %dma_start3A_981 = tpu.memref_slice %arg26[%dma_start3A_979, %dma_start3A_980] : memref<100x128xf32, #tpu.memory_space<vmem>> -> memref<1x128xf32, #tpu.memory_space<vmem>>
    %dma_start3A_982 = tpu.memref_squeeze %dma_start3A_981 : memref<1x128xf32, #tpu.memory_space<vmem>> -> memref<128xf32, #tpu.memory_space<vmem>>
    %dma_start3A_983 = arith.constant 0 : i32
    %dma_start3A_984 = tpu.memref_slice %arg7[%squeeze3A_978, %dma_start3A_983] : memref<100000x128xf32, #tpu.memory_space<hbm>> -> memref<1x128xf32, #tpu.memory_space<hbm>>
    %dma_start3A_985 = tpu.memref_squeeze %dma_start3A_984 : memref<1x128xf32, #tpu.memory_space<hbm>> -> memref<128xf32, #tpu.memory_space<hbm>>
    %dma_start3A_986 = arith.constant 0 : i32
    %dma_start3A_987 = tpu.memref_slice %arg26[%dma_start3A_979, %dma_start3A_986] : memref<100x128xf32, #tpu.memory_space<vmem>> -> memref<1x128xf32, #tpu.memory_space<vmem>>
    %dma_start3A_988 = tpu.memref_squeeze %dma_start3A_987 : memref<1x128xf32, #tpu.memory_space<vmem>> -> memref<128xf32, #tpu.memory_space<vmem>>
    %dma_start3A_989 = arith.constant 0 : i32
    %dma_start3A_990 = tpu.memref_slice %arg7[%squeeze3A_978, %dma_start3A_989] : memref<100000x128xf32, #tpu.memory_space<hbm>> -> memref<1x128xf32, #tpu.memory_space<hbm>>
    %dma_start3A_991 = tpu.memref_squeeze %dma_start3A_990 : memref<1x128xf32, #tpu.memory_space<hbm>> -> memref<128xf32, #tpu.memory_space<hbm>>
    tpu.enqueue_dma source(%dma_start3A_991 : memref<128xf32, #tpu.memory_space<hbm>>) target(%dma_start3A_988 : memref<128xf32, #tpu.memory_space<vmem>>) target_semaphore(%arg27 : memref<!tpu.dma_semaphore, #tpu.memory_space<semaphore_mem>>)
    %slice3A_992 = vector.extract_strided_slice %get3A_976 {offsets = [1], sizes = [1], strides = [1]} : vector<16xi32> to vector<1xi32>
    %squeeze3A_993 = vector.extract %slice3A_992[0] : i32 from vector<1xi32>
    %dma_start3A_994 = arith.constant 49 : i32
    %dma_start3A_995 = arith.constant 0 : i32
    %dma_start3A_996 = tpu.memref_slice %arg26[%dma_start3A_994, %dma_start3A_995] : memref<100x128xf32, #tpu.memory_space<vmem>> -> memref<1x128xf32, #tpu.memory_space<vmem>>
    %dma_start3A_997 = tpu.memref_squeeze %dma_start3A_996 : memref<1x128xf32, #tpu.memory_space<vmem>> -> memref<128xf32, #tpu.memory_space<vmem>>
    %dma_start3A_998 = arith.constant 0 : i32
    %dma_start3A_999 = tpu.memref_slice %arg7[%squeeze3A_993, %dma_start3A_998] : memref<100000x128xf32, #tpu.memory_space<hbm>> -> memref<1x128xf32, #tpu.memory_space<hbm>>
    %dma_start3A_1000 = tpu.memref_squeeze %dma_start3A_999 : memref<1x128xf32, #tpu.memory_space<hbm>> -> memref<128xf32, #tpu.memory_space<hbm>>
    %dma_start3A_1001 = arith.constant 0 : i32
    %dma_start3A_1002 = tpu.memref_slice %arg26[%dma_start3A_994, %dma_start3A_1001] : memref<100x128xf32, #tpu.memory_space<vmem>> -> memref<1x128xf32, #tpu.memory_space<vmem>>
    %dma_start3A_1003 = tpu.memref_squeeze %dma_start3A_1002 : memref<1x128xf32, #tpu.memory_space<vmem>> -> memref<128xf32, #tpu.memory_space<vmem>>
    %dma_start3A_1004 = arith.constant 0 : i32
    %dma_start3A_1005 = tpu.memref_slice %arg7[%squeeze3A_993, %dma_start3A_1004] : memref<100000x128xf32, #tpu.memory_space<hbm>> -> memref<1x128xf32, #tpu.memory_space<hbm>>
    %dma_start3A_1006 = tpu.memref_squeeze %dma_start3A_1005 : memref<1x128xf32, #tpu.memory_space<hbm>> -> memref<128xf32, #tpu.memory_space<hbm>>
    tpu.enqueue_dma source(%dma_start3A_1006 : memref<128xf32, #tpu.memory_space<hbm>>) target(%dma_start3A_1003 : memref<128xf32, #tpu.memory_space<vmem>>) target_semaphore(%arg28 : memref<!tpu.dma_semaphore, #tpu.memory_space<semaphore_mem>>)
    %slice3A_1007 = vector.extract_strided_slice %get3A_976 {offsets = [2], sizes = [1], strides = [1]} : vector<16xi32> to vector<1xi32>
    %squeeze3A_1008 = vector.extract %slice3A_1007[0] : i32 from vector<1xi32>
    %dma_start3A_1009 = arith.constant 50 : i32
    %dma_start3A_1010 = arith.constant 0 : i32
    %dma_start3A_1011 = tpu.memref_slice %arg26[%dma_start3A_1009, %dma_start3A_1010] : memref<100x128xf32, #tpu.memory_space<vmem>> -> memref<1x128xf32, #tpu.memory_space<vmem>>
    %dma_start3A_1012 = tpu.memref_squeeze %dma_start3A_1011 : memref<1x128xf32, #tpu.memory_space<vmem>> -> memref<128xf32, #tpu.memory_space<vmem>>
    %dma_start3A_1013 = arith.constant 0 : i32
    %dma_start3A_1014 = tpu.memref_slice %arg7[%squeeze3A_1008, %dma_start3A_1013] : memref<100000x128xf32, #tpu.memory_space<hbm>> -> memref<1x128xf32, #tpu.memory_space<hbm>>
    %dma_start3A_1015 = tpu.memref_squeeze %dma_start3A_1014 : memref<1x128xf32, #tpu.memory_space<hbm>> -> memref<128xf32, #tpu.memory_space<hbm>>
    %dma_start3A_1016 = arith.constant 0 : i32
    %dma_start3A_1017 = tpu.memref_slice %arg26[%dma_start3A_1009, %dma_start3A_1016] : memref<100x128xf32, #tpu.memory_space<vmem>> -> memref<1x128xf32, #tpu.memory_space<vmem>>
    %dma_start3A_1018 = tpu.memref_squeeze %dma_start3A_1017 : memref<1x128xf32, #tpu.memory_space<vmem>> -> memref<128xf32, #tpu.memory_space<vmem>>
    %dma_start3A_1019 = arith.constant 0 : i32
    %dma_start3A_1020 = tpu.memref_slice %arg7[%squeeze3A_1008, %dma_start3A_1019] : memref<100000x128xf32, #tpu.memory_space<hbm>> -> memref<1x128xf32, #tpu.memory_space<hbm>>
    %dma_start3A_1021 = tpu.memref_squeeze %dma_start3A_1020 : memref<1x128xf32, #tpu.memory_space<hbm>> -> memref<128xf32, #tpu.memory_space<hbm>>
    tpu.enqueue_dma source(%dma_start3A_1021 : memref<128xf32, #tpu.memory_space<hbm>>) target(%dma_start3A_1018 : memref<128xf32, #tpu.memory_space<vmem>>) target_semaphore(%arg27 : memref<!tpu.dma_semaphore, #tpu.memory_space<semaphore_mem>>)
    %slice3A_1022 = vector.extract_strided_slice %get3A_976 {offsets = [3], sizes = [1], strides = [1]} : vector<16xi32> to vector<1xi32>
    %squeeze3A_1023 = vector.extract %slice3A_1022[0] : i32 from vector<1xi32>
    %dma_start3A_1024 = arith.constant 51 : i32
    %dma_start3A_1025 = arith.constant 0 : i32
    %dma_start3A_1026 = tpu.memref_slice %arg26[%dma_start3A_1024, %dma_start3A_1025] : memref<100x128xf32, #tpu.memory_space<vmem>> -> memref<1x128xf32, #tpu.memory_space<vmem>>
    %dma_start3A_1027 = tpu.memref_squeeze %dma_start3A_1026 : memref<1x128xf32, #tpu.memory_space<vmem>> -> memref<128xf32, #tpu.memory_space<vmem>>
    %dma_start3A_1028 = arith.constant 0 : i32
    %dma_start3A_1029 = tpu.memref_slice %arg7[%squeeze3A_1023, %dma_start3A_1028] : memref<100000x128xf32, #tpu.memory_space<hbm>> -> memref<1x128xf32, #tpu.memory_space<hbm>>
    %dma_start3A_1030 = tpu.memref_squeeze %dma_start3A_1029 : memref<1x128xf32, #tpu.memory_space<hbm>> -> memref<128xf32, #tpu.memory_space<hbm>>
    %dma_start3A_1031 = arith.constant 0 : i32
    %dma_start3A_1032 = tpu.memref_slice %arg26[%dma_start3A_1024, %dma_start3A_1031] : memref<100x128xf32, #tpu.memory_space<vmem>> -> memref<1x128xf32, #tpu.memory_space<vmem>>
    %dma_start3A_1033 = tpu.memref_squeeze %dma_start3A_1032 : memref<1x128xf32, #tpu.memory_space<vmem>> -> memref<128xf32, #tpu.memory_space<vmem>>
    %dma_start3A_1034 = arith.constant 0 : i32
    %dma_start3A_1035 = tpu.memref_slice %arg7[%squeeze3A_1023, %dma_start3A_1034] : memref<100000x128xf32, #tpu.memory_space<hbm>> -> memref<1x128xf32, #tpu.memory_space<hbm>>
    %dma_start3A_1036 = tpu.memref_squeeze %dma_start3A_1035 : memref<1x128xf32, #tpu.memory_space<hbm>> -> memref<128xf32, #tpu.memory_space<hbm>>
    tpu.enqueue_dma source(%dma_start3A_1036 : memref<128xf32, #tpu.memory_space<hbm>>) target(%dma_start3A_1033 : memref<128xf32, #tpu.memory_space<vmem>>) target_semaphore(%arg28 : memref<!tpu.dma_semaphore, #tpu.memory_space<semaphore_mem>>)
    %slice3A_1037 = vector.extract_strided_slice %get3A_976 {offsets = [4], sizes = [1], strides = [1]} : vector<16xi32> to vector<1xi32>
    %squeeze3A_1038 = vector.extract %slice3A_1037[0] : i32 from vector<1xi32>
    %dma_start3A_1039 = arith.constant 52 : i32
    %dma_start3A_1040 = arith.constant 0 : i32
    %dma_start3A_1041 = tpu.memref_slice %arg26[%dma_start3A_1039, %dma_start3A_1040] : memref<100x128xf32, #tpu.memory_space<vmem>> -> memref<1x128xf32, #tpu.memory_space<vmem>>
    %dma_start3A_1042 = tpu.memref_squeeze %dma_start3A_1041 : memref<1x128xf32, #tpu.memory_space<vmem>> -> memref<128xf32, #tpu.memory_space<vmem>>
    %dma_start3A_1043 = arith.constant 0 : i32
    %dma_start3A_1044 = tpu.memref_slice %arg7[%squeeze3A_1038, %dma_start3A_1043] : memref<100000x128xf32, #tpu.memory_space<hbm>> -> memref<1x128xf32, #tpu.memory_space<hbm>>
    %dma_start3A_1045 = tpu.memref_squeeze %dma_start3A_1044 : memref<1x128xf32, #tpu.memory_space<hbm>> -> memref<128xf32, #tpu.memory_space<hbm>>
    %dma_start3A_1046 = arith.constant 0 : i32
    %dma_start3A_1047 = tpu.memref_slice %arg26[%dma_start3A_1039, %dma_start3A_1046] : memref<100x128xf32, #tpu.memory_space<vmem>> -> memref<1x128xf32, #tpu.memory_space<vmem>>
    %dma_start3A_1048 = tpu.memref_squeeze %dma_start3A_1047 : memref<1x128xf32, #tpu.memory_space<vmem>> -> memref<128xf32, #tpu.memory_space<vmem>>
    %dma_start3A_1049 = arith.constant 0 : i32
    %dma_start3A_1050 = tpu.memref_slice %arg7[%squeeze3A_1038, %dma_start3A_1049] : memref<100000x128xf32, #tpu.memory_space<hbm>> -> memref<1x128xf32, #tpu.memory_space<hbm>>
    %dma_start3A_1051 = tpu.memref_squeeze %dma_start3A_1050 : memref<1x128xf32, #tpu.memory_space<hbm>> -> memref<128xf32, #tpu.memory_space<hbm>>
    tpu.enqueue_dma source(%dma_start3A_1051 : memref<128xf32, #tpu.memory_space<hbm>>) target(%dma_start3A_1048 : memref<128xf32, #tpu.memory_space<vmem>>) target_semaphore(%arg27 : memref<!tpu.dma_semaphore, #tpu.memory_space<semaphore_mem>>)
    %slice3A_1052 = vector.extract_strided_slice %get3A_976 {offsets = [5], sizes = [1], strides = [1]} : vector<16xi32> to vector<1xi32>
    %squeeze3A_1053 = vector.extract %slice3A_1052[0] : i32 from vector<1xi32>
    %dma_start3A_1054 = arith.constant 53 : i32
    %dma_start3A_1055 = arith.constant 0 : i32
    %dma_start3A_1056 = tpu.memref_slice %arg26[%dma_start3A_1054, %dma_start3A_1055] : memref<100x128xf32, #tpu.memory_space<vmem>> -> memref<1x128xf32, #tpu.memory_space<vmem>>
    %dma_start3A_1057 = tpu.memref_squeeze %dma_start3A_1056 : memref<1x128xf32, #tpu.memory_space<vmem>> -> memref<128xf32, #tpu.memory_space<vmem>>
    %dma_start3A_1058 = arith.constant 0 : i32
    %dma_start3A_1059 = tpu.memref_slice %arg7[%squeeze3A_1053, %dma_start3A_1058] : memref<100000x128xf32, #tpu.memory_space<hbm>> -> memref<1x128xf32, #tpu.memory_space<hbm>>
    %dma_start3A_1060 = tpu.memref_squeeze %dma_start3A_1059 : memref<1x128xf32, #tpu.memory_space<hbm>> -> memref<128xf32, #tpu.memory_space<hbm>>
    %dma_start3A_1061 = arith.constant 0 : i32
    %dma_start3A_1062 = tpu.memref_slice %arg26[%dma_start3A_1054, %dma_start3A_1061] : memref<100x128xf32, #tpu.memory_space<vmem>> -> memref<1x128xf32, #tpu.memory_space<vmem>>
    %dma_start3A_1063 = tpu.memref_squeeze %dma_start3A_1062 : memref<1x128xf32, #tpu.memory_space<vmem>> -> memref<128xf32, #tpu.memory_space<vmem>>
    %dma_start3A_1064 = arith.constant 0 : i32
    %dma_start3A_1065 = tpu.memref_slice %arg7[%squeeze3A_1053, %dma_start3A_1064] : memref<100000x128xf32, #tpu.memory_space<hbm>> -> memref<1x128xf32, #tpu.memory_space<hbm>>
    %dma_start3A_1066 = tpu.memref_squeeze %dma_start3A_1065 : memref<1x128xf32, #tpu.memory_space<hbm>> -> memref<128xf32, #tpu.memory_space<hbm>>
    tpu.enqueue_dma source(%dma_start3A_1066 : memref<128xf32, #tpu.memory_space<hbm>>) target(%dma_start3A_1063 : memref<128xf32, #tpu.memory_space<vmem>>) target_semaphore(%arg28 : memref<!tpu.dma_semaphore, #tpu.memory_space<semaphore_mem>>)
    %slice3A_1067 = vector.extract_strided_slice %get3A_976 {offsets = [6], sizes = [1], strides = [1]} : vector<16xi32> to vector<1xi32>
    %squeeze3A_1068 = vector.extract %slice3A_1067[0] : i32 from vector<1xi32>
    %dma_start3A_1069 = arith.constant 54 : i32
    %dma_start3A_1070 = arith.constant 0 : i32
    %dma_start3A_1071 = tpu.memref_slice %arg26[%dma_start3A_1069, %dma_start3A_1070] : memref<100x128xf32, #tpu.memory_space<vmem>> -> memref<1x128xf32, #tpu.memory_space<vmem>>
    %dma_start3A_1072 = tpu.memref_squeeze %dma_start3A_1071 : memref<1x128xf32, #tpu.memory_space<vmem>> -> memref<128xf32, #tpu.memory_space<vmem>>
    %dma_start3A_1073 = arith.constant 0 : i32
    %dma_start3A_1074 = tpu.memref_slice %arg7[%squeeze3A_1068, %dma_start3A_1073] : memref<100000x128xf32, #tpu.memory_space<hbm>> -> memref<1x128xf32, #tpu.memory_space<hbm>>
    %dma_start3A_1075 = tpu.memref_squeeze %dma_start3A_1074 : memref<1x128xf32, #tpu.memory_space<hbm>> -> memref<128xf32, #tpu.memory_space<hbm>>
    %dma_start3A_1076 = arith.constant 0 : i32
    %dma_start3A_1077 = tpu.memref_slice %arg26[%dma_start3A_1069, %dma_start3A_1076] : memref<100x128xf32, #tpu.memory_space<vmem>> -> memref<1x128xf32, #tpu.memory_space<vmem>>
    %dma_start3A_1078 = tpu.memref_squeeze %dma_start3A_1077 : memref<1x128xf32, #tpu.memory_space<vmem>> -> memref<128xf32, #tpu.memory_space<vmem>>
    %dma_start3A_1079 = arith.constant 0 : i32
    %dma_start3A_1080 = tpu.memref_slice %arg7[%squeeze3A_1068, %dma_start3A_1079] : memref<100000x128xf32, #tpu.memory_space<hbm>> -> memref<1x128xf32, #tpu.memory_space<hbm>>
    %dma_start3A_1081 = tpu.memref_squeeze %dma_start3A_1080 : memref<1x128xf32, #tpu.memory_space<hbm>> -> memref<128xf32, #tpu.memory_space<hbm>>
    tpu.enqueue_dma source(%dma_start3A_1081 : memref<128xf32, #tpu.memory_space<hbm>>) target(%dma_start3A_1078 : memref<128xf32, #tpu.memory_space<vmem>>) target_semaphore(%arg27 : memref<!tpu.dma_semaphore, #tpu.memory_space<semaphore_mem>>)
    %slice3A_1082 = vector.extract_strided_slice %get3A_976 {offsets = [7], sizes = [1], strides = [1]} : vector<16xi32> to vector<1xi32>
    %squeeze3A_1083 = vector.extract %slice3A_1082[0] : i32 from vector<1xi32>
    %dma_start3A_1084 = arith.constant 55 : i32
    %dma_start3A_1085 = arith.constant 0 : i32
    %dma_start3A_1086 = tpu.memref_slice %arg26[%dma_start3A_1084, %dma_start3A_1085] : memref<100x128xf32, #tpu.memory_space<vmem>> -> memref<1x128xf32, #tpu.memory_space<vmem>>
    %dma_start3A_1087 = tpu.memref_squeeze %dma_start3A_1086 : memref<1x128xf32, #tpu.memory_space<vmem>> -> memref<128xf32, #tpu.memory_space<vmem>>
    %dma_start3A_1088 = arith.constant 0 : i32
    %dma_start3A_1089 = tpu.memref_slice %arg7[%squeeze3A_1083, %dma_start3A_1088] : memref<100000x128xf32, #tpu.memory_space<hbm>> -> memref<1x128xf32, #tpu.memory_space<hbm>>
    %dma_start3A_1090 = tpu.memref_squeeze %dma_start3A_1089 : memref<1x128xf32, #tpu.memory_space<hbm>> -> memref<128xf32, #tpu.memory_space<hbm>>
    %dma_start3A_1091 = arith.constant 0 : i32
    %dma_start3A_1092 = tpu.memref_slice %arg26[%dma_start3A_1084, %dma_start3A_1091] : memref<100x128xf32, #tpu.memory_space<vmem>> -> memref<1x128xf32, #tpu.memory_space<vmem>>
    %dma_start3A_1093 = tpu.memref_squeeze %dma_start3A_1092 : memref<1x128xf32, #tpu.memory_space<vmem>> -> memref<128xf32, #tpu.memory_space<vmem>>
    %dma_start3A_1094 = arith.constant 0 : i32
    %dma_start3A_1095 = tpu.memref_slice %arg7[%squeeze3A_1083, %dma_start3A_1094] : memref<100000x128xf32, #tpu.memory_space<hbm>> -> memref<1x128xf32, #tpu.memory_space<hbm>>
    %dma_start3A_1096 = tpu.memref_squeeze %dma_start3A_1095 : memref<1x128xf32, #tpu.memory_space<hbm>> -> memref<128xf32, #tpu.memory_space<hbm>>
    tpu.enqueue_dma source(%dma_start3A_1096 : memref<128xf32, #tpu.memory_space<hbm>>) target(%dma_start3A_1093 : memref<128xf32, #tpu.memory_space<vmem>>) target_semaphore(%arg28 : memref<!tpu.dma_semaphore, #tpu.memory_space<semaphore_mem>>)
    %slice3A_1097 = vector.extract_strided_slice %get3A_976 {offsets = [8], sizes = [1], strides = [1]} : vector<16xi32> to vector<1xi32>
    %squeeze3A_1098 = vector.extract %slice3A_1097[0] : i32 from vector<1xi32>
    %dma_start3A_1099 = arith.constant 56 : i32
    %dma_start3A_1100 = arith.constant 0 : i32
    %dma_start3A_1101 = tpu.memref_slice %arg26[%dma_start3A_1099, %dma_start3A_1100] : memref<100x128xf32, #tpu.memory_space<vmem>> -> memref<1x128xf32, #tpu.memory_space<vmem>>
    %dma_start3A_1102 = tpu.memref_squeeze %dma_start3A_1101 : memref<1x128xf32, #tpu.memory_space<vmem>> -> memref<128xf32, #tpu.memory_space<vmem>>
    %dma_start3A_1103 = arith.constant 0 : i32
    %dma_start3A_1104 = tpu.memref_slice %arg7[%squeeze3A_1098, %dma_start3A_1103] : memref<100000x128xf32, #tpu.memory_space<hbm>> -> memref<1x128xf32, #tpu.memory_space<hbm>>
    %dma_start3A_1105 = tpu.memref_squeeze %dma_start3A_1104 : memref<1x128xf32, #tpu.memory_space<hbm>> -> memref<128xf32, #tpu.memory_space<hbm>>
    %dma_start3A_1106 = arith.constant 0 : i32
    %dma_start3A_1107 = tpu.memref_slice %arg26[%dma_start3A_1099, %dma_start3A_1106] : memref<100x128xf32, #tpu.memory_space<vmem>> -> memref<1x128xf32, #tpu.memory_space<vmem>>
    %dma_start3A_1108 = tpu.memref_squeeze %dma_start3A_1107 : memref<1x128xf32, #tpu.memory_space<vmem>> -> memref<128xf32, #tpu.memory_space<vmem>>
    %dma_start3A_1109 = arith.constant 0 : i32
    %dma_start3A_1110 = tpu.memref_slice %arg7[%squeeze3A_1098, %dma_start3A_1109] : memref<100000x128xf32, #tpu.memory_space<hbm>> -> memref<1x128xf32, #tpu.memory_space<hbm>>
    %dma_start3A_1111 = tpu.memref_squeeze %dma_start3A_1110 : memref<1x128xf32, #tpu.memory_space<hbm>> -> memref<128xf32, #tpu.memory_space<hbm>>
    tpu.enqueue_dma source(%dma_start3A_1111 : memref<128xf32, #tpu.memory_space<hbm>>) target(%dma_start3A_1108 : memref<128xf32, #tpu.memory_space<vmem>>) target_semaphore(%arg27 : memref<!tpu.dma_semaphore, #tpu.memory_space<semaphore_mem>>)
    %slice3A_1112 = vector.extract_strided_slice %get3A_976 {offsets = [9], sizes = [1], strides = [1]} : vector<16xi32> to vector<1xi32>
    %squeeze3A_1113 = vector.extract %slice3A_1112[0] : i32 from vector<1xi32>
    %dma_start3A_1114 = arith.constant 57 : i32
    %dma_start3A_1115 = arith.constant 0 : i32
    %dma_start3A_1116 = tpu.memref_slice %arg26[%dma_start3A_1114, %dma_start3A_1115] : memref<100x128xf32, #tpu.memory_space<vmem>> -> memref<1x128xf32, #tpu.memory_space<vmem>>
    %dma_start3A_1117 = tpu.memref_squeeze %dma_start3A_1116 : memref<1x128xf32, #tpu.memory_space<vmem>> -> memref<128xf32, #tpu.memory_space<vmem>>
    %dma_start3A_1118 = arith.constant 0 : i32
    %dma_start3A_1119 = tpu.memref_slice %arg7[%squeeze3A_1113, %dma_start3A_1118] : memref<100000x128xf32, #tpu.memory_space<hbm>> -> memref<1x128xf32, #tpu.memory_space<hbm>>
    %dma_start3A_1120 = tpu.memref_squeeze %dma_start3A_1119 : memref<1x128xf32, #tpu.memory_space<hbm>> -> memref<128xf32, #tpu.memory_space<hbm>>
    %dma_start3A_1121 = arith.constant 0 : i32
    %dma_start3A_1122 = tpu.memref_slice %arg26[%dma_start3A_1114, %dma_start3A_1121] : memref<100x128xf32, #tpu.memory_space<vmem>> -> memref<1x128xf32, #tpu.memory_space<vmem>>
    %dma_start3A_1123 = tpu.memref_squeeze %dma_start3A_1122 : memref<1x128xf32, #tpu.memory_space<vmem>> -> memref<128xf32, #tpu.memory_space<vmem>>
    %dma_start3A_1124 = arith.constant 0 : i32
    %dma_start3A_1125 = tpu.memref_slice %arg7[%squeeze3A_1113, %dma_start3A_1124] : memref<100000x128xf32, #tpu.memory_space<hbm>> -> memref<1x128xf32, #tpu.memory_space<hbm>>
    %dma_start3A_1126 = tpu.memref_squeeze %dma_start3A_1125 : memref<1x128xf32, #tpu.memory_space<hbm>> -> memref<128xf32, #tpu.memory_space<hbm>>
    tpu.enqueue_dma source(%dma_start3A_1126 : memref<128xf32, #tpu.memory_space<hbm>>) target(%dma_start3A_1123 : memref<128xf32, #tpu.memory_space<vmem>>) target_semaphore(%arg28 : memref<!tpu.dma_semaphore, #tpu.memory_space<semaphore_mem>>)
    %slice3A_1127 = vector.extract_strided_slice %get3A_976 {offsets = [10], sizes = [1], strides = [1]} : vector<16xi32> to vector<1xi32>
    %squeeze3A_1128 = vector.extract %slice3A_1127[0] : i32 from vector<1xi32>
    %dma_start3A_1129 = arith.constant 58 : i32
    %dma_start3A_1130 = arith.constant 0 : i32
    %dma_start3A_1131 = tpu.memref_slice %arg26[%dma_start3A_1129, %dma_start3A_1130] : memref<100x128xf32, #tpu.memory_space<vmem>> -> memref<1x128xf32, #tpu.memory_space<vmem>>
    %dma_start3A_1132 = tpu.memref_squeeze %dma_start3A_1131 : memref<1x128xf32, #tpu.memory_space<vmem>> -> memref<128xf32, #tpu.memory_space<vmem>>
    %dma_start3A_1133 = arith.constant 0 : i32
    %dma_start3A_1134 = tpu.memref_slice %arg7[%squeeze3A_1128, %dma_start3A_1133] : memref<100000x128xf32, #tpu.memory_space<hbm>> -> memref<1x128xf32, #tpu.memory_space<hbm>>
    %dma_start3A_1135 = tpu.memref_squeeze %dma_start3A_1134 : memref<1x128xf32, #tpu.memory_space<hbm>> -> memref<128xf32, #tpu.memory_space<hbm>>
    %dma_start3A_1136 = arith.constant 0 : i32
    %dma_start3A_1137 = tpu.memref_slice %arg26[%dma_start3A_1129, %dma_start3A_1136] : memref<100x128xf32, #tpu.memory_space<vmem>> -> memref<1x128xf32, #tpu.memory_space<vmem>>
    %dma_start3A_1138 = tpu.memref_squeeze %dma_start3A_1137 : memref<1x128xf32, #tpu.memory_space<vmem>> -> memref<128xf32, #tpu.memory_space<vmem>>
    %dma_start3A_1139 = arith.constant 0 : i32
    %dma_start3A_1140 = tpu.memref_slice %arg7[%squeeze3A_1128, %dma_start3A_1139] : memref<100000x128xf32, #tpu.memory_space<hbm>> -> memref<1x128xf32, #tpu.memory_space<hbm>>
    %dma_start3A_1141 = tpu.memref_squeeze %dma_start3A_1140 : memref<1x128xf32, #tpu.memory_space<hbm>> -> memref<128xf32, #tpu.memory_space<hbm>>
    tpu.enqueue_dma source(%dma_start3A_1141 : memref<128xf32, #tpu.memory_space<hbm>>) target(%dma_start3A_1138 : memref<128xf32, #tpu.memory_space<vmem>>) target_semaphore(%arg27 : memref<!tpu.dma_semaphore, #tpu.memory_space<semaphore_mem>>)
    %slice3A_1142 = vector.extract_strided_slice %get3A_976 {offsets = [11], sizes = [1], strides = [1]} : vector<16xi32> to vector<1xi32>
    %squeeze3A_1143 = vector.extract %slice3A_1142[0] : i32 from vector<1xi32>
    %dma_start3A_1144 = arith.constant 59 : i32
    %dma_start3A_1145 = arith.constant 0 : i32
    %dma_start3A_1146 = tpu.memref_slice %arg26[%dma_start3A_1144, %dma_start3A_1145] : memref<100x128xf32, #tpu.memory_space<vmem>> -> memref<1x128xf32, #tpu.memory_space<vmem>>
    %dma_start3A_1147 = tpu.memref_squeeze %dma_start3A_1146 : memref<1x128xf32, #tpu.memory_space<vmem>> -> memref<128xf32, #tpu.memory_space<vmem>>
    %dma_start3A_1148 = arith.constant 0 : i32
    %dma_start3A_1149 = tpu.memref_slice %arg7[%squeeze3A_1143, %dma_start3A_1148] : memref<100000x128xf32, #tpu.memory_space<hbm>> -> memref<1x128xf32, #tpu.memory_space<hbm>>
    %dma_start3A_1150 = tpu.memref_squeeze %dma_start3A_1149 : memref<1x128xf32, #tpu.memory_space<hbm>> -> memref<128xf32, #tpu.memory_space<hbm>>
    %dma_start3A_1151 = arith.constant 0 : i32
    %dma_start3A_1152 = tpu.memref_slice %arg26[%dma_start3A_1144, %dma_start3A_1151] : memref<100x128xf32, #tpu.memory_space<vmem>> -> memref<1x128xf32, #tpu.memory_space<vmem>>
    %dma_start3A_1153 = tpu.memref_squeeze %dma_start3A_1152 : memref<1x128xf32, #tpu.memory_space<vmem>> -> memref<128xf32, #tpu.memory_space<vmem>>
    %dma_start3A_1154 = arith.constant 0 : i32
    %dma_start3A_1155 = tpu.memref_slice %arg7[%squeeze3A_1143, %dma_start3A_1154] : memref<100000x128xf32, #tpu.memory_space<hbm>> -> memref<1x128xf32, #tpu.memory_space<hbm>>
    %dma_start3A_1156 = tpu.memref_squeeze %dma_start3A_1155 : memref<1x128xf32, #tpu.memory_space<hbm>> -> memref<128xf32, #tpu.memory_space<hbm>>
    tpu.enqueue_dma source(%dma_start3A_1156 : memref<128xf32, #tpu.memory_space<hbm>>) target(%dma_start3A_1153 : memref<128xf32, #tpu.memory_space<vmem>>) target_semaphore(%arg28 : memref<!tpu.dma_semaphore, #tpu.memory_space<semaphore_mem>>)
    %slice3A_1157 = vector.extract_strided_slice %get3A_976 {offsets = [12], sizes = [1], strides = [1]} : vector<16xi32> to vector<1xi32>
    %squeeze3A_1158 = vector.extract %slice3A_1157[0] : i32 from vector<1xi32>
    %dma_start3A_1159 = arith.constant 60 : i32
    %dma_start3A_1160 = arith.constant 0 : i32
    %dma_start3A_1161 = tpu.memref_slice %arg26[%dma_start3A_1159, %dma_start3A_1160] : memref<100x128xf32, #tpu.memory_space<vmem>> -> memref<1x128xf32, #tpu.memory_space<vmem>>
    %dma_start3A_1162 = tpu.memref_squeeze %dma_start3A_1161 : memref<1x128xf32, #tpu.memory_space<vmem>> -> memref<128xf32, #tpu.memory_space<vmem>>
    %dma_start3A_1163 = arith.constant 0 : i32
    %dma_start3A_1164 = tpu.memref_slice %arg7[%squeeze3A_1158, %dma_start3A_1163] : memref<100000x128xf32, #tpu.memory_space<hbm>> -> memref<1x128xf32, #tpu.memory_space<hbm>>
    %dma_start3A_1165 = tpu.memref_squeeze %dma_start3A_1164 : memref<1x128xf32, #tpu.memory_space<hbm>> -> memref<128xf32, #tpu.memory_space<hbm>>
    %dma_start3A_1166 = arith.constant 0 : i32
    %dma_start3A_1167 = tpu.memref_slice %arg26[%dma_start3A_1159, %dma_start3A_1166] : memref<100x128xf32, #tpu.memory_space<vmem>> -> memref<1x128xf32, #tpu.memory_space<vmem>>
    %dma_start3A_1168 = tpu.memref_squeeze %dma_start3A_1167 : memref<1x128xf32, #tpu.memory_space<vmem>> -> memref<128xf32, #tpu.memory_space<vmem>>
    %dma_start3A_1169 = arith.constant 0 : i32
    %dma_start3A_1170 = tpu.memref_slice %arg7[%squeeze3A_1158, %dma_start3A_1169] : memref<100000x128xf32, #tpu.memory_space<hbm>> -> memref<1x128xf32, #tpu.memory_space<hbm>>
    %dma_start3A_1171 = tpu.memref_squeeze %dma_start3A_1170 : memref<1x128xf32, #tpu.memory_space<hbm>> -> memref<128xf32, #tpu.memory_space<hbm>>
    tpu.enqueue_dma source(%dma_start3A_1171 : memref<128xf32, #tpu.memory_space<hbm>>) target(%dma_start3A_1168 : memref<128xf32, #tpu.memory_space<vmem>>) target_semaphore(%arg27 : memref<!tpu.dma_semaphore, #tpu.memory_space<semaphore_mem>>)
    %slice3A_1172 = vector.extract_strided_slice %get3A_976 {offsets = [13], sizes = [1], strides = [1]} : vector<16xi32> to vector<1xi32>
    %squeeze3A_1173 = vector.extract %slice3A_1172[0] : i32 from vector<1xi32>
    %dma_start3A_1174 = arith.constant 61 : i32
    %dma_start3A_1175 = arith.constant 0 : i32
    %dma_start3A_1176 = tpu.memref_slice %arg26[%dma_start3A_1174, %dma_start3A_1175] : memref<100x128xf32, #tpu.memory_space<vmem>> -> memref<1x128xf32, #tpu.memory_space<vmem>>
    %dma_start3A_1177 = tpu.memref_squeeze %dma_start3A_1176 : memref<1x128xf32, #tpu.memory_space<vmem>> -> memref<128xf32, #tpu.memory_space<vmem>>
    %dma_start3A_1178 = arith.constant 0 : i32
    %dma_start3A_1179 = tpu.memref_slice %arg7[%squeeze3A_1173, %dma_start3A_1178] : memref<100000x128xf32, #tpu.memory_space<hbm>> -> memref<1x128xf32, #tpu.memory_space<hbm>>
    %dma_start3A_1180 = tpu.memref_squeeze %dma_start3A_1179 : memref<1x128xf32, #tpu.memory_space<hbm>> -> memref<128xf32, #tpu.memory_space<hbm>>
    %dma_start3A_1181 = arith.constant 0 : i32
    %dma_start3A_1182 = tpu.memref_slice %arg26[%dma_start3A_1174, %dma_start3A_1181] : memref<100x128xf32, #tpu.memory_space<vmem>> -> memref<1x128xf32, #tpu.memory_space<vmem>>
    %dma_start3A_1183 = tpu.memref_squeeze %dma_start3A_1182 : memref<1x128xf32, #tpu.memory_space<vmem>> -> memref<128xf32, #tpu.memory_space<vmem>>
    %dma_start3A_1184 = arith.constant 0 : i32
    %dma_start3A_1185 = tpu.memref_slice %arg7[%squeeze3A_1173, %dma_start3A_1184] : memref<100000x128xf32, #tpu.memory_space<hbm>> -> memref<1x128xf32, #tpu.memory_space<hbm>>
    %dma_start3A_1186 = tpu.memref_squeeze %dma_start3A_1185 : memref<1x128xf32, #tpu.memory_space<hbm>> -> memref<128xf32, #tpu.memory_space<hbm>>
    tpu.enqueue_dma source(%dma_start3A_1186 : memref<128xf32, #tpu.memory_space<hbm>>) target(%dma_start3A_1183 : memref<128xf32, #tpu.memory_space<vmem>>) target_semaphore(%arg28 : memref<!tpu.dma_semaphore, #tpu.memory_space<semaphore_mem>>)
    %slice3A_1187 = vector.extract_strided_slice %get3A_976 {offsets = [14], sizes = [1], strides = [1]} : vector<16xi32> to vector<1xi32>
    %squeeze3A_1188 = vector.extract %slice3A_1187[0] : i32 from vector<1xi32>
    %dma_start3A_1189 = arith.constant 62 : i32
    %dma_start3A_1190 = arith.constant 0 : i32
    %dma_start3A_1191 = tpu.memref_slice %arg26[%dma_start3A_1189, %dma_start3A_1190] : memref<100x128xf32, #tpu.memory_space<vmem>> -> memref<1x128xf32, #tpu.memory_space<vmem>>
    %dma_start3A_1192 = tpu.memref_squeeze %dma_start3A_1191 : memref<1x128xf32, #tpu.memory_space<vmem>> -> memref<128xf32, #tpu.memory_space<vmem>>
    %dma_start3A_1193 = arith.constant 0 : i32
    %dma_start3A_1194 = tpu.memref_slice %arg7[%squeeze3A_1188, %dma_start3A_1193] : memref<100000x128xf32, #tpu.memory_space<hbm>> -> memref<1x128xf32, #tpu.memory_space<hbm>>
    %dma_start3A_1195 = tpu.memref_squeeze %dma_start3A_1194 : memref<1x128xf32, #tpu.memory_space<hbm>> -> memref<128xf32, #tpu.memory_space<hbm>>
    %dma_start3A_1196 = arith.constant 0 : i32
    %dma_start3A_1197 = tpu.memref_slice %arg26[%dma_start3A_1189, %dma_start3A_1196] : memref<100x128xf32, #tpu.memory_space<vmem>> -> memref<1x128xf32, #tpu.memory_space<vmem>>
    %dma_start3A_1198 = tpu.memref_squeeze %dma_start3A_1197 : memref<1x128xf32, #tpu.memory_space<vmem>> -> memref<128xf32, #tpu.memory_space<vmem>>
    %dma_start3A_1199 = arith.constant 0 : i32
    %dma_start3A_1200 = tpu.memref_slice %arg7[%squeeze3A_1188, %dma_start3A_1199] : memref<100000x128xf32, #tpu.memory_space<hbm>> -> memref<1x128xf32, #tpu.memory_space<hbm>>
    %dma_start3A_1201 = tpu.memref_squeeze %dma_start3A_1200 : memref<1x128xf32, #tpu.memory_space<hbm>> -> memref<128xf32, #tpu.memory_space<hbm>>
    tpu.enqueue_dma source(%dma_start3A_1201 : memref<128xf32, #tpu.memory_space<hbm>>) target(%dma_start3A_1198 : memref<128xf32, #tpu.memory_space<vmem>>) target_semaphore(%arg27 : memref<!tpu.dma_semaphore, #tpu.memory_space<semaphore_mem>>)
    %slice3A_1202 = vector.extract_strided_slice %get3A_976 {offsets = [15], sizes = [1], strides = [1]} : vector<16xi32> to vector<1xi32>
    %squeeze3A_1203 = vector.extract %slice3A_1202[0] : i32 from vector<1xi32>
    %dma_start3A_1204 = arith.constant 63 : i32
    %dma_start3A_1205 = arith.constant 0 : i32
    %dma_start3A_1206 = tpu.memref_slice %arg26[%dma_start3A_1204, %dma_start3A_1205] : memref<100x128xf32, #tpu.memory_space<vmem>> -> memref<1x128xf32, #tpu.memory_space<vmem>>
    %dma_start3A_1207 = tpu.memref_squeeze %dma_start3A_1206 : memref<1x128xf32, #tpu.memory_space<vmem>> -> memref<128xf32, #tpu.memory_space<vmem>>
    %dma_start3A_1208 = arith.constant 0 : i32
    %dma_start3A_1209 = tpu.memref_slice %arg7[%squeeze3A_1203, %dma_start3A_1208] : memref<100000x128xf32, #tpu.memory_space<hbm>> -> memref<1x128xf32, #tpu.memory_space<hbm>>
    %dma_start3A_1210 = tpu.memref_squeeze %dma_start3A_1209 : memref<1x128xf32, #tpu.memory_space<hbm>> -> memref<128xf32, #tpu.memory_space<hbm>>
    %dma_start3A_1211 = arith.constant 0 : i32
    %dma_start3A_1212 = tpu.memref_slice %arg26[%dma_start3A_1204, %dma_start3A_1211] : memref<100x128xf32, #tpu.memory_space<vmem>> -> memref<1x128xf32, #tpu.memory_space<vmem>>
    %dma_start3A_1213 = tpu.memref_squeeze %dma_start3A_1212 : memref<1x128xf32, #tpu.memory_space<vmem>> -> memref<128xf32, #tpu.memory_space<vmem>>
    %dma_start3A_1214 = arith.constant 0 : i32
    %dma_start3A_1215 = tpu.memref_slice %arg7[%squeeze3A_1203, %dma_start3A_1214] : memref<100000x128xf32, #tpu.memory_space<hbm>> -> memref<1x128xf32, #tpu.memory_space<hbm>>
    %dma_start3A_1216 = tpu.memref_squeeze %dma_start3A_1215 : memref<1x128xf32, #tpu.memory_space<hbm>> -> memref<128xf32, #tpu.memory_space<hbm>>
    tpu.enqueue_dma source(%dma_start3A_1216 : memref<128xf32, #tpu.memory_space<hbm>>) target(%dma_start3A_1213 : memref<128xf32, #tpu.memory_space<vmem>>) target_semaphore(%arg28 : memref<!tpu.dma_semaphore, #tpu.memory_space<semaphore_mem>>)
    %get3A_1217 = arith.constant 64 : index
    %get3A_1218 = tpu.vector_load %arg20[%get3A_1217] {strides = array<i32>} : memref<112xi32, #tpu.memory_space<vmem>>, vector<16xi32>,
    %slice3A_1219 = vector.extract_strided_slice %get3A_1218 {offsets = [0], sizes = [1], strides = [1]} : vector<16xi32> to vector<1xi32>
    %squeeze3A_1220 = vector.extract %slice3A_1219[0] : i32 from vector<1xi32>
    %dma_start3A_1221 = arith.constant 64 : i32
    %dma_start3A_1222 = arith.constant 0 : i32
    %dma_start3A_1223 = tpu.memref_slice %arg26[%dma_start3A_1221, %dma_start3A_1222] : memref<100x128xf32, #tpu.memory_space<vmem>> -> memref<1x128xf32, #tpu.memory_space<vmem>>
    %dma_start3A_1224 = tpu.memref_squeeze %dma_start3A_1223 : memref<1x128xf32, #tpu.memory_space<vmem>> -> memref<128xf32, #tpu.memory_space<vmem>>
    %dma_start3A_1225 = arith.constant 0 : i32
    %dma_start3A_1226 = tpu.memref_slice %arg7[%squeeze3A_1220, %dma_start3A_1225] : memref<100000x128xf32, #tpu.memory_space<hbm>> -> memref<1x128xf32, #tpu.memory_space<hbm>>
    %dma_start3A_1227 = tpu.memref_squeeze %dma_start3A_1226 : memref<1x128xf32, #tpu.memory_space<hbm>> -> memref<128xf32, #tpu.memory_space<hbm>>
    %dma_start3A_1228 = arith.constant 0 : i32
    %dma_start3A_1229 = tpu.memref_slice %arg26[%dma_start3A_1221, %dma_start3A_1228] : memref<100x128xf32, #tpu.memory_space<vmem>> -> memref<1x128xf32, #tpu.memory_space<vmem>>
    %dma_start3A_1230 = tpu.memref_squeeze %dma_start3A_1229 : memref<1x128xf32, #tpu.memory_space<vmem>> -> memref<128xf32, #tpu.memory_space<vmem>>
    %dma_start3A_1231 = arith.constant 0 : i32
    %dma_start3A_1232 = tpu.memref_slice %arg7[%squeeze3A_1220, %dma_start3A_1231] : memref<100000x128xf32, #tpu.memory_space<hbm>> -> memref<1x128xf32, #tpu.memory_space<hbm>>
    %dma_start3A_1233 = tpu.memref_squeeze %dma_start3A_1232 : memref<1x128xf32, #tpu.memory_space<hbm>> -> memref<128xf32, #tpu.memory_space<hbm>>
    tpu.enqueue_dma source(%dma_start3A_1233 : memref<128xf32, #tpu.memory_space<hbm>>) target(%dma_start3A_1230 : memref<128xf32, #tpu.memory_space<vmem>>) target_semaphore(%arg27 : memref<!tpu.dma_semaphore, #tpu.memory_space<semaphore_mem>>)
    %slice3A_1234 = vector.extract_strided_slice %get3A_1218 {offsets = [1], sizes = [1], strides = [1]} : vector<16xi32> to vector<1xi32>
    %squeeze3A_1235 = vector.extract %slice3A_1234[0] : i32 from vector<1xi32>
    %dma_start3A_1236 = arith.constant 65 : i32
    %dma_start3A_1237 = arith.constant 0 : i32
    %dma_start3A_1238 = tpu.memref_slice %arg26[%dma_start3A_1236, %dma_start3A_1237] : memref<100x128xf32, #tpu.memory_space<vmem>> -> memref<1x128xf32, #tpu.memory_space<vmem>>
    %dma_start3A_1239 = tpu.memref_squeeze %dma_start3A_1238 : memref<1x128xf32, #tpu.memory_space<vmem>> -> memref<128xf32, #tpu.memory_space<vmem>>
    %dma_start3A_1240 = arith.constant 0 : i32
    %dma_start3A_1241 = tpu.memref_slice %arg7[%squeeze3A_1235, %dma_start3A_1240] : memref<100000x128xf32, #tpu.memory_space<hbm>> -> memref<1x128xf32, #tpu.memory_space<hbm>>
    %dma_start3A_1242 = tpu.memref_squeeze %dma_start3A_1241 : memref<1x128xf32, #tpu.memory_space<hbm>> -> memref<128xf32, #tpu.memory_space<hbm>>
    %dma_start3A_1243 = arith.constant 0 : i32
    %dma_start3A_1244 = tpu.memref_slice %arg26[%dma_start3A_1236, %dma_start3A_1243] : memref<100x128xf32, #tpu.memory_space<vmem>> -> memref<1x128xf32, #tpu.memory_space<vmem>>
    %dma_start3A_1245 = tpu.memref_squeeze %dma_start3A_1244 : memref<1x128xf32, #tpu.memory_space<vmem>> -> memref<128xf32, #tpu.memory_space<vmem>>
    %dma_start3A_1246 = arith.constant 0 : i32
    %dma_start3A_1247 = tpu.memref_slice %arg7[%squeeze3A_1235, %dma_start3A_1246] : memref<100000x128xf32, #tpu.memory_space<hbm>> -> memref<1x128xf32, #tpu.memory_space<hbm>>
    %dma_start3A_1248 = tpu.memref_squeeze %dma_start3A_1247 : memref<1x128xf32, #tpu.memory_space<hbm>> -> memref<128xf32, #tpu.memory_space<hbm>>
    tpu.enqueue_dma source(%dma_start3A_1248 : memref<128xf32, #tpu.memory_space<hbm>>) target(%dma_start3A_1245 : memref<128xf32, #tpu.memory_space<vmem>>) target_semaphore(%arg28 : memref<!tpu.dma_semaphore, #tpu.memory_space<semaphore_mem>>)
    %slice3A_1249 = vector.extract_strided_slice %get3A_1218 {offsets = [2], sizes = [1], strides = [1]} : vector<16xi32> to vector<1xi32>
    %squeeze3A_1250 = vector.extract %slice3A_1249[0] : i32 from vector<1xi32>
    %dma_start3A_1251 = arith.constant 66 : i32
    %dma_start3A_1252 = arith.constant 0 : i32
    %dma_start3A_1253 = tpu.memref_slice %arg26[%dma_start3A_1251, %dma_start3A_1252] : memref<100x128xf32, #tpu.memory_space<vmem>> -> memref<1x128xf32, #tpu.memory_space<vmem>>
    %dma_start3A_1254 = tpu.memref_squeeze %dma_start3A_1253 : memref<1x128xf32, #tpu.memory_space<vmem>> -> memref<128xf32, #tpu.memory_space<vmem>>
    %dma_start3A_1255 = arith.constant 0 : i32
    %dma_start3A_1256 = tpu.memref_slice %arg7[%squeeze3A_1250, %dma_start3A_1255] : memref<100000x128xf32, #tpu.memory_space<hbm>> -> memref<1x128xf32, #tpu.memory_space<hbm>>
    %dma_start3A_1257 = tpu.memref_squeeze %dma_start3A_1256 : memref<1x128xf32, #tpu.memory_space<hbm>> -> memref<128xf32, #tpu.memory_space<hbm>>
    %dma_start3A_1258 = arith.constant 0 : i32
    %dma_start3A_1259 = tpu.memref_slice %arg26[%dma_start3A_1251, %dma_start3A_1258] : memref<100x128xf32, #tpu.memory_space<vmem>> -> memref<1x128xf32, #tpu.memory_space<vmem>>
    %dma_start3A_1260 = tpu.memref_squeeze %dma_start3A_1259 : memref<1x128xf32, #tpu.memory_space<vmem>> -> memref<128xf32, #tpu.memory_space<vmem>>
    %dma_start3A_1261 = arith.constant 0 : i32
    %dma_start3A_1262 = tpu.memref_slice %arg7[%squeeze3A_1250, %dma_start3A_1261] : memref<100000x128xf32, #tpu.memory_space<hbm>> -> memref<1x128xf32, #tpu.memory_space<hbm>>
    %dma_start3A_1263 = tpu.memref_squeeze %dma_start3A_1262 : memref<1x128xf32, #tpu.memory_space<hbm>> -> memref<128xf32, #tpu.memory_space<hbm>>
    tpu.enqueue_dma source(%dma_start3A_1263 : memref<128xf32, #tpu.memory_space<hbm>>) target(%dma_start3A_1260 : memref<128xf32, #tpu.memory_space<vmem>>) target_semaphore(%arg27 : memref<!tpu.dma_semaphore, #tpu.memory_space<semaphore_mem>>)
    %slice3A_1264 = vector.extract_strided_slice %get3A_1218 {offsets = [3], sizes = [1], strides = [1]} : vector<16xi32> to vector<1xi32>
    %squeeze3A_1265 = vector.extract %slice3A_1264[0] : i32 from vector<1xi32>
    %dma_start3A_1266 = arith.constant 67 : i32
    %dma_start3A_1267 = arith.constant 0 : i32
    %dma_start3A_1268 = tpu.memref_slice %arg26[%dma_start3A_1266, %dma_start3A_1267] : memref<100x128xf32, #tpu.memory_space<vmem>> -> memref<1x128xf32, #tpu.memory_space<vmem>>
    %dma_start3A_1269 = tpu.memref_squeeze %dma_start3A_1268 : memref<1x128xf32, #tpu.memory_space<vmem>> -> memref<128xf32, #tpu.memory_space<vmem>>
    %dma_start3A_1270 = arith.constant 0 : i32
    %dma_start3A_1271 = tpu.memref_slice %arg7[%squeeze3A_1265, %dma_start3A_1270] : memref<100000x128xf32, #tpu.memory_space<hbm>> -> memref<1x128xf32, #tpu.memory_space<hbm>>
    %dma_start3A_1272 = tpu.memref_squeeze %dma_start3A_1271 : memref<1x128xf32, #tpu.memory_space<hbm>> -> memref<128xf32, #tpu.memory_space<hbm>>
    %dma_start3A_1273 = arith.constant 0 : i32
    %dma_start3A_1274 = tpu.memref_slice %arg26[%dma_start3A_1266, %dma_start3A_1273] : memref<100x128xf32, #tpu.memory_space<vmem>> -> memref<1x128xf32, #tpu.memory_space<vmem>>
    %dma_start3A_1275 = tpu.memref_squeeze %dma_start3A_1274 : memref<1x128xf32, #tpu.memory_space<vmem>> -> memref<128xf32, #tpu.memory_space<vmem>>
    %dma_start3A_1276 = arith.constant 0 : i32
    %dma_start3A_1277 = tpu.memref_slice %arg7[%squeeze3A_1265, %dma_start3A_1276] : memref<100000x128xf32, #tpu.memory_space<hbm>> -> memref<1x128xf32, #tpu.memory_space<hbm>>
    %dma_start3A_1278 = tpu.memref_squeeze %dma_start3A_1277 : memref<1x128xf32, #tpu.memory_space<hbm>> -> memref<128xf32, #tpu.memory_space<hbm>>
    tpu.enqueue_dma source(%dma_start3A_1278 : memref<128xf32, #tpu.memory_space<hbm>>) target(%dma_start3A_1275 : memref<128xf32, #tpu.memory_space<vmem>>) target_semaphore(%arg28 : memref<!tpu.dma_semaphore, #tpu.memory_space<semaphore_mem>>)
    %slice3A_1279 = vector.extract_strided_slice %get3A_1218 {offsets = [4], sizes = [1], strides = [1]} : vector<16xi32> to vector<1xi32>
    %squeeze3A_1280 = vector.extract %slice3A_1279[0] : i32 from vector<1xi32>
    %dma_start3A_1281 = arith.constant 68 : i32
    %dma_start3A_1282 = arith.constant 0 : i32
    %dma_start3A_1283 = tpu.memref_slice %arg26[%dma_start3A_1281, %dma_start3A_1282] : memref<100x128xf32, #tpu.memory_space<vmem>> -> memref<1x128xf32, #tpu.memory_space<vmem>>
    %dma_start3A_1284 = tpu.memref_squeeze %dma_start3A_1283 : memref<1x128xf32, #tpu.memory_space<vmem>> -> memref<128xf32, #tpu.memory_space<vmem>>
    %dma_start3A_1285 = arith.constant 0 : i32
    %dma_start3A_1286 = tpu.memref_slice %arg7[%squeeze3A_1280, %dma_start3A_1285] : memref<100000x128xf32, #tpu.memory_space<hbm>> -> memref<1x128xf32, #tpu.memory_space<hbm>>
    %dma_start3A_1287 = tpu.memref_squeeze %dma_start3A_1286 : memref<1x128xf32, #tpu.memory_space<hbm>> -> memref<128xf32, #tpu.memory_space<hbm>>
    %dma_start3A_1288 = arith.constant 0 : i32
    %dma_start3A_1289 = tpu.memref_slice %arg26[%dma_start3A_1281, %dma_start3A_1288] : memref<100x128xf32, #tpu.memory_space<vmem>> -> memref<1x128xf32, #tpu.memory_space<vmem>>
    %dma_start3A_1290 = tpu.memref_squeeze %dma_start3A_1289 : memref<1x128xf32, #tpu.memory_space<vmem>> -> memref<128xf32, #tpu.memory_space<vmem>>
    %dma_start3A_1291 = arith.constant 0 : i32
    %dma_start3A_1292 = tpu.memref_slice %arg7[%squeeze3A_1280, %dma_start3A_1291] : memref<100000x128xf32, #tpu.memory_space<hbm>> -> memref<1x128xf32, #tpu.memory_space<hbm>>
    %dma_start3A_1293 = tpu.memref_squeeze %dma_start3A_1292 : memref<1x128xf32, #tpu.memory_space<hbm>> -> memref<128xf32, #tpu.memory_space<hbm>>
    tpu.enqueue_dma source(%dma_start3A_1293 : memref<128xf32, #tpu.memory_space<hbm>>) target(%dma_start3A_1290 : memref<128xf32, #tpu.memory_space<vmem>>) target_semaphore(%arg27 : memref<!tpu.dma_semaphore, #tpu.memory_space<semaphore_mem>>)
    %slice3A_1294 = vector.extract_strided_slice %get3A_1218 {offsets = [5], sizes = [1], strides = [1]} : vector<16xi32> to vector<1xi32>
    %squeeze3A_1295 = vector.extract %slice3A_1294[0] : i32 from vector<1xi32>
    %dma_start3A_1296 = arith.constant 69 : i32
    %dma_start3A_1297 = arith.constant 0 : i32
    %dma_start3A_1298 = tpu.memref_slice %arg26[%dma_start3A_1296, %dma_start3A_1297] : memref<100x128xf32, #tpu.memory_space<vmem>> -> memref<1x128xf32, #tpu.memory_space<vmem>>
    %dma_start3A_1299 = tpu.memref_squeeze %dma_start3A_1298 : memref<1x128xf32, #tpu.memory_space<vmem>> -> memref<128xf32, #tpu.memory_space<vmem>>
    %dma_start3A_1300 = arith.constant 0 : i32
    %dma_start3A_1301 = tpu.memref_slice %arg7[%squeeze3A_1295, %dma_start3A_1300] : memref<100000x128xf32, #tpu.memory_space<hbm>> -> memref<1x128xf32, #tpu.memory_space<hbm>>
    %dma_start3A_1302 = tpu.memref_squeeze %dma_start3A_1301 : memref<1x128xf32, #tpu.memory_space<hbm>> -> memref<128xf32, #tpu.memory_space<hbm>>
    %dma_start3A_1303 = arith.constant 0 : i32
    %dma_start3A_1304 = tpu.memref_slice %arg26[%dma_start3A_1296, %dma_start3A_1303] : memref<100x128xf32, #tpu.memory_space<vmem>> -> memref<1x128xf32, #tpu.memory_space<vmem>>
    %dma_start3A_1305 = tpu.memref_squeeze %dma_start3A_1304 : memref<1x128xf32, #tpu.memory_space<vmem>> -> memref<128xf32, #tpu.memory_space<vmem>>
    %dma_start3A_1306 = arith.constant 0 : i32
    %dma_start3A_1307 = tpu.memref_slice %arg7[%squeeze3A_1295, %dma_start3A_1306] : memref<100000x128xf32, #tpu.memory_space<hbm>> -> memref<1x128xf32, #tpu.memory_space<hbm>>
    %dma_start3A_1308 = tpu.memref_squeeze %dma_start3A_1307 : memref<1x128xf32, #tpu.memory_space<hbm>> -> memref<128xf32, #tpu.memory_space<hbm>>
    tpu.enqueue_dma source(%dma_start3A_1308 : memref<128xf32, #tpu.memory_space<hbm>>) target(%dma_start3A_1305 : memref<128xf32, #tpu.memory_space<vmem>>) target_semaphore(%arg28 : memref<!tpu.dma_semaphore, #tpu.memory_space<semaphore_mem>>)
    %slice3A_1309 = vector.extract_strided_slice %get3A_1218 {offsets = [6], sizes = [1], strides = [1]} : vector<16xi32> to vector<1xi32>
    %squeeze3A_1310 = vector.extract %slice3A_1309[0] : i32 from vector<1xi32>
    %dma_start3A_1311 = arith.constant 70 : i32
    %dma_start3A_1312 = arith.constant 0 : i32
    %dma_start3A_1313 = tpu.memref_slice %arg26[%dma_start3A_1311, %dma_start3A_1312] : memref<100x128xf32, #tpu.memory_space<vmem>> -> memref<1x128xf32, #tpu.memory_space<vmem>>
    %dma_start3A_1314 = tpu.memref_squeeze %dma_start3A_1313 : memref<1x128xf32, #tpu.memory_space<vmem>> -> memref<128xf32, #tpu.memory_space<vmem>>
    %dma_start3A_1315 = arith.constant 0 : i32
    %dma_start3A_1316 = tpu.memref_slice %arg7[%squeeze3A_1310, %dma_start3A_1315] : memref<100000x128xf32, #tpu.memory_space<hbm>> -> memref<1x128xf32, #tpu.memory_space<hbm>>
    %dma_start3A_1317 = tpu.memref_squeeze %dma_start3A_1316 : memref<1x128xf32, #tpu.memory_space<hbm>> -> memref<128xf32, #tpu.memory_space<hbm>>
    %dma_start3A_1318 = arith.constant 0 : i32
    %dma_start3A_1319 = tpu.memref_slice %arg26[%dma_start3A_1311, %dma_start3A_1318] : memref<100x128xf32, #tpu.memory_space<vmem>> -> memref<1x128xf32, #tpu.memory_space<vmem>>
    %dma_start3A_1320 = tpu.memref_squeeze %dma_start3A_1319 : memref<1x128xf32, #tpu.memory_space<vmem>> -> memref<128xf32, #tpu.memory_space<vmem>>
    %dma_start3A_1321 = arith.constant 0 : i32
    %dma_start3A_1322 = tpu.memref_slice %arg7[%squeeze3A_1310, %dma_start3A_1321] : memref<100000x128xf32, #tpu.memory_space<hbm>> -> memref<1x128xf32, #tpu.memory_space<hbm>>
    %dma_start3A_1323 = tpu.memref_squeeze %dma_start3A_1322 : memref<1x128xf32, #tpu.memory_space<hbm>> -> memref<128xf32, #tpu.memory_space<hbm>>
    tpu.enqueue_dma source(%dma_start3A_1323 : memref<128xf32, #tpu.memory_space<hbm>>) target(%dma_start3A_1320 : memref<128xf32, #tpu.memory_space<vmem>>) target_semaphore(%arg27 : memref<!tpu.dma_semaphore, #tpu.memory_space<semaphore_mem>>)
    %slice3A_1324 = vector.extract_strided_slice %get3A_1218 {offsets = [7], sizes = [1], strides = [1]} : vector<16xi32> to vector<1xi32>
    %squeeze3A_1325 = vector.extract %slice3A_1324[0] : i32 from vector<1xi32>
    %dma_start3A_1326 = arith.constant 71 : i32
    %dma_start3A_1327 = arith.constant 0 : i32
    %dma_start3A_1328 = tpu.memref_slice %arg26[%dma_start3A_1326, %dma_start3A_1327] : memref<100x128xf32, #tpu.memory_space<vmem>> -> memref<1x128xf32, #tpu.memory_space<vmem>>
    %dma_start3A_1329 = tpu.memref_squeeze %dma_start3A_1328 : memref<1x128xf32, #tpu.memory_space<vmem>> -> memref<128xf32, #tpu.memory_space<vmem>>
    %dma_start3A_1330 = arith.constant 0 : i32
    %dma_start3A_1331 = tpu.memref_slice %arg7[%squeeze3A_1325, %dma_start3A_1330] : memref<100000x128xf32, #tpu.memory_space<hbm>> -> memref<1x128xf32, #tpu.memory_space<hbm>>
    %dma_start3A_1332 = tpu.memref_squeeze %dma_start3A_1331 : memref<1x128xf32, #tpu.memory_space<hbm>> -> memref<128xf32, #tpu.memory_space<hbm>>
    %dma_start3A_1333 = arith.constant 0 : i32
    %dma_start3A_1334 = tpu.memref_slice %arg26[%dma_start3A_1326, %dma_start3A_1333] : memref<100x128xf32, #tpu.memory_space<vmem>> -> memref<1x128xf32, #tpu.memory_space<vmem>>
    %dma_start3A_1335 = tpu.memref_squeeze %dma_start3A_1334 : memref<1x128xf32, #tpu.memory_space<vmem>> -> memref<128xf32, #tpu.memory_space<vmem>>
    %dma_start3A_1336 = arith.constant 0 : i32
    %dma_start3A_1337 = tpu.memref_slice %arg7[%squeeze3A_1325, %dma_start3A_1336] : memref<100000x128xf32, #tpu.memory_space<hbm>> -> memref<1x128xf32, #tpu.memory_space<hbm>>
    %dma_start3A_1338 = tpu.memref_squeeze %dma_start3A_1337 : memref<1x128xf32, #tpu.memory_space<hbm>> -> memref<128xf32, #tpu.memory_space<hbm>>
    tpu.enqueue_dma source(%dma_start3A_1338 : memref<128xf32, #tpu.memory_space<hbm>>) target(%dma_start3A_1335 : memref<128xf32, #tpu.memory_space<vmem>>) target_semaphore(%arg28 : memref<!tpu.dma_semaphore, #tpu.memory_space<semaphore_mem>>)
    %slice3A_1339 = vector.extract_strided_slice %get3A_1218 {offsets = [8], sizes = [1], strides = [1]} : vector<16xi32> to vector<1xi32>
    %squeeze3A_1340 = vector.extract %slice3A_1339[0] : i32 from vector<1xi32>
    %dma_start3A_1341 = arith.constant 72 : i32
    %dma_start3A_1342 = arith.constant 0 : i32
    %dma_start3A_1343 = tpu.memref_slice %arg26[%dma_start3A_1341, %dma_start3A_1342] : memref<100x128xf32, #tpu.memory_space<vmem>> -> memref<1x128xf32, #tpu.memory_space<vmem>>
    %dma_start3A_1344 = tpu.memref_squeeze %dma_start3A_1343 : memref<1x128xf32, #tpu.memory_space<vmem>> -> memref<128xf32, #tpu.memory_space<vmem>>
    %dma_start3A_1345 = arith.constant 0 : i32
    %dma_start3A_1346 = tpu.memref_slice %arg7[%squeeze3A_1340, %dma_start3A_1345] : memref<100000x128xf32, #tpu.memory_space<hbm>> -> memref<1x128xf32, #tpu.memory_space<hbm>>
    %dma_start3A_1347 = tpu.memref_squeeze %dma_start3A_1346 : memref<1x128xf32, #tpu.memory_space<hbm>> -> memref<128xf32, #tpu.memory_space<hbm>>
    %dma_start3A_1348 = arith.constant 0 : i32
    %dma_start3A_1349 = tpu.memref_slice %arg26[%dma_start3A_1341, %dma_start3A_1348] : memref<100x128xf32, #tpu.memory_space<vmem>> -> memref<1x128xf32, #tpu.memory_space<vmem>>
    %dma_start3A_1350 = tpu.memref_squeeze %dma_start3A_1349 : memref<1x128xf32, #tpu.memory_space<vmem>> -> memref<128xf32, #tpu.memory_space<vmem>>
    %dma_start3A_1351 = arith.constant 0 : i32
    %dma_start3A_1352 = tpu.memref_slice %arg7[%squeeze3A_1340, %dma_start3A_1351] : memref<100000x128xf32, #tpu.memory_space<hbm>> -> memref<1x128xf32, #tpu.memory_space<hbm>>
    %dma_start3A_1353 = tpu.memref_squeeze %dma_start3A_1352 : memref<1x128xf32, #tpu.memory_space<hbm>> -> memref<128xf32, #tpu.memory_space<hbm>>
    tpu.enqueue_dma source(%dma_start3A_1353 : memref<128xf32, #tpu.memory_space<hbm>>) target(%dma_start3A_1350 : memref<128xf32, #tpu.memory_space<vmem>>) target_semaphore(%arg27 : memref<!tpu.dma_semaphore, #tpu.memory_space<semaphore_mem>>)
    %slice3A_1354 = vector.extract_strided_slice %get3A_1218 {offsets = [9], sizes = [1], strides = [1]} : vector<16xi32> to vector<1xi32>
    %squeeze3A_1355 = vector.extract %slice3A_1354[0] : i32 from vector<1xi32>
    %dma_start3A_1356 = arith.constant 73 : i32
    %dma_start3A_1357 = arith.constant 0 : i32
    %dma_start3A_1358 = tpu.memref_slice %arg26[%dma_start3A_1356, %dma_start3A_1357] : memref<100x128xf32, #tpu.memory_space<vmem>> -> memref<1x128xf32, #tpu.memory_space<vmem>>
    %dma_start3A_1359 = tpu.memref_squeeze %dma_start3A_1358 : memref<1x128xf32, #tpu.memory_space<vmem>> -> memref<128xf32, #tpu.memory_space<vmem>>
    %dma_start3A_1360 = arith.constant 0 : i32
    %dma_start3A_1361 = tpu.memref_slice %arg7[%squeeze3A_1355, %dma_start3A_1360] : memref<100000x128xf32, #tpu.memory_space<hbm>> -> memref<1x128xf32, #tpu.memory_space<hbm>>
    %dma_start3A_1362 = tpu.memref_squeeze %dma_start3A_1361 : memref<1x128xf32, #tpu.memory_space<hbm>> -> memref<128xf32, #tpu.memory_space<hbm>>
    %dma_start3A_1363 = arith.constant 0 : i32
    %dma_start3A_1364 = tpu.memref_slice %arg26[%dma_start3A_1356, %dma_start3A_1363] : memref<100x128xf32, #tpu.memory_space<vmem>> -> memref<1x128xf32, #tpu.memory_space<vmem>>
    %dma_start3A_1365 = tpu.memref_squeeze %dma_start3A_1364 : memref<1x128xf32, #tpu.memory_space<vmem>> -> memref<128xf32, #tpu.memory_space<vmem>>
    %dma_start3A_1366 = arith.constant 0 : i32
    %dma_start3A_1367 = tpu.memref_slice %arg7[%squeeze3A_1355, %dma_start3A_1366] : memref<100000x128xf32, #tpu.memory_space<hbm>> -> memref<1x128xf32, #tpu.memory_space<hbm>>
    %dma_start3A_1368 = tpu.memref_squeeze %dma_start3A_1367 : memref<1x128xf32, #tpu.memory_space<hbm>> -> memref<128xf32, #tpu.memory_space<hbm>>
    tpu.enqueue_dma source(%dma_start3A_1368 : memref<128xf32, #tpu.memory_space<hbm>>) target(%dma_start3A_1365 : memref<128xf32, #tpu.memory_space<vmem>>) target_semaphore(%arg28 : memref<!tpu.dma_semaphore, #tpu.memory_space<semaphore_mem>>)
    %slice3A_1369 = vector.extract_strided_slice %get3A_1218 {offsets = [10], sizes = [1], strides = [1]} : vector<16xi32> to vector<1xi32>
    %squeeze3A_1370 = vector.extract %slice3A_1369[0] : i32 from vector<1xi32>
    %dma_start3A_1371 = arith.constant 74 : i32
    %dma_start3A_1372 = arith.constant 0 : i32
    %dma_start3A_1373 = tpu.memref_slice %arg26[%dma_start3A_1371, %dma_start3A_1372] : memref<100x128xf32, #tpu.memory_space<vmem>> -> memref<1x128xf32, #tpu.memory_space<vmem>>
    %dma_start3A_1374 = tpu.memref_squeeze %dma_start3A_1373 : memref<1x128xf32, #tpu.memory_space<vmem>> -> memref<128xf32, #tpu.memory_space<vmem>>
    %dma_start3A_1375 = arith.constant 0 : i32
    %dma_start3A_1376 = tpu.memref_slice %arg7[%squeeze3A_1370, %dma_start3A_1375] : memref<100000x128xf32, #tpu.memory_space<hbm>> -> memref<1x128xf32, #tpu.memory_space<hbm>>
    %dma_start3A_1377 = tpu.memref_squeeze %dma_start3A_1376 : memref<1x128xf32, #tpu.memory_space<hbm>> -> memref<128xf32, #tpu.memory_space<hbm>>
    %dma_start3A_1378 = arith.constant 0 : i32
    %dma_start3A_1379 = tpu.memref_slice %arg26[%dma_start3A_1371, %dma_start3A_1378] : memref<100x128xf32, #tpu.memory_space<vmem>> -> memref<1x128xf32, #tpu.memory_space<vmem>>
    %dma_start3A_1380 = tpu.memref_squeeze %dma_start3A_1379 : memref<1x128xf32, #tpu.memory_space<vmem>> -> memref<128xf32, #tpu.memory_space<vmem>>
    %dma_start3A_1381 = arith.constant 0 : i32
    %dma_start3A_1382 = tpu.memref_slice %arg7[%squeeze3A_1370, %dma_start3A_1381] : memref<100000x128xf32, #tpu.memory_space<hbm>> -> memref<1x128xf32, #tpu.memory_space<hbm>>
    %dma_start3A_1383 = tpu.memref_squeeze %dma_start3A_1382 : memref<1x128xf32, #tpu.memory_space<hbm>> -> memref<128xf32, #tpu.memory_space<hbm>>
    tpu.enqueue_dma source(%dma_start3A_1383 : memref<128xf32, #tpu.memory_space<hbm>>) target(%dma_start3A_1380 : memref<128xf32, #tpu.memory_space<vmem>>) target_semaphore(%arg27 : memref<!tpu.dma_semaphore, #tpu.memory_space<semaphore_mem>>)
    %slice3A_1384 = vector.extract_strided_slice %get3A_1218 {offsets = [11], sizes = [1], strides = [1]} : vector<16xi32> to vector<1xi32>
    %squeeze3A_1385 = vector.extract %slice3A_1384[0] : i32 from vector<1xi32>
    %dma_start3A_1386 = arith.constant 75 : i32
    %dma_start3A_1387 = arith.constant 0 : i32
    %dma_start3A_1388 = tpu.memref_slice %arg26[%dma_start3A_1386, %dma_start3A_1387] : memref<100x128xf32, #tpu.memory_space<vmem>> -> memref<1x128xf32, #tpu.memory_space<vmem>>
    %dma_start3A_1389 = tpu.memref_squeeze %dma_start3A_1388 : memref<1x128xf32, #tpu.memory_space<vmem>> -> memref<128xf32, #tpu.memory_space<vmem>>
    %dma_start3A_1390 = arith.constant 0 : i32
    %dma_start3A_1391 = tpu.memref_slice %arg7[%squeeze3A_1385, %dma_start3A_1390] : memref<100000x128xf32, #tpu.memory_space<hbm>> -> memref<1x128xf32, #tpu.memory_space<hbm>>
    %dma_start3A_1392 = tpu.memref_squeeze %dma_start3A_1391 : memref<1x128xf32, #tpu.memory_space<hbm>> -> memref<128xf32, #tpu.memory_space<hbm>>
    %dma_start3A_1393 = arith.constant 0 : i32
    %dma_start3A_1394 = tpu.memref_slice %arg26[%dma_start3A_1386, %dma_start3A_1393] : memref<100x128xf32, #tpu.memory_space<vmem>> -> memref<1x128xf32, #tpu.memory_space<vmem>>
    %dma_start3A_1395 = tpu.memref_squeeze %dma_start3A_1394 : memref<1x128xf32, #tpu.memory_space<vmem>> -> memref<128xf32, #tpu.memory_space<vmem>>
    %dma_start3A_1396 = arith.constant 0 : i32
    %dma_start3A_1397 = tpu.memref_slice %arg7[%squeeze3A_1385, %dma_start3A_1396] : memref<100000x128xf32, #tpu.memory_space<hbm>> -> memref<1x128xf32, #tpu.memory_space<hbm>>
    %dma_start3A_1398 = tpu.memref_squeeze %dma_start3A_1397 : memref<1x128xf32, #tpu.memory_space<hbm>> -> memref<128xf32, #tpu.memory_space<hbm>>
    tpu.enqueue_dma source(%dma_start3A_1398 : memref<128xf32, #tpu.memory_space<hbm>>) target(%dma_start3A_1395 : memref<128xf32, #tpu.memory_space<vmem>>) target_semaphore(%arg28 : memref<!tpu.dma_semaphore, #tpu.memory_space<semaphore_mem>>)
    %slice3A_1399 = vector.extract_strided_slice %get3A_1218 {offsets = [12], sizes = [1], strides = [1]} : vector<16xi32> to vector<1xi32>
    %squeeze3A_1400 = vector.extract %slice3A_1399[0] : i32 from vector<1xi32>
    %dma_start3A_1401 = arith.constant 76 : i32
    %dma_start3A_1402 = arith.constant 0 : i32
    %dma_start3A_1403 = tpu.memref_slice %arg26[%dma_start3A_1401, %dma_start3A_1402] : memref<100x128xf32, #tpu.memory_space<vmem>> -> memref<1x128xf32, #tpu.memory_space<vmem>>
    %dma_start3A_1404 = tpu.memref_squeeze %dma_start3A_1403 : memref<1x128xf32, #tpu.memory_space<vmem>> -> memref<128xf32, #tpu.memory_space<vmem>>
    %dma_start3A_1405 = arith.constant 0 : i32
    %dma_start3A_1406 = tpu.memref_slice %arg7[%squeeze3A_1400, %dma_start3A_1405] : memref<100000x128xf32, #tpu.memory_space<hbm>> -> memref<1x128xf32, #tpu.memory_space<hbm>>
    %dma_start3A_1407 = tpu.memref_squeeze %dma_start3A_1406 : memref<1x128xf32, #tpu.memory_space<hbm>> -> memref<128xf32, #tpu.memory_space<hbm>>
    %dma_start3A_1408 = arith.constant 0 : i32
    %dma_start3A_1409 = tpu.memref_slice %arg26[%dma_start3A_1401, %dma_start3A_1408] : memref<100x128xf32, #tpu.memory_space<vmem>> -> memref<1x128xf32, #tpu.memory_space<vmem>>
    %dma_start3A_1410 = tpu.memref_squeeze %dma_start3A_1409 : memref<1x128xf32, #tpu.memory_space<vmem>> -> memref<128xf32, #tpu.memory_space<vmem>>
    %dma_start3A_1411 = arith.constant 0 : i32
    %dma_start3A_1412 = tpu.memref_slice %arg7[%squeeze3A_1400, %dma_start3A_1411] : memref<100000x128xf32, #tpu.memory_space<hbm>> -> memref<1x128xf32, #tpu.memory_space<hbm>>
    %dma_start3A_1413 = tpu.memref_squeeze %dma_start3A_1412 : memref<1x128xf32, #tpu.memory_space<hbm>> -> memref<128xf32, #tpu.memory_space<hbm>>
    tpu.enqueue_dma source(%dma_start3A_1413 : memref<128xf32, #tpu.memory_space<hbm>>) target(%dma_start3A_1410 : memref<128xf32, #tpu.memory_space<vmem>>) target_semaphore(%arg27 : memref<!tpu.dma_semaphore, #tpu.memory_space<semaphore_mem>>)
    %slice3A_1414 = vector.extract_strided_slice %get3A_1218 {offsets = [13], sizes = [1], strides = [1]} : vector<16xi32> to vector<1xi32>
    %squeeze3A_1415 = vector.extract %slice3A_1414[0] : i32 from vector<1xi32>
    %dma_start3A_1416 = arith.constant 77 : i32
    %dma_start3A_1417 = arith.constant 0 : i32
    %dma_start3A_1418 = tpu.memref_slice %arg26[%dma_start3A_1416, %dma_start3A_1417] : memref<100x128xf32, #tpu.memory_space<vmem>> -> memref<1x128xf32, #tpu.memory_space<vmem>>
    %dma_start3A_1419 = tpu.memref_squeeze %dma_start3A_1418 : memref<1x128xf32, #tpu.memory_space<vmem>> -> memref<128xf32, #tpu.memory_space<vmem>>
    %dma_start3A_1420 = arith.constant 0 : i32
    %dma_start3A_1421 = tpu.memref_slice %arg7[%squeeze3A_1415, %dma_start3A_1420] : memref<100000x128xf32, #tpu.memory_space<hbm>> -> memref<1x128xf32, #tpu.memory_space<hbm>>
    %dma_start3A_1422 = tpu.memref_squeeze %dma_start3A_1421 : memref<1x128xf32, #tpu.memory_space<hbm>> -> memref<128xf32, #tpu.memory_space<hbm>>
    %dma_start3A_1423 = arith.constant 0 : i32
    %dma_start3A_1424 = tpu.memref_slice %arg26[%dma_start3A_1416, %dma_start3A_1423] : memref<100x128xf32, #tpu.memory_space<vmem>> -> memref<1x128xf32, #tpu.memory_space<vmem>>
    %dma_start3A_1425 = tpu.memref_squeeze %dma_start3A_1424 : memref<1x128xf32, #tpu.memory_space<vmem>> -> memref<128xf32, #tpu.memory_space<vmem>>
    %dma_start3A_1426 = arith.constant 0 : i32
    %dma_start3A_1427 = tpu.memref_slice %arg7[%squeeze3A_1415, %dma_start3A_1426] : memref<100000x128xf32, #tpu.memory_space<hbm>> -> memref<1x128xf32, #tpu.memory_space<hbm>>
    %dma_start3A_1428 = tpu.memref_squeeze %dma_start3A_1427 : memref<1x128xf32, #tpu.memory_space<hbm>> -> memref<128xf32, #tpu.memory_space<hbm>>
    tpu.enqueue_dma source(%dma_start3A_1428 : memref<128xf32, #tpu.memory_space<hbm>>) target(%dma_start3A_1425 : memref<128xf32, #tpu.memory_space<vmem>>) target_semaphore(%arg28 : memref<!tpu.dma_semaphore, #tpu.memory_space<semaphore_mem>>)
    %slice3A_1429 = vector.extract_strided_slice %get3A_1218 {offsets = [14], sizes = [1], strides = [1]} : vector<16xi32> to vector<1xi32>
    %squeeze3A_1430 = vector.extract %slice3A_1429[0] : i32 from vector<1xi32>
    %dma_start3A_1431 = arith.constant 78 : i32
    %dma_start3A_1432 = arith.constant 0 : i32
    %dma_start3A_1433 = tpu.memref_slice %arg26[%dma_start3A_1431, %dma_start3A_1432] : memref<100x128xf32, #tpu.memory_space<vmem>> -> memref<1x128xf32, #tpu.memory_space<vmem>>
    %dma_start3A_1434 = tpu.memref_squeeze %dma_start3A_1433 : memref<1x128xf32, #tpu.memory_space<vmem>> -> memref<128xf32, #tpu.memory_space<vmem>>
    %dma_start3A_1435 = arith.constant 0 : i32
    %dma_start3A_1436 = tpu.memref_slice %arg7[%squeeze3A_1430, %dma_start3A_1435] : memref<100000x128xf32, #tpu.memory_space<hbm>> -> memref<1x128xf32, #tpu.memory_space<hbm>>
    %dma_start3A_1437 = tpu.memref_squeeze %dma_start3A_1436 : memref<1x128xf32, #tpu.memory_space<hbm>> -> memref<128xf32, #tpu.memory_space<hbm>>
    %dma_start3A_1438 = arith.constant 0 : i32
    %dma_start3A_1439 = tpu.memref_slice %arg26[%dma_start3A_1431, %dma_start3A_1438] : memref<100x128xf32, #tpu.memory_space<vmem>> -> memref<1x128xf32, #tpu.memory_space<vmem>>
    %dma_start3A_1440 = tpu.memref_squeeze %dma_start3A_1439 : memref<1x128xf32, #tpu.memory_space<vmem>> -> memref<128xf32, #tpu.memory_space<vmem>>
    %dma_start3A_1441 = arith.constant 0 : i32
    %dma_start3A_1442 = tpu.memref_slice %arg7[%squeeze3A_1430, %dma_start3A_1441] : memref<100000x128xf32, #tpu.memory_space<hbm>> -> memref<1x128xf32, #tpu.memory_space<hbm>>
    %dma_start3A_1443 = tpu.memref_squeeze %dma_start3A_1442 : memref<1x128xf32, #tpu.memory_space<hbm>> -> memref<128xf32, #tpu.memory_space<hbm>>
    tpu.enqueue_dma source(%dma_start3A_1443 : memref<128xf32, #tpu.memory_space<hbm>>) target(%dma_start3A_1440 : memref<128xf32, #tpu.memory_space<vmem>>) target_semaphore(%arg27 : memref<!tpu.dma_semaphore, #tpu.memory_space<semaphore_mem>>)
    %slice3A_1444 = vector.extract_strided_slice %get3A_1218 {offsets = [15], sizes = [1], strides = [1]} : vector<16xi32> to vector<1xi32>
    %squeeze3A_1445 = vector.extract %slice3A_1444[0] : i32 from vector<1xi32>
    %dma_start3A_1446 = arith.constant 79 : i32
    %dma_start3A_1447 = arith.constant 0 : i32
    %dma_start3A_1448 = tpu.memref_slice %arg26[%dma_start3A_1446, %dma_start3A_1447] : memref<100x128xf32, #tpu.memory_space<vmem>> -> memref<1x128xf32, #tpu.memory_space<vmem>>
    %dma_start3A_1449 = tpu.memref_squeeze %dma_start3A_1448 : memref<1x128xf32, #tpu.memory_space<vmem>> -> memref<128xf32, #tpu.memory_space<vmem>>
    %dma_start3A_1450 = arith.constant 0 : i32
    %dma_start3A_1451 = tpu.memref_slice %arg7[%squeeze3A_1445, %dma_start3A_1450] : memref<100000x128xf32, #tpu.memory_space<hbm>> -> memref<1x128xf32, #tpu.memory_space<hbm>>
    %dma_start3A_1452 = tpu.memref_squeeze %dma_start3A_1451 : memref<1x128xf32, #tpu.memory_space<hbm>> -> memref<128xf32, #tpu.memory_space<hbm>>
    %dma_start3A_1453 = arith.constant 0 : i32
    %dma_start3A_1454 = tpu.memref_slice %arg26[%dma_start3A_1446, %dma_start3A_1453] : memref<100x128xf32, #tpu.memory_space<vmem>> -> memref<1x128xf32, #tpu.memory_space<vmem>>
    %dma_start3A_1455 = tpu.memref_squeeze %dma_start3A_1454 : memref<1x128xf32, #tpu.memory_space<vmem>> -> memref<128xf32, #tpu.memory_space<vmem>>
    %dma_start3A_1456 = arith.constant 0 : i32
    %dma_start3A_1457 = tpu.memref_slice %arg7[%squeeze3A_1445, %dma_start3A_1456] : memref<100000x128xf32, #tpu.memory_space<hbm>> -> memref<1x128xf32, #tpu.memory_space<hbm>>
    %dma_start3A_1458 = tpu.memref_squeeze %dma_start3A_1457 : memref<1x128xf32, #tpu.memory_space<hbm>> -> memref<128xf32, #tpu.memory_space<hbm>>
    tpu.enqueue_dma source(%dma_start3A_1458 : memref<128xf32, #tpu.memory_space<hbm>>) target(%dma_start3A_1455 : memref<128xf32, #tpu.memory_space<vmem>>) target_semaphore(%arg28 : memref<!tpu.dma_semaphore, #tpu.memory_space<semaphore_mem>>)
    %get3A_1459 = arith.constant 80 : index
    %get3A_1460 = tpu.vector_load %arg20[%get3A_1459] {strides = array<i32>} : memref<112xi32, #tpu.memory_space<vmem>>, vector<16xi32>,
    %slice3A_1461 = vector.extract_strided_slice %get3A_1460 {offsets = [0], sizes = [1], strides = [1]} : vector<16xi32> to vector<1xi32>
    %squeeze3A_1462 = vector.extract %slice3A_1461[0] : i32 from vector<1xi32>
    %dma_start3A_1463 = arith.constant 80 : i32
    %dma_start3A_1464 = arith.constant 0 : i32
    %dma_start3A_1465 = tpu.memref_slice %arg26[%dma_start3A_1463, %dma_start3A_1464] : memref<100x128xf32, #tpu.memory_space<vmem>> -> memref<1x128xf32, #tpu.memory_space<vmem>>
    %dma_start3A_1466 = tpu.memref_squeeze %dma_start3A_1465 : memref<1x128xf32, #tpu.memory_space<vmem>> -> memref<128xf32, #tpu.memory_space<vmem>>
    %dma_start3A_1467 = arith.constant 0 : i32
    %dma_start3A_1468 = tpu.memref_slice %arg7[%squeeze3A_1462, %dma_start3A_1467] : memref<100000x128xf32, #tpu.memory_space<hbm>> -> memref<1x128xf32, #tpu.memory_space<hbm>>
    %dma_start3A_1469 = tpu.memref_squeeze %dma_start3A_1468 : memref<1x128xf32, #tpu.memory_space<hbm>> -> memref<128xf32, #tpu.memory_space<hbm>>
    %dma_start3A_1470 = arith.constant 0 : i32
    %dma_start3A_1471 = tpu.memref_slice %arg26[%dma_start3A_1463, %dma_start3A_1470] : memref<100x128xf32, #tpu.memory_space<vmem>> -> memref<1x128xf32, #tpu.memory_space<vmem>>
    %dma_start3A_1472 = tpu.memref_squeeze %dma_start3A_1471 : memref<1x128xf32, #tpu.memory_space<vmem>> -> memref<128xf32, #tpu.memory_space<vmem>>
    %dma_start3A_1473 = arith.constant 0 : i32
    %dma_start3A_1474 = tpu.memref_slice %arg7[%squeeze3A_1462, %dma_start3A_1473] : memref<100000x128xf32, #tpu.memory_space<hbm>> -> memref<1x128xf32, #tpu.memory_space<hbm>>
    %dma_start3A_1475 = tpu.memref_squeeze %dma_start3A_1474 : memref<1x128xf32, #tpu.memory_space<hbm>> -> memref<128xf32, #tpu.memory_space<hbm>>
    tpu.enqueue_dma source(%dma_start3A_1475 : memref<128xf32, #tpu.memory_space<hbm>>) target(%dma_start3A_1472 : memref<128xf32, #tpu.memory_space<vmem>>) target_semaphore(%arg27 : memref<!tpu.dma_semaphore, #tpu.memory_space<semaphore_mem>>)
    %slice3A_1476 = vector.extract_strided_slice %get3A_1460 {offsets = [1], sizes = [1], strides = [1]} : vector<16xi32> to vector<1xi32>
    %squeeze3A_1477 = vector.extract %slice3A_1476[0] : i32 from vector<1xi32>
    %dma_start3A_1478 = arith.constant 81 : i32
    %dma_start3A_1479 = arith.constant 0 : i32
    %dma_start3A_1480 = tpu.memref_slice %arg26[%dma_start3A_1478, %dma_start3A_1479] : memref<100x128xf32, #tpu.memory_space<vmem>> -> memref<1x128xf32, #tpu.memory_space<vmem>>
    %dma_start3A_1481 = tpu.memref_squeeze %dma_start3A_1480 : memref<1x128xf32, #tpu.memory_space<vmem>> -> memref<128xf32, #tpu.memory_space<vmem>>
    %dma_start3A_1482 = arith.constant 0 : i32
    %dma_start3A_1483 = tpu.memref_slice %arg7[%squeeze3A_1477, %dma_start3A_1482] : memref<100000x128xf32, #tpu.memory_space<hbm>> -> memref<1x128xf32, #tpu.memory_space<hbm>>
    %dma_start3A_1484 = tpu.memref_squeeze %dma_start3A_1483 : memref<1x128xf32, #tpu.memory_space<hbm>> -> memref<128xf32, #tpu.memory_space<hbm>>
    %dma_start3A_1485 = arith.constant 0 : i32
    %dma_start3A_1486 = tpu.memref_slice %arg26[%dma_start3A_1478, %dma_start3A_1485] : memref<100x128xf32, #tpu.memory_space<vmem>> -> memref<1x128xf32, #tpu.memory_space<vmem>>
    %dma_start3A_1487 = tpu.memref_squeeze %dma_start3A_1486 : memref<1x128xf32, #tpu.memory_space<vmem>> -> memref<128xf32, #tpu.memory_space<vmem>>
    %dma_start3A_1488 = arith.constant 0 : i32
    %dma_start3A_1489 = tpu.memref_slice %arg7[%squeeze3A_1477, %dma_start3A_1488] : memref<100000x128xf32, #tpu.memory_space<hbm>> -> memref<1x128xf32, #tpu.memory_space<hbm>>
    %dma_start3A_1490 = tpu.memref_squeeze %dma_start3A_1489 : memref<1x128xf32, #tpu.memory_space<hbm>> -> memref<128xf32, #tpu.memory_space<hbm>>
    tpu.enqueue_dma source(%dma_start3A_1490 : memref<128xf32, #tpu.memory_space<hbm>>) target(%dma_start3A_1487 : memref<128xf32, #tpu.memory_space<vmem>>) target_semaphore(%arg28 : memref<!tpu.dma_semaphore, #tpu.memory_space<semaphore_mem>>)
    %slice3A_1491 = vector.extract_strided_slice %get3A_1460 {offsets = [2], sizes = [1], strides = [1]} : vector<16xi32> to vector<1xi32>
    %squeeze3A_1492 = vector.extract %slice3A_1491[0] : i32 from vector<1xi32>
    %dma_start3A_1493 = arith.constant 82 : i32
    %dma_start3A_1494 = arith.constant 0 : i32
    %dma_start3A_1495 = tpu.memref_slice %arg26[%dma_start3A_1493, %dma_start3A_1494] : memref<100x128xf32, #tpu.memory_space<vmem>> -> memref<1x128xf32, #tpu.memory_space<vmem>>
    %dma_start3A_1496 = tpu.memref_squeeze %dma_start3A_1495 : memref<1x128xf32, #tpu.memory_space<vmem>> -> memref<128xf32, #tpu.memory_space<vmem>>
    %dma_start3A_1497 = arith.constant 0 : i32
    %dma_start3A_1498 = tpu.memref_slice %arg7[%squeeze3A_1492, %dma_start3A_1497] : memref<100000x128xf32, #tpu.memory_space<hbm>> -> memref<1x128xf32, #tpu.memory_space<hbm>>
    %dma_start3A_1499 = tpu.memref_squeeze %dma_start3A_1498 : memref<1x128xf32, #tpu.memory_space<hbm>> -> memref<128xf32, #tpu.memory_space<hbm>>
    %dma_start3A_1500 = arith.constant 0 : i32
    %dma_start3A_1501 = tpu.memref_slice %arg26[%dma_start3A_1493, %dma_start3A_1500] : memref<100x128xf32, #tpu.memory_space<vmem>> -> memref<1x128xf32, #tpu.memory_space<vmem>>
    %dma_start3A_1502 = tpu.memref_squeeze %dma_start3A_1501 : memref<1x128xf32, #tpu.memory_space<vmem>> -> memref<128xf32, #tpu.memory_space<vmem>>
    %dma_start3A_1503 = arith.constant 0 : i32
    %dma_start3A_1504 = tpu.memref_slice %arg7[%squeeze3A_1492, %dma_start3A_1503] : memref<100000x128xf32, #tpu.memory_space<hbm>> -> memref<1x128xf32, #tpu.memory_space<hbm>>
    %dma_start3A_1505 = tpu.memref_squeeze %dma_start3A_1504 : memref<1x128xf32, #tpu.memory_space<hbm>> -> memref<128xf32, #tpu.memory_space<hbm>>
    tpu.enqueue_dma source(%dma_start3A_1505 : memref<128xf32, #tpu.memory_space<hbm>>) target(%dma_start3A_1502 : memref<128xf32, #tpu.memory_space<vmem>>) target_semaphore(%arg27 : memref<!tpu.dma_semaphore, #tpu.memory_space<semaphore_mem>>)
    %slice3A_1506 = vector.extract_strided_slice %get3A_1460 {offsets = [3], sizes = [1], strides = [1]} : vector<16xi32> to vector<1xi32>
    %squeeze3A_1507 = vector.extract %slice3A_1506[0] : i32 from vector<1xi32>
    %dma_start3A_1508 = arith.constant 83 : i32
    %dma_start3A_1509 = arith.constant 0 : i32
    %dma_start3A_1510 = tpu.memref_slice %arg26[%dma_start3A_1508, %dma_start3A_1509] : memref<100x128xf32, #tpu.memory_space<vmem>> -> memref<1x128xf32, #tpu.memory_space<vmem>>
    %dma_start3A_1511 = tpu.memref_squeeze %dma_start3A_1510 : memref<1x128xf32, #tpu.memory_space<vmem>> -> memref<128xf32, #tpu.memory_space<vmem>>
    %dma_start3A_1512 = arith.constant 0 : i32
    %dma_start3A_1513 = tpu.memref_slice %arg7[%squeeze3A_1507, %dma_start3A_1512] : memref<100000x128xf32, #tpu.memory_space<hbm>> -> memref<1x128xf32, #tpu.memory_space<hbm>>
    %dma_start3A_1514 = tpu.memref_squeeze %dma_start3A_1513 : memref<1x128xf32, #tpu.memory_space<hbm>> -> memref<128xf32, #tpu.memory_space<hbm>>
    %dma_start3A_1515 = arith.constant 0 : i32
    %dma_start3A_1516 = tpu.memref_slice %arg26[%dma_start3A_1508, %dma_start3A_1515] : memref<100x128xf32, #tpu.memory_space<vmem>> -> memref<1x128xf32, #tpu.memory_space<vmem>>
    %dma_start3A_1517 = tpu.memref_squeeze %dma_start3A_1516 : memref<1x128xf32, #tpu.memory_space<vmem>> -> memref<128xf32, #tpu.memory_space<vmem>>
    %dma_start3A_1518 = arith.constant 0 : i32
    %dma_start3A_1519 = tpu.memref_slice %arg7[%squeeze3A_1507, %dma_start3A_1518] : memref<100000x128xf32, #tpu.memory_space<hbm>> -> memref<1x128xf32, #tpu.memory_space<hbm>>
    %dma_start3A_1520 = tpu.memref_squeeze %dma_start3A_1519 : memref<1x128xf32, #tpu.memory_space<hbm>> -> memref<128xf32, #tpu.memory_space<hbm>>
    tpu.enqueue_dma source(%dma_start3A_1520 : memref<128xf32, #tpu.memory_space<hbm>>) target(%dma_start3A_1517 : memref<128xf32, #tpu.memory_space<vmem>>) target_semaphore(%arg28 : memref<!tpu.dma_semaphore, #tpu.memory_space<semaphore_mem>>)
    %slice3A_1521 = vector.extract_strided_slice %get3A_1460 {offsets = [4], sizes = [1], strides = [1]} : vector<16xi32> to vector<1xi32>
    %squeeze3A_1522 = vector.extract %slice3A_1521[0] : i32 from vector<1xi32>
    %dma_start3A_1523 = arith.constant 84 : i32
    %dma_start3A_1524 = arith.constant 0 : i32
    %dma_start3A_1525 = tpu.memref_slice %arg26[%dma_start3A_1523, %dma_start3A_1524] : memref<100x128xf32, #tpu.memory_space<vmem>> -> memref<1x128xf32, #tpu.memory_space<vmem>>
    %dma_start3A_1526 = tpu.memref_squeeze %dma_start3A_1525 : memref<1x128xf32, #tpu.memory_space<vmem>> -> memref<128xf32, #tpu.memory_space<vmem>>
    %dma_start3A_1527 = arith.constant 0 : i32
    %dma_start3A_1528 = tpu.memref_slice %arg7[%squeeze3A_1522, %dma_start3A_1527] : memref<100000x128xf32, #tpu.memory_space<hbm>> -> memref<1x128xf32, #tpu.memory_space<hbm>>
    %dma_start3A_1529 = tpu.memref_squeeze %dma_start3A_1528 : memref<1x128xf32, #tpu.memory_space<hbm>> -> memref<128xf32, #tpu.memory_space<hbm>>
    %dma_start3A_1530 = arith.constant 0 : i32
    %dma_start3A_1531 = tpu.memref_slice %arg26[%dma_start3A_1523, %dma_start3A_1530] : memref<100x128xf32, #tpu.memory_space<vmem>> -> memref<1x128xf32, #tpu.memory_space<vmem>>
    %dma_start3A_1532 = tpu.memref_squeeze %dma_start3A_1531 : memref<1x128xf32, #tpu.memory_space<vmem>> -> memref<128xf32, #tpu.memory_space<vmem>>
    %dma_start3A_1533 = arith.constant 0 : i32
    %dma_start3A_1534 = tpu.memref_slice %arg7[%squeeze3A_1522, %dma_start3A_1533] : memref<100000x128xf32, #tpu.memory_space<hbm>> -> memref<1x128xf32, #tpu.memory_space<hbm>>
    %dma_start3A_1535 = tpu.memref_squeeze %dma_start3A_1534 : memref<1x128xf32, #tpu.memory_space<hbm>> -> memref<128xf32, #tpu.memory_space<hbm>>
    tpu.enqueue_dma source(%dma_start3A_1535 : memref<128xf32, #tpu.memory_space<hbm>>) target(%dma_start3A_1532 : memref<128xf32, #tpu.memory_space<vmem>>) target_semaphore(%arg27 : memref<!tpu.dma_semaphore, #tpu.memory_space<semaphore_mem>>)
    %slice3A_1536 = vector.extract_strided_slice %get3A_1460 {offsets = [5], sizes = [1], strides = [1]} : vector<16xi32> to vector<1xi32>
    %squeeze3A_1537 = vector.extract %slice3A_1536[0] : i32 from vector<1xi32>
    %dma_start3A_1538 = arith.constant 85 : i32
    %dma_start3A_1539 = arith.constant 0 : i32
    %dma_start3A_1540 = tpu.memref_slice %arg26[%dma_start3A_1538, %dma_start3A_1539] : memref<100x128xf32, #tpu.memory_space<vmem>> -> memref<1x128xf32, #tpu.memory_space<vmem>>
    %dma_start3A_1541 = tpu.memref_squeeze %dma_start3A_1540 : memref<1x128xf32, #tpu.memory_space<vmem>> -> memref<128xf32, #tpu.memory_space<vmem>>
    %dma_start3A_1542 = arith.constant 0 : i32
    %dma_start3A_1543 = tpu.memref_slice %arg7[%squeeze3A_1537, %dma_start3A_1542] : memref<100000x128xf32, #tpu.memory_space<hbm>> -> memref<1x128xf32, #tpu.memory_space<hbm>>
    %dma_start3A_1544 = tpu.memref_squeeze %dma_start3A_1543 : memref<1x128xf32, #tpu.memory_space<hbm>> -> memref<128xf32, #tpu.memory_space<hbm>>
    %dma_start3A_1545 = arith.constant 0 : i32
    %dma_start3A_1546 = tpu.memref_slice %arg26[%dma_start3A_1538, %dma_start3A_1545] : memref<100x128xf32, #tpu.memory_space<vmem>> -> memref<1x128xf32, #tpu.memory_space<vmem>>
    %dma_start3A_1547 = tpu.memref_squeeze %dma_start3A_1546 : memref<1x128xf32, #tpu.memory_space<vmem>> -> memref<128xf32, #tpu.memory_space<vmem>>
    %dma_start3A_1548 = arith.constant 0 : i32
    %dma_start3A_1549 = tpu.memref_slice %arg7[%squeeze3A_1537, %dma_start3A_1548] : memref<100000x128xf32, #tpu.memory_space<hbm>> -> memref<1x128xf32, #tpu.memory_space<hbm>>
    %dma_start3A_1550 = tpu.memref_squeeze %dma_start3A_1549 : memref<1x128xf32, #tpu.memory_space<hbm>> -> memref<128xf32, #tpu.memory_space<hbm>>
    tpu.enqueue_dma source(%dma_start3A_1550 : memref<128xf32, #tpu.memory_space<hbm>>) target(%dma_start3A_1547 : memref<128xf32, #tpu.memory_space<vmem>>) target_semaphore(%arg28 : memref<!tpu.dma_semaphore, #tpu.memory_space<semaphore_mem>>)
    %slice3A_1551 = vector.extract_strided_slice %get3A_1460 {offsets = [6], sizes = [1], strides = [1]} : vector<16xi32> to vector<1xi32>
    %squeeze3A_1552 = vector.extract %slice3A_1551[0] : i32 from vector<1xi32>
    %dma_start3A_1553 = arith.constant 86 : i32
    %dma_start3A_1554 = arith.constant 0 : i32
    %dma_start3A_1555 = tpu.memref_slice %arg26[%dma_start3A_1553, %dma_start3A_1554] : memref<100x128xf32, #tpu.memory_space<vmem>> -> memref<1x128xf32, #tpu.memory_space<vmem>>
    %dma_start3A_1556 = tpu.memref_squeeze %dma_start3A_1555 : memref<1x128xf32, #tpu.memory_space<vmem>> -> memref<128xf32, #tpu.memory_space<vmem>>
    %dma_start3A_1557 = arith.constant 0 : i32
    %dma_start3A_1558 = tpu.memref_slice %arg7[%squeeze3A_1552, %dma_start3A_1557] : memref<100000x128xf32, #tpu.memory_space<hbm>> -> memref<1x128xf32, #tpu.memory_space<hbm>>
    %dma_start3A_1559 = tpu.memref_squeeze %dma_start3A_1558 : memref<1x128xf32, #tpu.memory_space<hbm>> -> memref<128xf32, #tpu.memory_space<hbm>>
    %dma_start3A_1560 = arith.constant 0 : i32
    %dma_start3A_1561 = tpu.memref_slice %arg26[%dma_start3A_1553, %dma_start3A_1560] : memref<100x128xf32, #tpu.memory_space<vmem>> -> memref<1x128xf32, #tpu.memory_space<vmem>>
    %dma_start3A_1562 = tpu.memref_squeeze %dma_start3A_1561 : memref<1x128xf32, #tpu.memory_space<vmem>> -> memref<128xf32, #tpu.memory_space<vmem>>
    %dma_start3A_1563 = arith.constant 0 : i32
    %dma_start3A_1564 = tpu.memref_slice %arg7[%squeeze3A_1552, %dma_start3A_1563] : memref<100000x128xf32, #tpu.memory_space<hbm>> -> memref<1x128xf32, #tpu.memory_space<hbm>>
    %dma_start3A_1565 = tpu.memref_squeeze %dma_start3A_1564 : memref<1x128xf32, #tpu.memory_space<hbm>> -> memref<128xf32, #tpu.memory_space<hbm>>
    tpu.enqueue_dma source(%dma_start3A_1565 : memref<128xf32, #tpu.memory_space<hbm>>) target(%dma_start3A_1562 : memref<128xf32, #tpu.memory_space<vmem>>) target_semaphore(%arg27 : memref<!tpu.dma_semaphore, #tpu.memory_space<semaphore_mem>>)
    %slice3A_1566 = vector.extract_strided_slice %get3A_1460 {offsets = [7], sizes = [1], strides = [1]} : vector<16xi32> to vector<1xi32>
    %squeeze3A_1567 = vector.extract %slice3A_1566[0] : i32 from vector<1xi32>
    %dma_start3A_1568 = arith.constant 87 : i32
    %dma_start3A_1569 = arith.constant 0 : i32
    %dma_start3A_1570 = tpu.memref_slice %arg26[%dma_start3A_1568, %dma_start3A_1569] : memref<100x128xf32, #tpu.memory_space<vmem>> -> memref<1x128xf32, #tpu.memory_space<vmem>>
    %dma_start3A_1571 = tpu.memref_squeeze %dma_start3A_1570 : memref<1x128xf32, #tpu.memory_space<vmem>> -> memref<128xf32, #tpu.memory_space<vmem>>
    %dma_start3A_1572 = arith.constant 0 : i32
    %dma_start3A_1573 = tpu.memref_slice %arg7[%squeeze3A_1567, %dma_start3A_1572] : memref<100000x128xf32, #tpu.memory_space<hbm>> -> memref<1x128xf32, #tpu.memory_space<hbm>>
    %dma_start3A_1574 = tpu.memref_squeeze %dma_start3A_1573 : memref<1x128xf32, #tpu.memory_space<hbm>> -> memref<128xf32, #tpu.memory_space<hbm>>
    %dma_start3A_1575 = arith.constant 0 : i32
    %dma_start3A_1576 = tpu.memref_slice %arg26[%dma_start3A_1568, %dma_start3A_1575] : memref<100x128xf32, #tpu.memory_space<vmem>> -> memref<1x128xf32, #tpu.memory_space<vmem>>
    %dma_start3A_1577 = tpu.memref_squeeze %dma_start3A_1576 : memref<1x128xf32, #tpu.memory_space<vmem>> -> memref<128xf32, #tpu.memory_space<vmem>>
    %dma_start3A_1578 = arith.constant 0 : i32
    %dma_start3A_1579 = tpu.memref_slice %arg7[%squeeze3A_1567, %dma_start3A_1578] : memref<100000x128xf32, #tpu.memory_space<hbm>> -> memref<1x128xf32, #tpu.memory_space<hbm>>
    %dma_start3A_1580 = tpu.memref_squeeze %dma_start3A_1579 : memref<1x128xf32, #tpu.memory_space<hbm>> -> memref<128xf32, #tpu.memory_space<hbm>>
    tpu.enqueue_dma source(%dma_start3A_1580 : memref<128xf32, #tpu.memory_space<hbm>>) target(%dma_start3A_1577 : memref<128xf32, #tpu.memory_space<vmem>>) target_semaphore(%arg28 : memref<!tpu.dma_semaphore, #tpu.memory_space<semaphore_mem>>)
    %slice3A_1581 = vector.extract_strided_slice %get3A_1460 {offsets = [8], sizes = [1], strides = [1]} : vector<16xi32> to vector<1xi32>
    %squeeze3A_1582 = vector.extract %slice3A_1581[0] : i32 from vector<1xi32>
    %dma_start3A_1583 = arith.constant 88 : i32
    %dma_start3A_1584 = arith.constant 0 : i32
    %dma_start3A_1585 = tpu.memref_slice %arg26[%dma_start3A_1583, %dma_start3A_1584] : memref<100x128xf32, #tpu.memory_space<vmem>> -> memref<1x128xf32, #tpu.memory_space<vmem>>
    %dma_start3A_1586 = tpu.memref_squeeze %dma_start3A_1585 : memref<1x128xf32, #tpu.memory_space<vmem>> -> memref<128xf32, #tpu.memory_space<vmem>>
    %dma_start3A_1587 = arith.constant 0 : i32
    %dma_start3A_1588 = tpu.memref_slice %arg7[%squeeze3A_1582, %dma_start3A_1587] : memref<100000x128xf32, #tpu.memory_space<hbm>> -> memref<1x128xf32, #tpu.memory_space<hbm>>
    %dma_start3A_1589 = tpu.memref_squeeze %dma_start3A_1588 : memref<1x128xf32, #tpu.memory_space<hbm>> -> memref<128xf32, #tpu.memory_space<hbm>>
    %dma_start3A_1590 = arith.constant 0 : i32
    %dma_start3A_1591 = tpu.memref_slice %arg26[%dma_start3A_1583, %dma_start3A_1590] : memref<100x128xf32, #tpu.memory_space<vmem>> -> memref<1x128xf32, #tpu.memory_space<vmem>>
    %dma_start3A_1592 = tpu.memref_squeeze %dma_start3A_1591 : memref<1x128xf32, #tpu.memory_space<vmem>> -> memref<128xf32, #tpu.memory_space<vmem>>
    %dma_start3A_1593 = arith.constant 0 : i32
    %dma_start3A_1594 = tpu.memref_slice %arg7[%squeeze3A_1582, %dma_start3A_1593] : memref<100000x128xf32, #tpu.memory_space<hbm>> -> memref<1x128xf32, #tpu.memory_space<hbm>>
    %dma_start3A_1595 = tpu.memref_squeeze %dma_start3A_1594 : memref<1x128xf32, #tpu.memory_space<hbm>> -> memref<128xf32, #tpu.memory_space<hbm>>
    tpu.enqueue_dma source(%dma_start3A_1595 : memref<128xf32, #tpu.memory_space<hbm>>) target(%dma_start3A_1592 : memref<128xf32, #tpu.memory_space<vmem>>) target_semaphore(%arg27 : memref<!tpu.dma_semaphore, #tpu.memory_space<semaphore_mem>>)
    %slice3A_1596 = vector.extract_strided_slice %get3A_1460 {offsets = [9], sizes = [1], strides = [1]} : vector<16xi32> to vector<1xi32>
    %squeeze3A_1597 = vector.extract %slice3A_1596[0] : i32 from vector<1xi32>
    %dma_start3A_1598 = arith.constant 89 : i32
    %dma_start3A_1599 = arith.constant 0 : i32
    %dma_start3A_1600 = tpu.memref_slice %arg26[%dma_start3A_1598, %dma_start3A_1599] : memref<100x128xf32, #tpu.memory_space<vmem>> -> memref<1x128xf32, #tpu.memory_space<vmem>>
    %dma_start3A_1601 = tpu.memref_squeeze %dma_start3A_1600 : memref<1x128xf32, #tpu.memory_space<vmem>> -> memref<128xf32, #tpu.memory_space<vmem>>
    %dma_start3A_1602 = arith.constant 0 : i32
    %dma_start3A_1603 = tpu.memref_slice %arg7[%squeeze3A_1597, %dma_start3A_1602] : memref<100000x128xf32, #tpu.memory_space<hbm>> -> memref<1x128xf32, #tpu.memory_space<hbm>>
    %dma_start3A_1604 = tpu.memref_squeeze %dma_start3A_1603 : memref<1x128xf32, #tpu.memory_space<hbm>> -> memref<128xf32, #tpu.memory_space<hbm>>
    %dma_start3A_1605 = arith.constant 0 : i32
    %dma_start3A_1606 = tpu.memref_slice %arg26[%dma_start3A_1598, %dma_start3A_1605] : memref<100x128xf32, #tpu.memory_space<vmem>> -> memref<1x128xf32, #tpu.memory_space<vmem>>
    %dma_start3A_1607 = tpu.memref_squeeze %dma_start3A_1606 : memref<1x128xf32, #tpu.memory_space<vmem>> -> memref<128xf32, #tpu.memory_space<vmem>>
    %dma_start3A_1608 = arith.constant 0 : i32
    %dma_start3A_1609 = tpu.memref_slice %arg7[%squeeze3A_1597, %dma_start3A_1608] : memref<100000x128xf32, #tpu.memory_space<hbm>> -> memref<1x128xf32, #tpu.memory_space<hbm>>
    %dma_start3A_1610 = tpu.memref_squeeze %dma_start3A_1609 : memref<1x128xf32, #tpu.memory_space<hbm>> -> memref<128xf32, #tpu.memory_space<hbm>>
    tpu.enqueue_dma source(%dma_start3A_1610 : memref<128xf32, #tpu.memory_space<hbm>>) target(%dma_start3A_1607 : memref<128xf32, #tpu.memory_space<vmem>>) target_semaphore(%arg28 : memref<!tpu.dma_semaphore, #tpu.memory_space<semaphore_mem>>)
    %slice3A_1611 = vector.extract_strided_slice %get3A_1460 {offsets = [10], sizes = [1], strides = [1]} : vector<16xi32> to vector<1xi32>
    %squeeze3A_1612 = vector.extract %slice3A_1611[0] : i32 from vector<1xi32>
    %dma_start3A_1613 = arith.constant 90 : i32
    %dma_start3A_1614 = arith.constant 0 : i32
    %dma_start3A_1615 = tpu.memref_slice %arg26[%dma_start3A_1613, %dma_start3A_1614] : memref<100x128xf32, #tpu.memory_space<vmem>> -> memref<1x128xf32, #tpu.memory_space<vmem>>
    %dma_start3A_1616 = tpu.memref_squeeze %dma_start3A_1615 : memref<1x128xf32, #tpu.memory_space<vmem>> -> memref<128xf32, #tpu.memory_space<vmem>>
    %dma_start3A_1617 = arith.constant 0 : i32
    %dma_start3A_1618 = tpu.memref_slice %arg7[%squeeze3A_1612, %dma_start3A_1617] : memref<100000x128xf32, #tpu.memory_space<hbm>> -> memref<1x128xf32, #tpu.memory_space<hbm>>
    %dma_start3A_1619 = tpu.memref_squeeze %dma_start3A_1618 : memref<1x128xf32, #tpu.memory_space<hbm>> -> memref<128xf32, #tpu.memory_space<hbm>>
    %dma_start3A_1620 = arith.constant 0 : i32
    %dma_start3A_1621 = tpu.memref_slice %arg26[%dma_start3A_1613, %dma_start3A_1620] : memref<100x128xf32, #tpu.memory_space<vmem>> -> memref<1x128xf32, #tpu.memory_space<vmem>>
    %dma_start3A_1622 = tpu.memref_squeeze %dma_start3A_1621 : memref<1x128xf32, #tpu.memory_space<vmem>> -> memref<128xf32, #tpu.memory_space<vmem>>
    %dma_start3A_1623 = arith.constant 0 : i32
    %dma_start3A_1624 = tpu.memref_slice %arg7[%squeeze3A_1612, %dma_start3A_1623] : memref<100000x128xf32, #tpu.memory_space<hbm>> -> memref<1x128xf32, #tpu.memory_space<hbm>>
    %dma_start3A_1625 = tpu.memref_squeeze %dma_start3A_1624 : memref<1x128xf32, #tpu.memory_space<hbm>> -> memref<128xf32, #tpu.memory_space<hbm>>
    tpu.enqueue_dma source(%dma_start3A_1625 : memref<128xf32, #tpu.memory_space<hbm>>) target(%dma_start3A_1622 : memref<128xf32, #tpu.memory_space<vmem>>) target_semaphore(%arg27 : memref<!tpu.dma_semaphore, #tpu.memory_space<semaphore_mem>>)
    %slice3A_1626 = vector.extract_strided_slice %get3A_1460 {offsets = [11], sizes = [1], strides = [1]} : vector<16xi32> to vector<1xi32>
    %squeeze3A_1627 = vector.extract %slice3A_1626[0] : i32 from vector<1xi32>
    %dma_start3A_1628 = arith.constant 91 : i32
    %dma_start3A_1629 = arith.constant 0 : i32
    %dma_start3A_1630 = tpu.memref_slice %arg26[%dma_start3A_1628, %dma_start3A_1629] : memref<100x128xf32, #tpu.memory_space<vmem>> -> memref<1x128xf32, #tpu.memory_space<vmem>>
    %dma_start3A_1631 = tpu.memref_squeeze %dma_start3A_1630 : memref<1x128xf32, #tpu.memory_space<vmem>> -> memref<128xf32, #tpu.memory_space<vmem>>
    %dma_start3A_1632 = arith.constant 0 : i32
    %dma_start3A_1633 = tpu.memref_slice %arg7[%squeeze3A_1627, %dma_start3A_1632] : memref<100000x128xf32, #tpu.memory_space<hbm>> -> memref<1x128xf32, #tpu.memory_space<hbm>>
    %dma_start3A_1634 = tpu.memref_squeeze %dma_start3A_1633 : memref<1x128xf32, #tpu.memory_space<hbm>> -> memref<128xf32, #tpu.memory_space<hbm>>
    %dma_start3A_1635 = arith.constant 0 : i32
    %dma_start3A_1636 = tpu.memref_slice %arg26[%dma_start3A_1628, %dma_start3A_1635] : memref<100x128xf32, #tpu.memory_space<vmem>> -> memref<1x128xf32, #tpu.memory_space<vmem>>
    %dma_start3A_1637 = tpu.memref_squeeze %dma_start3A_1636 : memref<1x128xf32, #tpu.memory_space<vmem>> -> memref<128xf32, #tpu.memory_space<vmem>>
    %dma_start3A_1638 = arith.constant 0 : i32
    %dma_start3A_1639 = tpu.memref_slice %arg7[%squeeze3A_1627, %dma_start3A_1638] : memref<100000x128xf32, #tpu.memory_space<hbm>> -> memref<1x128xf32, #tpu.memory_space<hbm>>
    %dma_start3A_1640 = tpu.memref_squeeze %dma_start3A_1639 : memref<1x128xf32, #tpu.memory_space<hbm>> -> memref<128xf32, #tpu.memory_space<hbm>>
    tpu.enqueue_dma source(%dma_start3A_1640 : memref<128xf32, #tpu.memory_space<hbm>>) target(%dma_start3A_1637 : memref<128xf32, #tpu.memory_space<vmem>>) target_semaphore(%arg28 : memref<!tpu.dma_semaphore, #tpu.memory_space<semaphore_mem>>)
    %slice3A_1641 = vector.extract_strided_slice %get3A_1460 {offsets = [12], sizes = [1], strides = [1]} : vector<16xi32> to vector<1xi32>
    %squeeze3A_1642 = vector.extract %slice3A_1641[0] : i32 from vector<1xi32>
    %dma_start3A_1643 = arith.constant 92 : i32
    %dma_start3A_1644 = arith.constant 0 : i32
    %dma_start3A_1645 = tpu.memref_slice %arg26[%dma_start3A_1643, %dma_start3A_1644] : memref<100x128xf32, #tpu.memory_space<vmem>> -> memref<1x128xf32, #tpu.memory_space<vmem>>
    %dma_start3A_1646 = tpu.memref_squeeze %dma_start3A_1645 : memref<1x128xf32, #tpu.memory_space<vmem>> -> memref<128xf32, #tpu.memory_space<vmem>>
    %dma_start3A_1647 = arith.constant 0 : i32
    %dma_start3A_1648 = tpu.memref_slice %arg7[%squeeze3A_1642, %dma_start3A_1647] : memref<100000x128xf32, #tpu.memory_space<hbm>> -> memref<1x128xf32, #tpu.memory_space<hbm>>
    %dma_start3A_1649 = tpu.memref_squeeze %dma_start3A_1648 : memref<1x128xf32, #tpu.memory_space<hbm>> -> memref<128xf32, #tpu.memory_space<hbm>>
    %dma_start3A_1650 = arith.constant 0 : i32
    %dma_start3A_1651 = tpu.memref_slice %arg26[%dma_start3A_1643, %dma_start3A_1650] : memref<100x128xf32, #tpu.memory_space<vmem>> -> memref<1x128xf32, #tpu.memory_space<vmem>>
    %dma_start3A_1652 = tpu.memref_squeeze %dma_start3A_1651 : memref<1x128xf32, #tpu.memory_space<vmem>> -> memref<128xf32, #tpu.memory_space<vmem>>
    %dma_start3A_1653 = arith.constant 0 : i32
    %dma_start3A_1654 = tpu.memref_slice %arg7[%squeeze3A_1642, %dma_start3A_1653] : memref<100000x128xf32, #tpu.memory_space<hbm>> -> memref<1x128xf32, #tpu.memory_space<hbm>>
    %dma_start3A_1655 = tpu.memref_squeeze %dma_start3A_1654 : memref<1x128xf32, #tpu.memory_space<hbm>> -> memref<128xf32, #tpu.memory_space<hbm>>
    tpu.enqueue_dma source(%dma_start3A_1655 : memref<128xf32, #tpu.memory_space<hbm>>) target(%dma_start3A_1652 : memref<128xf32, #tpu.memory_space<vmem>>) target_semaphore(%arg27 : memref<!tpu.dma_semaphore, #tpu.memory_space<semaphore_mem>>)
    %slice3A_1656 = vector.extract_strided_slice %get3A_1460 {offsets = [13], sizes = [1], strides = [1]} : vector<16xi32> to vector<1xi32>
    %squeeze3A_1657 = vector.extract %slice3A_1656[0] : i32 from vector<1xi32>
    %dma_start3A_1658 = arith.constant 93 : i32
    %dma_start3A_1659 = arith.constant 0 : i32
    %dma_start3A_1660 = tpu.memref_slice %arg26[%dma_start3A_1658, %dma_start3A_1659] : memref<100x128xf32, #tpu.memory_space<vmem>> -> memref<1x128xf32, #tpu.memory_space<vmem>>
    %dma_start3A_1661 = tpu.memref_squeeze %dma_start3A_1660 : memref<1x128xf32, #tpu.memory_space<vmem>> -> memref<128xf32, #tpu.memory_space<vmem>>
    %dma_start3A_1662 = arith.constant 0 : i32
    %dma_start3A_1663 = tpu.memref_slice %arg7[%squeeze3A_1657, %dma_start3A_1662] : memref<100000x128xf32, #tpu.memory_space<hbm>> -> memref<1x128xf32, #tpu.memory_space<hbm>>
    %dma_start3A_1664 = tpu.memref_squeeze %dma_start3A_1663 : memref<1x128xf32, #tpu.memory_space<hbm>> -> memref<128xf32, #tpu.memory_space<hbm>>
    %dma_start3A_1665 = arith.constant 0 : i32
    %dma_start3A_1666 = tpu.memref_slice %arg26[%dma_start3A_1658, %dma_start3A_1665] : memref<100x128xf32, #tpu.memory_space<vmem>> -> memref<1x128xf32, #tpu.memory_space<vmem>>
    %dma_start3A_1667 = tpu.memref_squeeze %dma_start3A_1666 : memref<1x128xf32, #tpu.memory_space<vmem>> -> memref<128xf32, #tpu.memory_space<vmem>>
    %dma_start3A_1668 = arith.constant 0 : i32
    %dma_start3A_1669 = tpu.memref_slice %arg7[%squeeze3A_1657, %dma_start3A_1668] : memref<100000x128xf32, #tpu.memory_space<hbm>> -> memref<1x128xf32, #tpu.memory_space<hbm>>
    %dma_start3A_1670 = tpu.memref_squeeze %dma_start3A_1669 : memref<1x128xf32, #tpu.memory_space<hbm>> -> memref<128xf32, #tpu.memory_space<hbm>>
    tpu.enqueue_dma source(%dma_start3A_1670 : memref<128xf32, #tpu.memory_space<hbm>>) target(%dma_start3A_1667 : memref<128xf32, #tpu.memory_space<vmem>>) target_semaphore(%arg28 : memref<!tpu.dma_semaphore, #tpu.memory_space<semaphore_mem>>)
    %slice3A_1671 = vector.extract_strided_slice %get3A_1460 {offsets = [14], sizes = [1], strides = [1]} : vector<16xi32> to vector<1xi32>
    %squeeze3A_1672 = vector.extract %slice3A_1671[0] : i32 from vector<1xi32>
    %dma_start3A_1673 = arith.constant 94 : i32
    %dma_start3A_1674 = arith.constant 0 : i32
    %dma_start3A_1675 = tpu.memref_slice %arg26[%dma_start3A_1673, %dma_start3A_1674] : memref<100x128xf32, #tpu.memory_space<vmem>> -> memref<1x128xf32, #tpu.memory_space<vmem>>
    %dma_start3A_1676 = tpu.memref_squeeze %dma_start3A_1675 : memref<1x128xf32, #tpu.memory_space<vmem>> -> memref<128xf32, #tpu.memory_space<vmem>>
    %dma_start3A_1677 = arith.constant 0 : i32
    %dma_start3A_1678 = tpu.memref_slice %arg7[%squeeze3A_1672, %dma_start3A_1677] : memref<100000x128xf32, #tpu.memory_space<hbm>> -> memref<1x128xf32, #tpu.memory_space<hbm>>
    %dma_start3A_1679 = tpu.memref_squeeze %dma_start3A_1678 : memref<1x128xf32, #tpu.memory_space<hbm>> -> memref<128xf32, #tpu.memory_space<hbm>>
    %dma_start3A_1680 = arith.constant 0 : i32
    %dma_start3A_1681 = tpu.memref_slice %arg26[%dma_start3A_1673, %dma_start3A_1680] : memref<100x128xf32, #tpu.memory_space<vmem>> -> memref<1x128xf32, #tpu.memory_space<vmem>>
    %dma_start3A_1682 = tpu.memref_squeeze %dma_start3A_1681 : memref<1x128xf32, #tpu.memory_space<vmem>> -> memref<128xf32, #tpu.memory_space<vmem>>
    %dma_start3A_1683 = arith.constant 0 : i32
    %dma_start3A_1684 = tpu.memref_slice %arg7[%squeeze3A_1672, %dma_start3A_1683] : memref<100000x128xf32, #tpu.memory_space<hbm>> -> memref<1x128xf32, #tpu.memory_space<hbm>>
    %dma_start3A_1685 = tpu.memref_squeeze %dma_start3A_1684 : memref<1x128xf32, #tpu.memory_space<hbm>> -> memref<128xf32, #tpu.memory_space<hbm>>
    tpu.enqueue_dma source(%dma_start3A_1685 : memref<128xf32, #tpu.memory_space<hbm>>) target(%dma_start3A_1682 : memref<128xf32, #tpu.memory_space<vmem>>) target_semaphore(%arg27 : memref<!tpu.dma_semaphore, #tpu.memory_space<semaphore_mem>>)
    %slice3A_1686 = vector.extract_strided_slice %get3A_1460 {offsets = [15], sizes = [1], strides = [1]} : vector<16xi32> to vector<1xi32>
    %squeeze3A_1687 = vector.extract %slice3A_1686[0] : i32 from vector<1xi32>
    %dma_start3A_1688 = arith.constant 95 : i32
    %dma_start3A_1689 = arith.constant 0 : i32
    %dma_start3A_1690 = tpu.memref_slice %arg26[%dma_start3A_1688, %dma_start3A_1689] : memref<100x128xf32, #tpu.memory_space<vmem>> -> memref<1x128xf32, #tpu.memory_space<vmem>>
    %dma_start3A_1691 = tpu.memref_squeeze %dma_start3A_1690 : memref<1x128xf32, #tpu.memory_space<vmem>> -> memref<128xf32, #tpu.memory_space<vmem>>
    %dma_start3A_1692 = arith.constant 0 : i32
    %dma_start3A_1693 = tpu.memref_slice %arg7[%squeeze3A_1687, %dma_start3A_1692] : memref<100000x128xf32, #tpu.memory_space<hbm>> -> memref<1x128xf32, #tpu.memory_space<hbm>>
    %dma_start3A_1694 = tpu.memref_squeeze %dma_start3A_1693 : memref<1x128xf32, #tpu.memory_space<hbm>> -> memref<128xf32, #tpu.memory_space<hbm>>
    %dma_start3A_1695 = arith.constant 0 : i32
    %dma_start3A_1696 = tpu.memref_slice %arg26[%dma_start3A_1688, %dma_start3A_1695] : memref<100x128xf32, #tpu.memory_space<vmem>> -> memref<1x128xf32, #tpu.memory_space<vmem>>
    %dma_start3A_1697 = tpu.memref_squeeze %dma_start3A_1696 : memref<1x128xf32, #tpu.memory_space<vmem>> -> memref<128xf32, #tpu.memory_space<vmem>>
    %dma_start3A_1698 = arith.constant 0 : i32
    %dma_start3A_1699 = tpu.memref_slice %arg7[%squeeze3A_1687, %dma_start3A_1698] : memref<100000x128xf32, #tpu.memory_space<hbm>> -> memref<1x128xf32, #tpu.memory_space<hbm>>
    %dma_start3A_1700 = tpu.memref_squeeze %dma_start3A_1699 : memref<1x128xf32, #tpu.memory_space<hbm>> -> memref<128xf32, #tpu.memory_space<hbm>>
    tpu.enqueue_dma source(%dma_start3A_1700 : memref<128xf32, #tpu.memory_space<hbm>>) target(%dma_start3A_1697 : memref<128xf32, #tpu.memory_space<vmem>>) target_semaphore(%arg28 : memref<!tpu.dma_semaphore, #tpu.memory_space<semaphore_mem>>)
    %get3A_1701 = arith.constant 96 : index
    %get3A_1702 = tpu.vector_load %arg20[%get3A_1701] {strides = array<i32>} : memref<112xi32, #tpu.memory_space<vmem>>, vector<16xi32>,
    %slice3A_1703 = vector.extract_strided_slice %get3A_1702 {offsets = [0], sizes = [1], strides = [1]} : vector<16xi32> to vector<1xi32>
    %squeeze3A_1704 = vector.extract %slice3A_1703[0] : i32 from vector<1xi32>
    %dma_start3A_1705 = arith.constant 96 : i32
    %dma_start3A_1706 = arith.constant 0 : i32
    %dma_start3A_1707 = tpu.memref_slice %arg26[%dma_start3A_1705, %dma_start3A_1706] : memref<100x128xf32, #tpu.memory_space<vmem>> -> memref<1x128xf32, #tpu.memory_space<vmem>>
    %dma_start3A_1708 = tpu.memref_squeeze %dma_start3A_1707 : memref<1x128xf32, #tpu.memory_space<vmem>> -> memref<128xf32, #tpu.memory_space<vmem>>
    %dma_start3A_1709 = arith.constant 0 : i32
    %dma_start3A_1710 = tpu.memref_slice %arg7[%squeeze3A_1704, %dma_start3A_1709] : memref<100000x128xf32, #tpu.memory_space<hbm>> -> memref<1x128xf32, #tpu.memory_space<hbm>>
    %dma_start3A_1711 = tpu.memref_squeeze %dma_start3A_1710 : memref<1x128xf32, #tpu.memory_space<hbm>> -> memref<128xf32, #tpu.memory_space<hbm>>
    %dma_start3A_1712 = arith.constant 0 : i32
    %dma_start3A_1713 = tpu.memref_slice %arg26[%dma_start3A_1705, %dma_start3A_1712] : memref<100x128xf32, #tpu.memory_space<vmem>> -> memref<1x128xf32, #tpu.memory_space<vmem>>
    %dma_start3A_1714 = tpu.memref_squeeze %dma_start3A_1713 : memref<1x128xf32, #tpu.memory_space<vmem>> -> memref<128xf32, #tpu.memory_space<vmem>>
    %dma_start3A_1715 = arith.constant 0 : i32
    %dma_start3A_1716 = tpu.memref_slice %arg7[%squeeze3A_1704, %dma_start3A_1715] : memref<100000x128xf32, #tpu.memory_space<hbm>> -> memref<1x128xf32, #tpu.memory_space<hbm>>
    %dma_start3A_1717 = tpu.memref_squeeze %dma_start3A_1716 : memref<1x128xf32, #tpu.memory_space<hbm>> -> memref<128xf32, #tpu.memory_space<hbm>>
    tpu.enqueue_dma source(%dma_start3A_1717 : memref<128xf32, #tpu.memory_space<hbm>>) target(%dma_start3A_1714 : memref<128xf32, #tpu.memory_space<vmem>>) target_semaphore(%arg27 : memref<!tpu.dma_semaphore, #tpu.memory_space<semaphore_mem>>)
    %slice3A_1718 = vector.extract_strided_slice %get3A_1702 {offsets = [1], sizes = [1], strides = [1]} : vector<16xi32> to vector<1xi32>
    %squeeze3A_1719 = vector.extract %slice3A_1718[0] : i32 from vector<1xi32>
    %dma_start3A_1720 = arith.constant 97 : i32
    %dma_start3A_1721 = arith.constant 0 : i32
    %dma_start3A_1722 = tpu.memref_slice %arg26[%dma_start3A_1720, %dma_start3A_1721] : memref<100x128xf32, #tpu.memory_space<vmem>> -> memref<1x128xf32, #tpu.memory_space<vmem>>
    %dma_start3A_1723 = tpu.memref_squeeze %dma_start3A_1722 : memref<1x128xf32, #tpu.memory_space<vmem>> -> memref<128xf32, #tpu.memory_space<vmem>>
    %dma_start3A_1724 = arith.constant 0 : i32
    %dma_start3A_1725 = tpu.memref_slice %arg7[%squeeze3A_1719, %dma_start3A_1724] : memref<100000x128xf32, #tpu.memory_space<hbm>> -> memref<1x128xf32, #tpu.memory_space<hbm>>
    %dma_start3A_1726 = tpu.memref_squeeze %dma_start3A_1725 : memref<1x128xf32, #tpu.memory_space<hbm>> -> memref<128xf32, #tpu.memory_space<hbm>>
    %dma_start3A_1727 = arith.constant 0 : i32
    %dma_start3A_1728 = tpu.memref_slice %arg26[%dma_start3A_1720, %dma_start3A_1727] : memref<100x128xf32, #tpu.memory_space<vmem>> -> memref<1x128xf32, #tpu.memory_space<vmem>>
    %dma_start3A_1729 = tpu.memref_squeeze %dma_start3A_1728 : memref<1x128xf32, #tpu.memory_space<vmem>> -> memref<128xf32, #tpu.memory_space<vmem>>
    %dma_start3A_1730 = arith.constant 0 : i32
    %dma_start3A_1731 = tpu.memref_slice %arg7[%squeeze3A_1719, %dma_start3A_1730] : memref<100000x128xf32, #tpu.memory_space<hbm>> -> memref<1x128xf32, #tpu.memory_space<hbm>>
    %dma_start3A_1732 = tpu.memref_squeeze %dma_start3A_1731 : memref<1x128xf32, #tpu.memory_space<hbm>> -> memref<128xf32, #tpu.memory_space<hbm>>
    tpu.enqueue_dma source(%dma_start3A_1732 : memref<128xf32, #tpu.memory_space<hbm>>) target(%dma_start3A_1729 : memref<128xf32, #tpu.memory_space<vmem>>) target_semaphore(%arg28 : memref<!tpu.dma_semaphore, #tpu.memory_space<semaphore_mem>>)
    %slice3A_1733 = vector.extract_strided_slice %get3A_1702 {offsets = [2], sizes = [1], strides = [1]} : vector<16xi32> to vector<1xi32>
    %squeeze3A_1734 = vector.extract %slice3A_1733[0] : i32 from vector<1xi32>
    %dma_start3A_1735 = arith.constant 98 : i32
    %dma_start3A_1736 = arith.constant 0 : i32
    %dma_start3A_1737 = tpu.memref_slice %arg26[%dma_start3A_1735, %dma_start3A_1736] : memref<100x128xf32, #tpu.memory_space<vmem>> -> memref<1x128xf32, #tpu.memory_space<vmem>>
    %dma_start3A_1738 = tpu.memref_squeeze %dma_start3A_1737 : memref<1x128xf32, #tpu.memory_space<vmem>> -> memref<128xf32, #tpu.memory_space<vmem>>
    %dma_start3A_1739 = arith.constant 0 : i32
    %dma_start3A_1740 = tpu.memref_slice %arg7[%squeeze3A_1734, %dma_start3A_1739] : memref<100000x128xf32, #tpu.memory_space<hbm>> -> memref<1x128xf32, #tpu.memory_space<hbm>>
    %dma_start3A_1741 = tpu.memref_squeeze %dma_start3A_1740 : memref<1x128xf32, #tpu.memory_space<hbm>> -> memref<128xf32, #tpu.memory_space<hbm>>
    %dma_start3A_1742 = arith.constant 0 : i32
    %dma_start3A_1743 = tpu.memref_slice %arg26[%dma_start3A_1735, %dma_start3A_1742] : memref<100x128xf32, #tpu.memory_space<vmem>> -> memref<1x128xf32, #tpu.memory_space<vmem>>
    %dma_start3A_1744 = tpu.memref_squeeze %dma_start3A_1743 : memref<1x128xf32, #tpu.memory_space<vmem>> -> memref<128xf32, #tpu.memory_space<vmem>>
    %dma_start3A_1745 = arith.constant 0 : i32
    %dma_start3A_1746 = tpu.memref_slice %arg7[%squeeze3A_1734, %dma_start3A_1745] : memref<100000x128xf32, #tpu.memory_space<hbm>> -> memref<1x128xf32, #tpu.memory_space<hbm>>
    %dma_start3A_1747 = tpu.memref_squeeze %dma_start3A_1746 : memref<1x128xf32, #tpu.memory_space<hbm>> -> memref<128xf32, #tpu.memory_space<hbm>>
    tpu.enqueue_dma source(%dma_start3A_1747 : memref<128xf32, #tpu.memory_space<hbm>>) target(%dma_start3A_1744 : memref<128xf32, #tpu.memory_space<vmem>>) target_semaphore(%arg27 : memref<!tpu.dma_semaphore, #tpu.memory_space<semaphore_mem>>)
    %slice3A_1748 = vector.extract_strided_slice %get3A_1702 {offsets = [3], sizes = [1], strides = [1]} : vector<16xi32> to vector<1xi32>
    %squeeze3A_1749 = vector.extract %slice3A_1748[0] : i32 from vector<1xi32>
    %dma_start3A_1750 = arith.constant 99 : i32
    %dma_start3A_1751 = arith.constant 0 : i32
    %dma_start3A_1752 = tpu.memref_slice %arg26[%dma_start3A_1750, %dma_start3A_1751] : memref<100x128xf32, #tpu.memory_space<vmem>> -> memref<1x128xf32, #tpu.memory_space<vmem>>
    %dma_start3A_1753 = tpu.memref_squeeze %dma_start3A_1752 : memref<1x128xf32, #tpu.memory_space<vmem>> -> memref<128xf32, #tpu.memory_space<vmem>>
    %dma_start3A_1754 = arith.constant 0 : i32
    %dma_start3A_1755 = tpu.memref_slice %arg7[%squeeze3A_1749, %dma_start3A_1754] : memref<100000x128xf32, #tpu.memory_space<hbm>> -> memref<1x128xf32, #tpu.memory_space<hbm>>
    %dma_start3A_1756 = tpu.memref_squeeze %dma_start3A_1755 : memref<1x128xf32, #tpu.memory_space<hbm>> -> memref<128xf32, #tpu.memory_space<hbm>>
    %dma_start3A_1757 = arith.constant 0 : i32
    %dma_start3A_1758 = tpu.memref_slice %arg26[%dma_start3A_1750, %dma_start3A_1757] : memref<100x128xf32, #tpu.memory_space<vmem>> -> memref<1x128xf32, #tpu.memory_space<vmem>>
    %dma_start3A_1759 = tpu.memref_squeeze %dma_start3A_1758 : memref<1x128xf32, #tpu.memory_space<vmem>> -> memref<128xf32, #tpu.memory_space<vmem>>
    %dma_start3A_1760 = arith.constant 0 : i32
    %dma_start3A_1761 = tpu.memref_slice %arg7[%squeeze3A_1749, %dma_start3A_1760] : memref<100000x128xf32, #tpu.memory_space<hbm>> -> memref<1x128xf32, #tpu.memory_space<hbm>>
    %dma_start3A_1762 = tpu.memref_squeeze %dma_start3A_1761 : memref<1x128xf32, #tpu.memory_space<hbm>> -> memref<128xf32, #tpu.memory_space<hbm>>
    tpu.enqueue_dma source(%dma_start3A_1762 : memref<128xf32, #tpu.memory_space<hbm>>) target(%dma_start3A_1759 : memref<128xf32, #tpu.memory_space<vmem>>) target_semaphore(%arg28 : memref<!tpu.dma_semaphore, #tpu.memory_space<semaphore_mem>>)
    %scan3A_1763 = arith.constant 0 : i32
    %scan3A_1764 = arith.constant 0 : i32
    %scan3A_1765 = arith.constant 50 : i32
    %scan3A_1766 = arith.addi %scan3A_1764, %scan3A_1765 : i32
    %scan3A_1767 = arith.constant 1 : i32
    %scan3A_1768 = scf.for %scan3A_1773 = %scan3A_1764 to %scan3A_1766 step %scan3A_1767 iter_args(%scan3A_1774 = %scan3A_1763) -> (i32)  : i32 {
      %mul3A_1775 = arith.constant 2 : i32
      %mul3A_1776 = arith.muli %mul3A_1775, %scan3A_1773 : i32
      %dma_wait3A = arith.constant 0 : i32
      %dma_wait3A_1777 = arith.constant 0 : i32
      %dma_wait3A_1778 = tpu.memref_slice %arg26[%mul3A_1776, %dma_wait3A_1777] : memref<100x128xf32, #tpu.memory_space<vmem>> -> memref<1x128xf32, #tpu.memory_space<vmem>>
      %dma_wait3A_1779 = tpu.memref_squeeze %dma_wait3A_1778 : memref<1x128xf32, #tpu.memory_space<vmem>> -> memref<128xf32, #tpu.memory_space<vmem>>
      %dma_wait3A_1780 = arith.constant 0 : i32
      %dma_wait3A_1781 = tpu.memref_slice %arg7[%dma_wait3A, %dma_wait3A_1780] : memref<100000x128xf32, #tpu.memory_space<hbm>> -> memref<1x128xf32, #tpu.memory_space<hbm>>
      %dma_wait3A_1782 = tpu.memref_squeeze %dma_wait3A_1781 : memref<1x128xf32, #tpu.memory_space<hbm>> -> memref<128xf32, #tpu.memory_space<hbm>>
      %dma_wait3A_1783 = arith.constant 0 : i32
      %dma_wait3A_1784 = tpu.memref_slice %arg26[%mul3A_1776, %dma_wait3A_1783] : memref<100x128xf32, #tpu.memory_space<vmem>> -> memref<1x128xf32, #tpu.memory_space<vmem>>
      %dma_wait3A_1785 = tpu.memref_squeeze %dma_wait3A_1784 : memref<1x128xf32, #tpu.memory_space<vmem>> -> memref<128xf32, #tpu.memory_space<vmem>>
      %dma_wait3A_1786 = arith.constant 0 : i32
      %dma_wait3A_1787 = tpu.memref_slice %arg7[%dma_wait3A, %dma_wait3A_1786] : memref<100000x128xf32, #tpu.memory_space<hbm>> -> memref<1x128xf32, #tpu.memory_space<hbm>>
      %dma_wait3A_1788 = tpu.memref_squeeze %dma_wait3A_1787 : memref<1x128xf32, #tpu.memory_space<hbm>> -> memref<128xf32, #tpu.memory_space<hbm>>
      tpu.wait_dma2 semaphore(%arg27 : memref<!tpu.dma_semaphore, #tpu.memory_space<semaphore_mem>>) src(%dma_wait3A_1788 : memref<128xf32, #tpu.memory_space<hbm>>) dst(%dma_wait3A_1785 : memref<128xf32, #tpu.memory_space<vmem>>)
      %mul3A_1789 = arith.constant 2 : i32
      %mul3A_1790 = arith.muli %mul3A_1789, %scan3A_1773 : i32
      %add3A_1791 = arith.constant 1 : i32
      %add3A_1792 = arith.addi %mul3A_1790, %add3A_1791 : i32
      %dma_wait3A_1793 = arith.constant 0 : i32
      %dma_wait3A_1794 = arith.constant 0 : i32
      %dma_wait3A_1795 = tpu.memref_slice %arg26[%add3A_1792, %dma_wait3A_1794] : memref<100x128xf32, #tpu.memory_space<vmem>> -> memref<1x128xf32, #tpu.memory_space<vmem>>
      %dma_wait3A_1796 = tpu.memref_squeeze %dma_wait3A_1795 : memref<1x128xf32, #tpu.memory_space<vmem>> -> memref<128xf32, #tpu.memory_space<vmem>>
      %dma_wait3A_1797 = arith.constant 0 : i32
      %dma_wait3A_1798 = tpu.memref_slice %arg7[%dma_wait3A_1793, %dma_wait3A_1797] : memref<100000x128xf32, #tpu.memory_space<hbm>> -> memref<1x128xf32, #tpu.memory_space<hbm>>
      %dma_wait3A_1799 = tpu.memref_squeeze %dma_wait3A_1798 : memref<1x128xf32, #tpu.memory_space<hbm>> -> memref<128xf32, #tpu.memory_space<hbm>>
      %dma_wait3A_1800 = arith.constant 0 : i32
      %dma_wait3A_1801 = tpu.memref_slice %arg26[%add3A_1792, %dma_wait3A_1800] : memref<100x128xf32, #tpu.memory_space<vmem>> -> memref<1x128xf32, #tpu.memory_space<vmem>>
      %dma_wait3A_1802 = tpu.memref_squeeze %dma_wait3A_1801 : memref<1x128xf32, #tpu.memory_space<vmem>> -> memref<128xf32, #tpu.memory_space<vmem>>
      %dma_wait3A_1803 = arith.constant 0 : i32
      %dma_wait3A_1804 = tpu.memref_slice %arg7[%dma_wait3A_1793, %dma_wait3A_1803] : memref<100000x128xf32, #tpu.memory_space<hbm>> -> memref<1x128xf32, #tpu.memory_space<hbm>>
      %dma_wait3A_1805 = tpu.memref_squeeze %dma_wait3A_1804 : memref<1x128xf32, #tpu.memory_space<hbm>> -> memref<128xf32, #tpu.memory_space<hbm>>
      tpu.wait_dma2 semaphore(%arg28 : memref<!tpu.dma_semaphore, #tpu.memory_space<semaphore_mem>>) src(%dma_wait3A_1805 : memref<128xf32, #tpu.memory_space<hbm>>) dst(%dma_wait3A_1802 : memref<128xf32, #tpu.memory_space<vmem>>)
      %scan3A_1806 = arith.constant 0 : i32
      scf.yield %scan3A_1806 : i32
    }
    %scan3A_1769 = arith.constant 50 : i32
    %parallel_loop3A_1770 = arith.constant 0 : i32
    %parallel_loop3A_1771 = arith.constant 100 : i32
    %parallel_loop3A_1772 = arith.constant 1 : i32
    scf.for %parallel_loop3A_1773 = %parallel_loop3A_1770 to %parallel_loop3A_1771 step %parallel_loop3A_1772  : i32 {
      %parallel_loop3A_1774 = vector.broadcast %parallel_loop3A_1773 : i32 to vector<16xi32>
      %parallel_loop3A_1775 = tpu.vector_load_idx %arg18[%parallel_loop3A_1774] : memref<112xf32, #tpu.memory_space<vmem>>[vector<16xi32>], vector<16xf32>,
      %parallel_loop3A_1776 = arith.index_cast %parallel_loop3A_1773 : i32 to index
      %parallel_loop3A_1777 = arith.constant 0 : index
      %parallel_loop3A_1778 = tpu.vector_load %arg26[%parallel_loop3A_1776, %parallel_loop3A_1777] {strides = array<i32>} : memref<100x128xf32, #tpu.memory_space<vmem>>, vector<16xf32>,
      %parallel_loop3A_1779 = arith.mulf %parallel_loop3A_1778, %parallel_loop3A_1775 : vector<16xf32>
      %parallel_loop3A_1780 = arith.index_cast %parallel_loop3A_1773 : i32 to index
      %parallel_loop3A_1781 = arith.constant 0 : index
      %parallel_loop3A_1782 = tpu.vector_load %arg26[%parallel_loop3A_1780, %parallel_loop3A_1781] {strides = array<i32>} : memref<100x128xf32, #tpu.memory_space<vmem>>, vector<16xf32>,
      tpu.vector_store %arg26[%parallel_loop3A_1780, %parallel_loop3A_1781], %parallel_loop3A_1779 {strides = array<i32>} : memref<100x128xf32, #tpu.memory_space<vmem>>, vector<16xf32>,
      %parallel_loop3A_1783 = arith.index_cast %parallel_loop3A_1773 : i32 to index
      %parallel_loop3A_1784 = arith.constant 16 : index
      %parallel_loop3A_1785 = tpu.vector_load %arg26[%parallel_loop3A_1783, %parallel_loop3A_1784] {strides = array<i32>} : memref<100x128xf32, #tpu.memory_space<vmem>>, vector<16xf32>,
      %parallel_loop3A_1786 = arith.mulf %parallel_loop3A_1785, %parallel_loop3A_1775 : vector<16xf32>
      %parallel_loop3A_1787 = arith.index_cast %parallel_loop3A_1773 : i32 to index
      %parallel_loop3A_1788 = arith.constant 16 : index
      %parallel_loop3A_1789 = tpu.vector_load %arg26[%parallel_loop3A_1787, %parallel_loop3A_1788] {strides = array<i32>} : memref<100x128xf32, #tpu.memory_space<vmem>>, vector<16xf32>,
      tpu.vector_store %arg26[%parallel_loop3A_1787, %parallel_loop3A_1788], %parallel_loop3A_1786 {strides = array<i32>} : memref<100x128xf32, #tpu.memory_space<vmem>>, vector<16xf32>,
      %parallel_loop3A_1790 = arith.index_cast %parallel_loop3A_1773 : i32 to index
      %parallel_loop3A_1791 = arith.constant 32 : index
      %parallel_loop3A_1792 = tpu.vector_load %arg26[%parallel_loop3A_1790, %parallel_loop3A_1791] {strides = array<i32>} : memref<100x128xf32, #tpu.memory_space<vmem>>, vector<16xf32>,
      %parallel_loop3A_1793 = arith.mulf %parallel_loop3A_1792, %parallel_loop3A_1775 : vector<16xf32>
      %parallel_loop3A_1794 = arith.index_cast %parallel_loop3A_1773 : i32 to index
      %parallel_loop3A_1795 = arith.constant 32 : index
      %parallel_loop3A_1796 = tpu.vector_load %arg26[%parallel_loop3A_1794, %parallel_loop3A_1795] {strides = array<i32>} : memref<100x128xf32, #tpu.memory_space<vmem>>, vector<16xf32>,
      tpu.vector_store %arg26[%parallel_loop3A_1794, %parallel_loop3A_1795], %parallel_loop3A_1793 {strides = array<i32>} : memref<100x128xf32, #tpu.memory_space<vmem>>, vector<16xf32>,
      %parallel_loop3A_1797 = arith.index_cast %parallel_loop3A_1773 : i32 to index
      %parallel_loop3A_1798 = arith.constant 48 : index
      %parallel_loop3A_1799 = tpu.vector_load %arg26[%parallel_loop3A_1797, %parallel_loop3A_1798] {strides = array<i32>} : memref<100x128xf32, #tpu.memory_space<vmem>>, vector<16xf32>,
      %parallel_loop3A_1800 = arith.mulf %parallel_loop3A_1799, %parallel_loop3A_1775 : vector<16xf32>
      %parallel_loop3A_1801 = arith.index_cast %parallel_loop3A_1773 : i32 to index
      %parallel_loop3A_1802 = arith.constant 48 : index
      %parallel_loop3A_1803 = tpu.vector_load %arg26[%parallel_loop3A_1801, %parallel_loop3A_1802] {strides = array<i32>} : memref<100x128xf32, #tpu.memory_space<vmem>>, vector<16xf32>,
      tpu.vector_store %arg26[%parallel_loop3A_1801, %parallel_loop3A_1802], %parallel_loop3A_1800 {strides = array<i32>} : memref<100x128xf32, #tpu.memory_space<vmem>>, vector<16xf32>,
      %parallel_loop3A_1804 = arith.index_cast %parallel_loop3A_1773 : i32 to index
      %parallel_loop3A_1805 = arith.constant 64 : index
      %parallel_loop3A_1806 = tpu.vector_load %arg26[%parallel_loop3A_1804, %parallel_loop3A_1805] {strides = array<i32>} : memref<100x128xf32, #tpu.memory_space<vmem>>, vector<16xf32>,
      %parallel_loop3A_1807 = arith.mulf %parallel_loop3A_1806, %parallel_loop3A_1775 : vector<16xf32>
      %parallel_loop3A_1808 = arith.index_cast %parallel_loop3A_1773 : i32 to index
      %parallel_loop3A_1809 = arith.constant 64 : index
      %parallel_loop3A_1810 = tpu.vector_load %arg26[%parallel_loop3A_1808, %parallel_loop3A_1809] {strides = array<i32>} : memref<100x128xf32, #tpu.memory_space<vmem>>, vector<16xf32>,
      tpu.vector_store %arg26[%parallel_loop3A_1808, %parallel_loop3A_1809], %parallel_loop3A_1807 {strides = array<i32>} : memref<100x128xf32, #tpu.memory_space<vmem>>, vector<16xf32>,
      %parallel_loop3A_1811 = arith.index_cast %parallel_loop3A_1773 : i32 to index
      %parallel_loop3A_1812 = arith.constant 80 : index
      %parallel_loop3A_1813 = tpu.vector_load %arg26[%parallel_loop3A_1811, %parallel_loop3A_1812] {strides = array<i32>} : memref<100x128xf32, #tpu.memory_space<vmem>>, vector<16xf32>,
      %parallel_loop3A_1814 = arith.mulf %parallel_loop3A_1813, %parallel_loop3A_1775 : vector<16xf32>
      %parallel_loop3A_1815 = arith.index_cast %parallel_loop3A_1773 : i32 to index
      %parallel_loop3A_1816 = arith.constant 80 : index
      %parallel_loop3A_1817 = tpu.vector_load %arg26[%parallel_loop3A_1815, %parallel_loop3A_1816] {strides = array<i32>} : memref<100x128xf32, #tpu.memory_space<vmem>>, vector<16xf32>,
      tpu.vector_store %arg26[%parallel_loop3A_1815, %parallel_loop3A_1816], %parallel_loop3A_1814 {strides = array<i32>} : memref<100x128xf32, #tpu.memory_space<vmem>>, vector<16xf32>,
      %parallel_loop3A_1818 = arith.index_cast %parallel_loop3A_1773 : i32 to index
      %parallel_loop3A_1819 = arith.constant 96 : index
      %parallel_loop3A_1820 = tpu.vector_load %arg26[%parallel_loop3A_1818, %parallel_loop3A_1819] {strides = array<i32>} : memref<100x128xf32, #tpu.memory_space<vmem>>, vector<16xf32>,
      %parallel_loop3A_1821 = arith.mulf %parallel_loop3A_1820, %parallel_loop3A_1775 : vector<16xf32>
      %parallel_loop3A_1822 = arith.index_cast %parallel_loop3A_1773 : i32 to index
      %parallel_loop3A_1823 = arith.constant 96 : index
      %parallel_loop3A_1824 = tpu.vector_load %arg26[%parallel_loop3A_1822, %parallel_loop3A_1823] {strides = array<i32>} : memref<100x128xf32, #tpu.memory_space<vmem>>, vector<16xf32>,
      tpu.vector_store %arg26[%parallel_loop3A_1822, %parallel_loop3A_1823], %parallel_loop3A_1821 {strides = array<i32>} : memref<100x128xf32, #tpu.memory_space<vmem>>, vector<16xf32>,
      %parallel_loop3A_1825 = arith.index_cast %parallel_loop3A_1773 : i32 to index
      %parallel_loop3A_1826 = arith.constant 112 : index
      %parallel_loop3A_1827 = tpu.vector_load %arg26[%parallel_loop3A_1825, %parallel_loop3A_1826] {strides = array<i32>} : memref<100x128xf32, #tpu.memory_space<vmem>>, vector<16xf32>,
      %parallel_loop3A_1828 = arith.mulf %parallel_loop3A_1827, %parallel_loop3A_1775 : vector<16xf32>
      %parallel_loop3A_1829 = arith.index_cast %parallel_loop3A_1773 : i32 to index
      %parallel_loop3A_1830 = arith.constant 112 : index
      %parallel_loop3A_1831 = tpu.vector_load %arg26[%parallel_loop3A_1829, %parallel_loop3A_1830] {strides = array<i32>} : memref<100x128xf32, #tpu.memory_space<vmem>>, vector<16xf32>,
      tpu.vector_store %arg26[%parallel_loop3A_1829, %parallel_loop3A_1830], %parallel_loop3A_1828 {strides = array<i32>} : memref<100x128xf32, #tpu.memory_space<vmem>>, vector<16xf32>,
    } {sc.loop_unroll_factor = 4 : i64, sc.parallel_access}
    "tpu.region"() ({
      %run_scoped3A = tpu.sem_alloc : memref<!tpu.dma_semaphore, #tpu.memory_space<semaphore_mem>>
      %dma_start3A_1773 = arith.constant 0 : i32
      %dma_start3A_1774 = arith.constant 0 : i32
      %dma_start3A_1775 = tpu.memref_slice %arg9[%add3A, %dma_start3A_1773, %dma_start3A_1774] : memref<32x100x128xf32, #tpu.memory_space<hbm>> -> memref<1x100x128xf32, #tpu.memory_space<hbm>>
      %dma_start3A_1776 = tpu.memref_squeeze %dma_start3A_1775 : memref<1x100x128xf32, #tpu.memory_space<hbm>> -> memref<100x128xf32, #tpu.memory_space<hbm>>
      %dma_start3A_1777 = arith.constant 0 : i32
      %dma_start3A_1778 = arith.constant 0 : i32
      %dma_start3A_1779 = tpu.memref_slice %arg9[%add3A, %dma_start3A_1777, %dma_start3A_1778] : memref<32x100x128xf32, #tpu.memory_space<hbm>> -> memref<1x100x128xf32, #tpu.memory_space<hbm>>
      %dma_start3A_1780 = tpu.memref_squeeze %dma_start3A_1779 : memref<1x100x128xf32, #tpu.memory_space<hbm>> -> memref<100x128xf32, #tpu.memory_space<hbm>>
      tpu.enqueue_dma source(%arg26 : memref<100x128xf32, #tpu.memory_space<vmem>>) target(%dma_start3A_1780 : memref<100x128xf32, #tpu.memory_space<hbm>>) target_semaphore(%run_scoped3A : memref<!tpu.dma_semaphore, #tpu.memory_space<semaphore_mem>>)
      %dma_wait3A = arith.constant 0 : i32
      %dma_wait3A_1781 = arith.constant 0 : i32
      %dma_wait3A_1782 = tpu.memref_slice %arg9[%add3A, %dma_wait3A, %dma_wait3A_1781] : memref<32x100x128xf32, #tpu.memory_space<hbm>> -> memref<1x100x128xf32, #tpu.memory_space<hbm>>
      %dma_wait3A_1783 = tpu.memref_squeeze %dma_wait3A_1782 : memref<1x100x128xf32, #tpu.memory_space<hbm>> -> memref<100x128xf32, #tpu.memory_space<hbm>>
      %dma_wait3A_1784 = arith.constant 0 : i32
      %dma_wait3A_1785 = arith.constant 0 : i32
      %dma_wait3A_1786 = tpu.memref_slice %arg9[%add3A, %dma_wait3A_1784, %dma_wait3A_1785] : memref<32x100x128xf32, #tpu.memory_space<hbm>> -> memref<1x100x128xf32, #tpu.memory_space<hbm>>
      %dma_wait3A_1787 = tpu.memref_squeeze %dma_wait3A_1786 : memref<1x100x128xf32, #tpu.memory_space<hbm>> -> memref<100x128xf32, #tpu.memory_space<hbm>>
      tpu.wait_dma2 semaphore(%run_scoped3A : memref<!tpu.dma_semaphore, #tpu.memory_space<semaphore_mem>>) src(%arg26 : memref<100x128xf32, #tpu.memory_space<vmem>>) dst(%dma_wait3A_1787 : memref<100x128xf32, #tpu.memory_space<hbm>>)
      tpu.yield
    }) : () -> ()
    return
  }
}

</mosaic_0001>

<sc_bundles>
// kernel: kernel.3.cloned.1.call-start
scs
__scs_entry_jumppad:
0x0: {  	(pc) =	sbr.rel $0x88, $3  }
0x1: {  	(tag) =	ssettag $0x0;
	lr =	simm.s32 $0x1  }
0x2: {  	[smem:$0x3F9B] =	sst lr;
	_ =	strace $0xD0000000  }
0x3: {  	_ = 	snop  }
0x4: {  	_ = 	snop  }
0x5: {  	_ = 	snop  }
0x6: {  	_ = 	snop  }
0x7: {  	_ = 	snop  }
__scs_overlays_trampoline_lowered:
0x8: {  	[smem:$0x3FAA] =	sst s0  }
0x9: {  	[smem:$0x3FAB] =	sst s1  }
0xa: {  	[smem:$0x3FAC] =	sst s2  }
0xb: {  	[smem:$0x3FAD] =	sst s3  }
0xc: {  	[smem:$0x3FAE] =	sst s4  }
0xd: {  	[smem:$0x3FAF] =	sst s5  }
0xe: {  	[smem:$0x3FB0] =	sst s6  }
0xf: {  	[smem:$0x3FB1] =	sst s7  }
0x10: {  	[smem:$0x3FB2] =	sst s8  }
0x11: {  	[smem:$0x3FB3] =	sst s9;
	s0 =	simm.s32 @!p0 $0x0  }
0x12: {  	s1 =	sld [smem:$0x3F99];
	s0 =	simm.s32 @p0 $0x1  }
0x13: {  	[smem:$0x3FB4] =	sst s0;
	s0 =	simm.s32 @!p1 $0x0  }
0x14: {  	s2 =	sld [smem:$0x3F98];
	s0 =	simm.s32 @p1 $0x1  }
0x15: {  	[smem:$0x3FB5] =	sst s0;
	s0 =	simm.s32 @!p2 $0x0  }
0x16: {  	s3 =	sld [smem:$0x3FDB];
	s0 =	simm.s32 @p2 $0x1  }
0x17: {  	s4 =	simm.s32 $0x1BF5;
	[smem:$0x3FB7] =	sst s0  }
0x18: {  	s0 =	sld [smem:$0x3F9A];
	_ =	swait.ge [sflag:s4], $0x0  }
0x19: {  	s7 =	sld [smem:$0x3F9B]  }
0x1a: {  	s8 =	sadd.s32 $0xFFFFE003, lr  }
0x1b: {  	s9 =	sadd.s32 $0xFFFFFEF7, lr;
	s5 =	simm.s32 $0xFFFFFFFF;
	p2 =	slt.u32 s8, $0xFFFFF086  }
0x1c: {  	p1 =	slt.u32 s9, $0xF7A;
	s5 =	simm.s32 @!p2 $0x0  }
0x1d: {  	s5 =	simm.s32 @p1 $0x1;
	p0 =	seq.s32 s7, s2  }
0x1e: {  	s7 =	smul.u32 @!p0 $0xF7A, s2;
	p2 =	seq.s32 @!p0 s5, $0x0  }
0x1f: {  	s9 =	smul.u32 $0xF7A, s1;
	s8 =	simm.s32 @!p0 $0x1BF5;
	p2 =	por !p2, p0  }
0x20: {  	[sflag:s8] =	ssyncset.s32 @!p0 $0xFFFFF086;
	s6 =	sadd.s32 @!p0 s3, s7;
	s7 =	simm.s32 @!p0 $0x108  }
0x21: {  	s3 =	sadd.s32 s3, s9;
	s6 =	sadd.s32 @!p0 $0x88, s6;
	s7 =	simm.s32 @p2 $0x1082  }
0x22: {  	[simem:s7], [sflag:s8] =	dma.local @!p0 [hbm:s6], $0xF7A  }
0x23: {  	s9 =	sor.u32 $0xD0000000, s2;
	s6 =	simm.s32 $0x108;
	_ =	swait.ge @!p0 [sflag:s8], $0x0  }
0x24: {  	s3 =	sadd.s32 $0x88, s3;
	s6 =	simm.s32 @!p1 $0x1082;
	[sflag:s4] =	ssyncset.s32 $0xFFFFF086  }
0x25: {  	[simem:s6], [sflag:s4] =	dma.local [hbm:s3], $0xF7A  }
0x26: {  	[smem:$0x3F9B] =	sst s1;
	(tag) =	ssettag s2;
	_ =	strace s9  }
0x27: {  	s1 =	sld [smem:$0x3FAB]  }
0x28: {  	s2 =	sld [smem:$0x3FAC]  }
0x29: {  	s4 =	sld [smem:$0x3FAE]  }
0x2a: {  	p0 =	seq.s32 s5, $0x0;
	s5 =	sld [smem:$0x3FAF]  }
0x2b: {  	s6 =	sld [smem:$0x3FB0]  }
0x2c: {  	s7 =	sld [smem:$0x3FB1]  }
0x2d: {  	s3 =	simm.s32 $0x108;
	s8 =	sld [smem:$0x3FB2]  }
0x2e: {  	s3 =	simm.s32 @!p0 $0x1082;
	s9 =	sld [smem:$0x3FB3]  }
0x2f: {  	lr =	sadd.s32 s0, s3;
	s0 =	sld [smem:$0x3FAA]  }
0x30: {  	s3 =	sld [smem:$0x3FAD]  }
0x31: {  	[smem:$0x3FB6] =	sst s10  }
0x32: {  	s10 =	sld [smem:$0x3FB4];
	_ =	sdelay $0x3  }
0x33: {  	p0 =	seq.s32 s10, $0x1;
	s10 =	sld [smem:$0x3FB6];
	_ =	sdelay $0x3  }
0x34: {  	[smem:$0x3FB6] =	sst s10  }
0x35: {  	s10 =	sld [smem:$0x3FB5];
	_ =	sdelay $0x3  }
0x36: {  	p1 =	seq.s32 s10, $0x1;
	s10 =	sld [smem:$0x3FB6];
	_ =	sdelay $0x3  }
0x37: {  	[smem:$0x3FB6] =	sst s10  }
0x38: {  	s10 =	sld [smem:$0x3FB7]  }
0x39: {  	_ = 	snop;
	(pc) =	sbr.ind lr, $3  }
0x3a: {  	_ = 	snop  }
0x3b: {  	_ = 	snop  }
0x3c: {  	p2 =	seq.s32 s10, $0x1;
	s10 =	sld [smem:$0x3FB6]  }
0x3d: {  	_ =	shalt  }
0x3e: {  	_ =	shalt  }
0x3f: {  	_ =	shalt  }
0x40: {  	_ =	shalt  }
0x41: {  	_ =	shalt  }
0x42: {  	_ =	shalt  }
0x43: {  	_ =	shalt  }
0x44: {  	_ =	shalt  }
0x45: {  	_ =	shalt  }
0x46: {  	_ =	shalt  }
0x47: {  	_ =	shalt  }
0x48: {  	_ =	shalt  }
0x49: {  	_ =	shalt  }
0x4a: {  	_ =	shalt  }
0x4b: {  	_ =	shalt  }
0x4c: {  	_ =	shalt  }
0x4d: {  	_ =	shalt  }
0x4e: {  	_ =	shalt  }
0x4f: {  	_ =	shalt  }
0x50: {  	_ =	shalt  }
0x51: {  	_ =	shalt  }
0x52: {  	_ =	shalt  }
0x53: {  	_ =	shalt  }
0x54: {  	_ =	shalt  }
0x55: {  	_ =	shalt  }
0x56: {  	_ =	shalt  }
0x57: {  	_ =	shalt  }
0x58: {  	_ =	shalt  }
0x59: {  	_ =	shalt  }
0x5a: {  	_ =	shalt  }
0x5b: {  	_ =	shalt  }
0x5c: {  	_ =	shalt  }
0x5d: {  	_ =	shalt  }
0x5e: {  	_ =	shalt  }
0x5f: {  	_ =	shalt  }
0x60: {  	_ =	shalt  }
0x61: {  	_ =	shalt  }
0x62: {  	_ =	shalt  }
0x63: {  	_ =	shalt  }
0x64: {  	_ =	shalt  }
0x65: {  	_ =	shalt  }
0x66: {  	_ =	shalt  }
0x67: {  	_ =	shalt  }
0x68: {  	_ =	shalt  }
0x69: {  	_ =	shalt  }
0x6a: {  	_ =	shalt  }
0x6b: {  	_ =	shalt  }
0x6c: {  	_ =	shalt  }
0x6d: {  	_ =	shalt  }
0x6e: {  	_ =	shalt  }
0x6f: {  	_ =	shalt  }
0x70: {  	_ =	shalt  }
0x71: {  	_ =	shalt  }
0x72: {  	_ =	shalt  }
0x73: {  	_ =	shalt  }
0x74: {  	_ =	shalt  }
0x75: {  	_ =	shalt  }
0x76: {  	_ =	shalt  }
0x77: {  	_ =	shalt  }
0x78: {  	_ =	shalt  }
0x79: {  	_ =	shalt  }
0x7a: {  	_ =	shalt  }
0x7b: {  	_ =	shalt  }
0x7c: {  	_ =	shalt  }
0x7d: {  	_ =	shalt  }
0x7e: {  	_ =	shalt  }
0x7f: {  	_ =	shalt  }
0x80: {  	_ =	shalt  }
0x81: {  	_ =	shalt  }
0x82: {  	_ =	shalt  }
0x83: {  	_ =	shalt  }
0x84: {  	_ =	shalt  }
0x85: {  	_ =	shalt  }
0x86: {  	_ =	shalt  }
0x87: {  	_ =	shalt  }
.Lfunc_end0:
.L_simem_size_0:
called_computation_lowered:
.L_overlay_start_0:
0x88: {  	s2 =	sld [smem:$0x3FD9]  }
0x89: {  	s3 =	sld [smem:$0x3FFE];
	_ =	sdelay $0x1  }
0x8a: {  	s1 =	srdreg.scid  }
0x8b: {  	s0 =	sand.u32 $0x1, s1  }
0x8c: {  	s17 =	sshll.u32 s0, $0xA;
	s2 =	sadd.s32 s3, s2  }
0x8d: {  	s2 =	sadd.s32 s2, s17  }
0x8e: {  	[smem:$0x3FC2] =	sst s2  }
0x8f: {  	_ = 	snop  }
0x90: {  	s2 =	sld [smem:$0x3FC6]  }
0x91: {  	s18 =	sld [smem:$0x3FC4]  }
0x92: {  	s4 =	sld [smem:$0x3FD0];
	(tm) =	ssettm $0x1  }
0x93: {  	s5 =	sld [smem:$0x3FFB];
	_ =	sdelay $0x3  }
0x94: {  	_ =	strace s5  }
0x95: {  	s5 =	sld [smem:$0x3FFC];
	_ =	sdelay $0x3  }
0x96: {  	_ =	strace s5  }
0x97: {  	s5 =	sld [smem:$0x3FFD];
	_ =	sdelay $0x3  }
0x98: {  	_ =	strace s5  }
0x99: {  	_ =	strace $0x8FFFFFFF  }
0x9a: {  	s19 =	sld [smem:$0x3FDB];
	_ =	sdelay $0x1  }
0x9b: {  	s6 =	simm.s32 $_scs_section_size  }
0x9c: {  	s7 =	simm.s32 $_size__tile_overlayer_lowered;
	s8 =	simm.s32 $_tile_overlayer_lowered  }
0x9d: {  	s22 =	simm.s32 $0x1BFF;
	s21 =	sshll.u32 s8, $0x1;
	s5 =	sadd.s32 s6, s19  }
0x9e: {  	s9 =	simm.s32 $0x0;
	s20 =	sshll.u32 s7, $0x1;
	s7 =	sadd.s32 s21, s5  }
0x9f: {  	[timem:s9], [sflag:s22] =	dma.local [hbm:s7], s20  }
0xa0: {  	_ =	swait.ge [sflag:s22], s20  }
0xa1: {  	s6 =	ssub.s32 $0x0, s20;
	[sflag:s22] =	ssyncset.done $0x0  }
0xa2: {  	[sflag:s22] =	ssyncadd.s32 s6;
	_ =	sdelay $0x1  }
0xa3: {  	s23 =	simm.s32 $0x1B8B  }
0xa4: {  	_ =	swait.ge [sflag:s23], $0x1  }
0xa5: {  	[sflag:s23] =	ssyncset.done $0x0  }
0xa6: {  	s25 =	simm.s32 $0x1B8E;
	s24 =	sld [smem:$0x3FFE];
	[sflag:s23] =	ssyncadd.s32 $0xFFFFFFFF  }
0xa7: {  	s26 =	simm.s32 $execute0_lowered;
	[smem:$0x3FD2] =	sst s25  }
0xa8: {  	s7 =	sshll.u32 s26, $0x1;
	_ =	strace $0x80000046;
	[dreg:$0x1] =	wrdreg $0xFFFFFFFF  }
0xa9: {  	s28 =	simm.s32 $_size_execute0_lowered;
	s5 =	sadd.s32 s5, s7;
	[dreg:$0x0] =	wrdreg $0x0  }
0xaa: {  	s7 =	sshll.u32 s28, $0x1;
	[dreg:$0x2] =	wrdreg s5  }
0xab: {  	[dreg:$0x3] =	wrdreg s7  }
0xac: {  	[dreg:$0x4] =	wrdreg $0xC0  }
0xad: {  	_ =	task [dreg:s9], $0x5FFFF  }
0xae: {  	[dreg:$0x1] =	wrdreg $0xFFFFFFFF  }
0xaf: {  	[dreg:$0x0] =	wrdreg $0x60  }
0xb0: {  	[dreg:$0x2] =	wrdreg s4  }
0xb1: {  	[dreg:$0x3] =	wrdreg s24  }
0xb2: {  	[dreg:$0x4] =	wrdreg s2  }
0xb3: {  	[dreg:$0x5] =	wrdreg s18  }
0xb4: {  	[dreg:$0x6] =	wrdreg $0x9  }
0xb5: {  	_ =	task.clear_ibuf [dreg:s9], $0x7FFFF;
	_ =	strace $0x90000046  }
0xb6: {  	s29 =	simm.s32 $0x9;
	_ =	strace $0x80000048  }
0xb7: {  	_ =	swait.ge [sflag:s29], $0x1  }
0xb8: {  	[sflag:s29] =	ssyncadd.s32 $0xFFFFFFFF  }
0xb9: {  	_ =	strace $0x90000048  }
0xba: {  	_ =	sfence  }
0xbb: {  	s30 =	sld [smem:$0x0];
	_ =	sdelay $0x2  }
0xbc: {  	s31 =	sshll.u32 s1, $0xD;
	s1 =	sshrl.u32 s1, $0x2  }
0xbd: {  	s3 =	sand.u32 $0x4000, s31;
	s1 =	sadd.s32 s1, s30  }
0xbe: {  	s0 =	sor.u32 s3, s0;
	s1 =	sshll.u32 s1, $0x11  }
0xbf: {  	s0 =	sor.u32 s1, s0  }
0xc0: {  	s0 =	sadd.s32 $0x8F2B, s0  }
0xc1: {  	[sflag:s0] =	ssyncadd.remote.s32 $0x1  }
0xc2: {  	_ =	sfence.sel $0xFFFF  }
0xc3: {  	[dreg:$0x0] =	wrdreg $0xFFFFFFFF;
	(pc) =	sbr.abs _section_cstart, $3  }
0xc4: {  	[dreg:$0x1] =	wrdreg $0xFFFFFFFF  }
0xc5: {  	_ =	task.clear_ibuf [dreg:s9], $0x2FFFF;
	_ =	strace $0x9FFFFFFF  }
0xc6: {  	(tm) =	ssettm $0x7FFFFFFF  }
0xc7: {  	_ =	shalt  }
tec
execute0_lowered:
.L_overlay_start_1:
0x0: {  	(tag) =	ssettag $0x1  }
0x1: {  	s0 =	rddreg [dreg:$0x0]  }
0x2: {  	s11 =	rddreg [dreg:$0x1]  }
0x3: {  	s2 =	rddreg [dreg:$0x2];
	s4 =	simm.s32 $0x0  }
0x4: {  	[smem:$0x7FF] =	sst s4  }
0x5: {  	s3 =	rddreg [dreg:$0x3];
	v0 =	vimm.f32 $-1.000000020e+30;
	_ =	strace $0x80000047  }
0x6: {  	(xrf0) =	vmax.scan.msk.f32 $0xffff, v0;
	_ =	sdelay $0x5  }
0x7: {  	v1, _, _ =	vpop (xrf0)  }
0x8: {  	(v2sf) =	vpush v1, $0xF;
	_ =	sdelay $0x2  }
0x9: {  	s1 =	srdreg.scid  }
0xa: {  	s5 =	stileid.u32;
	s14 =	simm.s32 $0x3;
	s19 =	simm.s32 $0x19700  }
0xb: {  	s20 =	simm.s32 $0x19F00;
	s21 =	simm.s32 $0x1;
	s22 =	simm.s32 $0x1A700  }
0xc: {  	s23 =	simm.s32 $0x1B180;
	s28 =	simm.s32 $0x1C700;
	s29 =	simm.s32 $0x1C780  }
0xd: {  	s30 =	simm.s32 $0x2;
	s31 =	simm.s32 $0x1C800;
	s16 =	simm.s32 $0x0  }
0xe: {  	s1 =	sand.u32 $0x1, s1;
	s5 =	sshll.u32 s5, $0x1;
	s6 =	sadd.s32 $0xF800, s11  }
0xf: {  	s7 =	sadd.s32 $0x200, s11;
	s5 =	sor.u32 s1, s5;
	s1 =	ssub.s32 $0x2, s1  }
0x10: {  	s8 =	sshll.u32 s5, $0x4;
	s5 =	smul.u32 $0x680, s5;
	s10 =	sshrl.u32 s1, $0x1  }
0x11: {  	s9 =	sadd.s32 s8, s11;
	s1 =	ssub.s32 s1, s10;
	s0 =	sadd.s32 s0, s8  }
0x12: {  	s5 =	sadd.s32 s5, s11;
	[dreg:$0x5] =	wrdreg s0;
	s24 =	sadd.s32 $0x1EE00, s9  }
0x13: {  	vm0 =	vcmask $0x704;
	vm1 =	vcmask $0xB08;
	vm2 =	vcmask $0xF0C;
	s26 =	smax.u32 s1, $0x1;
	[dreg:$0x6] =	wrdreg s24;
	s25 =	sadd.s32 $0x1F000, s5  }
0x14: {  	vm13 =	vcmask $0x3B38;
	vm14 =	vcmask $0x3F3C;
	v2 =	vlaneseq.u32;
	[dreg:$0x8] =	wrdreg s26;
	s24 =	simm.s32 $0x1BC00;
	s26 =	simm.s32 $0x1C680  }
0x15: {  	v3 =	vimm.s32 $0x0;
	vm15 =	vmmov $0xffff;
	[dreg:$0x7] =	wrdreg s25;
	s25 =	simm.s32 $0x1CA00;
	v1 =	vimm.f32 $0.0e+00;
	s12 =	spop (v2sf)  }
.LBB2_1:
0x16: {  	s0 =	rddreg [dreg:$0x5];
	s1 =	simm.s32 $0x1C900  }
0x17: {  	[tilespmem:s1], [sflag:$0x3] =	stream.linear.gather [hbm4b:s0+s4], $0x80, $0x38;
	[tilespmem:$0x1FE80] =	vst v63  }
0x18: {  	_ =	swait.ge [sflag:s14], $0x80  }
0x19: {  	[sflag:s14] =	ssyncset.done $0x0  }
0x1a: {  	s11 =	simm.s32 $0x1C980;
	s10 =	rddreg [dreg:$0x6];
	[sflag:s14] =	ssyncadd.s32 $0xFFFFFF80  }
0x1b: {  	[tilespmem:s11], [sflag:$0x3] =	stream.linear.gather [hbm4b:s10+s4], $0x80, $0x38;
	[tilespmem:$0x1FE80] =	vst v63  }
0x1c: {  	_ =	swait.ge [sflag:s14], $0x80  }
0x1d: {  	[sflag:s14] =	ssyncset.done $0x0  }
0x1e: {  	[sflag:s14] =	ssyncadd.s32 $0xFFFFFF80  }
0x1f: {  	s15 =	simm.s32 $0x1C880;
	s13 =	rddreg [dreg:$0x1]  }
0x20: {  	[tilespmem:s15], [sflag:$0x3] =	stream.linear.gather [hbm4b:s13+s4], $0x80, $0x38;
	[tilespmem:$0x1FE80] =	vst v63  }
0x21: {  	_ =	swait.ge [sflag:s14], $0x80  }
0x22: {  	[sflag:s14] =	ssyncset.done $0x0  }
0x23: {  	s17 =	simm.s32 $0x50;
	[sflag:s14] =	ssyncadd.s32 $0xFFFFFF80  }
0x24: {  	[tilespmem:s17+$0xFFFFFFC0] =	vst v1  }
0x25: {  	[tilespmem:s17+$0xFFFFFFD0] =	vst v1  }
0x26: {  	[tilespmem:s17+$0xFFFFFFE0] =	vst v1  }
0x27: {  	[tilespmem:s17+$0xFFFFFFF0] =	vst v1  }
0x28: {  	[tilespmem:s17+$0x0] =	vst v1  }
0x29: {  	[tilespmem:s17+$0x10] =	vst v1  }
0x2a: {  	[tilespmem:s17+$0x20] =	vst v1  }
0x2b: {  	[tilespmem:s17+$0x40] =	vst v1  }
0x2c: {  	s18 =	sand.u32 $0x1FFE0, s4;
	[tilespmem:s17+$0xFFFFFFB0] =	vst v1  }
0x2d: {  	s5 =	simm.s32 $0x0;
	s0 =	simm.s32 $0x0;
	s1 =	simm.s32 $0xF0;
	[tilespmem:s18+$0x80] =	vst v1  }
.LBB2_2:
0x2e: {  	[tilespmem:s1+$0xFFFFFFC0] =	vst v1  }
0x2f: {  	[tilespmem:s1+$0xFFFFFFD0] =	vst v1  }
0x30: {  	[tilespmem:s1+$0xFFFFFFE0] =	vst v1  }
0x31: {  	s0 =	sadd.s32 $0xA, s0;
	[tilespmem:s1+$0xFFFFFFF0] =	vst v1  }
0x32: {  	p0 =	slt.u32 s0, $0x1860;
	[tilespmem:s1+$0x0] =	vst v1  }
.Ltmp0:
0x33: {  	[tilespmem:s1+$0x10] =	vst v1;
	(pc) =	sbr.rel @p0 .LBB2_2-.Ltmp0, $4  }
0x34: {  	[tilespmem:s1+$0x20] =	vst v1  }
0x35: {  	s5 =	sadd.s32 $0xA0, s5;
	[tilespmem:s1+$0x40] =	vst v1  }
0x36: {  	s8 =	sand.u32 $0x1FFE0, s5;
	[tilespmem:s1+$0xFFFFFFB0] =	vst v1  }
0x37: {  	s1 =	sadd.s32 $0xA0, s1;
	[tilespmem:s8+$0x80] =	vst v1  }
0x38: {  	v4 =	vld [tilespmem:$0x1C980];
	_ =	sdelay $0x4  }
0x39: {  	v4 =	vsub.f32 $0.0e+00, v4;
	_ =	sdelay $0x1  }
0x3a: {  	v4 =	vmul.f32 $1.442695020e+00, v4;
	_ =	sdelay $0x1  }
0x3b: {  	(erf) = vpow2.f32 v4;
	_ =	sdelay $0x8  }
0x3c: {  	v5 =	vpop (erf)  }
0x3d: {  	v4 =	vld [tilespmem:$0x1C990];
	v5 =	vadd.f32 $1.000000000e+00, v5;
	_ =	sdelay $0x1  }
0x3e: {  	(erf) = vrcp.f32 v5;
	_ =	sdelay $0x1  }
0x3f: {  	v5 =	vld [tilespmem:$0x1C900]  }
0x40: {  	v4 =	vsub.f32 $0.0e+00, v4;
	_ =	sdelay $0x1  }
0x41: {  	v4 =	vmul.f32 $1.442695020e+00, v4;
	_ =	sdelay $0x2  }
0x42: {  	vm3 =	vcmask $0x1310  }
0x43: {  	v6 =	vld [tilespmem:$0x1C910];
	s8 =	simm.s32 $0x0;
	(erf) = vpow2.f32 v4;
	v4 =	vpop (erf)  }
0x44: {  	[tilespmem:v5+s8+$0x0] =	vst.idx.add.f32.msk $0x1, v4  }
0x45: {  	[tilespmem:v5+s8+$0x0] =	vst.idx.add.f32.msk vm0, v4  }
0x46: {  	[tilespmem:v5+s8+$0x0] =	vst.idx.add.f32.msk vm1, v4  }
0x47: {  	[tilespmem:v5+s8+$0x0] =	vst.idx.add.f32.msk vm2, v4  }
0x48: {  	[tilespmem:v5+s8+$0x0] =	vst.idx.add.f32.msk vm3, v4;
	vm3 =	vcmask $0x1714;
	_ =	sdelay $0x5  }
0x49: {  	[tilespmem:v5+s8+$0x0] =	vst.idx.add.f32.msk vm3, v4;
	vm3 =	vcmask $0x1B18;
	_ =	sdelay $0x5  }
0x4a: {  	[tilespmem:v5+s8+$0x0] =	vst.idx.add.f32.msk vm3, v4;
	vm3 =	vcmask $0x1F1C;
	_ =	sdelay $0x5  }
0x4b: {  	[tilespmem:v5+s8+$0x0] =	vst.idx.add.f32.msk vm3, v4;
	vm3 =	vcmask $0x2320;
	_ =	sdelay $0x5  }
0x4c: {  	[tilespmem:v5+s8+$0x0] =	vst.idx.add.f32.msk vm3, v4;
	vm3 =	vcmask $0x2724;
	_ =	sdelay $0x5  }
0x4d: {  	[tilespmem:v5+s8+$0x0] =	vst.idx.add.f32.msk vm3, v4;
	vm3 =	vcmask $0x2B28;
	_ =	sdelay $0x5  }
0x4e: {  	[tilespmem:v5+s8+$0x0] =	vst.idx.add.f32.msk vm3, v4;
	vm3 =	vcmask $0x2F2C;
	_ =	sdelay $0x5  }
0x4f: {  	[tilespmem:v5+s8+$0x0] =	vst.idx.add.f32.msk vm3, v4;
	vm3 =	vcmask $0x3330;
	_ =	sdelay $0x1  }
0x50: {  	v7 =	vpop (erf)  }
0x51: {  	v7 =	vadd.f32 $1.000000000e+00, v7;
	_ =	sdelay $0x1  }
0x52: {  	(erf) = vrcp.f32 v7  }
0x53: {  	[tilespmem:v5+s8+$0x0] =	vst.idx.add.f32.msk vm3, v4;
	vm3 =	vcmask $0x3734;
	_ =	sdelay $0x5  }
0x54: {  	[tilespmem:v5+s8+$0x0] =	vst.idx.add.f32.msk vm3, v4  }
0x55: {  	[tilespmem:v5+s8+$0x0] =	vst.idx.add.f32.msk vm13, v4  }
0x56: {  	v7 =	vpop (erf);
	[tilespmem:v5+s8+$0x0] =	vst.idx.add.f32.msk vm14, v4  }
0x57: {  	[tilespmem:v6+s8+$0x0] =	vst.idx.add.f32.msk $0x1, v7  }
0x58: {  	[tilespmem:v6+s8+$0x0] =	vst.idx.add.f32.msk vm0, v7  }
0x59: {  	[tilespmem:v6+s8+$0x0] =	vst.idx.add.f32.msk vm1, v7  }
0x5a: {  	v9 =	vimm.s32 $0x0;
	[tilespmem:v6+s8+$0x0] =	vst.idx.add.f32.msk vm2, v7  }
.Ltmp1:
0x5b: {  	s0 =	simm.s32 $0x18700;
	[tilespmem:$0x1C7E0] =	vst v9;
	(pc) =	sbr.rel .LBB2_4-.Ltmp1, $4  }
0x5c: {  	[tilespmem:s0], [sflag:$0x1] =	stream.linear.gather [hbm4b:s6+s8], $0x7D0, $0x38;
	[tilespmem:$0x1FE80] =	vst v63  }
0x5d: {  	s18 =	simm.s32 $0x18F00  }
0x5e: {  	[tilespmem:s18], [sflag:$0x1] =	stream.linear.gather [hbm4b:s7+s8], $0x7D0, $0x38;
	[tilespmem:$0x1FE80] =	vst v63  }
0x5f: {  	s5 =	simm.s32 $0x0;
	s18 =	simm.s32 $0x7D0  }
.LBB2_37:
0x60: {  	v5 =	vld [tilespmem:$0x1C700]  }
0x61: {  	v6 =	vld [tilespmem:$0x1C680]  }
0x62: {  	v8 =	vld [tilespmem:$0x1C780]  }
0x63: {  	v7 =	vld [tilespmem:$0x1C710]  }
0x64: {  	v9 =	vld [tilespmem:$0x1C690]  }
0x65: {  	v56 =	vld [tilespmem:$0x1C7A0];
	vm3 =	vgt.s32 v5, $0xFFFFFFFF  }
0x66: {  	v11 =	vld [tilespmem:$0x1C720];
	[tilespmem:$0x1A700] =	vst v6;
	v10 =	vsel vm3, $0xFFFFFFFF, v3  }
0x67: {  	v6 =	vld [tilespmem:$0x1C790];
	[tilespmem:$0x1BC00] =	vst v8;
	v5 =	vxor.u32 v10, v5  }
0x68: {  	vm3 =	vgt.s32 v7, $0xFFFFFFFF;
	[tilespmem:$0x1B180] =	vst v5;
	v5 =	vld [tilespmem:$0x1C6A0]  }
0x69: {  	v55 =	vld [tilespmem:$0x1C730];
	[tilespmem:$0x1A710] =	vst v9;
	v54 =	vsel vm3, $0xFFFFFFFF, v3  }
0x6a: {  	v60 =	vld [tilespmem:$0x1C7C0];
	[tilespmem:$0x1BC20] =	vst v56;
	v7 =	vxor.u32 v54, v7  }
0x6b: {  	vm3 =	vgt.s32 v11, $0xFFFFFFFF;
	[tilespmem:$0x1B190] =	vst v7;
	v7 =	vld [tilespmem:$0x1C6B0]  }
0x6c: {  	v57 =	vld [tilespmem:$0x1C740];
	[tilespmem:$0x1BC10] =	vst v6;
	v6 =	vsel vm3, $0xFFFFFFFF, v3  }
0x6d: {  	[tilespmem:$0x1A720] =	vst v5;
	v5 =	vxor.u32 v6, v11;
	v6 =	vld [tilespmem:$0x1C7B0]  }
0x6e: {  	vm3 =	vgt.s32 v55, $0xFFFFFFFF;
	[tilespmem:$0x1B1A0] =	vst v5;
	v5 =	vld [tilespmem:$0x1C6C0]  }
0x6f: {  	v59 =	vld [tilespmem:$0x1C750];
	[tilespmem:$0x1BC40] =	vst v60;
	v58 =	vsel vm3, $0xFFFFFFFF, v3  }
0x70: {  	v63 =	vld [tilespmem:$0x1C7E0];
	[tilespmem:$0x1A730] =	vst v7;
	v7 =	vxor.u32 v58, v55  }
0x71: {  	vm3 =	vgt.s32 v57, $0xFFFFFFFF;
	[tilespmem:$0x1B1B0] =	vst v7;
	v7 =	vld [tilespmem:$0x1C6D0]  }
0x72: {  	v61 =	vld [tilespmem:$0x1C760];
	[tilespmem:$0x1BC30] =	vst v6;
	v6 =	vsel vm3, $0xFFFFFFFF, v3  }
0x73: {  	[tilespmem:$0x1A740] =	vst v5;
	v5 =	vxor.u32 v6, v57;
	v6 =	vld [tilespmem:$0x1C7D0]  }
0x74: {  	vm3 =	vgt.s32 v59, $0xFFFFFFFF;
	[tilespmem:$0x1B1C0] =	vst v5;
	v5 =	vld [tilespmem:$0x1C6E0]  }
0x75: {  	[tilespmem:$0x1BC60] =	vst v63;
	v62 =	vsel vm3, $0xFFFFFFFF, v3  }
0x76: {  	[tilespmem:$0x1A750] =	vst v7;
	v7 =	vxor.u32 v62, v59  }
0x77: {  	vm3 =	vgt.s32 v61, $0xFFFFFFFF;
	[tilespmem:$0x1B1D0] =	vst v7  }
0x78: {  	[tilespmem:$0x1BC50] =	vst v6;
	v6 =	vsel vm3, $0xFFFFFFFF, v3  }
0x79: {  	[tilespmem:$0x1A760] =	vst v5;
	v5 =	vxor.u32 v6, v61  }
0x7a: {  	[tilespmem:$0x1B1E0] =	vst v5  }
.LBB2_38:
0x7b: {  	s5 =	sadd.s32 $0x1, s5  }
0x7c: {  	p1 =	sne.s32 s5, $0x7D  }
.Ltmp2:
0x7d: {  	_ = 	snop;
	(pc) =	sbr.rel @!p1 .LBB2_39-.Ltmp2, $3  }
0x7e: {  	_ =	sdelay $0x1  }
0x7f: {  	p0 =	sgt.s32 s13, $0x230  }
0x80: {  	s8 =	sadd.s32 $0xFA0, s8;
	s18 =	sadd.s32 $0xFA0, s18;
	v9 =	vpsel p0, $0x64, v4  }
.LBB2_4:
0x81: {  	s13 =	smul.u32 $0xFA0, s5;
	_ =	sdelay $0x1  }
0x82: {  	s0 =	sshrl.u32 s13, $0x3  }
0x83: {  	s0 =	sadd.s32 $0xFA, s0  }
0x84: {  	s1 =	sadd.s32 s6, s0  }
0x85: {  	[tilespmem:s19], [sflag:$0x2] =	stream.linear.gather [hbm4b:s1+s4], $0x7D0, $0x38;
	[tilespmem:$0x1FE80] =	vst v63  }
0x86: {  	s0 =	sadd.s32 s7, s0  }
0x87: {  	[tilespmem:s20], [sflag:$0x2] =	stream.linear.gather [hbm4b:s0+s4], $0x7D0, $0x38;
	[tilespmem:$0x1FE80] =	vst v63  }
0x88: {  	_ =	swait.ge [sflag:s21], $0x7D0  }
0x89: {  	[sflag:s21] =	ssyncset.done $0x0  }
0x8a: {  	[sflag:s21] =	ssyncadd.s32 $0xFFFFF830  }
0x8b: {  	_ =	swait.ge [sflag:s21], $0x7D0  }
0x8c: {  	[sflag:s21] =	ssyncset.done $0x0  }
0x8d: {  	s10 =	simm.s32 $0x18720;
	[sflag:s21] =	ssyncadd.s32 $0xFFFFF830  }
0x8e: {  	s11 =	simm.s32 $0x18F20;
	v12 =	vld [tilespmem:s10+$0xFFFFFFE0]  }
0x8f: {  	v4 =	vld [tilespmem:s11+$0xFFFFFFE0]  }
0x90: {  	v22 =	vld [tilespmem:s10+$0xFFFFFFF0]  }
0x91: {  	v5 =	vld [tilespmem:s11+$0xFFFFFFF0]  }
0x92: {  	v20 =	vld [tilespmem:s10+$0x0]  }
0x93: {  	v6 =	vld [tilespmem:s11+$0x0]  }
0x94: {  	v21 =	vld [tilespmem:s10+$0x10]  }
0x95: {  	v7 =	vld [tilespmem:s11+$0x10]  }
0x96: {  	v19 =	vld [tilespmem:s10+$0x20]  }
0x97: {  	s17 =	simm.s32 $0x18F70;
	v8 =	vld [tilespmem:s11+$0x20]  }
0x98: {  	v24 =	vld [tilespmem:s17+$0xFFFFFFE0]  }
0x99: {  	v25 =	vld [tilespmem:s17+$0xFFFFFFF0]  }
0x9a: {  	s1 =	simm.s32 $0x18FC0;
	v26 =	vld [tilespmem:s17+$0x0]  }
0x9b: {  	v57 =	vld [tilespmem:s1+$0x10]  }
0x9c: {  	v10 =	vld.idx.msk [tilespmem:v12+s4+$0x0], $0xffff  }
0x9d: {  	v11 =	vld.idx.msk [tilespmem:v4+s4+$0x0], $0xffff  }
0x9e: {  	v13 =	vld.idx.msk [tilespmem:v22+s4+$0x0], $0xffff  }
0x9f: {  	v5 =	vld.idx.msk [tilespmem:v5+s4+$0x0], $0xffff  }
0xa0: {  	v14 =	vld.idx.msk [tilespmem:v20+s4+$0x0], $0xffff  }
0xa1: {  	v15 =	vld.idx.msk [tilespmem:v6+s4+$0x0], $0xffff  }
0xa2: {  	v16 =	vld.idx.msk [tilespmem:v21+s4+$0x0], $0xffff  }
0xa3: {  	v17 =	vld.idx.msk [tilespmem:v7+s4+$0x0], $0xffff  }
0xa4: {  	s15 =	simm.s32 $0x18770;
	v18 =	vld.idx.msk [tilespmem:v19+s4+$0x0], $0xffff  }
0xa5: {  	v4 =	vld [tilespmem:s15+$0xFFFFFFE0]  }
0xa6: {  	v6 =	vld [tilespmem:s15+$0x10]  }
0xa7: {  	v23 =	vld.idx.msk [tilespmem:v8+s4+$0x0], $0xffff  }
0xa8: {  	v8 =	vld [tilespmem:s15+$0xFFFFFFF0];
	v27 =	vadd.f32 v11, v10  }
0xa9: {  	v7 =	vld [tilespmem:s15+$0x0]  }
0xaa: {  	v10 =	vld [tilespmem:s17+$0x10];
	v28 =	vadd.f32 v5, v13;
	vm4 =	vgt.f32 v27, $5.000000000e-01  }
0xab: {  	v5 =	vld [tilespmem:s15+$0x20];
	v13 =	vsel vm4, $0x1, v3  }
0xac: {  	v11 =	vld [tilespmem:s17+$0x20];
	vm3 =	vgt.f32 v28, $5.000000000e-01;
	(xrf0) =	vadd.scan.msk.s32 $0xffff, v13  }
0xad: {  	v29 =	vadd.f32 v15, v14;
	v30 =	vadd.f32 v17, v16;
	v14 =	vld.idx.msk [tilespmem:v4+s4+$0x0], $0xffff;
	v15 =	vsel vm3, $0x1, v3  }
0xae: {  	v32 =	vadd.f32 v23, v18;
	v33 =	vld.idx.msk [tilespmem:v6+s4+$0x0], $0xffff;
	(xrf0) =	vadd.scan.msk.s32 $0xffff, v15  }
0xaf: {  	vm8 =	vgt.f32 v29, $5.000000000e-01;
	vm9 =	vgt.f32 v30, $5.000000000e-01;
	v13 =	vld.idx.msk [tilespmem:v24+s4+$0x0], $0xffff  }
0xb0: {  	vm6 =	vgt.f32 v32, $5.000000000e-01;
	v16 =	vmpcnt.ones.xlane vm4;
	v17 =	vsel vm8, $0x1, v3;
	v15 =	vld.idx.msk [tilespmem:v8+s4+$0x0], $0xffff  }
0xb1: {  	v18 =	vmpcnt.ones.xlane vm3;
	v23 =	vsel vm9, $0x1, v3;
	v31 =	vmpcnt.ones.xlane vm9;
	(xrf0) =	vadd.scan.msk.s32 $0xffff, v17;
	v17 =	vld.idx.msk [tilespmem:v25+s4+$0x0], $0xffff  }
0xb2: {  	vm7 =	vmmov vm4;
	vm5 =	vmmov vm3;
	v25 =	vsel vm6, $0x1, v3;
	(xrf0) =	vadd.scan.msk.s32 $0xffff, v23;
	v23 =	vld.idx.msk [tilespmem:v7+s4+$0x0], $0xffff;
	v34, _, _ =	vpop (xrf0)  }
0xb3: {  	v24 =	vmpcnt.ones.xlane vm8;
	v16 =	vadd.s32 v9, v16;
	(xrf0) =	vadd.scan.msk.s32 $0xffff, v25;
	v25 =	vld.idx.msk [tilespmem:v26+s4+$0x0], $0xffff;
	v9 =	vadd.s32 v34, v9  }
0xb4: {  	vm4 =	vmmov vm8;
	v18 =	vadd.s32 v16, v18;
	v35 =	vld.idx.msk [tilespmem:v10+s4+$0x0], $0xffff;
	v10, _, _ =	vpop (xrf0);
	v34 =	vadd.s32 $0xFFFFFFFF, v9  }
0xb5: {  	v24 =	vadd.s32 v18, v24;
	v26 =	vmpcnt.ones.xlane vm6;
	v37 =	vld.idx.msk [tilespmem:v11+s4+$0x0], $0xffff;
	v11 =	vadd.s32 v10, v16  }
0xb6: {  	v40 =	vld [tilespmem:s1+$0xFFFFFFE0];
	v31 =	vadd.s32 v24, v31;
	v17 =	vadd.f32 v17, v15;
	v38 =	vadd.s32 $0xFFFFFFFF, v11  }
0xb7: {  	vm3 =	vmmov vm9;
	vm8 =	vmmov vm6;
	v36 =	vadd.s32 v31, v26;
	v26 =	vld.idx.msk [tilespmem:v5+s4+$0x0], $0xffff;
	v9, _, _ =	vpop (xrf0)  }
0xb8: {  	v43 =	vld [tilespmem:s1+$0x0];
	s15 =	simm.s32 $0x187C0;
	v15 =	vadd.f32 v25, v23;
	vm9 =	vgt.f32 v17, $5.000000000e-01;
	v9 =	vadd.s32 v9, v18  }
0xb9: {  	v10 =	vld [tilespmem:s15+$0xFFFFFFE0];
	v16, _, _ =	vpop (xrf0);
	v18 =	vadd.f32 v13, v14;
	v13 =	vor.u32 s8, v2;
	v14 =	vadd.f32 v35, v33;
	[tilespmem:v34+s22+$0x0] =	vst.idx.msk vm7, v27  }
0xba: {  	s9 =	sadd.s32 $0x10, s8;
	v25 =	vld [tilespmem:s1+$0x20];
	vm10 =	vgt.f32 v15, $5.000000000e-01;
	v39 =	vadd.s32 $0xFFFFFFFF, v9;
	v9 =	vadd.s32 v16, v24;
	[tilespmem:v34+s23+$0x0] =	vst.idx.msk vm7, v13  }
0xbb: {  	v33 =	vld.idx.msk [tilespmem:v57+s4+$0x0], $0xffff;
	v11, _, _ =	vpop (xrf0);
	v16 =	vor.u32 s9, v2;
	v41 =	vadd.s32 $0xFFFFFFFF, v9;
	vm6 =	vgt.f32 v18, $5.000000000e-01;
	[tilespmem:v38+s22+$0x0] =	vst.idx.msk vm5, v28  }
0xbc: {  	v9 =	vadd.s32 v11, v31;
	v31 =	vld [tilespmem:s1+$0xFFFFFFF0];
	v13 =	vadd.f32 v37, v26;
	v26 =	vsel vm6, $0x1, v3;
	[tilespmem:v34+s24+$0x0] =	vst.idx.msk vm7, v12  }
0xbd: {  	s10 =	sadd.s32 $0x20, s8;
	v24 =	vmpcnt.ones.xlane vm9;
	v11 =	vld [tilespmem:s15+$0xFFFFFFF0];
	v23 =	vmpcnt.ones.xlane vm6;
	[tilespmem:v38+s23+$0x0] =	vst.idx.msk vm5, v16;
	(xrf0) =	vadd.scan.msk.s32 $0xffff, v26  }
0xbe: {  	v27 =	vor.u32 s10, v2;
	vm11 =	vgt.f32 v14, $5.000000000e-01;
	v42 =	vadd.s32 $0xFFFFFFFF, v9;
	v9 =	vld [tilespmem:s15+$0x0];
	[tilespmem:v38+s24+$0x0] =	vst.idx.msk vm5, v22  }
0xbf: {  	v28 =	vmpcnt.ones.xlane vm11;
	v12 =	vld [tilespmem:s15+$0x10];
	v56 =	vadd.s32 v36, v23;
	v22 =	vsel vm9, $0x1, v3;
	[tilespmem:v39+s22+$0x0] =	vst.idx.msk vm4, v29  }
0xc0: {  	v16 =	vld [tilespmem:s15+$0x20];
	v23 =	vmpcnt.ones.xlane vm10;
	v29 =	vsel vm10, $0x1, v3;
	(xrf0) =	vadd.scan.msk.s32 $0xffff, v22;
	[tilespmem:v39+s23+$0x0] =	vst.idx.msk vm4, v27  }
0xc1: {  	v26 =	vld.idx.msk [tilespmem:v40+s4+$0x0], $0xffff;
	vm5 =	vgt.f32 v13, $5.000000000e-01;
	v22 =	vsel vm11, $0x1, v3;
	(xrf0) =	vadd.scan.msk.s32 $0xffff, v29;
	[tilespmem:v41+s22+$0x0] =	vst.idx.msk vm3, v30  }
0xc2: {  	s17 =	sadd.s32 $0x40, s8;
	v58 =	vadd.s32 v56, v24;
	v24 =	vld.idx.msk [tilespmem:v10+s4+$0x0], $0xffff;
	v59 =	vsel vm5, $0x1, v3;
	(xrf0) =	vadd.scan.msk.s32 $0xffff, v22;
	[tilespmem:v39+s24+$0x0] =	vst.idx.msk vm4, v20  }
0xc3: {  	s11 =	sadd.s32 $0x30, s8;
	v61 =	vor.u32 s17, v2;
	v23 =	vadd.s32 v58, v23;
	v30 =	vld.idx.msk [tilespmem:v43+s4+$0x0], $0xffff;
	[tilespmem:v42+s22+$0x0] =	vst.idx.msk vm8, v32;
	v60, _, _ =	vpop (xrf0);
	(xrf0) =	vadd.scan.msk.s32 $0xffff, v59  }
0xc4: {  	v29 =	vmpcnt.ones.xlane vm5;
	v20 =	vadd.s32 v23, v28;
	[tilespmem:v42+s23+$0x0] =	vst.idx.msk vm8, v61;
	v28 =	vld.idx.msk [tilespmem:v31+s4+$0x0], $0xffff;
	v31 =	vor.u32 s11, v2  }
0xc5: {  	vm7 =	vmmov vm6;
	vm6 =	vmmov vm9;
	vm4 =	vmmov vm10;
	v27 =	vld.idx.msk [tilespmem:v11+s4+$0x0], $0xffff;
	[tilespmem:v41+s23+$0x0] =	vst.idx.msk vm3, v31  }
0xc6: {  	v22 =	vadd.s32 v20, v29;
	v29 =	vld.idx.msk [tilespmem:v9+s4+$0x0], $0xffff;
	v62 =	vadd.s32 v60, v36;
	[tilespmem:v41+s24+$0x0] =	vst.idx.msk vm3, v21;
	v21, _, _ =	vpop (xrf0)  }
0xc7: {  	[tilespmem:v42+s24+$0x0] =	vst.idx.msk vm8, v19;
	v19 =	vmov v22;
	v31 =	vld.idx.msk [tilespmem:v12+s4+$0x0], $0xffff;
	v32 =	vadd.s32 $0xFFFFFFFF, v62;
	v21 =	vadd.s32 v21, v56;
	v63, _, _ =	vpop (xrf0)  }
0xc8: {  	s0 =	simm.s32 $0xA;
	s17 =	smov.u32 s8;
	vm3 =	vmmov vm11;
	v34 =	vld.idx.msk [tilespmem:v16+s4+$0x0], $0xffff;
	v21 =	vadd.s32 $0xFFFFFFFF, v21;
	v36 =	vadd.s32 v63, v58;
	v35, _, _ =	vpop (xrf0)  }
.LBB2_5:
0xc9: {  	s0 =	sadd.s32 $0x5, s0;
	v25 =	vld.idx.msk [tilespmem:v25+s4+$0x0], $0xffff;
	s15 =	sadd.s32 $0x50, s15;
	v36 =	vadd.s32 $0xFFFFFFFF, v36;
	v23 =	vadd.s32 v35, v23;
	v35, _, _ =	vpop (xrf0);
	v37 =	vmov v16  }
0xca: {  	s1 =	sadd.s32 $0x50, s1;
	s17 =	sadd.s32 $0x50, s17;
	vm8 =	vmmov vm5;
	v16 =	vld [tilespmem:s15+$0xFFFFFFE0];
	p0 =	slt.u32 s0, $0x78;
	v38 =	vadd.s32 $0xFFFFFFFF, v23;
	v20 =	vadd.s32 v35, v20  }
0xcb: {  	v23 =	vadd.f32 v26, v24;
	s9 =	sadd.s32 $0x10, s17;
	v35 =	vld [tilespmem:s1+$0xFFFFFFE0];
	v39 =	vadd.s32 $0xFFFFFFFF, v20  }
0xcc: {  	v24 =	vor.u32 s17, v2;
	v20 =	vadd.f32 v28, v27;
	v26 =	vor.u32 s9, v2;
	s9 =	sadd.s32 $0x20, s17;
	v40 =	vld [tilespmem:s15+$0xFFFFFFF0];
	[tilespmem:v32+s22+$0x0] =	vst.idx.msk vm7, v18  }
0xcd: {  	v27 =	vadd.f32 v30, v29;
	vm10 =	vgt.f32 v23, $5.000000000e-01;
	v29 =	vor.u32 s9, v2;
	v18 =	vmovc v23;
	v28 =	vld [tilespmem:s1+$0xFFFFFFF0];
	[tilespmem:v32+s23+$0x0] =	vst.idx.msk vm7, v24  }
0xce: {  	v31 =	vadd.f32 v33, v31;
	v23 =	vmpcnt.ones.xlane vm10;
	vm12 =	vgt.f32 v20, $5.000000000e-01;
	v30 =	vld [tilespmem:s15+$0x0];
	[tilespmem:v32+s24+$0x0] =	vst.idx.msk vm7, v4;
	v4 =	vmovc v10  }
0xcf: {  	vm11 =	vgt.f32 v27, $5.000000000e-01;
	v24 =	vmpcnt.ones.xlane vm12;
	v33 =	vadd.f32 v25, v34;
	v32 =	vld [tilespmem:s1+$0x0];
	[tilespmem:v21+s22+$0x0] =	vst.idx.msk vm6, v17;
	v10 =	vmovc v16  }
0xd0: {  	vm9 =	vgt.f32 v31, $5.000000000e-01;
	v41 =	vadd.s32 v22, v23;
	v22 =	vmpcnt.ones.xlane vm11;
	v17 =	vmovc v20;
	v34 =	vld [tilespmem:s15+$0x10];
	[tilespmem:v21+s23+$0x0] =	vst.idx.msk vm6, v26  }
0xd1: {  	v20 =	vmpcnt.ones.xlane vm9;
	v43 =	vadd.s32 v41, v24;
	vm5 =	vgt.f32 v33, $5.000000000e-01;
	v42 =	vld [tilespmem:s1+$0x10];
	[tilespmem:v21+s24+$0x0] =	vst.idx.msk vm6, v8;
	v8 =	vmovc v11  }
0xd2: {  	v21 =	vsel vm10, $0x1, v3;
	v23 =	vadd.s32 v43, v22;
	v22 =	vmpcnt.ones.xlane vm5;
	v11 =	vmovc v40;
	v16 =	vld [tilespmem:s15+$0x20];
	[tilespmem:v36+s22+$0x0] =	vst.idx.msk vm4, v15  }
0xd3: {  	v44 =	vsel vm11, $0x1, v3;
	v26 =	vsel vm12, $0x1, v3;
	v20 =	vadd.s32 v23, v20;
	v15 =	vmovc v27;
	v25 =	vld [tilespmem:s1+$0x20];
	(xrf0) =	vadd.scan.msk.s32 $0xffff, v21  }
0xd4: {  	v45 =	vsel vm5, $0x1, v3;
	v21 =	vsel vm9, $0x1, v3;
	v22 =	vadd.s32 v20, v22;
	v24 =	vld.idx.msk [tilespmem:v10+s4+$0x0], $0xffff;
	(xrf0) =	vadd.scan.msk.s32 $0xffff, v26  }
0xd5: {  	vm7 =	vmmov vm10;
	vm6 =	vmmov vm12;
	v26 =	vld.idx.msk [tilespmem:v35+s4+$0x0], $0xffff;
	(xrf0) =	vadd.scan.msk.s32 $0xffff, v44;
	[tilespmem:v36+s23+$0x0] =	vst.idx.msk vm4, v29  }
0xd6: {  	s9 =	sadd.s32 $0x30, s17;
	v27 =	vld.idx.msk [tilespmem:v40+s4+$0x0], $0xffff;
	(xrf0) =	vadd.scan.msk.s32 $0xffff, v21;
	[tilespmem:v36+s24+$0x0] =	vst.idx.msk vm4, v7;
	v7 =	vmovc v9;
	v9 =	vmov v30;
	vm4 =	vmmov vm11  }
0xd7: {  	v35 =	vor.u32 s9, v2;
	v28 =	vld.idx.msk [tilespmem:v28+s4+$0x0], $0xffff;
	(xrf0) =	vadd.scan.msk.s32 $0xffff, v45;
	[tilespmem:v38+s22+$0x0] =	vst.idx.msk vm3, v14;
	v14 =	vmov v31  }
.Ltmp3:
0xd8: {  	v29 =	vld.idx.msk [tilespmem:v30+s4+$0x0], $0xffff;
	[tilespmem:v38+s23+$0x0] =	vst.idx.msk vm3, v35;
	(pc) =	sbr.rel @p0 .LBB2_5-.Ltmp3, $4  }
0xd9: {  	s9 =	sadd.s32 $0x40, s17;
	v30 =	vld.idx.msk [tilespmem:v32+s4+$0x0], $0xffff;
	v21, _, _ =	vpop (xrf0);
	[tilespmem:v38+s24+$0x0] =	vst.idx.msk vm3, v6;
	v6 =	vmov v12;
	v12 =	vmov v34;
	vm3 =	vmmov vm9  }
0xda: {  	v31 =	vld.idx.msk [tilespmem:v34+s4+$0x0], $0xffff;
	v36 =	vadd.s32 v21, v19;
	v21, _, _ =	vpop (xrf0);
	v34 =	vor.u32 s9, v2;
	[tilespmem:v39+s22+$0x0] =	vst.idx.msk vm8, v13;
	v13 =	vmov v33  }
0xdb: {  	v19 =	vmov v22;
	v33 =	vld.idx.msk [tilespmem:v42+s4+$0x0], $0xffff;
	v32 =	vadd.s32 $0xFFFFFFFF, v36;
	v21 =	vadd.s32 v21, v41;
	v35, _, _ =	vpop (xrf0);
	[tilespmem:v39+s23+$0x0] =	vst.idx.msk vm8, v34  }
0xdc: {  	v34 =	vld.idx.msk [tilespmem:v16+s4+$0x0], $0xffff;
	v21 =	vadd.s32 $0xFFFFFFFF, v21;
	v36 =	vadd.s32 v35, v43;
	v35, _, _ =	vpop (xrf0);
	[tilespmem:v39+s24+$0x0] =	vst.idx.msk vm8, v5;
	v5 =	vmov v37  }
0xdd: {  	_ =	sdelay $0x3  }
0xde: {  	v25 =	vld.idx.msk [tilespmem:v25+s4+$0x0], $0xffff;
	v24 =	vadd.f32 v26, v24  }
0xdf: {  	v63 =	vadd.f32 v28, v27  }
0xe0: {  	s0 =	sadd.s32 $0x50, s17;
	v27 =	vadd.f32 v30, v29;
	vm11 =	vgt.f32 v24, $5.000000000e-01  }
0xe1: {  	[tilespmem:v32+s22+$0x0] =	vst.idx.msk vm7, v18;
	v37 =	vor.u32 s0, v2;
	vm10 =	vgt.f32 v63, $5.000000000e-01;
	v38 =	vmpcnt.ones.xlane vm11  }
0xe2: {  	[tilespmem:v32+s23+$0x0] =	vst.idx.msk vm7, v37;
	v39 =	vadd.f32 v33, v31;
	v40 =	vmpcnt.ones.xlane vm10;
	vm9 =	vgt.f32 v27, $5.000000000e-01  }
0xe3: {  	[tilespmem:v32+s24+$0x0] =	vst.idx.msk vm7, v4;
	v4 =	vsel vm11, $0x1, v3;
	v43 =	vsel vm10, $0x1, v3;
	v25 =	vadd.f32 v25, v34  }
0xe4: {  	v41 =	vmpcnt.ones.xlane vm9;
	v22 =	vadd.s32 v22, v38;
	vm8 =	vgt.f32 v39, $5.000000000e-01  }
0xe5: {  	(xrf0) =	vadd.scan.msk.s32 $0xffff, v4;
	v29 =	vadd.s32 v22, v40;
	v42 =	vmpcnt.ones.xlane vm8;
	vm7 =	vgt.f32 v25, $5.000000000e-01  }
0xe6: {  	v44 =	vsel vm9, $0x1, v3;
	(xrf0) =	vadd.scan.msk.s32 $0xffff, v43;
	v28 =	vadd.s32 v29, v41;
	v4 =	vmpcnt.ones.xlane vm7  }
0xe7: {  	v45 =	vadd.s32 $0xFFFFFFFF, v36;
	(xrf0) =	vadd.scan.msk.s32 $0xffff, v44;
	v46 =	vsel vm8, $0x1, v3;
	v30 =	vadd.s32 v28, v42  }
0xe8: {  	(xrf0) =	vadd.scan.msk.s32 $0xffff, v46;
	v47 =	vsel vm7, $0x1, v3;
	v4 =	vadd.s32 v30, v4  }
0xe9: {  	(xrf0) =	vadd.scan.msk.s32 $0xffff, v47;
	v49 =	vxor.u32 $0x80000000, v4  }
0xea: {  	v50, _, _ =	vpop (xrf0);
	(xrf0) =	vmax.scan.msk.u32 $0xffff, v49  }
0xeb: {  	[tilespmem:v21+s22+$0x0] =	vst.idx.msk vm6, v17;
	s15 =	sadd.s32 $0x20, s0;
	v51, _, _ =	vpop (xrf0)  }
0xec: {  	v23 =	vadd.s32 v35, v23;
	v53 =	vor.u32 s15, v2;
	[tilespmem:v45+s22+$0x0] =	vst.idx.msk vm4, v15;
	v54, _, _ =	vpop (xrf0)  }
0xed: {  	s1 =	sadd.s32 $0x10, s0;
	v23 =	vadd.s32 $0xFFFFFFFF, v23;
	[tilespmem:v45+s23+$0x0] =	vst.idx.msk vm4, v53;
	v55, _, _ =	vpop (xrf0)  }
0xee: {  	v48 =	vor.u32 s1, v2;
	[tilespmem:v45+s24+$0x0] =	vst.idx.msk vm4, v7;
	v7, _, _ =	vpop (xrf0)  }
0xef: {  	vm5 =	vmmov vm5;
	v52 =	vadd.s32 v50, v20;
	[tilespmem:v21+s23+$0x0] =	vst.idx.msk vm6, v48;
	v58, _, _ =	vpop (xrf0)  }
0xf0: {  	[tilespmem:v21+s24+$0x0] =	vst.idx.msk vm6, v8;
	v8 =	vadd.s32 $0xFFFFFFFF, v52;
	v59, _, _ =	vpop (xrf0)  }
0xf1: {  	s17 =	sadd.s32 $0x30, s0;
	(v2sf) =	vpush v59, $0xF  }
0xf2: {  	v56 =	vor.u32 s17, v2;
	[tilespmem:v23+s22+$0x0] =	vst.idx.msk vm3, v14  }
0xf3: {  	[tilespmem:v23+s23+$0x0] =	vst.idx.msk vm3, v56;
	v57 =	vadd.s32 v51, v19  }
0xf4: {  	s9 =	sadd.s32 $0x40, s0;
	[tilespmem:v23+s24+$0x0] =	vst.idx.msk vm3, v6;
	v14 =	vadd.s32 $0xFFFFFFFF, v57  }
0xf5: {  	v6 =	vor.u32 s9, v2;
	[tilespmem:v8+s22+$0x0] =	vst.idx.msk vm5, v13;
	v60 =	vadd.s32 v54, v22  }
0xf6: {  	[tilespmem:v8+s23+$0x0] =	vst.idx.msk vm5, v6;
	v6 =	vadd.s32 $0xFFFFFFFF, v60;
	_ =	sdelay $0x1  }
0xf7: {  	s0 =	sadd.s32 $0x50, s0;
	[tilespmem:v8+s24+$0x0] =	vst.idx.msk vm5, v5;
	v5 =	vadd.s32 v55, v29  }
0xf8: {  	v61 =	vor.u32 s0, v2;
	v5 =	vadd.s32 $0xFFFFFFFF, v5;
	[tilespmem:v14+s22+$0x0] =	vst.idx.msk vm11, v24  }
0xf9: {  	[tilespmem:v14+s23+$0x0] =	vst.idx.msk vm11, v61  }
0xfa: {  	s10 =	sadd.s32 $0x10, s0;
	[tilespmem:v6+s22+$0x0] =	vst.idx.msk vm10, v63  }
0xfb: {  	v62 =	vor.u32 s10, v2;
	v7 =	vadd.s32 v7, v28;
	[tilespmem:v14+s24+$0x0] =	vst.idx.msk vm11, v10  }
0xfc: {  	v7 =	vadd.s32 $0xFFFFFFFF, v7;
	[tilespmem:v6+s23+$0x0] =	vst.idx.msk vm10, v62  }
0xfd: {  	s11 =	sadd.s32 $0x20, s0;
	[tilespmem:v5+s22+$0x0] =	vst.idx.msk vm9, v27  }
0xfe: {  	v63 =	vor.u32 s11, v2;
	[tilespmem:v6+s24+$0x0] =	vst.idx.msk vm10, v11;
	v6 =	vadd.s32 v58, v30  }
0xff: {  	s15 =	sadd.s32 $0x30, s0;
	s17 =	sadd.s32 $0x40, s0;
	[tilespmem:v5+s23+$0x0] =	vst.idx.msk vm9, v63;
	v6 =	vadd.s32 $0xFFFFFFFF, v6;
	s0 =	spop (v2sf)  }
0x100: {  	[tilespmem:v5+s24+$0x0] =	vst.idx.msk vm9, v9;
	v5 =	vor.u32 s15, v2;
	s15 =	sxor.u32 $0x80000000, s0  }
0x101: {  	[tilespmem:v7+s22+$0x0] =	vst.idx.msk vm8, v39;
	p0 =	slt.s32 s15, $0x231  }
.Ltmp4:
0x102: {  	[tilespmem:v7+s23+$0x0] =	vst.idx.msk vm8, v5;
	(pc) =	sbr.rel @p0 .LBB2_21-.Ltmp4, $4  }
0x103: {  	[tilespmem:v7+s24+$0x0] =	vst.idx.msk vm8, v12  }
0x104: {  	v5 =	vor.u32 s17, v2;
	[tilespmem:v6+s22+$0x0] =	vst.idx.msk vm7, v25  }
0x105: {  	vm4 =	vmmov vm11;
	vm3 =	vmmov vm10;
	[tilespmem:v6+s23+$0x0] =	vst.idx.msk vm7, v5  }
0x106: {  	vm4 =	vmmov vm8;
	vm3 =	vmmov vm7;
	vm5 =	vmmov vm9;
	[tilespmem:v6+s24+$0x0] =	vst.idx.msk vm7, v16  }
0x107: {  	s0 =	sadd.s32 $0x8000000F, s0  }
0x108: {  	s1 =	sand.u32 $0xF, s0  }
0x109: {  	s9 =	sshra.s32 s0, $0x1F;
	p0 =	slt.s32 s0, $0x1;
	p1 =	sne.s32 s1, $0x0  }
0x10a: {  	s17 =	sshrl.u32 s9, $0x1C;
	p0 =	por !p0, !p1  }
0x10b: {  	s1 =	simm.s32 $0x1;
	s0 =	sadd.s32 s17, s0;
	p0 =	por !p0, !p0  }
0x10c: {  	s0 =	sshra.s32 s0, $0x4;
	s1 =	simm.s32 @!p0 $0x0  }
0x10d: {  	s1 =	ssub.s32 s0, s1  }
0x10e: {  	p0 =	slt.s32 s1, $0x1  }
.Ltmp5:
0x10f: {  	_ = 	snop;
	(pc) =	sbr.rel @p0 .LBB2_11-.Ltmp5, $1  }
0x110: {  	_ =	sdelay $0x3  }
0x111: {  	s0 =	simm.s32 $0x1B180  }
0x112: {  	v5 =	vld [tilespmem:s0+$0x0];
	_ =	sdelay $0x4  }
0x113: {  	vm3 =	vlt.s32 v5, $0x0  }
0x114: {  	v5 =	vsel vm3, $0x0, v5  }
0x115: {  	v5 =	vmin.u32 v5, $0x7A11F;
	_ =	sdelay $0x3  }
0x116: {  	s17 =	simm.s32 $0x1A700  }
0x117: {  	v6 =	vld [tilespmem:s17+$0x0];
	[tilespmem:s25], [sflag:$0x1] =	stream.indirect_vreg.gather [hbm4b:s2+s4], $0x1, v5, vm15, $0xb8  }
0x118: {  	_ =	swait.ge [sflag:s21], $0x10  }
0x119: {  	[sflag:s21] =	ssyncset.done $0x0  }
0x11a: {  	[sflag:s21] =	ssyncadd.s32 $0xFFFFFFF0  }
0x11b: {  	v5 =	vld [tilespmem:$0x1CA00];
	_ =	sdelay $0x4  }
0x11c: {  	v5 =	vmul.f32 v5, v6;
	_ =	sdelay $0x1  }
0x11d: {  	p1 =	sne.s32 s1, $0x1;
	v7 =	vmul.f32 $1.667000060e-01, v5  }
.Ltmp6:
0x11e: {  	s9 =	simm.s32 $0x0;
	(pc) =	sbr.rel @!p1 .LBB2_10-.Ltmp6, $4  }
0x11f: {  	v5 =	vmov s15;
	v6 =	vsel vm3, v6, v7;
	v7 =	vor.u32 s9, v2  }
0x120: {  	vm3 =	vgt.f32 v6, $8.335000270e-02;
	vm4 =	vlt.s32 v7, v5  }
0x121: {  	vm3 =	vmand vm4, vm3  }
0x122: {  	s10 =	sadd.s32 $0xFFFFFFFF, s1;
	v6 =	vnsel vm3, $0xF149F2CA, v6  }
.LBB2_9:
0x123: {  	[tilespmem:s17+$0x0] =	vst v6;
	s0 =	sadd.s32 $0x10, s0;
	s17 =	sadd.s32 $0x10, s17;
	s9 =	sadd.s32 $0x10, s9  }
0x124: {  	p1 =	sne.s32 s10, $0x1;
	s10 =	sadd.s32 $0xFFFFFFFF, s10;
	v6 =	vld [tilespmem:s0+$0x0];
	_ =	sdelay $0x4  }
0x125: {  	vm3 =	vlt.s32 v6, $0x0  }
0x126: {  	v6 =	vsel vm3, $0x0, v6  }
0x127: {  	v6 =	vmin.u32 v6, $0x7A11F;
	_ =	sdelay $0x3  }
0x128: {  	v7 =	vld [tilespmem:s17+$0x0]  }
0x129: {  	[tilespmem:s25], [sflag:$0x1] =	stream.indirect_vreg.gather [hbm4b:s2+s4], $0x1, v6, vm15, $0xb8;
	[tilespmem:$0x1FE80] =	vst v63  }
0x12a: {  	_ =	swait.ge [sflag:s21], $0x10  }
0x12b: {  	[sflag:s21] =	ssyncset.done $0x0  }
0x12c: {  	[sflag:s21] =	ssyncadd.s32 $0xFFFFFFF0  }
0x12d: {  	v6 =	vld [tilespmem:$0x1CA00];
	_ =	sdelay $0x4  }
0x12e: {  	v6 =	vmul.f32 v6, v7;
	_ =	sdelay $0x1  }
0x12f: {  	v6 =	vmul.f32 $1.667000060e-01, v6  }
.Ltmp7:
0x130: {  	(pc) =	sbr.rel @p1 .LBB2_9-.Ltmp7, $4  }
0x131: {  	v6 =	vsel vm3, v7, v6;
	v7 =	vor.u32 s9, v2  }
0x132: {  	vm3 =	vgt.f32 v6, $8.335000270e-02;
	vm4 =	vlt.s32 v7, v5  }
0x133: {  	vm3 =	vmand vm4, vm3  }
0x134: {  	v6 =	vnsel vm3, $0xF149F2CA, v6  }
.LBB2_10:
0x135: {  	[tilespmem:s17+$0x0] =	vst v6  }
.LBB2_11:
.Ltmp8:
0x136: {  	(pc) =	sbr.rel .LBB2_12-.Ltmp8, $2  }
0x137: {  	_ =	sdelay $0x2  }
0x138: {  	s0 =	simm.s32 $0x0  }
.LBB2_13:
0x139: {  	v5 =	vimm.s32 $0x80000A10;
	s9 =	smov.u32 s12  }
.LBB2_19:
0x13a: {  	(xrf0) =	vmin.scan.msk.u32 $0xffff, v5;
	_ =	sdelay $0x5  }
0x13b: {  	v5, _, _ =	vpop (xrf0)  }
0x13c: {  	(v2sf) =	vpush v5, $0xF;
	_ =	sdelay $0xe  }
0x13d: {  	s10 =	spop (v2sf)  }
0x13e: {  	s10 =	sxor.u32 $0x80000000, s10  }
0x13f: {  	p1 =	slt.s32 s10, $0xA0F  }
0x140: {  	s10 =	simm.s32 @!p1 $0xA0F  }
0x141: {  	v5 =	vmov s10;
	_ =	sdelay $0x4  }
0x142: {  	v6 =	vld.idx.msk [tilespmem:v5+s23+$0x0], $0xffff  }
0x143: {  	v8 =	vld.idx.msk [tilespmem:v5+s24+$0x0], $0xffff;
	_ =	sdelay $0x1  }
0x144: {  	v7 =	vmov s0  }
0x145: {  	p1 =	sgt.f32 s9, $0.0e+00  }
0x146: {  	s0 =	sadd.s32 $0x1, s0  }
0x147: {  	s9 =	simm.s32 @!p1 $0x0;
	v6 =	vpsel !p1, $0x0, v6;
	v8 =	vpsel !p1, $0x0, v8;
	p1 =	sne.s32 s0, $0x64  }
.Ltmp9:
0x148: {  	v9 =	vmov s9;
	(pc) =	sbr.rel @!p1 .LBB2_20-.Ltmp9, $4  }
0x149: {  	[tilespmem:v7+s26+$0x0] =	vst.idx.msk $0x1, v9  }
0x14a: {  	[tilespmem:v7+s28+$0x0] =	vst.idx.msk $0x1, v6  }
0x14b: {  	[tilespmem:v7+s29+$0x0] =	vst.idx.msk $0x1, v8  }
0x14c: {  	[tilespmem:v5+s22+$0x0] =	vst.idx.msk $0x1, v0  }
.LBB2_12:
.Ltmp10:
0x14d: {  	(pc) =	sbr.rel @p0 .LBB2_13-.Ltmp10, $1  }
0x14e: {  	_ =	sdelay $0x3  }
0x14f: {  	p1 =	sne.s32 s1, $0x1  }
.Ltmp11:
0x150: {  	_ = 	snop;
	(pc) =	sbr.rel @!p1 .LBB2_16-.Ltmp11, $3  }
0x151: {  	_ =	sdelay $0x1  }
0x152: {  	s9 =	simm.s32 $0x1A700  }
0x153: {  	v5 =	vimm.f32 $-1.000000020e+30;
	s10 =	sadd.s32 $0xFFFFFFFF, s1;
	s11 =	simm.s32 $0x1A700;
	v6 =	vld [tilespmem:s9+$0x0]  }
.LBB2_15:
0x154: {  	p2 =	sne.s32 s10, $0x1  }
.Ltmp12:
0x155: {  	_ = 	snop;
	(pc) =	sbr.rel @p2 .LBB2_15-.Ltmp12, $3  }
0x156: {  	_ =	sdelay $0x1  }
0x157: {  	s10 =	sadd.s32 $0xFFFFFFFF, s10;
	s11 =	sadd.s32 $0x10, s11;
	v5 =	vmax.f32 v5, v6  }
0x158: {  	v6 =	vld [tilespmem:s11+$0x0]  }
.LBB2_16:
0x159: {  	_ =	sdelay $0x3  }
0x15a: {  	v5 =	vmax.f32 v5, v6  }
0x15b: {  	(xrf0) =	vmax.scan.msk.f32 $0xffff, v5;
	_ =	sdelay $0x5  }
0x15c: {  	v5, _, _ =	vpop (xrf0)  }
0x15d: {  	(v2sf) =	vpush v5, $0xF;
	_ =	sdelay $0x9  }
0x15e: {  	v7 =	vld [tilespmem:s9+$0x0]  }
.Ltmp13:
0x15f: {  	_ = 	snop;
	(pc) =	sbr.rel @!p1 .LBB2_18-.Ltmp13, $4  }
0x160: {  	_ = 	snop  }
0x161: {  	v6 =	vbroadcast v5, $0xF  }
0x162: {  	s10 =	simm.s32 $0x0  }
0x163: {  	s17 =	sadd.s32 $0xFFFFFFFF, s1;
	s11 =	simm.s32 $0x1A710;
	v5 =	vimm.s32 $0xA10;
	vm3 =	veq.f32 v7, v6;
	v7 =	vor.u32 s10, v2;
	s9 =	spop (v2sf)  }
.LBB2_17:
0x164: {  	v8 =	vld [tilespmem:s11+$0x0];
	p1 =	sne.s32 s17, $0x1;
	s17 =	sadd.s32 $0xFFFFFFFF, s17;
	v7 =	vnsel vm3, $0xA10, v7  }
.Ltmp14:
0x165: {  	vm3 =	vlt.s32 v5, v7;
	(pc) =	sbr.rel @p1 .LBB2_17-.Ltmp14, $3  }
0x166: {  	v5 =	vsel vm3, v5, v7;
	_ =	sdelay $0x1  }
0x167: {  	s10 =	sadd.s32 $0x10, s10  }
0x168: {  	s11 =	sadd.s32 $0x10, s11;
	v7 =	vor.u32 s10, v2;
	vm3 =	veq.f32 v8, v6  }
.LBB2_18:
.Ltmp15:
0x169: {  	(pc) =	sbr.rel .LBB2_19-.Ltmp15, $4  }
0x16a: {  	v6 =	vnsel vm3, $0xA10, v7  }
0x16b: {  	vm3 =	vlt.s32 v5, v6  }
0x16c: {  	v5 =	vsel vm3, v5, v6  }
0x16d: {  	v5 =	vxor.u32 $0x80000000, v5  }
.LBB2_20:
0x16e: {  	v5 =	vld [tilespmem:$0x1C700]  }
0x16f: {  	v6 =	vld [tilespmem:$0x1C680]  }
0x170: {  	v8 =	vld [tilespmem:$0x1C780]  }
0x171: {  	v7 =	vld [tilespmem:$0x1C710]  }
0x172: {  	v9 =	vld [tilespmem:$0x1C690]  }
0x173: {  	v56 =	vld [tilespmem:$0x1C7A0];
	vm3 =	vgt.s32 v5, $0xFFFFFFFF  }
0x174: {  	v11 =	vld [tilespmem:$0x1C720];
	[tilespmem:$0x1A700] =	vst v6;
	v10 =	vsel vm3, $0xFFFFFFFF, v3  }
0x175: {  	v6 =	vld [tilespmem:$0x1C790];
	[tilespmem:$0x1BC00] =	vst v8;
	v5 =	vxor.u32 v10, v5  }
0x176: {  	vm3 =	vgt.s32 v7, $0xFFFFFFFF;
	[tilespmem:$0x1B180] =	vst v5;
	v5 =	vld [tilespmem:$0x1C6A0]  }
0x177: {  	v55 =	vld [tilespmem:$0x1C730];
	[tilespmem:$0x1A710] =	vst v9;
	v54 =	vsel vm3, $0xFFFFFFFF, v3  }
0x178: {  	v60 =	vld [tilespmem:$0x1C7C0];
	[tilespmem:$0x1BC20] =	vst v56;
	v7 =	vxor.u32 v54, v7  }
0x179: {  	vm3 =	vgt.s32 v11, $0xFFFFFFFF;
	[tilespmem:$0x1B190] =	vst v7;
	v7 =	vld [tilespmem:$0x1C6B0]  }
0x17a: {  	v57 =	vld [tilespmem:$0x1C740];
	[tilespmem:$0x1BC10] =	vst v6;
	v6 =	vsel vm3, $0xFFFFFFFF, v3  }
0x17b: {  	[tilespmem:$0x1A720] =	vst v5;
	v5 =	vxor.u32 v6, v11;
	v6 =	vld [tilespmem:$0x1C7B0]  }
0x17c: {  	vm3 =	vgt.s32 v55, $0xFFFFFFFF;
	[tilespmem:$0x1B1A0] =	vst v5;
	v5 =	vld [tilespmem:$0x1C6C0]  }
0x17d: {  	v59 =	vld [tilespmem:$0x1C750];
	[tilespmem:$0x1BC40] =	vst v60;
	v58 =	vsel vm3, $0xFFFFFFFF, v3  }
0x17e: {  	v63 =	vld [tilespmem:$0x1C7E0];
	[tilespmem:$0x1A730] =	vst v7;
	v7 =	vxor.u32 v58, v55  }
0x17f: {  	vm3 =	vgt.s32 v57, $0xFFFFFFFF;
	[tilespmem:$0x1B1B0] =	vst v7;
	v7 =	vld [tilespmem:$0x1C6D0]  }
0x180: {  	v61 =	vld [tilespmem:$0x1C760];
	[tilespmem:$0x1BC30] =	vst v6;
	v6 =	vsel vm3, $0xFFFFFFFF, v3  }
0x181: {  	[tilespmem:$0x1A740] =	vst v5;
	v5 =	vxor.u32 v6, v57;
	v6 =	vld [tilespmem:$0x1C7D0]  }
0x182: {  	vm3 =	vgt.s32 v59, $0xFFFFFFFF;
	[tilespmem:$0x1B1C0] =	vst v5;
	v5 =	vld [tilespmem:$0x1C6E0]  }
0x183: {  	[tilespmem:$0x1BC60] =	vst v63;
	v62 =	vsel vm3, $0xFFFFFFFF, v3  }
0x184: {  	[tilespmem:$0x1A750] =	vst v7;
	v7 =	vxor.u32 v62, v59  }
0x185: {  	vm3 =	vgt.s32 v61, $0xFFFFFFFF;
	[tilespmem:$0x1B1D0] =	vst v7  }
0x186: {  	[tilespmem:$0x1BC50] =	vst v6;
	v6 =	vsel vm3, $0xFFFFFFFF, v3  }
0x187: {  	[tilespmem:$0x1A760] =	vst v5;
	v5 =	vxor.u32 v6, v61  }
0x188: {  	[tilespmem:$0x1B1E0] =	vst v5  }
.LBB2_21:
0x189: {  	p0 =	seq.s32 s5, $0x7C  }
0x18a: {  	s0 =	sshrl.u32 @!p0 s13, $0x3  }
0x18b: {  	s0 =	sadd.s32 @!p0 $0x1F4, s0  }
0x18c: {  	s9 =	simm.s32 @!p0 $0x0;
	s10 =	simm.s32 @!p0 $0x18700;
	s1 =	sadd.s32 @!p0 s6, s0  }
0x18d: {  	[tilespmem:s10], [sflag:$0x1] =	stream.linear.gather @!p0 [hbm4b:s1+s9], $0x7D0, $0x38;
	[tilespmem:$0x1FE80] =	vst v63  }
0x18e: {  	s0 =	sadd.s32 @!p0 s7, s0;
	s1 =	simm.s32 @!p0 $0x18F00  }
0x18f: {  	[tilespmem:s1], [sflag:$0x1] =	stream.linear.gather @!p0 [hbm4b:s0+s9], $0x7D0, $0x38;
	[tilespmem:$0x1FE80] =	vst v63  }
0x190: {  	_ =	swait.ge [sflag:s30], $0x7D0  }
0x191: {  	[sflag:s30] =	ssyncset.done $0x0  }
0x192: {  	[sflag:s30] =	ssyncadd.s32 $0xFFFFF830  }
0x193: {  	_ =	swait.ge [sflag:s30], $0x7D0  }
0x194: {  	[sflag:s30] =	ssyncset.done $0x0  }
0x195: {  	s13 =	simm.s32 $0x19720;
	[sflag:s30] =	ssyncadd.s32 $0xFFFFF830  }
0x196: {  	s17 =	simm.s32 $0x19F20;
	v13 =	vld [tilespmem:s13+$0xFFFFFFE0]  }
0x197: {  	v5 =	vld [tilespmem:s17+$0xFFFFFFE0]  }
0x198: {  	v22 =	vld [tilespmem:s13+$0xFFFFFFF0]  }
0x199: {  	v6 =	vld [tilespmem:s17+$0xFFFFFFF0]  }
0x19a: {  	v20 =	vld [tilespmem:s13+$0x0]  }
0x19b: {  	v7 =	vld [tilespmem:s17+$0x0]  }
0x19c: {  	v21 =	vld [tilespmem:s13+$0x10]  }
0x19d: {  	v8 =	vld [tilespmem:s17+$0x10]  }
0x19e: {  	v19 =	vld [tilespmem:s13+$0x20]  }
0x19f: {  	s9 =	simm.s32 $0x19F70;
	v9 =	vld [tilespmem:s17+$0x20]  }
0x1a0: {  	v24 =	vld [tilespmem:s9+$0xFFFFFFE0]  }
0x1a1: {  	v25 =	vld [tilespmem:s9+$0xFFFFFFF0]  }
0x1a2: {  	v26 =	vld [tilespmem:s9+$0x0]  }
0x1a3: {  	v27 =	vld [tilespmem:s9+$0x10]  }
0x1a4: {  	v10 =	vld.idx.msk [tilespmem:v13+s4+$0x0], $0xffff  }
0x1a5: {  	v5 =	vld.idx.msk [tilespmem:v5+s4+$0x0], $0xffff  }
0x1a6: {  	v11 =	vld.idx.msk [tilespmem:v22+s4+$0x0], $0xffff  }
0x1a7: {  	v12 =	vld.idx.msk [tilespmem:v6+s4+$0x0], $0xffff  }
0x1a8: {  	v14 =	vld.idx.msk [tilespmem:v20+s4+$0x0], $0xffff  }
0x1a9: {  	v15 =	vld.idx.msk [tilespmem:v7+s4+$0x0], $0xffff  }
0x1aa: {  	v16 =	vld.idx.msk [tilespmem:v21+s4+$0x0], $0xffff  }
0x1ab: {  	v17 =	vld.idx.msk [tilespmem:v8+s4+$0x0], $0xffff  }
0x1ac: {  	v18 =	vld.idx.msk [tilespmem:v19+s4+$0x0], $0xffff  }
0x1ad: {  	s1 =	simm.s32 $0x19770;
	v23 =	vld.idx.msk [tilespmem:v9+s4+$0x0], $0xffff  }
0x1ae: {  	v9 =	vld [tilespmem:s1+$0xFFFFFFE0]  }
0x1af: {  	v8 =	vld [tilespmem:s1+$0xFFFFFFF0]  }
0x1b0: {  	v7 =	vld [tilespmem:s1+$0x0];
	v10 =	vadd.f32 v5, v10  }
0x1b1: {  	v6 =	vld [tilespmem:s1+$0x10]  }
0x1b2: {  	v27 =	vld.idx.msk [tilespmem:v27+s4+$0x0], $0xffff;
	v28 =	vadd.f32 v12, v11;
	vm4 =	vgt.f32 v10, $5.000000000e-01  }
0x1b3: {  	v5 =	vld [tilespmem:s1+$0x20];
	v29 =	vadd.f32 v15, v14;
	v12 =	vsel vm4, $0x1, v3  }
0x1b4: {  	v11 =	vld [tilespmem:s9+$0x20];
	v30 =	vadd.f32 v17, v16;
	s1 =	simm.s32 $0x19FC0;
	vm3 =	vgt.f32 v28, $5.000000000e-01;
	(xrf0) =	vadd.scan.msk.s32 $0xffff, v12  }
0x1b5: {  	v32 =	vadd.f32 v23, v18;
	v39 =	vld [tilespmem:s1+$0xFFFFFFE0];
	vm8 =	vgt.f32 v29, $5.000000000e-01;
	v15 =	vsel vm3, $0x1, v3  }
0x1b6: {  	v42 =	vld [tilespmem:s1+$0x0];
	vm9 =	vgt.f32 v30, $5.000000000e-01;
	v17 =	vsel vm8, $0x1, v3;
	(xrf0) =	vadd.scan.msk.s32 $0xffff, v15  }
0x1b7: {  	p6 =	sgt.s32 s15, $0x230;
	vm6 =	vgt.f32 v32, $5.000000000e-01;
	v16 =	vmpcnt.ones.xlane vm4;
	v23 =	vsel vm9, $0x1, v3;
	v12 =	vld.idx.msk [tilespmem:v24+s4+$0x0], $0xffff;
	(xrf0) =	vadd.scan.msk.s32 $0xffff, v17  }
0x1b8: {  	v4 =	vpsel p6, $0x64, v4;
	v18 =	vmpcnt.ones.xlane vm3;
	v17 =	vld.idx.msk [tilespmem:v25+s4+$0x0], $0xffff;
	v25 =	vsel vm6, $0x1, v3;
	(xrf0) =	vadd.scan.msk.s32 $0xffff, v23  }
0x1b9: {  	v24 =	vmpcnt.ones.xlane vm8;
	v16 =	vadd.s32 v4, v16;
	(xrf0) =	vadd.scan.msk.s32 $0xffff, v25;
	v25 =	vld.idx.msk [tilespmem:v26+s4+$0x0], $0xffff;
	v26 =	vmpcnt.ones.xlane vm6  }
0x1ba: {  	v57 =	vld [tilespmem:s1+$0x10];
	v31 =	vmpcnt.ones.xlane vm9;
	v18 =	vadd.s32 v16, v18;
	v34, _, _ =	vpop (xrf0)  }
0x1bb: {  	v14 =	vld.idx.msk [tilespmem:v9+s4+$0x0], $0xffff;
	vm7 =	vmmov vm4;
	v24 =	vadd.s32 v18, v24;
	v4 =	vadd.s32 v34, v4  }
0x1bc: {  	s11 =	sadd.s32 $0x20, s18;
	v33 =	vld.idx.msk [tilespmem:v6+s4+$0x0], $0xffff;
	v31 =	vadd.s32 v24, v31;
	v36 =	vadd.s32 $0xFFFFFFFF, v4  }
0x1bd: {  	v43 =	vor.u32 s11, v2;
	v15 =	vld.idx.msk [tilespmem:v8+s4+$0x0], $0xffff;
	v35 =	vadd.s32 v31, v26;
	v26, _, _ =	vpop (xrf0)  }
0x1be: {  	vm5 =	vmmov vm3;
	vm4 =	vmmov vm8;
	v23 =	vld.idx.msk [tilespmem:v7+s4+$0x0], $0xffff;
	v16 =	vadd.s32 v26, v16;
	v4, _, _ =	vpop (xrf0)  }
0x1bf: {  	vm3 =	vmmov vm9;
	v55 =	vld.idx.msk [tilespmem:v5+s4+$0x0], $0xffff;
	v26 =	vadd.s32 $0xFFFFFFFF, v16;
	v4 =	vadd.s32 v4, v18;
	v18, _, _ =	vpop (xrf0)  }
0x1c0: {  	s13 =	simm.s32 $0x197C0;
	vm8 =	vmmov vm6;
	v37 =	vld.idx.msk [tilespmem:v11+s4+$0x0], $0xffff;
	v38 =	vadd.s32 $0xFFFFFFFF, v4;
	v4 =	vadd.s32 v18, v24  }
0x1c1: {  	v11 =	vld [tilespmem:s13+$0xFFFFFFE0];
	v40 =	vadd.s32 $0xFFFFFFFF, v4;
	v4 =	vadd.f32 v12, v14;
	v14 =	vor.u32 s18, v2;
	[tilespmem:v36+s22+$0x0] =	vst.idx.msk vm7, v10  }
0x1c2: {  	s10 =	sadd.s32 $0x10, s18;
	v16, _, _ =	vpop (xrf0);
	v18 =	vadd.f32 v17, v15;
	v15 =	vadd.f32 v27, v33;
	v33 =	vld.idx.msk [tilespmem:v57+s4+$0x0], $0xffff;
	[tilespmem:v36+s23+$0x0] =	vst.idx.msk vm7, v14  }
0x1c3: {  	v17 =	vor.u32 s10, v2;
	v16 =	vadd.s32 v16, v31;
	v12 =	vld [tilespmem:s13+$0xFFFFFFF0];
	vm6 =	vgt.f32 v4, $5.000000000e-01;
	[tilespmem:v36+s24+$0x0] =	vst.idx.msk vm7, v13  }
0x1c4: {  	v31 =	vld [tilespmem:s1+$0xFFFFFFF0];
	v41 =	vadd.s32 $0xFFFFFFFF, v16;
	v16 =	vadd.f32 v25, v23;
	[tilespmem:v26+s22+$0x0] =	vst.idx.msk vm5, v28;
	v27 =	vsel vm6, $0x1, v3  }
0x1c5: {  	v10 =	vld [tilespmem:s13+$0x0];
	vm9 =	vgt.f32 v18, $5.000000000e-01;
	v14 =	vadd.f32 v37, v55;
	[tilespmem:v26+s23+$0x0] =	vst.idx.msk vm5, v17;
	(xrf0) =	vadd.scan.msk.s32 $0xffff, v27  }
0x1c6: {  	vm11 =	vgt.f32 v15, $5.000000000e-01;
	v25 =	vld [tilespmem:s1+$0x20];
	v24 =	vmpcnt.ones.xlane vm9;
	v23 =	vmpcnt.ones.xlane vm6;
	[tilespmem:v26+s24+$0x0] =	vst.idx.msk vm5, v22  }
0x1c7: {  	v13 =	vld [tilespmem:s13+$0x10];
	v28 =	vmpcnt.ones.xlane vm11;
	vm10 =	vgt.f32 v16, $5.000000000e-01;
	v22 =	vsel vm9, $0x1, v3;
	[tilespmem:v38+s22+$0x0] =	vst.idx.msk vm4, v29  }
0x1c8: {  	v17 =	vld [tilespmem:s13+$0x20];
	v27 =	vsel vm10, $0x1, v3;
	vm5 =	vgt.f32 v14, $5.000000000e-01;
	v56 =	vadd.s32 v35, v23;
	(xrf0) =	vadd.scan.msk.s32 $0xffff, v22  }
0x1c9: {  	v26 =	vld.idx.msk [tilespmem:v39+s4+$0x0], $0xffff;
	v23 =	vmpcnt.ones.xlane vm10;
	v22 =	vsel vm11, $0x1, v3;
	[tilespmem:v38+s23+$0x0] =	vst.idx.msk vm4, v43;
	(xrf0) =	vadd.scan.msk.s32 $0xffff, v27  }
0x1ca: {  	s17 =	sadd.s32 $0x40, s18;
	[tilespmem:v40+s22+$0x0] =	vst.idx.msk vm3, v30;
	v59 =	vsel vm5, $0x1, v3;
	v30 =	vld.idx.msk [tilespmem:v42+s4+$0x0], $0xffff;
	v58 =	vadd.s32 v56, v24;
	(xrf0) =	vadd.scan.msk.s32 $0xffff, v22  }
0x1cb: {  	s15 =	sadd.s32 $0x30, s18;
	v61 =	vor.u32 s17, v2;
	v24 =	vld.idx.msk [tilespmem:v11+s4+$0x0], $0xffff;
	[tilespmem:v38+s24+$0x0] =	vst.idx.msk vm4, v20;
	v23 =	vadd.s32 v58, v23;
	v60, _, _ =	vpop (xrf0);
	(xrf0) =	vadd.scan.msk.s32 $0xffff, v59  }
0x1cc: {  	v29 =	vmpcnt.ones.xlane vm5;
	[tilespmem:v41+s22+$0x0] =	vst.idx.msk vm8, v32;
	v20 =	vadd.s32 v23, v28;
	v28 =	vld.idx.msk [tilespmem:v31+s4+$0x0], $0xffff;
	v31 =	vor.u32 s15, v2  }
0x1cd: {  	vm7 =	vmmov vm6;
	vm6 =	vmmov vm9;
	vm4 =	vmmov vm10;
	v27 =	vld.idx.msk [tilespmem:v12+s4+$0x0], $0xffff;
	[tilespmem:v40+s23+$0x0] =	vst.idx.msk vm3, v31  }
0x1ce: {  	v22 =	vadd.s32 v20, v29;
	v29 =	vld.idx.msk [tilespmem:v10+s4+$0x0], $0xffff;
	[tilespmem:v40+s24+$0x0] =	vst.idx.msk vm3, v21;
	v21, _, _ =	vpop (xrf0);
	v62 =	vadd.s32 v60, v35  }
0x1cf: {  	[tilespmem:v41+s23+$0x0] =	vst.idx.msk vm8, v61;
	vm3 =	vmmov vm11;
	v31 =	vld.idx.msk [tilespmem:v13+s4+$0x0], $0xffff;
	v21 =	vadd.s32 v21, v56;
	v63, _, _ =	vpop (xrf0);
	v32 =	vadd.s32 $0xFFFFFFFF, v62  }
0x1d0: {  	s0 =	simm.s32 $0xA;
	[tilespmem:v41+s24+$0x0] =	vst.idx.msk vm8, v19;
	s15 =	smov.u32 s18;
	v19 =	vmov v22;
	v34 =	vld.idx.msk [tilespmem:v17+s4+$0x0], $0xffff;
	v21 =	vadd.s32 $0xFFFFFFFF, v21;
	v36 =	vadd.s32 v63, v58;
	v35, _, _ =	vpop (xrf0)  }
.LBB2_22:
0x1d1: {  	s0 =	sadd.s32 $0x5, s0;
	v25 =	vld.idx.msk [tilespmem:v25+s4+$0x0], $0xffff;
	s13 =	sadd.s32 $0x50, s13;
	v36 =	vadd.s32 $0xFFFFFFFF, v36;
	v23 =	vadd.s32 v35, v23;
	v35, _, _ =	vpop (xrf0);
	v37 =	vmov v17  }
0x1d2: {  	s1 =	sadd.s32 $0x50, s1;
	s15 =	sadd.s32 $0x50, s15;
	vm8 =	vmmov vm5;
	v17 =	vld [tilespmem:s13+$0xFFFFFFE0];
	p0 =	slt.u32 s0, $0x78;
	v38 =	vadd.s32 $0xFFFFFFFF, v23;
	v20 =	vadd.s32 v35, v20  }
0x1d3: {  	v23 =	vadd.f32 v26, v24;
	s9 =	sadd.s32 $0x10, s15;
	v35 =	vld [tilespmem:s1+$0xFFFFFFE0];
	v39 =	vadd.s32 $0xFFFFFFFF, v20  }
0x1d4: {  	v24 =	vor.u32 s15, v2;
	v20 =	vadd.f32 v28, v27;
	v26 =	vor.u32 s9, v2;
	s9 =	sadd.s32 $0x20, s15;
	v40 =	vld [tilespmem:s13+$0xFFFFFFF0];
	[tilespmem:v32+s22+$0x0] =	vst.idx.msk vm7, v4  }
0x1d5: {  	v27 =	vadd.f32 v30, v29;
	vm10 =	vgt.f32 v23, $5.000000000e-01;
	v29 =	vor.u32 s9, v2;
	v4 =	vmovc v23;
	v28 =	vld [tilespmem:s1+$0xFFFFFFF0];
	[tilespmem:v32+s23+$0x0] =	vst.idx.msk vm7, v24  }
0x1d6: {  	v31 =	vadd.f32 v33, v31;
	v23 =	vmpcnt.ones.xlane vm10;
	vm12 =	vgt.f32 v20, $5.000000000e-01;
	v30 =	vld [tilespmem:s13+$0x0];
	[tilespmem:v32+s24+$0x0] =	vst.idx.msk vm7, v9;
	v9 =	vmovc v11  }
0x1d7: {  	vm11 =	vgt.f32 v27, $5.000000000e-01;
	v24 =	vmpcnt.ones.xlane vm12;
	v33 =	vadd.f32 v25, v34;
	v32 =	vld [tilespmem:s1+$0x0];
	[tilespmem:v21+s22+$0x0] =	vst.idx.msk vm6, v18;
	v11 =	vmovc v17  }
0x1d8: {  	vm9 =	vgt.f32 v31, $5.000000000e-01;
	v41 =	vadd.s32 v22, v23;
	v22 =	vmpcnt.ones.xlane vm11;
	v18 =	vmovc v20;
	v34 =	vld [tilespmem:s13+$0x10];
	[tilespmem:v21+s23+$0x0] =	vst.idx.msk vm6, v26  }
0x1d9: {  	v20 =	vmpcnt.ones.xlane vm9;
	v43 =	vadd.s32 v41, v24;
	vm5 =	vgt.f32 v33, $5.000000000e-01;
	v42 =	vld [tilespmem:s1+$0x10];
	[tilespmem:v21+s24+$0x0] =	vst.idx.msk vm6, v8;
	v8 =	vmovc v12  }
0x1da: {  	v21 =	vsel vm10, $0x1, v3;
	v23 =	vadd.s32 v43, v22;
	v22 =	vmpcnt.ones.xlane vm5;
	v12 =	vmovc v40;
	v17 =	vld [tilespmem:s13+$0x20];
	[tilespmem:v36+s22+$0x0] =	vst.idx.msk vm4, v16  }
0x1db: {  	v44 =	vsel vm11, $0x1, v3;
	v26 =	vsel vm12, $0x1, v3;
	v20 =	vadd.s32 v23, v20;
	v16 =	vmovc v27;
	v25 =	vld [tilespmem:s1+$0x20];
	(xrf0) =	vadd.scan.msk.s32 $0xffff, v21  }
0x1dc: {  	v45 =	vsel vm5, $0x1, v3;
	v21 =	vsel vm9, $0x1, v3;
	v22 =	vadd.s32 v20, v22;
	v24 =	vld.idx.msk [tilespmem:v11+s4+$0x0], $0xffff;
	(xrf0) =	vadd.scan.msk.s32 $0xffff, v26  }
0x1dd: {  	vm7 =	vmmov vm10;
	vm6 =	vmmov vm12;
	v26 =	vld.idx.msk [tilespmem:v35+s4+$0x0], $0xffff;
	(xrf0) =	vadd.scan.msk.s32 $0xffff, v44;
	[tilespmem:v36+s23+$0x0] =	vst.idx.msk vm4, v29  }
0x1de: {  	s9 =	sadd.s32 $0x30, s15;
	v27 =	vld.idx.msk [tilespmem:v40+s4+$0x0], $0xffff;
	(xrf0) =	vadd.scan.msk.s32 $0xffff, v21;
	[tilespmem:v36+s24+$0x0] =	vst.idx.msk vm4, v7;
	v7 =	vmovc v10;
	v10 =	vmov v30;
	vm4 =	vmmov vm11  }
0x1df: {  	v35 =	vor.u32 s9, v2;
	v28 =	vld.idx.msk [tilespmem:v28+s4+$0x0], $0xffff;
	(xrf0) =	vadd.scan.msk.s32 $0xffff, v45;
	[tilespmem:v38+s22+$0x0] =	vst.idx.msk vm3, v15;
	v15 =	vmov v31  }
.Ltmp16:
0x1e0: {  	v29 =	vld.idx.msk [tilespmem:v30+s4+$0x0], $0xffff;
	[tilespmem:v38+s23+$0x0] =	vst.idx.msk vm3, v35;
	(pc) =	sbr.rel @p0 .LBB2_22-.Ltmp16, $4  }
0x1e1: {  	s9 =	sadd.s32 $0x40, s15;
	v30 =	vld.idx.msk [tilespmem:v32+s4+$0x0], $0xffff;
	v21, _, _ =	vpop (xrf0);
	[tilespmem:v38+s24+$0x0] =	vst.idx.msk vm3, v6;
	v6 =	vmov v13;
	v13 =	vmov v34;
	vm3 =	vmmov vm9  }
0x1e2: {  	v31 =	vld.idx.msk [tilespmem:v34+s4+$0x0], $0xffff;
	v36 =	vadd.s32 v21, v19;
	v21, _, _ =	vpop (xrf0);
	v34 =	vor.u32 s9, v2;
	[tilespmem:v39+s22+$0x0] =	vst.idx.msk vm8, v14;
	v14 =	vmov v33  }
0x1e3: {  	v19 =	vmov v22;
	v33 =	vld.idx.msk [tilespmem:v42+s4+$0x0], $0xffff;
	v32 =	vadd.s32 $0xFFFFFFFF, v36;
	v21 =	vadd.s32 v21, v41;
	v35, _, _ =	vpop (xrf0);
	[tilespmem:v39+s23+$0x0] =	vst.idx.msk vm8, v34  }
0x1e4: {  	v34 =	vld.idx.msk [tilespmem:v17+s4+$0x0], $0xffff;
	v21 =	vadd.s32 $0xFFFFFFFF, v21;
	v36 =	vadd.s32 v35, v43;
	v35, _, _ =	vpop (xrf0);
	[tilespmem:v39+s24+$0x0] =	vst.idx.msk vm8, v5;
	v5 =	vmov v37  }
0x1e5: {  	_ =	sdelay $0x3  }
0x1e6: {  	v25 =	vld.idx.msk [tilespmem:v25+s4+$0x0], $0xffff;
	v24 =	vadd.f32 v26, v24  }
0x1e7: {  	v63 =	vadd.f32 v28, v27  }
0x1e8: {  	s0 =	sadd.s32 $0x50, s15;
	v27 =	vadd.f32 v30, v29;
	vm11 =	vgt.f32 v24, $5.000000000e-01  }
0x1e9: {  	v37 =	vor.u32 s0, v2;
	vm10 =	vgt.f32 v63, $5.000000000e-01;
	v38 =	vmpcnt.ones.xlane vm11  }
0x1ea: {  	[tilespmem:v32+s22+$0x0] =	vst.idx.msk vm7, v4;
	v39 =	vadd.f32 v33, v31;
	v4 =	vmpcnt.ones.xlane vm10;
	vm9 =	vgt.f32 v27, $5.000000000e-01  }
0x1eb: {  	[tilespmem:v32+s23+$0x0] =	vst.idx.msk vm7, v37;
	v40 =	vmpcnt.ones.xlane vm9;
	v25 =	vadd.f32 v25, v34;
	v22 =	vadd.s32 v22, v38  }
0x1ec: {  	[tilespmem:v32+s24+$0x0] =	vst.idx.msk vm7, v9;
	vm8 =	vgt.f32 v39, $5.000000000e-01;
	v41 =	vadd.s32 v22, v4;
	v4 =	vsel vm11, $0x1, v3  }
0x1ed: {  	v43 =	vsel vm10, $0x1, v3;
	v42 =	vmpcnt.ones.xlane vm8;
	vm7 =	vgt.f32 v25, $5.000000000e-01;
	(xrf0) =	vadd.scan.msk.s32 $0xffff, v4  }
0x1ee: {  	v44 =	vsel vm9, $0x1, v3;
	v28 =	vadd.s32 v41, v40;
	v4 =	vmpcnt.ones.xlane vm7;
	(xrf0) =	vadd.scan.msk.s32 $0xffff, v43  }
0x1ef: {  	v45 =	vadd.s32 $0xFFFFFFFF, v36;
	v46 =	vsel vm8, $0x1, v3;
	v29 =	vadd.s32 v28, v42;
	(xrf0) =	vadd.scan.msk.s32 $0xffff, v44  }
0x1f0: {  	v47 =	vsel vm7, $0x1, v3;
	(xrf0) =	vadd.scan.msk.s32 $0xffff, v46;
	v4 =	vadd.s32 v29, v4  }
0x1f1: {  	(xrf0) =	vadd.scan.msk.s32 $0xffff, v47;
	v49 =	vxor.u32 $0x80000000, v4  }
0x1f2: {  	v50, _, _ =	vpop (xrf0);
	(xrf0) =	vmax.scan.msk.u32 $0xffff, v49  }
0x1f3: {  	[tilespmem:v21+s22+$0x0] =	vst.idx.msk vm6, v18;
	s17 =	sadd.s32 $0x20, s0;
	v51, _, _ =	vpop (xrf0)  }
0x1f4: {  	v23 =	vadd.s32 v35, v23;
	v53 =	vor.u32 s17, v2;
	[tilespmem:v45+s22+$0x0] =	vst.idx.msk vm4, v16;
	v54, _, _ =	vpop (xrf0)  }
0x1f5: {  	s1 =	sadd.s32 $0x10, s0;
	v23 =	vadd.s32 $0xFFFFFFFF, v23;
	[tilespmem:v45+s23+$0x0] =	vst.idx.msk vm4, v53;
	v55, _, _ =	vpop (xrf0)  }
0x1f6: {  	v48 =	vor.u32 s1, v2;
	[tilespmem:v45+s24+$0x0] =	vst.idx.msk vm4, v7;
	v7, _, _ =	vpop (xrf0)  }
0x1f7: {  	vm5 =	vmmov vm5;
	v52 =	vadd.s32 v50, v20;
	[tilespmem:v21+s23+$0x0] =	vst.idx.msk vm6, v48;
	v58, _, _ =	vpop (xrf0)  }
0x1f8: {  	[tilespmem:v21+s24+$0x0] =	vst.idx.msk vm6, v8;
	v8 =	vadd.s32 $0xFFFFFFFF, v52;
	v59, _, _ =	vpop (xrf0)  }
0x1f9: {  	s9 =	sadd.s32 $0x30, s0;
	(v2sf) =	vpush v59, $0xF  }
0x1fa: {  	v56 =	vor.u32 s9, v2;
	[tilespmem:v23+s22+$0x0] =	vst.idx.msk vm3, v15  }
0x1fb: {  	[tilespmem:v23+s23+$0x0] =	vst.idx.msk vm3, v56;
	v57 =	vadd.s32 v51, v19  }
0x1fc: {  	s10 =	sadd.s32 $0x40, s0;
	[tilespmem:v23+s24+$0x0] =	vst.idx.msk vm3, v6;
	v15 =	vadd.s32 $0xFFFFFFFF, v57  }
0x1fd: {  	v6 =	vor.u32 s10, v2;
	[tilespmem:v8+s22+$0x0] =	vst.idx.msk vm5, v14;
	v60 =	vadd.s32 v54, v22  }
0x1fe: {  	[tilespmem:v8+s23+$0x0] =	vst.idx.msk vm5, v6;
	v6 =	vadd.s32 $0xFFFFFFFF, v60;
	_ =	sdelay $0x1  }
0x1ff: {  	s0 =	sadd.s32 $0x50, s0;
	[tilespmem:v8+s24+$0x0] =	vst.idx.msk vm5, v5;
	v5 =	vadd.s32 v55, v41  }
0x200: {  	v61 =	vor.u32 s0, v2;
	v5 =	vadd.s32 $0xFFFFFFFF, v5;
	[tilespmem:v15+s22+$0x0] =	vst.idx.msk vm11, v24  }
0x201: {  	[tilespmem:v15+s23+$0x0] =	vst.idx.msk vm11, v61  }
0x202: {  	s11 =	sadd.s32 $0x10, s0;
	v7 =	vadd.s32 v7, v28;
	[tilespmem:v6+s22+$0x0] =	vst.idx.msk vm10, v63  }
0x203: {  	v62 =	vor.u32 s11, v2;
	v7 =	vadd.s32 $0xFFFFFFFF, v7;
	[tilespmem:v15+s24+$0x0] =	vst.idx.msk vm11, v11  }
0x204: {  	[tilespmem:v6+s23+$0x0] =	vst.idx.msk vm10, v62  }
0x205: {  	s13 =	sadd.s32 $0x20, s0;
	[tilespmem:v5+s22+$0x0] =	vst.idx.msk vm9, v27  }
0x206: {  	v63 =	vor.u32 s13, v2;
	[tilespmem:v6+s24+$0x0] =	vst.idx.msk vm10, v12;
	v6 =	vadd.s32 v58, v29  }
0x207: {  	s15 =	sadd.s32 $0x30, s0;
	s17 =	sadd.s32 $0x40, s0;
	[tilespmem:v5+s23+$0x0] =	vst.idx.msk vm9, v63;
	v6 =	vadd.s32 $0xFFFFFFFF, v6;
	s0 =	spop (v2sf)  }
0x208: {  	[tilespmem:v7+s22+$0x0] =	vst.idx.msk vm8, v39;
	s13 =	sxor.u32 $0x80000000, s0  }
0x209: {  	[tilespmem:v5+s24+$0x0] =	vst.idx.msk vm9, v10;
	v5 =	vor.u32 s15, v2;
	p0 =	slt.s32 s13, $0x231  }
.Ltmp17:
0x20a: {  	[tilespmem:v7+s23+$0x0] =	vst.idx.msk vm8, v5;
	(pc) =	sbr.rel @p0 .LBB2_38-.Ltmp17, $4  }
0x20b: {  	[tilespmem:v7+s24+$0x0] =	vst.idx.msk vm8, v13  }
0x20c: {  	v5 =	vor.u32 s17, v2;
	[tilespmem:v6+s22+$0x0] =	vst.idx.msk vm7, v25  }
0x20d: {  	vm4 =	vmmov vm11;
	vm3 =	vmmov vm10;
	[tilespmem:v6+s23+$0x0] =	vst.idx.msk vm7, v5  }
0x20e: {  	vm4 =	vmmov vm8;
	vm3 =	vmmov vm7;
	vm5 =	vmmov vm9;
	[tilespmem:v6+s24+$0x0] =	vst.idx.msk vm7, v17  }
0x20f: {  	s0 =	sadd.s32 $0x8000000F, s0  }
0x210: {  	s1 =	sand.u32 $0xF, s0  }
0x211: {  	s9 =	sshra.s32 s0, $0x1F;
	p0 =	slt.s32 s0, $0x1;
	p1 =	sne.s32 s1, $0x0  }
0x212: {  	s17 =	sshrl.u32 s9, $0x1C;
	p0 =	por !p0, !p1  }
0x213: {  	s1 =	simm.s32 $0x1;
	s0 =	sadd.s32 s17, s0;
	p0 =	por !p0, !p0  }
0x214: {  	s0 =	sshra.s32 s0, $0x4;
	s1 =	simm.s32 @!p0 $0x0  }
0x215: {  	s1 =	ssub.s32 s0, s1  }
0x216: {  	p0 =	slt.s32 s1, $0x1  }
.Ltmp18:
0x217: {  	_ = 	snop;
	(pc) =	sbr.rel @p0 .LBB2_28-.Ltmp18, $1  }
0x218: {  	_ =	sdelay $0x3  }
0x219: {  	s0 =	simm.s32 $0x1B180  }
0x21a: {  	v5 =	vld [tilespmem:s0+$0x0];
	_ =	sdelay $0x4  }
0x21b: {  	vm3 =	vlt.s32 v5, $0x0  }
0x21c: {  	v5 =	vsel vm3, $0x0, v5  }
0x21d: {  	v5 =	vmin.u32 v5, $0x7A11F;
	_ =	sdelay $0x3  }
0x21e: {  	s15 =	simm.s32 $0x1A700  }
0x21f: {  	v6 =	vld [tilespmem:s15+$0x0];
	[tilespmem:s25], [sflag:$0x1] =	stream.indirect_vreg.gather [hbm4b:s2+s4], $0x1, v5, vm15, $0xb8  }
0x220: {  	_ =	swait.ge [sflag:s21], $0x10  }
0x221: {  	[sflag:s21] =	ssyncset.done $0x0  }
0x222: {  	[sflag:s21] =	ssyncadd.s32 $0xFFFFFFF0  }
0x223: {  	v5 =	vld [tilespmem:$0x1CA00];
	_ =	sdelay $0x4  }
0x224: {  	v5 =	vmul.f32 v5, v6;
	_ =	sdelay $0x1  }
0x225: {  	p1 =	sne.s32 s1, $0x1;
	v7 =	vmul.f32 $1.667000060e-01, v5  }
.Ltmp19:
0x226: {  	s9 =	simm.s32 $0x0;
	(pc) =	sbr.rel @!p1 .LBB2_27-.Ltmp19, $4  }
0x227: {  	v5 =	vmov s13;
	v6 =	vsel vm3, v6, v7;
	v7 =	vor.u32 s9, v2  }
0x228: {  	vm3 =	vgt.f32 v6, $8.335000270e-02;
	vm4 =	vlt.s32 v7, v5  }
0x229: {  	vm3 =	vmand vm4, vm3  }
0x22a: {  	s10 =	sadd.s32 $0xFFFFFFFF, s1;
	v6 =	vnsel vm3, $0xF149F2CA, v6  }
.LBB2_26:
0x22b: {  	[tilespmem:s15+$0x0] =	vst v6;
	s0 =	sadd.s32 $0x10, s0;
	s15 =	sadd.s32 $0x10, s15;
	s9 =	sadd.s32 $0x10, s9  }
0x22c: {  	p1 =	sne.s32 s10, $0x1;
	s10 =	sadd.s32 $0xFFFFFFFF, s10;
	v6 =	vld [tilespmem:s0+$0x0];
	_ =	sdelay $0x4  }
0x22d: {  	vm3 =	vlt.s32 v6, $0x0  }
0x22e: {  	v6 =	vsel vm3, $0x0, v6  }
0x22f: {  	v6 =	vmin.u32 v6, $0x7A11F;
	_ =	sdelay $0x3  }
0x230: {  	v7 =	vld [tilespmem:s15+$0x0]  }
0x231: {  	[tilespmem:s25], [sflag:$0x1] =	stream.indirect_vreg.gather [hbm4b:s2+s4], $0x1, v6, vm15, $0xb8;
	[tilespmem:$0x1FE80] =	vst v63  }
0x232: {  	_ =	swait.ge [sflag:s21], $0x10  }
0x233: {  	[sflag:s21] =	ssyncset.done $0x0  }
0x234: {  	[sflag:s21] =	ssyncadd.s32 $0xFFFFFFF0  }
0x235: {  	v6 =	vld [tilespmem:$0x1CA00];
	_ =	sdelay $0x4  }
0x236: {  	v6 =	vmul.f32 v6, v7;
	_ =	sdelay $0x1  }
0x237: {  	v6 =	vmul.f32 $1.667000060e-01, v6  }
.Ltmp20:
0x238: {  	(pc) =	sbr.rel @p1 .LBB2_26-.Ltmp20, $4  }
0x239: {  	v6 =	vsel vm3, v7, v6;
	v7 =	vor.u32 s9, v2  }
0x23a: {  	vm3 =	vgt.f32 v6, $8.335000270e-02;
	vm4 =	vlt.s32 v7, v5  }
0x23b: {  	vm3 =	vmand vm4, vm3  }
0x23c: {  	v6 =	vnsel vm3, $0xF149F2CA, v6  }
.LBB2_27:
0x23d: {  	[tilespmem:s15+$0x0] =	vst v6  }
.LBB2_28:
.Ltmp21:
0x23e: {  	(pc) =	sbr.rel .LBB2_29-.Ltmp21, $2  }
0x23f: {  	_ =	sdelay $0x2  }
0x240: {  	s0 =	simm.s32 $0x0  }
.LBB2_30:
0x241: {  	v5 =	vimm.s32 $0x80000A10;
	s9 =	smov.u32 s12  }
.LBB2_36:
0x242: {  	(xrf0) =	vmin.scan.msk.u32 $0xffff, v5;
	_ =	sdelay $0x5  }
0x243: {  	v5, _, _ =	vpop (xrf0)  }
0x244: {  	(v2sf) =	vpush v5, $0xF;
	_ =	sdelay $0xe  }
0x245: {  	s10 =	spop (v2sf)  }
0x246: {  	s10 =	sxor.u32 $0x80000000, s10  }
0x247: {  	p1 =	slt.s32 s10, $0xA0F  }
0x248: {  	s10 =	simm.s32 @!p1 $0xA0F  }
0x249: {  	v5 =	vmov s10;
	_ =	sdelay $0x4  }
0x24a: {  	v6 =	vld.idx.msk [tilespmem:v5+s23+$0x0], $0xffff  }
0x24b: {  	v8 =	vld.idx.msk [tilespmem:v5+s24+$0x0], $0xffff;
	_ =	sdelay $0x1  }
0x24c: {  	v7 =	vmov s0  }
0x24d: {  	p1 =	sgt.f32 s9, $0.0e+00  }
0x24e: {  	s0 =	sadd.s32 $0x1, s0  }
0x24f: {  	s9 =	simm.s32 @!p1 $0x0;
	v6 =	vpsel !p1, $0x0, v6;
	v8 =	vpsel !p1, $0x0, v8;
	p1 =	sne.s32 s0, $0x64  }
.Ltmp22:
0x250: {  	v9 =	vmov s9;
	(pc) =	sbr.rel @!p1 .LBB2_37-.Ltmp22, $4  }
0x251: {  	[tilespmem:v7+s26+$0x0] =	vst.idx.msk $0x1, v9  }
0x252: {  	[tilespmem:v7+s28+$0x0] =	vst.idx.msk $0x1, v6  }
0x253: {  	[tilespmem:v7+s29+$0x0] =	vst.idx.msk $0x1, v8  }
0x254: {  	[tilespmem:v5+s22+$0x0] =	vst.idx.msk $0x1, v0  }
.LBB2_29:
.Ltmp23:
0x255: {  	(pc) =	sbr.rel @p0 .LBB2_30-.Ltmp23, $1  }
0x256: {  	_ =	sdelay $0x3  }
0x257: {  	p1 =	sne.s32 s1, $0x1  }
.Ltmp24:
0x258: {  	_ = 	snop;
	(pc) =	sbr.rel @!p1 .LBB2_33-.Ltmp24, $3  }
0x259: {  	_ =	sdelay $0x1  }
0x25a: {  	s9 =	simm.s32 $0x1A700  }
0x25b: {  	v5 =	vimm.f32 $-1.000000020e+30;
	s10 =	sadd.s32 $0xFFFFFFFF, s1;
	s11 =	simm.s32 $0x1A700;
	v6 =	vld [tilespmem:s9+$0x0]  }
.LBB2_32:
0x25c: {  	p2 =	sne.s32 s10, $0x1  }
.Ltmp25:
0x25d: {  	_ = 	snop;
	(pc) =	sbr.rel @p2 .LBB2_32-.Ltmp25, $3  }
0x25e: {  	_ =	sdelay $0x1  }
0x25f: {  	s10 =	sadd.s32 $0xFFFFFFFF, s10;
	s11 =	sadd.s32 $0x10, s11;
	v5 =	vmax.f32 v5, v6  }
0x260: {  	v6 =	vld [tilespmem:s11+$0x0]  }
.LBB2_33:
0x261: {  	_ =	sdelay $0x3  }
0x262: {  	v5 =	vmax.f32 v5, v6  }
0x263: {  	(xrf0) =	vmax.scan.msk.f32 $0xffff, v5;
	_ =	sdelay $0x5  }
0x264: {  	v5, _, _ =	vpop (xrf0)  }
0x265: {  	(v2sf) =	vpush v5, $0xF;
	_ =	sdelay $0x9  }
0x266: {  	v7 =	vld [tilespmem:s9+$0x0]  }
.Ltmp26:
0x267: {  	_ = 	snop;
	(pc) =	sbr.rel @!p1 .LBB2_35-.Ltmp26, $4  }
0x268: {  	_ = 	snop  }
0x269: {  	v6 =	vbroadcast v5, $0xF  }
0x26a: {  	s10 =	simm.s32 $0x0  }
0x26b: {  	s15 =	sadd.s32 $0xFFFFFFFF, s1;
	s11 =	simm.s32 $0x1A710;
	v5 =	vimm.s32 $0xA10;
	vm3 =	veq.f32 v7, v6;
	v7 =	vor.u32 s10, v2;
	s9 =	spop (v2sf)  }
.LBB2_34:
0x26c: {  	v8 =	vld [tilespmem:s11+$0x0];
	p1 =	sne.s32 s15, $0x1;
	s15 =	sadd.s32 $0xFFFFFFFF, s15;
	v7 =	vnsel vm3, $0xA10, v7  }
.Ltmp27:
0x26d: {  	vm3 =	vlt.s32 v5, v7;
	(pc) =	sbr.rel @p1 .LBB2_34-.Ltmp27, $3  }
0x26e: {  	v5 =	vsel vm3, v5, v7;
	_ =	sdelay $0x1  }
0x26f: {  	s10 =	sadd.s32 $0x10, s10  }
0x270: {  	s11 =	sadd.s32 $0x10, s11;
	v7 =	vor.u32 s10, v2;
	vm3 =	veq.f32 v8, v6  }
.LBB2_35:
.Ltmp28:
0x271: {  	(pc) =	sbr.rel .LBB2_36-.Ltmp28, $4  }
0x272: {  	v6 =	vnsel vm3, $0xA10, v7  }
0x273: {  	vm3 =	vlt.s32 v5, v6  }
0x274: {  	v5 =	vsel vm3, v5, v6  }
0x275: {  	v5 =	vxor.u32 $0x80000000, v5  }
.LBB2_39:
0x276: {  	v4 =	vxor.u32 $0x80000000, v9  }
0x277: {  	(xrf0) =	vmax.scan.msk.u32 $0xffff, v4;
	_ =	sdelay $0x5  }
0x278: {  	v4, _, _ =	vpop (xrf0)  }
0x279: {  	(v2sf) =	vpush v4, $0xF;
	_ =	sdelay $0xe  }
0x27a: {  	s8 =	spop (v2sf)  }
0x27b: {  	s0 =	sadd.s32 $0x8000000F, s8  }
0x27c: {  	s1 =	sand.u32 $0xF, s0  }
0x27d: {  	s18 =	sshra.s32 s0, $0x1F;
	p1 =	slt.s32 s0, $0x1;
	p0 =	sne.s32 s1, $0x0  }
0x27e: {  	s1 =	sshrl.u32 s18, $0x1C;
	p0 =	por !p1, !p0  }
0x27f: {  	s0 =	sadd.s32 s1, s0;
	s1 =	simm.s32 $0x1;
	p0 =	por !p0, !p0  }
0x280: {  	s0 =	sshra.s32 s0, $0x4;
	s1 =	simm.s32 @!p0 $0x0  }
0x281: {  	s1 =	ssub.s32 s0, s1  }
0x282: {  	p0 =	slt.s32 s1, $0x1  }
.Ltmp29:
0x283: {  	_ = 	snop;
	(pc) =	sbr.rel @p0 .LBB2_43-.Ltmp29, $2  }
0x284: {  	_ =	sdelay $0x2  }
0x285: {  	s11 =	simm.s32 $0x1CA80  }
0x286: {  	s0 =	simm.s32 $0x1B180  }
0x287: {  	v4 =	vld [tilespmem:s0+$0x0];
	_ =	sdelay $0x4  }
0x288: {  	vm3 =	vlt.s32 v4, $0x0  }
0x289: {  	v4 =	vsel vm3, $0x0, v4  }
0x28a: {  	v4 =	vmin.u32 v4, $0x7A11F;
	_ =	sdelay $0x3  }
0x28b: {  	s5 =	simm.s32 $0x1A700  }
0x28c: {  	v5 =	vld [tilespmem:s5+$0x0];
	[tilespmem:s25], [sflag:$0x1] =	stream.indirect_vreg.gather [hbm4b:s2+s4], $0x1, v4, vm15, $0xb8  }
0x28d: {  	_ =	swait.ge [sflag:s21], $0x10  }
0x28e: {  	[sflag:s21] =	ssyncset.done $0x0  }
0x28f: {  	[sflag:s21] =	ssyncadd.s32 $0xFFFFFFF0  }
0x290: {  	v4 =	vld [tilespmem:$0x1CA00];
	_ =	sdelay $0x4  }
0x291: {  	v4 =	vmul.f32 v4, v5;
	_ =	sdelay $0x1  }
0x292: {  	p1 =	sne.s32 s1, $0x1;
	v6 =	vmul.f32 $1.667000060e-01, v4  }
.Ltmp30:
0x293: {  	s9 =	sxor.u32 $0x80000000, s8;
	s8 =	simm.s32 $0x0;
	(pc) =	sbr.rel @!p1 .LBB2_42-.Ltmp30, $4  }
0x294: {  	v4 =	vmov s9;
	v5 =	vsel vm3, v5, v6;
	v6 =	vor.u32 s8, v2  }
0x295: {  	vm3 =	vgt.f32 v5, $8.335000270e-02;
	vm4 =	vlt.s32 v6, v4  }
0x296: {  	vm3 =	vmand vm4, vm3  }
0x297: {  	s9 =	sadd.s32 $0xFFFFFFFF, s1;
	v5 =	vnsel vm3, $0xF149F2CA, v5  }
.LBB2_41:
0x298: {  	[tilespmem:s5+$0x0] =	vst v5;
	s0 =	sadd.s32 $0x10, s0;
	s5 =	sadd.s32 $0x10, s5;
	s8 =	sadd.s32 $0x10, s8  }
0x299: {  	p1 =	sne.s32 s9, $0x1;
	s9 =	sadd.s32 $0xFFFFFFFF, s9;
	v5 =	vld [tilespmem:s0+$0x0];
	_ =	sdelay $0x4  }
0x29a: {  	vm3 =	vlt.s32 v5, $0x0  }
0x29b: {  	v5 =	vsel vm3, $0x0, v5  }
0x29c: {  	v5 =	vmin.u32 v5, $0x7A11F;
	_ =	sdelay $0x3  }
0x29d: {  	v6 =	vld [tilespmem:s5+$0x0]  }
0x29e: {  	[tilespmem:s25], [sflag:$0x1] =	stream.indirect_vreg.gather [hbm4b:s2+s4], $0x1, v5, vm15, $0xb8;
	[tilespmem:$0x1FE80] =	vst v63  }
0x29f: {  	_ =	swait.ge [sflag:s21], $0x10  }
0x2a0: {  	[sflag:s21] =	ssyncset.done $0x0  }
0x2a1: {  	[sflag:s21] =	ssyncadd.s32 $0xFFFFFFF0  }
0x2a2: {  	v5 =	vld [tilespmem:$0x1CA00];
	_ =	sdelay $0x4  }
0x2a3: {  	v5 =	vmul.f32 v5, v6;
	_ =	sdelay $0x1  }
0x2a4: {  	v5 =	vmul.f32 $1.667000060e-01, v5  }
.Ltmp31:
0x2a5: {  	(pc) =	sbr.rel @p1 .LBB2_41-.Ltmp31, $4  }
0x2a6: {  	v5 =	vsel vm3, v6, v5;
	v6 =	vor.u32 s8, v2  }
0x2a7: {  	vm3 =	vgt.f32 v5, $8.335000270e-02;
	vm4 =	vlt.s32 v6, v4  }
0x2a8: {  	vm3 =	vmand vm4, vm3  }
0x2a9: {  	v5 =	vnsel vm3, $0xF149F2CA, v5  }
.LBB2_42:
0x2aa: {  	[tilespmem:s5+$0x0] =	vst v5  }
.LBB2_43:
.Ltmp32:
0x2ab: {  	(pc) =	sbr.rel .LBB2_44-.Ltmp32, $2  }
0x2ac: {  	_ =	sdelay $0x2  }
0x2ad: {  	s0 =	simm.s32 $0x0  }
.LBB2_45:
0x2ae: {  	v4 =	vimm.s32 $0x80000A10;
	s5 =	smov.u32 s12  }
.LBB2_51:
0x2af: {  	(xrf0) =	vmin.scan.msk.u32 $0xffff, v4;
	_ =	sdelay $0x5  }
0x2b0: {  	v4, _, _ =	vpop (xrf0)  }
0x2b1: {  	(v2sf) =	vpush v4, $0xF;
	_ =	sdelay $0xe  }
0x2b2: {  	s8 =	spop (v2sf)  }
0x2b3: {  	s8 =	sxor.u32 $0x80000000, s8  }
0x2b4: {  	p1 =	slt.s32 s8, $0xA0F  }
0x2b5: {  	s8 =	simm.s32 @!p1 $0xA0F  }
0x2b6: {  	v4 =	vmov s8;
	_ =	sdelay $0x4  }
0x2b7: {  	v5 =	vld.idx.msk [tilespmem:v4+s23+$0x0], $0xffff  }
0x2b8: {  	v7 =	vld.idx.msk [tilespmem:v4+s24+$0x0], $0xffff;
	_ =	sdelay $0x1  }
0x2b9: {  	v6 =	vmov s0  }
0x2ba: {  	p1 =	sgt.f32 s5, $0.0e+00  }
0x2bb: {  	s0 =	sadd.s32 $0x1, s0  }
0x2bc: {  	s5 =	simm.s32 @!p1 $0x0;
	v5 =	vpsel !p1, $0x0, v5;
	v7 =	vpsel !p1, $0x0, v7;
	p1 =	sne.s32 s0, $0x64  }
.Ltmp33:
0x2bd: {  	v8 =	vmov s5;
	(pc) =	sbr.rel @!p1 .LBB2_52-.Ltmp33, $4  }
0x2be: {  	[tilespmem:v6+s26+$0x0] =	vst.idx.msk $0x1, v8  }
0x2bf: {  	[tilespmem:v6+s28+$0x0] =	vst.idx.msk $0x1, v5  }
0x2c0: {  	[tilespmem:v6+s29+$0x0] =	vst.idx.msk $0x1, v7  }
0x2c1: {  	[tilespmem:v4+s22+$0x0] =	vst.idx.msk $0x1, v0  }
.LBB2_44:
.Ltmp34:
0x2c2: {  	(pc) =	sbr.rel @p0 .LBB2_45-.Ltmp34, $1  }
0x2c3: {  	_ =	sdelay $0x3  }
0x2c4: {  	p1 =	sne.s32 s1, $0x1  }
.Ltmp35:
0x2c5: {  	_ = 	snop;
	(pc) =	sbr.rel @!p1 .LBB2_48-.Ltmp35, $3  }
0x2c6: {  	_ =	sdelay $0x1  }
0x2c7: {  	s5 =	simm.s32 $0x1A700  }
0x2c8: {  	v4 =	vimm.f32 $-1.000000020e+30;
	s8 =	sadd.s32 $0xFFFFFFFF, s1;
	s9 =	simm.s32 $0x1A700;
	v5 =	vld [tilespmem:s5+$0x0]  }
.LBB2_47:
0x2c9: {  	p2 =	sne.s32 s8, $0x1  }
.Ltmp36:
0x2ca: {  	_ = 	snop;
	(pc) =	sbr.rel @p2 .LBB2_47-.Ltmp36, $3  }
0x2cb: {  	_ =	sdelay $0x1  }
0x2cc: {  	s8 =	sadd.s32 $0xFFFFFFFF, s8;
	s9 =	sadd.s32 $0x10, s9;
	v4 =	vmax.f32 v4, v5  }
0x2cd: {  	v5 =	vld [tilespmem:s9+$0x0]  }
.LBB2_48:
0x2ce: {  	_ =	sdelay $0x3  }
0x2cf: {  	v4 =	vmax.f32 v4, v5  }
0x2d0: {  	(xrf0) =	vmax.scan.msk.f32 $0xffff, v4;
	_ =	sdelay $0x5  }
0x2d1: {  	v4, _, _ =	vpop (xrf0)  }
0x2d2: {  	(v2sf) =	vpush v4, $0xF;
	_ =	sdelay $0x9  }
0x2d3: {  	v6 =	vld [tilespmem:s5+$0x0]  }
.Ltmp37:
0x2d4: {  	_ = 	snop;
	(pc) =	sbr.rel @!p1 .LBB2_50-.Ltmp37, $4  }
0x2d5: {  	_ = 	snop  }
0x2d6: {  	v5 =	vbroadcast v4, $0xF  }
0x2d7: {  	s8 =	simm.s32 $0x0  }
0x2d8: {  	s9 =	sadd.s32 $0xFFFFFFFF, s1;
	s10 =	simm.s32 $0x1A710;
	v4 =	vimm.s32 $0xA10;
	vm3 =	veq.f32 v6, v5;
	v6 =	vor.u32 s8, v2;
	s5 =	spop (v2sf)  }
.LBB2_49:
0x2d9: {  	v7 =	vld [tilespmem:s10+$0x0];
	p1 =	sne.s32 s9, $0x1;
	s9 =	sadd.s32 $0xFFFFFFFF, s9;
	v6 =	vnsel vm3, $0xA10, v6  }
.Ltmp38:
0x2da: {  	vm3 =	vlt.s32 v4, v6;
	(pc) =	sbr.rel @p1 .LBB2_49-.Ltmp38, $3  }
0x2db: {  	v4 =	vsel vm3, v4, v6;
	_ =	sdelay $0x1  }
0x2dc: {  	s8 =	sadd.s32 $0x10, s8  }
0x2dd: {  	s10 =	sadd.s32 $0x10, s10;
	v6 =	vor.u32 s8, v2;
	vm3 =	veq.f32 v7, v5  }
.LBB2_50:
.Ltmp39:
0x2de: {  	(pc) =	sbr.rel .LBB2_51-.Ltmp39, $4  }
0x2df: {  	v5 =	vnsel vm3, $0xA10, v6  }
0x2e0: {  	vm3 =	vlt.s32 v4, v5  }
0x2e1: {  	v4 =	vsel vm3, v4, v5  }
0x2e2: {  	v4 =	vxor.u32 $0x80000000, v4  }
.LBB2_52:
0x2e3: {  	v4 =	vld [tilespmem:$0x1C680]  }
0x2e4: {  	v5 =	vld [tilespmem:$0x1C880]  }
0x2e5: {  	v6 =	vld [tilespmem:$0x1C690]  }
0x2e6: {  	v7 =	vld [tilespmem:$0x1C890]  }
0x2e7: {  	v8 =	vld [tilespmem:$0x1C6A0]  }
0x2e8: {  	v9 =	vld [tilespmem:$0x1C8A0]  }
0x2e9: {  	v10 =	vld [tilespmem:$0x1C6B0]  }
0x2ea: {  	v11 =	vld [tilespmem:$0x1C8B0]  }
0x2eb: {  	v12 =	vld [tilespmem:$0x1C6C0]  }
0x2ec: {  	v13 =	vld [tilespmem:$0x1C8C0]  }
0x2ed: {  	v14 =	vld [tilespmem:$0x1C6D0]  }
0x2ee: {  	v15 =	vld [tilespmem:$0x1C8D0]  }
0x2ef: {  	v60 =	vld [tilespmem:$0x1C8E0];
	v4 =	vmul.f32 v5, v4  }
0x2f0: {  	v5 =	vld [tilespmem:$0x1C6E0];
	v6 =	vmul.f32 v7, v6  }
0x2f1: {  	[tilespmem:$0x1C680] =	vst v4;
	v4 =	vmul.f32 v9, v8  }
0x2f2: {  	v61 =	vmul.f32 v11, v10;
	[tilespmem:$0x1C690] =	vst v6  }
0x2f3: {  	v62 =	vld [tilespmem:$0x1C780];
	[tilespmem:$0x1C6A0] =	vst v4;
	v4 =	vmul.f32 v13, v12  }
0x2f4: {  	v63 =	vmul.f32 v15, v14;
	[tilespmem:$0x1C6B0] =	vst v61  }
0x2f5: {  	[tilespmem:$0x1C6C0] =	vst v4;
	v4 =	vmul.f32 v60, v5  }
0x2f6: {  	[tilespmem:$0x1C6D0] =	vst v63  }
0x2f7: {  	[tilespmem:$0x1C6E0] =	vst v4  }
0x2f8: {  	[tilespmem:v2+s31+$0x0] =	vst.idx.msk $0xffff, v62  }
0x2f9: {  	v5 =	vor.u32 $0x10, v2;
	v4 =	vld [tilespmem:$0x1C790];
	_ =	sdelay $0x4  }
0x2fa: {  	[tilespmem:v5+s31+$0x0] =	vst.idx.msk $0xffff, v4  }
0x2fb: {  	v5 =	vor.u32 $0x20, v2;
	v4 =	vld [tilespmem:$0x1C7A0];
	_ =	sdelay $0x4  }
0x2fc: {  	[tilespmem:v5+s31+$0x0] =	vst.idx.msk $0xffff, v4  }
0x2fd: {  	v5 =	vor.u32 $0x30, v2;
	v4 =	vld [tilespmem:$0x1C7B0];
	_ =	sdelay $0x4  }
0x2fe: {  	[tilespmem:v5+s31+$0x0] =	vst.idx.msk $0xffff, v4  }
0x2ff: {  	v5 =	vor.u32 $0x40, v2;
	v4 =	vld [tilespmem:$0x1C7C0];
	_ =	sdelay $0x4  }
0x300: {  	[tilespmem:v5+s31+$0x0] =	vst.idx.msk $0xffff, v4  }
0x301: {  	v5 =	vor.u32 $0x50, v2;
	v4 =	vld [tilespmem:$0x1C7D0];
	_ =	sdelay $0x4  }
0x302: {  	[tilespmem:v5+s31+$0x0] =	vst.idx.msk $0xffff, v4  }
0x303: {  	v5 =	vor.u32 $0x60, v2;
	v4 =	vld [tilespmem:$0x1C7E0];
	_ =	sdelay $0x4  }
0x304: {  	[tilespmem:v5+s31+$0x0] =	vst.idx.msk $0xf, v4  }
0x305: {  	v4 =	vld [tilespmem:$0x1C780];
	_ =	sdelay $0x4  }
0x306: {  	v4 =	vshll.u32 v4, $0x4  }
0x307: {  	(v2sf) =	vpush v4, $0x0;
	_ =	sdelay $0x1  }
0x308: {  	(v2sf) =	vpush v4, $0x1;
	_ =	sdelay $0x1  }
0x309: {  	(v2sf) =	vpush v4, $0x2;
	_ =	sdelay $0x2  }
0x30a: {  	(v2sf) =	vpush v4, $0x3;
	_ =	sdelay $0x7  }
0x30b: {  	s0 =	spop (v2sf);
	(v2sf) =	vpush v4, $0x4;
	_ =	sdelay $0x1  }
0x30c: {  	s10 =	spop (v2sf);
	(v2sf) =	vpush v4, $0x5;
	_ =	sdelay $0x1  }
0x30d: {  	s13 =	spop (v2sf);
	(v2sf) =	vpush v4, $0x6;
	_ =	sdelay $0x1  }
0x30e: {  	s0 =	sand.u32 $0x1FFFFFF0, s0  }
0x30f: {  	s0 =	sadd.s32 s3, s0;
	s17 =	spop (v2sf);
	(v2sf) =	vpush v4, $0x7  }
0x310: {  	[tilespmem:s11], [sflag:$0x1] =	stream.linear.gather [hbm4b:s0+s4], $0x80, $0x38;
	[tilespmem:$0x1FE80] =	vst v63  }
0x311: {  	s0 =	sand.u32 $0x1FFFFFF0, s10  }
0x312: {  	s1 =	simm.s32 $0x1CB00;
	s0 =	sadd.s32 s3, s0  }
0x313: {  	[tilespmem:s1], [sflag:$0x2] =	stream.linear.gather [hbm4b:s0+s4], $0x80, $0x38;
	[tilespmem:$0x1FE80] =	vst v63  }
0x314: {  	s0 =	sand.u32 $0x1FFFFFF0, s13  }
0x315: {  	s15 =	simm.s32 $0x1CB80;
	s0 =	sadd.s32 s3, s0  }
0x316: {  	[tilespmem:s15], [sflag:$0x1] =	stream.linear.gather [hbm4b:s0+s4], $0x80, $0x38;
	[tilespmem:$0x1FE80] =	vst v63  }
0x317: {  	s5 =	spop (v2sf);
	(v2sf) =	vpush v4, $0x8  }
0x318: {  	s0 =	sand.u32 $0x1FFFFFF0, s17  }
0x319: {  	s18 =	simm.s32 $0x1CC00;
	s0 =	sadd.s32 s3, s0;
	s9 =	spop (v2sf);
	(v2sf) =	vpush v4, $0x9  }
0x31a: {  	[tilespmem:s18], [sflag:$0x2] =	stream.linear.gather [hbm4b:s0+s4], $0x80, $0x38;
	[tilespmem:$0x1FE80] =	vst v63  }
0x31b: {  	s0 =	sand.u32 $0x1FFFFFF0, s5;
	s13 =	spop (v2sf);
	(v2sf) =	vpush v4, $0xA  }
0x31c: {  	s8 =	simm.s32 $0x1CC80;
	s0 =	sadd.s32 s3, s0  }
0x31d: {  	[tilespmem:s8], [sflag:$0x1] =	stream.linear.gather [hbm4b:s0+s4], $0x80, $0x38;
	[tilespmem:$0x1FE80] =	vst v63  }
0x31e: {  	s17 =	spop (v2sf);
	(v2sf) =	vpush v4, $0xB  }
0x31f: {  	s0 =	sand.u32 $0x1FFFFFF0, s9  }
0x320: {  	s10 =	simm.s32 $0x1CD00;
	s0 =	sadd.s32 s3, s0  }
0x321: {  	[tilespmem:s10], [sflag:$0x2] =	stream.linear.gather [hbm4b:s0+s4], $0x80, $0x38;
	[tilespmem:$0x1FE80] =	vst v63  }
0x322: {  	s0 =	sand.u32 $0x1FFFFFF0, s13  }
0x323: {  	s15 =	simm.s32 $0x1CD80;
	s0 =	sadd.s32 s3, s0  }
0x324: {  	[tilespmem:s15], [sflag:$0x1] =	stream.linear.gather [hbm4b:s0+s4], $0x80, $0x38;
	[tilespmem:$0x1FE80] =	vst v63  }
0x325: {  	s0 =	sand.u32 $0x1FFFFFF0, s17  }
0x326: {  	s18 =	simm.s32 $0x1CE00;
	s0 =	sadd.s32 s3, s0;
	s5 =	spop (v2sf);
	(v2sf) =	vpush v4, $0xC  }
0x327: {  	[tilespmem:s18], [sflag:$0x2] =	stream.linear.gather [hbm4b:s0+s4], $0x80, $0x38;
	[tilespmem:$0x1FE80] =	vst v63  }
0x328: {  	s9 =	spop (v2sf);
	(v2sf) =	vpush v4, $0xD  }
0x329: {  	s0 =	sand.u32 $0x1FFFFFF0, s5  }
0x32a: {  	s8 =	simm.s32 $0x1CE80;
	s0 =	sadd.s32 s3, s0;
	s13 =	spop (v2sf)  }
0x32b: {  	(v2sf) =	vpush v4, $0xE;
	[tilespmem:s8], [sflag:$0x1] =	stream.linear.gather [hbm4b:s0+s4], $0x80, $0x38;
	[tilespmem:$0x1FE80] =	vst v63  }
0x32c: {  	s0 =	sand.u32 $0x1FFFFFF0, s9  }
0x32d: {  	s10 =	simm.s32 $0x1CF00;
	s17 =	spop (v2sf);
	s0 =	sadd.s32 s3, s0  }
0x32e: {  	(v2sf) =	vpush v4, $0xF;
	[tilespmem:s10], [sflag:$0x2] =	stream.linear.gather [hbm4b:s0+s4], $0x80, $0x38;
	[tilespmem:$0x1FE80] =	vst v63  }
0x32f: {  	s0 =	sand.u32 $0x1FFFFFF0, s13  }
0x330: {  	s15 =	simm.s32 $0x1CF80;
	s0 =	sadd.s32 s3, s0  }
0x331: {  	[tilespmem:s15], [sflag:$0x1] =	stream.linear.gather [hbm4b:s0+s4], $0x80, $0x38;
	[tilespmem:$0x1FE80] =	vst v63  }
0x332: {  	s0 =	sand.u32 $0x1FFFFFF0, s17  }
0x333: {  	s18 =	simm.s32 $0x1D000;
	s0 =	sadd.s32 s3, s0  }
0x334: {  	[tilespmem:s18], [sflag:$0x2] =	stream.linear.gather [hbm4b:s0+s4], $0x80, $0x38;
	[tilespmem:$0x1FE80] =	vst v63  }
0x335: {  	s5 =	spop (v2sf)  }
0x336: {  	s0 =	sand.u32 $0x1FFFFFF0, s5  }
0x337: {  	s8 =	simm.s32 $0x1D080;
	s9 =	spop (v2sf);
	s0 =	sadd.s32 s3, s0  }
0x338: {  	[tilespmem:s8], [sflag:$0x1] =	stream.linear.gather [hbm4b:s0+s4], $0x80, $0x38;
	[tilespmem:$0x1FE80] =	vst v63  }
0x339: {  	s0 =	sand.u32 $0x1FFFFFF0, s9  }
0x33a: {  	s10 =	simm.s32 $0x1D100;
	s13 =	spop (v2sf);
	s0 =	sadd.s32 s3, s0  }
0x33b: {  	[tilespmem:s10], [sflag:$0x2] =	stream.linear.gather [hbm4b:s0+s4], $0x80, $0x38;
	[tilespmem:$0x1FE80] =	vst v63  }
0x33c: {  	s0 =	sand.u32 $0x1FFFFFF0, s13  }
0x33d: {  	s15 =	simm.s32 $0x1D180;
	s17 =	spop (v2sf);
	s0 =	sadd.s32 s3, s0  }
0x33e: {  	[tilespmem:s15], [sflag:$0x1] =	stream.linear.gather [hbm4b:s0+s4], $0x80, $0x38;
	[tilespmem:$0x1FE80] =	vst v63  }
0x33f: {  	s0 =	sand.u32 $0x1FFFFFF0, s17  }
0x340: {  	s18 =	simm.s32 $0x1D200;
	s0 =	sadd.s32 s3, s0  }
0x341: {  	[tilespmem:s18], [sflag:$0x2] =	stream.linear.gather [hbm4b:s0+s4], $0x80, $0x38;
	[tilespmem:$0x1FE80] =	vst v63  }
0x342: {  	v4 =	vld [tilespmem:$0x1C790];
	_ =	sdelay $0x4  }
0x343: {  	v4 =	vshll.u32 v4, $0x4  }
0x344: {  	(v2sf) =	vpush v4, $0x0;
	_ =	sdelay $0x1  }
0x345: {  	(v2sf) =	vpush v4, $0x1;
	_ =	sdelay $0x1  }
0x346: {  	(v2sf) =	vpush v4, $0x2;
	_ =	sdelay $0x2  }
0x347: {  	(v2sf) =	vpush v4, $0x3;
	_ =	sdelay $0x7  }
0x348: {  	s5 =	spop (v2sf);
	(v2sf) =	vpush v4, $0x4;
	_ =	sdelay $0x1  }
0x349: {  	s9 =	spop (v2sf);
	(v2sf) =	vpush v4, $0x5;
	_ =	sdelay $0x1  }
0x34a: {  	s13 =	spop (v2sf);
	(v2sf) =	vpush v4, $0x6;
	_ =	sdelay $0x1  }
0x34b: {  	s0 =	sand.u32 $0x1FFFFFF0, s5  }
0x34c: {  	s8 =	simm.s32 $0x1D280;
	s0 =	sadd.s32 s3, s0;
	s17 =	spop (v2sf);
	(v2sf) =	vpush v4, $0x7  }
0x34d: {  	[tilespmem:s8], [sflag:$0x1] =	stream.linear.gather [hbm4b:s0+s4], $0x80, $0x38;
	[tilespmem:$0x1FE80] =	vst v63  }
0x34e: {  	s0 =	sand.u32 $0x1FFFFFF0, s9  }
0x34f: {  	s10 =	simm.s32 $0x1D300;
	s0 =	sadd.s32 s3, s0  }
0x350: {  	[tilespmem:s10], [sflag:$0x2] =	stream.linear.gather [hbm4b:s0+s4], $0x80, $0x38;
	[tilespmem:$0x1FE80] =	vst v63  }
0x351: {  	s0 =	sand.u32 $0x1FFFFFF0, s13  }
0x352: {  	s15 =	simm.s32 $0x1D380;
	s0 =	sadd.s32 s3, s0  }
0x353: {  	[tilespmem:s15], [sflag:$0x1] =	stream.linear.gather [hbm4b:s0+s4], $0x80, $0x38;
	[tilespmem:$0x1FE80] =	vst v63  }
0x354: {  	s5 =	spop (v2sf);
	(v2sf) =	vpush v4, $0x8  }
0x355: {  	s0 =	sand.u32 $0x1FFFFFF0, s17  }
0x356: {  	s18 =	simm.s32 $0x1D400;
	s0 =	sadd.s32 s3, s0;
	s9 =	spop (v2sf);
	(v2sf) =	vpush v4, $0x9  }
0x357: {  	[tilespmem:s18], [sflag:$0x2] =	stream.linear.gather [hbm4b:s0+s4], $0x80, $0x38;
	[tilespmem:$0x1FE80] =	vst v63  }
0x358: {  	s0 =	sand.u32 $0x1FFFFFF0, s5;
	s13 =	spop (v2sf);
	(v2sf) =	vpush v4, $0xA  }
0x359: {  	s8 =	simm.s32 $0x1D480;
	s0 =	sadd.s32 s3, s0  }
0x35a: {  	[tilespmem:s8], [sflag:$0x1] =	stream.linear.gather [hbm4b:s0+s4], $0x80, $0x38;
	[tilespmem:$0x1FE80] =	vst v63  }
0x35b: {  	s17 =	spop (v2sf);
	(v2sf) =	vpush v4, $0xB  }
0x35c: {  	s0 =	sand.u32 $0x1FFFFFF0, s9  }
0x35d: {  	s10 =	simm.s32 $0x1D500;
	s0 =	sadd.s32 s3, s0  }
0x35e: {  	[tilespmem:s10], [sflag:$0x2] =	stream.linear.gather [hbm4b:s0+s4], $0x80, $0x38;
	[tilespmem:$0x1FE80] =	vst v63  }
0x35f: {  	s0 =	sand.u32 $0x1FFFFFF0, s13  }
0x360: {  	s15 =	simm.s32 $0x1D580;
	s0 =	sadd.s32 s3, s0  }
0x361: {  	[tilespmem:s15], [sflag:$0x1] =	stream.linear.gather [hbm4b:s0+s4], $0x80, $0x38;
	[tilespmem:$0x1FE80] =	vst v63  }
0x362: {  	s0 =	sand.u32 $0x1FFFFFF0, s17  }
0x363: {  	s18 =	simm.s32 $0x1D600;
	s0 =	sadd.s32 s3, s0;
	s5 =	spop (v2sf);
	(v2sf) =	vpush v4, $0xC  }
0x364: {  	[tilespmem:s18], [sflag:$0x2] =	stream.linear.gather [hbm4b:s0+s4], $0x80, $0x38;
	[tilespmem:$0x1FE80] =	vst v63  }
0x365: {  	s9 =	spop (v2sf);
	(v2sf) =	vpush v4, $0xD  }
0x366: {  	s0 =	sand.u32 $0x1FFFFFF0, s5  }
0x367: {  	s8 =	simm.s32 $0x1D680;
	s0 =	sadd.s32 s3, s0;
	s13 =	spop (v2sf)  }
0x368: {  	(v2sf) =	vpush v4, $0xE;
	[tilespmem:s8], [sflag:$0x1] =	stream.linear.gather [hbm4b:s0+s4], $0x80, $0x38;
	[tilespmem:$0x1FE80] =	vst v63  }
0x369: {  	s0 =	sand.u32 $0x1FFFFFF0, s9  }
0x36a: {  	s10 =	simm.s32 $0x1D700;
	s17 =	spop (v2sf);
	s0 =	sadd.s32 s3, s0  }
0x36b: {  	(v2sf) =	vpush v4, $0xF;
	[tilespmem:s10], [sflag:$0x2] =	stream.linear.gather [hbm4b:s0+s4], $0x80, $0x38;
	[tilespmem:$0x1FE80] =	vst v63  }
0x36c: {  	s0 =	sand.u32 $0x1FFFFFF0, s13  }
0x36d: {  	s15 =	simm.s32 $0x1D780;
	s0 =	sadd.s32 s3, s0  }
0x36e: {  	[tilespmem:s15], [sflag:$0x1] =	stream.linear.gather [hbm4b:s0+s4], $0x80, $0x38;
	[tilespmem:$0x1FE80] =	vst v63  }
0x36f: {  	s0 =	sand.u32 $0x1FFFFFF0, s17  }
0x370: {  	s18 =	simm.s32 $0x1D800;
	s0 =	sadd.s32 s3, s0  }
0x371: {  	[tilespmem:s18], [sflag:$0x2] =	stream.linear.gather [hbm4b:s0+s4], $0x80, $0x38;
	[tilespmem:$0x1FE80] =	vst v63  }
0x372: {  	s5 =	spop (v2sf)  }
0x373: {  	s0 =	sand.u32 $0x1FFFFFF0, s5  }
0x374: {  	s8 =	simm.s32 $0x1D880;
	s9 =	spop (v2sf);
	s0 =	sadd.s32 s3, s0  }
0x375: {  	[tilespmem:s8], [sflag:$0x1] =	stream.linear.gather [hbm4b:s0+s4], $0x80, $0x38;
	[tilespmem:$0x1FE80] =	vst v63  }
0x376: {  	s0 =	sand.u32 $0x1FFFFFF0, s9  }
0x377: {  	s10 =	simm.s32 $0x1D900;
	s13 =	spop (v2sf);
	s0 =	sadd.s32 s3, s0  }
0x378: {  	[tilespmem:s10], [sflag:$0x2] =	stream.linear.gather [hbm4b:s0+s4], $0x80, $0x38;
	[tilespmem:$0x1FE80] =	vst v63  }
0x379: {  	s0 =	sand.u32 $0x1FFFFFF0, s13  }
0x37a: {  	s15 =	simm.s32 $0x1D980;
	s17 =	spop (v2sf);
	s0 =	sadd.s32 s3, s0  }
0x37b: {  	[tilespmem:s15], [sflag:$0x1] =	stream.linear.gather [hbm4b:s0+s4], $0x80, $0x38;
	[tilespmem:$0x1FE80] =	vst v63  }
0x37c: {  	s0 =	sand.u32 $0x1FFFFFF0, s17  }
0x37d: {  	s18 =	simm.s32 $0x1DA00;
	s0 =	sadd.s32 s3, s0  }
0x37e: {  	[tilespmem:s18], [sflag:$0x2] =	stream.linear.gather [hbm4b:s0+s4], $0x80, $0x38;
	[tilespmem:$0x1FE80] =	vst v63  }
0x37f: {  	v4 =	vld [tilespmem:$0x1C7A0];
	_ =	sdelay $0x4  }
0x380: {  	v4 =	vshll.u32 v4, $0x4  }
0x381: {  	(v2sf) =	vpush v4, $0x0;
	_ =	sdelay $0x1  }
0x382: {  	(v2sf) =	vpush v4, $0x1;
	_ =	sdelay $0x1  }
0x383: {  	(v2sf) =	vpush v4, $0x2;
	_ =	sdelay $0x2  }
0x384: {  	(v2sf) =	vpush v4, $0x3;
	_ =	sdelay $0x7  }
0x385: {  	s5 =	spop (v2sf);
	(v2sf) =	vpush v4, $0x4;
	_ =	sdelay $0x1  }
0x386: {  	s9 =	spop (v2sf);
	(v2sf) =	vpush v4, $0x5;
	_ =	sdelay $0x1  }
0x387: {  	s13 =	spop (v2sf);
	(v2sf) =	vpush v4, $0x6;
	_ =	sdelay $0x1  }
0x388: {  	s0 =	sand.u32 $0x1FFFFFF0, s5  }
0x389: {  	s8 =	simm.s32 $0x1DA80;
	s0 =	sadd.s32 s3, s0;
	s17 =	spop (v2sf);
	(v2sf) =	vpush v4, $0x7  }
0x38a: {  	[tilespmem:s8], [sflag:$0x1] =	stream.linear.gather [hbm4b:s0+s4], $0x80, $0x38;
	[tilespmem:$0x1FE80] =	vst v63  }
0x38b: {  	s0 =	sand.u32 $0x1FFFFFF0, s9  }
0x38c: {  	s10 =	simm.s32 $0x1DB00;
	s0 =	sadd.s32 s3, s0  }
0x38d: {  	[tilespmem:s10], [sflag:$0x2] =	stream.linear.gather [hbm4b:s0+s4], $0x80, $0x38;
	[tilespmem:$0x1FE80] =	vst v63  }
0x38e: {  	s0 =	sand.u32 $0x1FFFFFF0, s13  }
0x38f: {  	s15 =	simm.s32 $0x1DB80;
	s0 =	sadd.s32 s3, s0  }
0x390: {  	[tilespmem:s15], [sflag:$0x1] =	stream.linear.gather [hbm4b:s0+s4], $0x80, $0x38;
	[tilespmem:$0x1FE80] =	vst v63  }
0x391: {  	s5 =	spop (v2sf);
	(v2sf) =	vpush v4, $0x8  }
0x392: {  	s0 =	sand.u32 $0x1FFFFFF0, s17  }
0x393: {  	s18 =	simm.s32 $0x1DC00;
	s0 =	sadd.s32 s3, s0;
	s9 =	spop (v2sf);
	(v2sf) =	vpush v4, $0x9  }
0x394: {  	[tilespmem:s18], [sflag:$0x2] =	stream.linear.gather [hbm4b:s0+s4], $0x80, $0x38;
	[tilespmem:$0x1FE80] =	vst v63  }
0x395: {  	s0 =	sand.u32 $0x1FFFFFF0, s5;
	s13 =	spop (v2sf);
	(v2sf) =	vpush v4, $0xA  }
0x396: {  	s8 =	simm.s32 $0x1DC80;
	s0 =	sadd.s32 s3, s0  }
0x397: {  	[tilespmem:s8], [sflag:$0x1] =	stream.linear.gather [hbm4b:s0+s4], $0x80, $0x38;
	[tilespmem:$0x1FE80] =	vst v63  }
0x398: {  	s17 =	spop (v2sf);
	(v2sf) =	vpush v4, $0xB  }
0x399: {  	s0 =	sand.u32 $0x1FFFFFF0, s9  }
0x39a: {  	s10 =	simm.s32 $0x1DD00;
	s0 =	sadd.s32 s3, s0  }
0x39b: {  	[tilespmem:s10], [sflag:$0x2] =	stream.linear.gather [hbm4b:s0+s4], $0x80, $0x38;
	[tilespmem:$0x1FE80] =	vst v63  }
0x39c: {  	s0 =	sand.u32 $0x1FFFFFF0, s13  }
0x39d: {  	s15 =	simm.s32 $0x1DD80;
	s0 =	sadd.s32 s3, s0  }
0x39e: {  	[tilespmem:s15], [sflag:$0x1] =	stream.linear.gather [hbm4b:s0+s4], $0x80, $0x38;
	[tilespmem:$0x1FE80] =	vst v63  }
0x39f: {  	s0 =	sand.u32 $0x1FFFFFF0, s17  }
0x3a0: {  	s18 =	simm.s32 $0x1DE00;
	s0 =	sadd.s32 s3, s0;
	s5 =	spop (v2sf);
	(v2sf) =	vpush v4, $0xC  }
0x3a1: {  	[tilespmem:s18], [sflag:$0x2] =	stream.linear.gather [hbm4b:s0+s4], $0x80, $0x38;
	[tilespmem:$0x1FE80] =	vst v63  }
0x3a2: {  	s9 =	spop (v2sf);
	(v2sf) =	vpush v4, $0xD  }
0x3a3: {  	s0 =	sand.u32 $0x1FFFFFF0, s5  }
0x3a4: {  	s8 =	simm.s32 $0x1DE80;
	s0 =	sadd.s32 s3, s0;
	s13 =	spop (v2sf)  }
0x3a5: {  	(v2sf) =	vpush v4, $0xE;
	[tilespmem:s8], [sflag:$0x1] =	stream.linear.gather [hbm4b:s0+s4], $0x80, $0x38;
	[tilespmem:$0x1FE80] =	vst v63  }
0x3a6: {  	s0 =	sand.u32 $0x1FFFFFF0, s9  }
0x3a7: {  	s10 =	simm.s32 $0x1DF00;
	s17 =	spop (v2sf);
	s0 =	sadd.s32 s3, s0  }
0x3a8: {  	(v2sf) =	vpush v4, $0xF;
	[tilespmem:s10], [sflag:$0x2] =	stream.linear.gather [hbm4b:s0+s4], $0x80, $0x38;
	[tilespmem:$0x1FE80] =	vst v63  }
0x3a9: {  	s0 =	sand.u32 $0x1FFFFFF0, s13  }
0x3aa: {  	s15 =	simm.s32 $0x1DF80;
	s0 =	sadd.s32 s3, s0  }
0x3ab: {  	[tilespmem:s15], [sflag:$0x1] =	stream.linear.gather [hbm4b:s0+s4], $0x80, $0x38;
	[tilespmem:$0x1FE80] =	vst v63  }
0x3ac: {  	s0 =	sand.u32 $0x1FFFFFF0, s17  }
0x3ad: {  	s18 =	simm.s32 $0x1E000;
	s0 =	sadd.s32 s3, s0  }
0x3ae: {  	[tilespmem:s18], [sflag:$0x2] =	stream.linear.gather [hbm4b:s0+s4], $0x80, $0x38;
	[tilespmem:$0x1FE80] =	vst v63  }
0x3af: {  	s5 =	spop (v2sf)  }
0x3b0: {  	s0 =	sand.u32 $0x1FFFFFF0, s5  }
0x3b1: {  	s8 =	simm.s32 $0x1E080;
	s9 =	spop (v2sf);
	s0 =	sadd.s32 s3, s0  }
0x3b2: {  	[tilespmem:s8], [sflag:$0x1] =	stream.linear.gather [hbm4b:s0+s4], $0x80, $0x38;
	[tilespmem:$0x1FE80] =	vst v63  }
0x3b3: {  	s0 =	sand.u32 $0x1FFFFFF0, s9  }
0x3b4: {  	s10 =	simm.s32 $0x1E100;
	s13 =	spop (v2sf);
	s0 =	sadd.s32 s3, s0  }
0x3b5: {  	[tilespmem:s10], [sflag:$0x2] =	stream.linear.gather [hbm4b:s0+s4], $0x80, $0x38;
	[tilespmem:$0x1FE80] =	vst v63  }
0x3b6: {  	s0 =	sand.u32 $0x1FFFFFF0, s13  }
0x3b7: {  	s15 =	simm.s32 $0x1E180;
	s17 =	spop (v2sf);
	s0 =	sadd.s32 s3, s0  }
0x3b8: {  	[tilespmem:s15], [sflag:$0x1] =	stream.linear.gather [hbm4b:s0+s4], $0x80, $0x38;
	[tilespmem:$0x1FE80] =	vst v63  }
0x3b9: {  	s0 =	sand.u32 $0x1FFFFFF0, s17  }
0x3ba: {  	s18 =	simm.s32 $0x1E200;
	s0 =	sadd.s32 s3, s0  }
0x3bb: {  	[tilespmem:s18], [sflag:$0x2] =	stream.linear.gather [hbm4b:s0+s4], $0x80, $0x38;
	[tilespmem:$0x1FE80] =	vst v63  }
0x3bc: {  	v4 =	vld [tilespmem:$0x1C7B0];
	_ =	sdelay $0x4  }
0x3bd: {  	v4 =	vshll.u32 v4, $0x4  }
0x3be: {  	(v2sf) =	vpush v4, $0x0;
	_ =	sdelay $0x1  }
0x3bf: {  	(v2sf) =	vpush v4, $0x1;
	_ =	sdelay $0x1  }
0x3c0: {  	(v2sf) =	vpush v4, $0x2;
	_ =	sdelay $0x2  }
0x3c1: {  	(v2sf) =	vpush v4, $0x3;
	_ =	sdelay $0x7  }
0x3c2: {  	s5 =	spop (v2sf);
	(v2sf) =	vpush v4, $0x4;
	_ =	sdelay $0x1  }
0x3c3: {  	s9 =	spop (v2sf);
	(v2sf) =	vpush v4, $0x5;
	_ =	sdelay $0x1  }
0x3c4: {  	s13 =	spop (v2sf);
	(v2sf) =	vpush v4, $0x6;
	_ =	sdelay $0x1  }
0x3c5: {  	s0 =	sand.u32 $0x1FFFFFF0, s5  }
0x3c6: {  	s8 =	simm.s32 $0x1E280;
	s0 =	sadd.s32 s3, s0;
	s17 =	spop (v2sf);
	(v2sf) =	vpush v4, $0x7  }
0x3c7: {  	[tilespmem:s8], [sflag:$0x1] =	stream.linear.gather [hbm4b:s0+s4], $0x80, $0x38;
	[tilespmem:$0x1FE80] =	vst v63  }
0x3c8: {  	s0 =	sand.u32 $0x1FFFFFF0, s9  }
0x3c9: {  	s10 =	simm.s32 $0x1E300;
	s0 =	sadd.s32 s3, s0  }
0x3ca: {  	[tilespmem:s10], [sflag:$0x2] =	stream.linear.gather [hbm4b:s0+s4], $0x80, $0x38;
	[tilespmem:$0x1FE80] =	vst v63  }
0x3cb: {  	s0 =	sand.u32 $0x1FFFFFF0, s13  }
0x3cc: {  	s15 =	simm.s32 $0x1E380;
	s0 =	sadd.s32 s3, s0  }
0x3cd: {  	[tilespmem:s15], [sflag:$0x1] =	stream.linear.gather [hbm4b:s0+s4], $0x80, $0x38;
	[tilespmem:$0x1FE80] =	vst v63  }
0x3ce: {  	s5 =	spop (v2sf);
	(v2sf) =	vpush v4, $0x8  }
0x3cf: {  	s0 =	sand.u32 $0x1FFFFFF0, s17  }
0x3d0: {  	s18 =	simm.s32 $0x1E400;
	s0 =	sadd.s32 s3, s0;
	s9 =	spop (v2sf);
	(v2sf) =	vpush v4, $0x9  }
0x3d1: {  	[tilespmem:s18], [sflag:$0x2] =	stream.linear.gather [hbm4b:s0+s4], $0x80, $0x38;
	[tilespmem:$0x1FE80] =	vst v63  }
0x3d2: {  	s0 =	sand.u32 $0x1FFFFFF0, s5;
	s13 =	spop (v2sf);
	(v2sf) =	vpush v4, $0xA  }
0x3d3: {  	s8 =	simm.s32 $0x1E480;
	s0 =	sadd.s32 s3, s0  }
0x3d4: {  	[tilespmem:s8], [sflag:$0x1] =	stream.linear.gather [hbm4b:s0+s4], $0x80, $0x38;
	[tilespmem:$0x1FE80] =	vst v63  }
0x3d5: {  	s17 =	spop (v2sf);
	(v2sf) =	vpush v4, $0xB  }
0x3d6: {  	s0 =	sand.u32 $0x1FFFFFF0, s9  }
0x3d7: {  	s10 =	simm.s32 $0x1E500;
	s0 =	sadd.s32 s3, s0  }
0x3d8: {  	[tilespmem:s10], [sflag:$0x2] =	stream.linear.gather [hbm4b:s0+s4], $0x80, $0x38;
	[tilespmem:$0x1FE80] =	vst v63  }
0x3d9: {  	s0 =	sand.u32 $0x1FFFFFF0, s13  }
0x3da: {  	s15 =	simm.s32 $0x1E580;
	s0 =	sadd.s32 s3, s0  }
0x3db: {  	[tilespmem:s15], [sflag:$0x1] =	stream.linear.gather [hbm4b:s0+s4], $0x80, $0x38;
	[tilespmem:$0x1FE80] =	vst v63  }
0x3dc: {  	s0 =	sand.u32 $0x1FFFFFF0, s17  }
0x3dd: {  	s18 =	simm.s32 $0x1E600;
	s0 =	sadd.s32 s3, s0;
	s5 =	spop (v2sf);
	(v2sf) =	vpush v4, $0xC  }
0x3de: {  	[tilespmem:s18], [sflag:$0x2] =	stream.linear.gather [hbm4b:s0+s4], $0x80, $0x38;
	[tilespmem:$0x1FE80] =	vst v63  }
0x3df: {  	s9 =	spop (v2sf);
	(v2sf) =	vpush v4, $0xD  }
0x3e0: {  	s0 =	sand.u32 $0x1FFFFFF0, s5  }
0x3e1: {  	s8 =	simm.s32 $0x1E680;
	s0 =	sadd.s32 s3, s0;
	s13 =	spop (v2sf)  }
0x3e2: {  	(v2sf) =	vpush v4, $0xE;
	[tilespmem:s8], [sflag:$0x1] =	stream.linear.gather [hbm4b:s0+s4], $0x80, $0x38;
	[tilespmem:$0x1FE80] =	vst v63  }
0x3e3: {  	s0 =	sand.u32 $0x1FFFFFF0, s9  }
0x3e4: {  	s10 =	simm.s32 $0x1E700;
	s17 =	spop (v2sf);
	s0 =	sadd.s32 s3, s0  }
0x3e5: {  	(v2sf) =	vpush v4, $0xF;
	[tilespmem:s10], [sflag:$0x2] =	stream.linear.gather [hbm4b:s0+s4], $0x80, $0x38;
	[tilespmem:$0x1FE80] =	vst v63  }
0x3e6: {  	s0 =	sand.u32 $0x1FFFFFF0, s13  }
0x3e7: {  	s15 =	simm.s32 $0x1E780;
	s0 =	sadd.s32 s3, s0  }
0x3e8: {  	[tilespmem:s15], [sflag:$0x1] =	stream.linear.gather [hbm4b:s0+s4], $0x80, $0x38;
	[tilespmem:$0x1FE80] =	vst v63  }
0x3e9: {  	s0 =	sand.u32 $0x1FFFFFF0, s17  }
0x3ea: {  	s18 =	simm.s32 $0x1E800;
	s0 =	sadd.s32 s3, s0  }
0x3eb: {  	[tilespmem:s18], [sflag:$0x2] =	stream.linear.gather [hbm4b:s0+s4], $0x80, $0x38;
	[tilespmem:$0x1FE80] =	vst v63  }
0x3ec: {  	s5 =	spop (v2sf)  }
0x3ed: {  	s0 =	sand.u32 $0x1FFFFFF0, s5  }
0x3ee: {  	s8 =	simm.s32 $0x1E880;
	s9 =	spop (v2sf);
	s0 =	sadd.s32 s3, s0  }
0x3ef: {  	[tilespmem:s8], [sflag:$0x1] =	stream.linear.gather [hbm4b:s0+s4], $0x80, $0x38;
	[tilespmem:$0x1FE80] =	vst v63  }
0x3f0: {  	s0 =	sand.u32 $0x1FFFFFF0, s9  }
0x3f1: {  	s10 =	simm.s32 $0x1E900;
	s13 =	spop (v2sf);
	s0 =	sadd.s32 s3, s0  }
0x3f2: {  	[tilespmem:s10], [sflag:$0x2] =	stream.linear.gather [hbm4b:s0+s4], $0x80, $0x38;
	[tilespmem:$0x1FE80] =	vst v63  }
0x3f3: {  	s0 =	sand.u32 $0x1FFFFFF0, s13  }
0x3f4: {  	s15 =	simm.s32 $0x1E980;
	s17 =	spop (v2sf);
	s0 =	sadd.s32 s3, s0  }
0x3f5: {  	[tilespmem:s15], [sflag:$0x1] =	stream.linear.gather [hbm4b:s0+s4], $0x80, $0x38;
	[tilespmem:$0x1FE80] =	vst v63  }
0x3f6: {  	s0 =	sand.u32 $0x1FFFFFF0, s17  }
0x3f7: {  	s18 =	simm.s32 $0x1EA00;
	s0 =	sadd.s32 s3, s0  }
0x3f8: {  	[tilespmem:s18], [sflag:$0x2] =	stream.linear.gather [hbm4b:s0+s4], $0x80, $0x38;
	[tilespmem:$0x1FE80] =	vst v63  }
0x3f9: {  	v4 =	vld [tilespmem:$0x1C7C0];
	_ =	sdelay $0x4  }
0x3fa: {  	v4 =	vshll.u32 v4, $0x4  }
0x3fb: {  	(v2sf) =	vpush v4, $0x0;
	_ =	sdelay $0x1  }
0x3fc: {  	(v2sf) =	vpush v4, $0x1;
	_ =	sdelay $0x1  }
0x3fd: {  	(v2sf) =	vpush v4, $0x2;
	_ =	sdelay $0x2  }
0x3fe: {  	(v2sf) =	vpush v4, $0x3;
	_ =	sdelay $0x7  }
0x3ff: {  	s5 =	spop (v2sf);
	(v2sf) =	vpush v4, $0x4;
	_ =	sdelay $0x1  }
0x400: {  	s9 =	spop (v2sf);
	(v2sf) =	vpush v4, $0x5;
	_ =	sdelay $0x1  }
0x401: {  	s13 =	spop (v2sf);
	(v2sf) =	vpush v4, $0x6;
	_ =	sdelay $0x1  }
0x402: {  	s0 =	sand.u32 $0x1FFFFFF0, s5  }
0x403: {  	s8 =	simm.s32 $0x1EA80;
	s0 =	sadd.s32 s3, s0;
	s17 =	spop (v2sf);
	(v2sf) =	vpush v4, $0x7  }
0x404: {  	[tilespmem:s8], [sflag:$0x1] =	stream.linear.gather [hbm4b:s0+s4], $0x80, $0x38;
	[tilespmem:$0x1FE80] =	vst v63  }
0x405: {  	s0 =	sand.u32 $0x1FFFFFF0, s9  }
0x406: {  	s10 =	simm.s32 $0x1EB00;
	s0 =	sadd.s32 s3, s0  }
0x407: {  	[tilespmem:s10], [sflag:$0x2] =	stream.linear.gather [hbm4b:s0+s4], $0x80, $0x38;
	[tilespmem:$0x1FE80] =	vst v63  }
0x408: {  	s0 =	sand.u32 $0x1FFFFFF0, s13  }
0x409: {  	s15 =	simm.s32 $0x1EB80;
	s0 =	sadd.s32 s3, s0  }
0x40a: {  	[tilespmem:s15], [sflag:$0x1] =	stream.linear.gather [hbm4b:s0+s4], $0x80, $0x38;
	[tilespmem:$0x1FE80] =	vst v63  }
0x40b: {  	s5 =	spop (v2sf);
	(v2sf) =	vpush v4, $0x8  }
0x40c: {  	s0 =	sand.u32 $0x1FFFFFF0, s17  }
0x40d: {  	s18 =	simm.s32 $0x1EC00;
	s0 =	sadd.s32 s3, s0;
	s9 =	spop (v2sf);
	(v2sf) =	vpush v4, $0x9  }
0x40e: {  	[tilespmem:s18], [sflag:$0x2] =	stream.linear.gather [hbm4b:s0+s4], $0x80, $0x38;
	[tilespmem:$0x1FE80] =	vst v63  }
0x40f: {  	s0 =	sand.u32 $0x1FFFFFF0, s5;
	s13 =	spop (v2sf);
	(v2sf) =	vpush v4, $0xA  }
0x410: {  	s8 =	simm.s32 $0x1EC80;
	s0 =	sadd.s32 s3, s0  }
0x411: {  	[tilespmem:s8], [sflag:$0x1] =	stream.linear.gather [hbm4b:s0+s4], $0x80, $0x38;
	[tilespmem:$0x1FE80] =	vst v63  }
0x412: {  	s17 =	spop (v2sf);
	(v2sf) =	vpush v4, $0xB  }
0x413: {  	s0 =	sand.u32 $0x1FFFFFF0, s9  }
0x414: {  	s10 =	simm.s32 $0x1ED00;
	s0 =	sadd.s32 s3, s0  }
0x415: {  	[tilespmem:s10], [sflag:$0x2] =	stream.linear.gather [hbm4b:s0+s4], $0x80, $0x38;
	[tilespmem:$0x1FE80] =	vst v63  }
0x416: {  	s0 =	sand.u32 $0x1FFFFFF0, s13  }
0x417: {  	s15 =	simm.s32 $0x1ED80;
	s0 =	sadd.s32 s3, s0  }
0x418: {  	[tilespmem:s15], [sflag:$0x1] =	stream.linear.gather [hbm4b:s0+s4], $0x80, $0x38;
	[tilespmem:$0x1FE80] =	vst v63  }
0x419: {  	s0 =	sand.u32 $0x1FFFFFF0, s17  }
0x41a: {  	s18 =	simm.s32 $0x1EE00;
	s0 =	sadd.s32 s3, s0;
	s5 =	spop (v2sf);
	(v2sf) =	vpush v4, $0xC  }
0x41b: {  	[tilespmem:s18], [sflag:$0x2] =	stream.linear.gather [hbm4b:s0+s4], $0x80, $0x38;
	[tilespmem:$0x1FE80] =	vst v63  }
0x41c: {  	s9 =	spop (v2sf);
	(v2sf) =	vpush v4, $0xD  }
0x41d: {  	s0 =	sand.u32 $0x1FFFFFF0, s5  }
0x41e: {  	s8 =	simm.s32 $0x1EE80;
	s0 =	sadd.s32 s3, s0;
	s13 =	spop (v2sf)  }
0x41f: {  	(v2sf) =	vpush v4, $0xE;
	[tilespmem:s8], [sflag:$0x1] =	stream.linear.gather [hbm4b:s0+s4], $0x80, $0x38;
	[tilespmem:$0x1FE80] =	vst v63  }
0x420: {  	s0 =	sand.u32 $0x1FFFFFF0, s9  }
0x421: {  	s10 =	simm.s32 $0x1EF00;
	s17 =	spop (v2sf);
	s0 =	sadd.s32 s3, s0  }
0x422: {  	(v2sf) =	vpush v4, $0xF;
	[tilespmem:s10], [sflag:$0x2] =	stream.linear.gather [hbm4b:s0+s4], $0x80, $0x38;
	[tilespmem:$0x1FE80] =	vst v63  }
0x423: {  	s0 =	sand.u32 $0x1FFFFFF0, s13  }
0x424: {  	s15 =	simm.s32 $0x1EF80;
	s0 =	sadd.s32 s3, s0  }
0x425: {  	[tilespmem:s15], [sflag:$0x1] =	stream.linear.gather [hbm4b:s0+s4], $0x80, $0x38;
	[tilespmem:$0x1FE80] =	vst v63  }
0x426: {  	s0 =	sand.u32 $0x1FFFFFF0, s17  }
0x427: {  	s18 =	simm.s32 $0x1F000;
	s0 =	sadd.s32 s3, s0  }
0x428: {  	[tilespmem:s18], [sflag:$0x2] =	stream.linear.gather [hbm4b:s0+s4], $0x80, $0x38;
	[tilespmem:$0x1FE80] =	vst v63  }
0x429: {  	s5 =	spop (v2sf)  }
0x42a: {  	s0 =	sand.u32 $0x1FFFFFF0, s5  }
0x42b: {  	s8 =	simm.s32 $0x1F080;
	s9 =	spop (v2sf);
	s0 =	sadd.s32 s3, s0  }
0x42c: {  	[tilespmem:s8], [sflag:$0x1] =	stream.linear.gather [hbm4b:s0+s4], $0x80, $0x38;
	[tilespmem:$0x1FE80] =	vst v63  }
0x42d: {  	s0 =	sand.u32 $0x1FFFFFF0, s9  }
0x42e: {  	s10 =	simm.s32 $0x1F100;
	s13 =	spop (v2sf);
	s0 =	sadd.s32 s3, s0  }
0x42f: {  	[tilespmem:s10], [sflag:$0x2] =	stream.linear.gather [hbm4b:s0+s4], $0x80, $0x38;
	[tilespmem:$0x1FE80] =	vst v63  }
0x430: {  	s0 =	sand.u32 $0x1FFFFFF0, s13  }
0x431: {  	s15 =	simm.s32 $0x1F180;
	s17 =	spop (v2sf);
	s0 =	sadd.s32 s3, s0  }
0x432: {  	[tilespmem:s15], [sflag:$0x1] =	stream.linear.gather [hbm4b:s0+s4], $0x80, $0x38;
	[tilespmem:$0x1FE80] =	vst v63  }
0x433: {  	s0 =	sand.u32 $0x1FFFFFF0, s17  }
0x434: {  	s18 =	simm.s32 $0x1F200;
	s0 =	sadd.s32 s3, s0  }
0x435: {  	[tilespmem:s18], [sflag:$0x2] =	stream.linear.gather [hbm4b:s0+s4], $0x80, $0x38;
	[tilespmem:$0x1FE80] =	vst v63  }
0x436: {  	v4 =	vld [tilespmem:$0x1C7D0];
	_ =	sdelay $0x4  }
0x437: {  	v4 =	vshll.u32 v4, $0x4  }
0x438: {  	(v2sf) =	vpush v4, $0x0;
	_ =	sdelay $0x1  }
0x439: {  	(v2sf) =	vpush v4, $0x1;
	_ =	sdelay $0x1  }
0x43a: {  	(v2sf) =	vpush v4, $0x2;
	_ =	sdelay $0x2  }
0x43b: {  	(v2sf) =	vpush v4, $0x3;
	_ =	sdelay $0x7  }
0x43c: {  	s5 =	spop (v2sf);
	(v2sf) =	vpush v4, $0x4;
	_ =	sdelay $0x1  }
0x43d: {  	s9 =	spop (v2sf);
	(v2sf) =	vpush v4, $0x5;
	_ =	sdelay $0x1  }
0x43e: {  	s13 =	spop (v2sf);
	(v2sf) =	vpush v4, $0x6;
	_ =	sdelay $0x1  }
0x43f: {  	s0 =	sand.u32 $0x1FFFFFF0, s5  }
0x440: {  	s8 =	simm.s32 $0x1F280;
	s0 =	sadd.s32 s3, s0;
	s17 =	spop (v2sf);
	(v2sf) =	vpush v4, $0x7  }
0x441: {  	[tilespmem:s8], [sflag:$0x1] =	stream.linear.gather [hbm4b:s0+s4], $0x80, $0x38;
	[tilespmem:$0x1FE80] =	vst v63  }
0x442: {  	s0 =	sand.u32 $0x1FFFFFF0, s9  }
0x443: {  	s10 =	simm.s32 $0x1F300;
	s0 =	sadd.s32 s3, s0  }
0x444: {  	[tilespmem:s10], [sflag:$0x2] =	stream.linear.gather [hbm4b:s0+s4], $0x80, $0x38;
	[tilespmem:$0x1FE80] =	vst v63  }
0x445: {  	s0 =	sand.u32 $0x1FFFFFF0, s13  }
0x446: {  	s15 =	simm.s32 $0x1F380;
	s0 =	sadd.s32 s3, s0  }
0x447: {  	[tilespmem:s15], [sflag:$0x1] =	stream.linear.gather [hbm4b:s0+s4], $0x80, $0x38;
	[tilespmem:$0x1FE80] =	vst v63  }
0x448: {  	s5 =	spop (v2sf);
	(v2sf) =	vpush v4, $0x8  }
0x449: {  	s0 =	sand.u32 $0x1FFFFFF0, s17  }
0x44a: {  	s18 =	simm.s32 $0x1F400;
	s0 =	sadd.s32 s3, s0;
	s9 =	spop (v2sf);
	(v2sf) =	vpush v4, $0x9  }
0x44b: {  	[tilespmem:s18], [sflag:$0x2] =	stream.linear.gather [hbm4b:s0+s4], $0x80, $0x38;
	[tilespmem:$0x1FE80] =	vst v63  }
0x44c: {  	s0 =	sand.u32 $0x1FFFFFF0, s5;
	s13 =	spop (v2sf);
	(v2sf) =	vpush v4, $0xA  }
0x44d: {  	s8 =	simm.s32 $0x1F480;
	s0 =	sadd.s32 s3, s0  }
0x44e: {  	[tilespmem:s8], [sflag:$0x1] =	stream.linear.gather [hbm4b:s0+s4], $0x80, $0x38;
	[tilespmem:$0x1FE80] =	vst v63  }
0x44f: {  	s17 =	spop (v2sf);
	(v2sf) =	vpush v4, $0xB  }
0x450: {  	s0 =	sand.u32 $0x1FFFFFF0, s9  }
0x451: {  	s10 =	simm.s32 $0x1F500;
	s0 =	sadd.s32 s3, s0  }
0x452: {  	[tilespmem:s10], [sflag:$0x2] =	stream.linear.gather [hbm4b:s0+s4], $0x80, $0x38;
	[tilespmem:$0x1FE80] =	vst v63  }
0x453: {  	s0 =	sand.u32 $0x1FFFFFF0, s13  }
0x454: {  	s15 =	simm.s32 $0x1F580;
	s0 =	sadd.s32 s3, s0  }
0x455: {  	[tilespmem:s15], [sflag:$0x1] =	stream.linear.gather [hbm4b:s0+s4], $0x80, $0x38;
	[tilespmem:$0x1FE80] =	vst v63  }
0x456: {  	s0 =	sand.u32 $0x1FFFFFF0, s17  }
0x457: {  	s18 =	simm.s32 $0x1F600;
	s0 =	sadd.s32 s3, s0;
	s5 =	spop (v2sf);
	(v2sf) =	vpush v4, $0xC  }
0x458: {  	[tilespmem:s18], [sflag:$0x2] =	stream.linear.gather [hbm4b:s0+s4], $0x80, $0x38;
	[tilespmem:$0x1FE80] =	vst v63  }
0x459: {  	s9 =	spop (v2sf);
	(v2sf) =	vpush v4, $0xD  }
0x45a: {  	s0 =	sand.u32 $0x1FFFFFF0, s5  }
0x45b: {  	s8 =	simm.s32 $0x1F680;
	s0 =	sadd.s32 s3, s0;
	s13 =	spop (v2sf)  }
0x45c: {  	(v2sf) =	vpush v4, $0xE;
	[tilespmem:s8], [sflag:$0x1] =	stream.linear.gather [hbm4b:s0+s4], $0x80, $0x38;
	[tilespmem:$0x1FE80] =	vst v63  }
0x45d: {  	s0 =	sand.u32 $0x1FFFFFF0, s9  }
0x45e: {  	s10 =	simm.s32 $0x1F700;
	s17 =	spop (v2sf);
	s0 =	sadd.s32 s3, s0  }
0x45f: {  	(v2sf) =	vpush v4, $0xF;
	[tilespmem:s10], [sflag:$0x2] =	stream.linear.gather [hbm4b:s0+s4], $0x80, $0x38;
	[tilespmem:$0x1FE80] =	vst v63  }
0x460: {  	s0 =	sand.u32 $0x1FFFFFF0, s13  }
0x461: {  	s15 =	simm.s32 $0x1F780;
	s0 =	sadd.s32 s3, s0  }
0x462: {  	[tilespmem:s15], [sflag:$0x1] =	stream.linear.gather [hbm4b:s0+s4], $0x80, $0x38;
	[tilespmem:$0x1FE80] =	vst v63  }
0x463: {  	s0 =	sand.u32 $0x1FFFFFF0, s17  }
0x464: {  	s18 =	simm.s32 $0x1F800;
	s0 =	sadd.s32 s3, s0  }
0x465: {  	[tilespmem:s18], [sflag:$0x2] =	stream.linear.gather [hbm4b:s0+s4], $0x80, $0x38;
	[tilespmem:$0x1FE80] =	vst v63  }
0x466: {  	s5 =	spop (v2sf)  }
0x467: {  	s0 =	sand.u32 $0x1FFFFFF0, s5  }
0x468: {  	s8 =	simm.s32 $0x1F880;
	s9 =	spop (v2sf);
	s0 =	sadd.s32 s3, s0  }
0x469: {  	[tilespmem:s8], [sflag:$0x1] =	stream.linear.gather [hbm4b:s0+s4], $0x80, $0x38;
	[tilespmem:$0x1FE80] =	vst v63  }
0x46a: {  	s0 =	sand.u32 $0x1FFFFFF0, s9  }
0x46b: {  	s10 =	simm.s32 $0x1F900;
	s13 =	spop (v2sf);
	s0 =	sadd.s32 s3, s0  }
0x46c: {  	[tilespmem:s10], [sflag:$0x2] =	stream.linear.gather [hbm4b:s0+s4], $0x80, $0x38;
	[tilespmem:$0x1FE80] =	vst v63  }
0x46d: {  	s0 =	sand.u32 $0x1FFFFFF0, s13  }
0x46e: {  	s15 =	simm.s32 $0x1F980;
	s17 =	spop (v2sf);
	s0 =	sadd.s32 s3, s0  }
0x46f: {  	[tilespmem:s15], [sflag:$0x1] =	stream.linear.gather [hbm4b:s0+s4], $0x80, $0x38;
	[tilespmem:$0x1FE80] =	vst v63  }
0x470: {  	s0 =	sand.u32 $0x1FFFFFF0, s17  }
0x471: {  	s18 =	simm.s32 $0x1FA00;
	s0 =	sadd.s32 s3, s0  }
0x472: {  	[tilespmem:s18], [sflag:$0x2] =	stream.linear.gather [hbm4b:s0+s4], $0x80, $0x38;
	[tilespmem:$0x1FE80] =	vst v63  }
0x473: {  	v4 =	vld [tilespmem:$0x1C7E0];
	_ =	sdelay $0x4  }
0x474: {  	v4 =	vshll.u32 v4, $0x4  }
0x475: {  	(v2sf) =	vpush v4, $0x0;
	_ =	sdelay $0x1  }
0x476: {  	(v2sf) =	vpush v4, $0x1;
	_ =	sdelay $0x2  }
0x477: {  	(v2sf) =	vpush v4, $0x2;
	_ =	sdelay $0x2  }
0x478: {  	(v2sf) =	vpush v4, $0x3;
	_ =	sdelay $0x6  }
0x479: {  	s5 =	spop (v2sf)  }
0x47a: {  	s0 =	sand.u32 $0x1FFFFFF0, s5  }
0x47b: {  	s8 =	simm.s32 $0x1FA80;
	s9 =	spop (v2sf);
	s0 =	sadd.s32 s3, s0  }
0x47c: {  	[tilespmem:s8], [sflag:$0x1] =	stream.linear.gather [hbm4b:s0+s4], $0x80, $0x38;
	[tilespmem:$0x1FE80] =	vst v63  }
0x47d: {  	s0 =	sand.u32 $0x1FFFFFF0, s9  }
0x47e: {  	s10 =	simm.s32 $0x1FB00;
	s13 =	spop (v2sf);
	s0 =	sadd.s32 s3, s0  }
0x47f: {  	[tilespmem:s10], [sflag:$0x2] =	stream.linear.gather [hbm4b:s0+s4], $0x80, $0x38;
	[tilespmem:$0x1FE80] =	vst v63  }
0x480: {  	s0 =	sand.u32 $0x1FFFFFF0, s13  }
0x481: {  	s15 =	simm.s32 $0x1FB80;
	s17 =	spop (v2sf);
	s0 =	sadd.s32 s3, s0  }
0x482: {  	[tilespmem:s15], [sflag:$0x1] =	stream.linear.gather [hbm4b:s0+s4], $0x80, $0x38;
	[tilespmem:$0x1FE80] =	vst v63  }
0x483: {  	s0 =	sand.u32 $0x1FFFFFF0, s17  }
0x484: {  	s18 =	simm.s32 $0x1FC00;
	s0 =	sadd.s32 s3, s0  }
0x485: {  	[tilespmem:s18], [sflag:$0x2] =	stream.linear.gather [hbm4b:s0+s4], $0x80, $0x38;
	[tilespmem:$0x1FE80] =	vst v63  }
0x486: {  	_ =	swait.ge [sflag:s21], $0x80  }
0x487: {  	[sflag:s21] =	ssyncset.done $0x0  }
0x488: {  	[sflag:s21] =	ssyncadd.s32 $0xFFFFFF80  }
0x489: {  	_ =	swait.ge [sflag:s30], $0x80  }
0x48a: {  	s0 =	simm.s32 $0x31;
	[sflag:s30] =	ssyncset.done $0x0  }
.LBB2_53:
0x48b: {  	p0 =	sne.s32 s0, $0x1;
	s0 =	sadd.s32 $0xFFFFFFFF, s0;
	[sflag:s30] =	ssyncadd.s32 $0xFFFFFF80  }
.Ltmp40:
0x48c: {  	_ =	swait.ge [sflag:s21], $0x80;
	(pc) =	sbr.rel @p0 .LBB2_53-.Ltmp40, $4  }
0x48d: {  	[sflag:s21] =	ssyncset.done $0x0  }
0x48e: {  	[sflag:s21] =	ssyncadd.s32 $0xFFFFFF80  }
0x48f: {  	_ =	swait.ge [sflag:s30], $0x80  }
0x490: {  	[sflag:s30] =	ssyncset.done $0x0  }
0x491: {  	s0 =	simm.s32 $0x0  }
0x492: {  	s10 =	simm.s32 $0x2;
	v4 =	vmov s0  }
0x493: {  	v5 =	vmov s10;
	v4 =	vand.u32 $0xFFFFFFFC, v4  }
0x494: {  	v5 =	vand.u32 $0xFFFFFFFE, v5;
	v4 =	vbroadcast v4, $0x0  }
0x495: {  	[sflag:s30] =	ssyncadd.s32 $0xFFFFFF80;
	s5 =	simm.s32 $0x1CB80;
	v5 =	vbroadcast v5, $0x0  }
0x496: {  	v7 =	vld [tilespmem:s5+$0x70]  }
0x497: {  	v8 =	vld [tilespmem:s5+$0xFFFFFF00]  }
0x498: {  	s13 =	simm.s32 $0x1;
	v9 =	vld [tilespmem:s5+$0xFFFFFF10]  }
0x499: {  	v6 =	vmov s13;
	v10 =	vld [tilespmem:s5+$0xFFFFFF20]  }
0x49a: {  	v6 =	vand.u32 $0xFFFFFFFD, v6;
	v4 =	vld.idx.msk [tilespmem:v4+s26+$0x0], $0xffff  }
0x49b: {  	v6 =	vbroadcast v6, $0x0;
	v5 =	vld.idx.msk [tilespmem:v5+s26+$0x0], $0xffff  }
0x49c: {  	v11 =	vld [tilespmem:s5+$0xFFFFFF30]  }
0x49d: {  	v12 =	vld [tilespmem:s5+$0xFFFFFF40]  }
0x49e: {  	v13 =	vld [tilespmem:s5+$0xFFFFFF50]  }
0x49f: {  	v14 =	vld [tilespmem:s5+$0xFFFFFF60];
	v8 =	vmul.f32 v8, v4  }
0x4a0: {  	v16 =	vld [tilespmem:s5+$0x40];
	v7 =	vmul.f32 v7, v5  }
0x4a1: {  	v6 =	vld.idx.msk [tilespmem:v6+s26+$0x0], $0xffff;
	[tilespmem:s5+$0xFFFFFF00] =	vst v8;
	v8 =	vmul.f32 v9, v4  }
0x4a2: {  	v9 =	vld [tilespmem:s5+$0xFFFFFF70];
	[tilespmem:s5+$0x70] =	vst v7;
	v7 =	vmul.f32 v10, v4  }
0x4a3: {  	v10 =	vld [tilespmem:s5+$0xFFFFFF80];
	[tilespmem:s5+$0xFFFFFF10] =	vst v8;
	v8 =	vmul.f32 v11, v4  }
0x4a4: {  	v11 =	vld [tilespmem:s5+$0xFFFFFF90];
	[tilespmem:s5+$0xFFFFFF20] =	vst v7;
	v7 =	vmul.f32 v12, v4  }
0x4a5: {  	v12 =	vld [tilespmem:s5+$0xFFFFFFA0];
	[tilespmem:s5+$0xFFFFFF30] =	vst v8;
	v8 =	vmul.f32 v13, v4  }
0x4a6: {  	v13 =	vld [tilespmem:s5+$0xFFFFFFB0];
	[tilespmem:s5+$0xFFFFFF40] =	vst v7;
	v7 =	vmul.f32 v14, v4  }
0x4a7: {  	v14 =	vld [tilespmem:s5+$0xFFFFFFC0];
	v9 =	vmul.f32 v9, v4;
	[tilespmem:s5+$0xFFFFFF50] =	vst v8  }
0x4a8: {  	v8 =	vmul.f32 v10, v6;
	v10 =	vld [tilespmem:s5+$0xFFFFFFD0];
	[tilespmem:s5+$0xFFFFFF60] =	vst v7  }
0x4a9: {  	s15 =	simm.s32 $0x3;
	v7 =	vld [tilespmem:s5+$0xFFFFFFE0];
	v11 =	vmul.f32 v11, v6;
	[tilespmem:s5+$0xFFFFFF70] =	vst v9  }
0x4aa: {  	v15 =	vmov s15;
	v9 =	vld [tilespmem:s5+$0xFFFFFFF0];
	[tilespmem:s5+$0xFFFFFF80] =	vst v8;
	v8 =	vmul.f32 v12, v6  }
0x4ab: {  	v12 =	vld [tilespmem:s5+$0x0];
	[tilespmem:s5+$0xFFFFFF90] =	vst v11;
	v11 =	vmul.f32 v13, v6  }
0x4ac: {  	v13 =	vld [tilespmem:s5+$0x10];
	[tilespmem:s5+$0xFFFFFFA0] =	vst v8;
	v8 =	vmul.f32 v14, v6  }
0x4ad: {  	[tilespmem:s5+$0xFFFFFFB0] =	vst v11;
	v10 =	vmul.f32 v10, v6;
	v11 =	vld [tilespmem:s5+$0x20]  }
0x4ae: {  	v14 =	vld [tilespmem:s5+$0x30];
	v7 =	vmul.f32 v7, v6;
	[tilespmem:s5+$0xFFFFFFC0] =	vst v8  }
0x4af: {  	v4 =	vld.idx.msk [tilespmem:v15+s26+$0x0], $0xffff;
	v6 =	vmul.f32 v9, v6;
	[tilespmem:s5+$0xFFFFFFD0] =	vst v10  }
0x4b0: {  	[tilespmem:s5+$0xFFFFFFE0] =	vst v7;
	v8 =	vmul.f32 v12, v5;
	v7 =	vld [tilespmem:s5+$0x50]  }
0x4b1: {  	s17 =	simm.s32 $0x4;
	[tilespmem:s5+$0xFFFFFFF0] =	vst v6;
	v9 =	vmul.f32 v13, v5;
	v6 =	vld [tilespmem:s5+$0x60]  }
0x4b2: {  	s18 =	simm.s32 $0x7;
	v10 =	vmov s17;
	[tilespmem:s5+$0x0] =	vst v8;
	v12 =	vmul.f32 v11, v5;
	v11 =	vld [tilespmem:s5+$0x80]  }
0x4b3: {  	s1 =	simm.s32 $0x5;
	v15 =	vand.u32 $0xFFFFFFFC, v10;
	v10 =	vld [tilespmem:s5+$0x90];
	v8 =	vmov s18;
	v13 =	vmul.f32 v14, v5;
	[tilespmem:s5+$0x10] =	vst v9  }
0x4b4: {  	s0 =	simm.s32 $0x6;
	s13 =	simm.s32 $0x8;
	v14 =	vmul.f32 v16, v5;
	v9 =	vbroadcast v15, $0x0;
	v15 =	vmov s1;
	s1 =	simm.s32 $0x1CB80;
	[tilespmem:s5+$0x20] =	vst v12;
	v12 =	vld [tilespmem:s5+$0xA0]  }
.LBB2_55:
0x4b5: {  	p0 =	slt.u32 s13, $0x60;
	v15 =	vand.u32 $0xFFFFFFFD, v15;
	v16 =	vmov s0;
	[tilespmem:s5+$0x30] =	vst v13;
	v7 =	vmul.f32 v7, v5;
	v13 =	vld [tilespmem:s5+$0xB0]  }
0x4b6: {  	v15 =	vbroadcast v15, $0x0;
	v16 =	vand.u32 $0xFFFFFFFE, v16;
	[tilespmem:s5+$0x40] =	vst v14;
	v5 =	vmul.f32 v6, v5;
	v6 =	vld [tilespmem:s5+$0xC0]  }
0x4b7: {  	v14 =	vbroadcast v16, $0x0;
	[tilespmem:s5+$0x50] =	vst v7;
	v7 =	vmul.f32 v11, v4;
	v11 =	vld [tilespmem:s5+$0xD0]  }
0x4b8: {  	[tilespmem:s5+$0x60] =	vst v5;
	v5 =	vmul.f32 v10, v4;
	v10 =	vld [tilespmem:s5+$0xE0]  }
0x4b9: {  	[tilespmem:s5+$0x80] =	vst v7;
	v7 =	vmul.f32 v12, v4;
	v12 =	vld [tilespmem:s5+$0xF0]  }
0x4ba: {  	v8 =	vld.idx.msk [tilespmem:v8+s26+$0x0], $0xffff;
	[tilespmem:s5+$0x90] =	vst v5;
	v5 =	vmul.f32 v13, v4  }
0x4bb: {  	v9 =	vld.idx.msk [tilespmem:v9+s26+$0x0], $0xffff;
	[tilespmem:s5+$0xA0] =	vst v7;
	v6 =	vmul.f32 v6, v4  }
0x4bc: {  	v7 =	vld.idx.msk [tilespmem:v15+s26+$0x0], $0xffff;
	[tilespmem:s5+$0xB0] =	vst v5;
	v11 =	vmul.f32 v11, v4  }
0x4bd: {  	s5 =	sadd.s32 $0x200, s5;
	v5 =	vld.idx.msk [tilespmem:v14+s26+$0x0], $0xffff;
	[tilespmem:s1+$0xC0] =	vst v6;
	v6 =	vmul.f32 v10, v4  }
0x4be: {  	v10 =	vld [tilespmem:s5+$0x70];
	[tilespmem:s1+$0xD0] =	vst v11;
	v12 =	vmul.f32 v12, v4  }
0x4bf: {  	v11 =	vld [tilespmem:s5+$0xFFFFFF00];
	[tilespmem:s1+$0xE0] =	vst v6  }
0x4c0: {  	v4 =	vmov v8;
	v6 =	vld [tilespmem:s5+$0xFFFFFF10];
	[tilespmem:s1+$0xF0] =	vst v12;
	s1 =	smov.u32 s5  }
0x4c1: {  	v8 =	vld [tilespmem:s5+$0xFFFFFF20]  }
0x4c2: {  	v12 =	vld [tilespmem:s5+$0xFFFFFF30]  }
0x4c3: {  	v13 =	vld [tilespmem:s5+$0xFFFFFF40];
	v10 =	vmul.f32 v10, v5  }
0x4c4: {  	v11 =	vmul.f32 v11, v9;
	v14 =	vld [tilespmem:s5+$0xFFFFFF50]  }
0x4c5: {  	v6 =	vmul.f32 v6, v9;
	v15 =	vld [tilespmem:s5+$0xFFFFFF60];
	[tilespmem:s5+$0x70] =	vst v10  }
0x4c6: {  	[tilespmem:s5+$0xFFFFFF00] =	vst v11;
	v8 =	vmul.f32 v8, v9;
	v10 =	vld [tilespmem:s5+$0xFFFFFF70]  }
0x4c7: {  	[tilespmem:s5+$0xFFFFFF10] =	vst v6;
	v6 =	vmul.f32 v12, v9;
	v11 =	vld [tilespmem:s5+$0xFFFFFF80]  }
0x4c8: {  	[tilespmem:s5+$0xFFFFFF20] =	vst v8;
	v8 =	vmul.f32 v13, v9;
	v12 =	vld [tilespmem:s5+$0xFFFFFF90]  }
0x4c9: {  	[tilespmem:s5+$0xFFFFFF30] =	vst v6;
	v6 =	vmul.f32 v14, v9;
	v13 =	vld [tilespmem:s5+$0xFFFFFFA0]  }
0x4ca: {  	[tilespmem:s5+$0xFFFFFF40] =	vst v8;
	v8 =	vmul.f32 v15, v9;
	v14 =	vld [tilespmem:s5+$0xFFFFFFB0]  }
0x4cb: {  	[tilespmem:s5+$0xFFFFFF50] =	vst v6;
	v6 =	vmul.f32 v10, v9;
	v9 =	vld [tilespmem:s5+$0xFFFFFFC0]  }
0x4cc: {  	[tilespmem:s5+$0xFFFFFF60] =	vst v8;
	v8 =	vmul.f32 v11, v7;
	v10 =	vld [tilespmem:s5+$0xFFFFFFD0]  }
0x4cd: {  	[tilespmem:s5+$0xFFFFFF70] =	vst v6;
	v6 =	vmul.f32 v12, v7;
	v11 =	vld [tilespmem:s5+$0xFFFFFFE0]  }
0x4ce: {  	[tilespmem:s5+$0xFFFFFF80] =	vst v8;
	v8 =	vmul.f32 v13, v7;
	v12 =	vld [tilespmem:s5+$0xFFFFFFF0]  }
0x4cf: {  	[tilespmem:s5+$0xFFFFFF90] =	vst v6;
	v6 =	vmul.f32 v14, v7;
	v13 =	vld [tilespmem:s5+$0x0]  }
0x4d0: {  	[tilespmem:s5+$0xFFFFFFA0] =	vst v8;
	v8 =	vmul.f32 v9, v7;
	v9 =	vld [tilespmem:s5+$0x10]  }
0x4d1: {  	[tilespmem:s5+$0xFFFFFFB0] =	vst v6;
	v6 =	vmul.f32 v10, v7;
	v10 =	vld [tilespmem:s5+$0x20]  }
0x4d2: {  	[tilespmem:s5+$0xFFFFFFC0] =	vst v8;
	v8 =	vmul.f32 v11, v7;
	v14 =	vld [tilespmem:s5+$0x30]  }
0x4d3: {  	[tilespmem:s5+$0xFFFFFFD0] =	vst v6;
	v6 =	vmul.f32 v12, v7;
	v12 =	vld [tilespmem:s5+$0x40]  }
.Ltmp41:
0x4d4: {  	[tilespmem:s5+$0xFFFFFFE0] =	vst v8;
	v8 =	vmul.f32 v13, v5;
	v7 =	vld [tilespmem:s5+$0x50];
	(pc) =	sbr.rel @p0 .LBB2_55-.Ltmp41, $4  }
0x4d5: {  	[tilespmem:s5+$0xFFFFFFF0] =	vst v6;
	v9 =	vmul.f32 v9, v5;
	v6 =	vld [tilespmem:s5+$0x60]  }
0x4d6: {  	s0 =	sadd.s32 $0x3, s13;
	v13 =	vmov s13;
	[tilespmem:s5+$0x0] =	vst v8;
	v16 =	vmul.f32 v10, v5;
	v11 =	vld [tilespmem:s5+$0x80]  }
0x4d7: {  	s8 =	sadd.s32 $0x1, s13;
	v15 =	vand.u32 $0xFFFFFFFC, v13;
	v8 =	vmov s0;
	[tilespmem:s5+$0x10] =	vst v9;
	v13 =	vmul.f32 v14, v5;
	v10 =	vld [tilespmem:s5+$0x90]  }
0x4d8: {  	s0 =	sadd.s32 $0x2, s13;
	s13 =	sadd.s32 $0x4, s13;
	v9 =	vbroadcast v15, $0x0;
	v15 =	vmov s8;
	[tilespmem:s5+$0x20] =	vst v16;
	v14 =	vmul.f32 v12, v5;
	v12 =	vld [tilespmem:s5+$0xA0]  }
0x4d9: {  	v16 =	vld [tilespmem:s5+$0xB0]  }
0x4da: {  	v18 =	vld [tilespmem:s5+$0xC0]  }
0x4db: {  	v19 =	vld [tilespmem:s5+$0xD0]  }
0x4dc: {  	v20 =	vld [tilespmem:s5+$0xE0]  }
0x4dd: {  	v24 =	vld [tilespmem:s5+$0xF0];
	[tilespmem:s5+$0x30] =	vst v13;
	v7 =	vmul.f32 v7, v5  }
0x4de: {  	v8 =	vld.idx.msk [tilespmem:v8+s26+$0x0], $0xffff;
	[tilespmem:s5+$0x40] =	vst v14;
	v5 =	vmul.f32 v6, v5  }
0x4df: {  	s17 =	sadd.s32 $0x200, s5;
	v25 =	vld.idx.msk [tilespmem:v9+s26+$0x0], $0xffff;
	v11 =	vmul.f32 v11, v4;
	[tilespmem:s5+$0x50] =	vst v7  }
0x4e0: {  	v30 =	vld [tilespmem:s17+$0x70];
	v26 =	vmul.f32 v10, v4;
	[tilespmem:s5+$0x60] =	vst v5  }
0x4e1: {  	v31 =	vld [tilespmem:s17+$0xFFFFFF00];
	[tilespmem:s5+$0x80] =	vst v11;
	v5 =	vmul.f32 v12, v4  }
0x4e2: {  	v17 =	vmov s0;
	v33 =	vld [tilespmem:s17+$0xFFFFFF10];
	[tilespmem:s5+$0x90] =	vst v26;
	v29 =	vmul.f32 v16, v4  }
0x4e3: {  	v17 =	vand.u32 $0xFFFFFFFE, v17;
	v34 =	vld [tilespmem:s17+$0xFFFFFF20];
	[tilespmem:s5+$0xA0] =	vst v5;
	v5 =	vmul.f32 v18, v4  }
0x4e4: {  	v15 =	vand.u32 $0xFFFFFFFD, v15;
	v35 =	vld [tilespmem:s17+$0xFFFFFF30];
	v17 =	vbroadcast v17, $0x0;
	v32 =	vmul.f32 v19, v4;
	[tilespmem:s5+$0xB0] =	vst v29  }
0x4e5: {  	v15 =	vbroadcast v15, $0x0;
	v37 =	vld [tilespmem:s17+$0xFFFFFF50];
	[tilespmem:s1+$0xC0] =	vst v5;
	v5 =	vmul.f32 v20, v4  }
0x4e6: {  	v39 =	vld [tilespmem:s17+$0xFFFFFF60];
	[tilespmem:s1+$0xD0] =	vst v32;
	v4 =	vmul.f32 v24, v4  }
0x4e7: {  	v38 =	vmul.f32 v33, v25;
	[tilespmem:s1+$0xE0] =	vst v5;
	v5 =	vld [tilespmem:s17+$0xFFFFFF40]  }
0x4e8: {  	v40 =	vld [tilespmem:s17+$0xFFFFFF70];
	[tilespmem:s1+$0xF0] =	vst v4;
	v4 =	vmul.f32 v31, v25  }
0x4e9: {  	v41 =	vld [tilespmem:s17+$0xFFFFFF80];
	v7 =	vmul.f32 v35, v25;
	[tilespmem:s17+$0xFFFFFF10] =	vst v38  }
0x4ea: {  	v28 =	vld.idx.msk [tilespmem:v17+s26+$0x0], $0xffff;
	[tilespmem:s17+$0xFFFFFF00] =	vst v4;
	v4 =	vmul.f32 v34, v25  }
0x4eb: {  	v42 =	vmul.f32 v37, v25;
	v27 =	vld.idx.msk [tilespmem:v15+s26+$0x0], $0xffff;
	[tilespmem:s17+$0xFFFFFF30] =	vst v7  }
0x4ec: {  	[tilespmem:s17+$0xFFFFFF20] =	vst v4;
	v4 =	vmul.f32 v5, v25;
	v5 =	vld [tilespmem:s17+$0xFFFFFF90]  }
0x4ed: {  	v43 =	vld [tilespmem:s17+$0xFFFFFFA0];
	v6 =	vmul.f32 v40, v25;
	[tilespmem:s17+$0xFFFFFF50] =	vst v42  }
0x4ee: {  	v44 =	vld [tilespmem:s17+$0xFFFFFFB0];
	[tilespmem:s17+$0xFFFFFF40] =	vst v4;
	v4 =	vmul.f32 v39, v25  }
0x4ef: {  	v45 =	vld [tilespmem:s17+$0xFFFFFFC0];
	[tilespmem:s17+$0xFFFFFF70] =	vst v6;
	v36 =	vmul.f32 v30, v28  }
0x4f0: {  	v46 =	vld [tilespmem:s17+$0xFFFFFFD0];
	[tilespmem:s17+$0xFFFFFF60] =	vst v4;
	v4 =	vmul.f32 v41, v27  }
0x4f1: {  	v47 =	vld [tilespmem:s17+$0xFFFFFFE0];
	[tilespmem:s17+$0x70] =	vst v36;
	v5 =	vmul.f32 v5, v27  }
0x4f2: {  	v48 =	vld [tilespmem:s17+$0xFFFFFFF0];
	[tilespmem:s17+$0xFFFFFF80] =	vst v4;
	v4 =	vmul.f32 v43, v27  }
0x4f3: {  	v49 =	vld [tilespmem:s17+$0x0];
	[tilespmem:s17+$0xFFFFFF90] =	vst v5;
	v5 =	vmul.f32 v44, v27  }
0x4f4: {  	v50 =	vld [tilespmem:s17+$0x10];
	[tilespmem:s17+$0xFFFFFFA0] =	vst v4;
	v4 =	vmul.f32 v45, v27  }
0x4f5: {  	v51 =	vld [tilespmem:s17+$0x20];
	[tilespmem:s17+$0xFFFFFFB0] =	vst v5;
	v5 =	vmul.f32 v46, v27  }
0x4f6: {  	v52 =	vld [tilespmem:s17+$0x30];
	[tilespmem:s17+$0xFFFFFFC0] =	vst v4;
	v4 =	vmul.f32 v47, v27  }
0x4f7: {  	v53 =	vld [tilespmem:s17+$0x40];
	[tilespmem:s17+$0xFFFFFFD0] =	vst v5;
	v5 =	vmul.f32 v48, v27  }
0x4f8: {  	v54 =	vld [tilespmem:s17+$0x50];
	[tilespmem:s17+$0xFFFFFFE0] =	vst v4;
	v4 =	vmul.f32 v49, v28  }
0x4f9: {  	v55 =	vld [tilespmem:s17+$0x60];
	[tilespmem:s17+$0xFFFFFFF0] =	vst v5;
	v5 =	vmul.f32 v50, v28  }
0x4fa: {  	v56 =	vld [tilespmem:s17+$0x80];
	[tilespmem:s17+$0x0] =	vst v4;
	v4 =	vmul.f32 v51, v28  }
0x4fb: {  	v57 =	vld [tilespmem:s17+$0x90];
	[tilespmem:s17+$0x10] =	vst v5;
	v5 =	vmul.f32 v52, v28  }
0x4fc: {  	v58 =	vld [tilespmem:s17+$0xA0];
	[tilespmem:s17+$0x20] =	vst v4;
	v4 =	vmul.f32 v53, v28  }
0x4fd: {  	v59 =	vld [tilespmem:s17+$0xB0];
	[tilespmem:s17+$0x30] =	vst v5;
	v5 =	vmul.f32 v54, v28  }
0x4fe: {  	v60 =	vld [tilespmem:s17+$0xC0];
	[tilespmem:s17+$0x40] =	vst v4;
	v4 =	vmul.f32 v55, v28  }
0x4ff: {  	v61 =	vld [tilespmem:s17+$0xD0];
	[tilespmem:s17+$0x50] =	vst v5;
	v5 =	vmul.f32 v56, v8  }
0x500: {  	v62 =	vld [tilespmem:s17+$0xE0];
	[tilespmem:s17+$0x60] =	vst v4;
	v4 =	vmul.f32 v57, v8  }
0x501: {  	v63 =	vld [tilespmem:s17+$0xF0];
	[tilespmem:s17+$0x80] =	vst v5;
	v5 =	vmul.f32 v58, v8  }
0x502: {  	[tilespmem:s17+$0x90] =	vst v4;
	v4 =	vmul.f32 v59, v8  }
0x503: {  	[tilespmem:s17+$0xA0] =	vst v5;
	v5 =	vmul.f32 v60, v8  }
0x504: {  	[tilespmem:s17+$0xB0] =	vst v4;
	v4 =	vmul.f32 v61, v8  }
0x505: {  	[tilespmem:s17+$0xC0] =	vst v5;
	v5 =	vmul.f32 v62, v8  }
0x506: {  	[tilespmem:s17+$0xD0] =	vst v4;
	v4 =	vmul.f32 v63, v8  }
0x507: {  	[tilespmem:s17+$0xE0] =	vst v5  }
0x508: {  	[tilespmem:s17+$0xF0] =	vst v4  }
0x509: {  	s0 =	rddreg [dreg:$0x7]  }
0x50a: {  	[hbm4b:s0+s4] =	stream.linear.scatter [tilespmem:s11], [sflag:$0x3], $0x3200, $0x38;
	[tilespmem:$0x1FE80] =	vst v63  }
0x50b: {  	_ =	swait.ge [sflag:s14], $0x3200  }
0x50c: {  	s16 =	sadd.s32 $0x1, s16;
	s18 =	rddreg [dreg:$0x8]  }
0x50d: {  	p0 =	sne.s32 s16, s18  }
.Ltmp42:
0x50e: {  	_ = 	snop;
	(pc) =	sbr.rel @p0 .LBB2_1-.Ltmp42, $3  }
0x50f: {  	_ =	sdelay $0x1  }
0x510: {  	[sflag:s14] =	ssyncset.done $0x0  }
0x511: {  	[sflag:s14] =	ssyncadd.s32 $0xFFFFCE00  }
0x512: {  	_ =	sfence.sel $0x180000  }
0x513: {  	[bflag:$0x0] =	sbarrier.arrive $0xFFFF  }
0x514: {  	_ =	strace $0x90000047  }
0x515: {  	s0 =	stileid.u32;
	[bflag:$0x2] =	sbarrier.arrive $0xFFFF  }
0x516: {  	p0 =	sne.s32 s0, $0x0;
	s0 =	rddreg [dreg:$0x4]  }
0x517: {  	s0 =	sadd.s32 @!p0 $0x100000, s0  }
0x518: {  	[sflag:s0] =	ssyncadd.tile.s32 @!p0 $0x1;
	_ =	shalt  }
.Lfunc_end2:
_tile_overlayer_lowered:
.L_overlay_start_2:
0x519: {  	(tag) =	ssettag $0x2  }
0x51a: {  	s0 =	rddreg [dreg:$0x0];
	s2 =	stileid.u32  }
0x51b: {  	s1 =	rddreg [dreg:$0x1];
	p0 =	sne.s32 s2, $0x0  }
0x51c: {  	s3 =	rddreg [dreg:$0x2];
	[bflag:$0x3] =	sbarrier.arrive $0xFFFF;
	s2 =	simm.s32 @!p0 $0x1C03  }
0x51d: {  	[timem:s3], [sflag:s2] =	dma.local @!p0 [hbm:s0], s1  }
0x51e: {  	s0 =	simm.s32 @!p0 $0x3  }
0x51f: {  	_ =	swait.ge @!p0 [sflag:s0], s1  }
0x520: {  	s1 =	ssub.s32 @!p0 $0x0, s1;
	[sflag:s0] =	ssyncset.done @!p0 $0x0  }
0x521: {  	[sflag:s0] =	ssyncadd.s32 @!p0 s1  }
0x522: {  	[bflag:$0x3] =	sbarrier.arrive $0xFFFF  }
0x523: {  	_ =	shalt  }

</sc_bundles>
